<compile_context>
chip_gen: v7x
topology: tpu7x:2x2x1
jax: 0.10.2.dev20260603
libtpu: 0.0.44.dev20260713+nightly
codegen_flags: <defaults>
</compile_context>

<pallas_src>
import jax
import jax.numpy as jnp
from jax import lax
from jax.experimental import pallas as pl
from jax.experimental.pallas import tpu as pltpu
from jax.experimental.pallas import tpu_sc as plsc

D = 128
NC = 2
NS = 16
NW = NC * NS

_ZC = 80
_CHUNK = 128
_NCHUNK = 80
_NB = 2
_NPH = 4


def _mlp_u_body(vfeat_ref, w1_ref, b1_ref, wve_ref, bve_ref, vrw_ref, u_ref):
    t = jnp.dot(vfeat_ref[...], w1_ref[...],
                preferred_element_type=jnp.float32) + b1_ref[...]
    u = jnp.dot(t, wve_ref[...],
                preferred_element_type=jnp.float32) + bve_ref[...]
    u_ref[...] = vrw_ref[...] * u


def _edge_body(p_ref, ers_ref, erw_ref, wev_ref, bev_ref, fe_ref, v_ref):
    fe = (p_ref[0] + p_ref[1]) / ers_ref[...]
    fe_ref[...] = fe
    v = jnp.dot(fe, wev_ref[...],
                preferred_element_type=jnp.float32) + bev_ref[...]
    v_ref[...] = erw_ref[...] * v


def _vout_body(p_ref, vrs_ref, out_ref):
    out_ref[...] = (p_ref[0] + p_ref[1]) / vrs_ref[...]


def _sc_pass(table, comb_idx, acc_rows):
    zeros = jnp.zeros((_ZC, D), jnp.float32)
    zr = acc_rows // NS
    kz = zr // _ZC

    mesh = plsc.VectorSubcoreMesh(core_axis_name="c", subcore_axis_name="s")

    def body(table_hbm, comb_hbm, zeros_hbm, out_hbm,
             acc, idx_v, rows_v, sem, ssem):
        c = lax.axis_index("c")
        s = lax.axis_index("s")
        wid = c * NS + s
        pltpu.sync_copy(zeros_hbm, rows_v.at[0, pl.ds(0, _ZC)])
        for k in range(kz):
            pltpu.sync_copy(rows_v.at[0, pl.ds(0, _ZC)],
                            acc.at[pl.ds(s * zr + k * _ZC, _ZC)])
        plsc.subcore_barrier()

        def group_body(g, carry):
            j0 = g * _NB
            cps = [pltpu.async_copy(table_hbm.at[idx_v.at[j0 + b, 0]],
                                    rows_v.at[b], sem)
                   for b in range(_NB)]
            scps = []
            for b in range(_NB):
                cps[b].wait()
                scps.append(pltpu.async_copy(
                    rows_v.at[b], acc.at[idx_v.at[j0 + b, 1]], ssem,
                    add=True))
            for b in range(_NB):
                scps[b].wait()
            return carry

        ph = _NCHUNK // _NPH
        for p in range(_NPH):
            pltpu.sync_copy(comb_hbm.at[wid, pl.ds(p * ph, ph)], idx_v)
            lax.fori_loop(0, ph // _NB, group_body, 0)
        plsc.subcore_barrier()
        pltpu.sync_copy(acc.at[pl.ds(s * zr, zr)],
                        out_hbm.at[c, pl.ds(s * zr, zr)])

    return pl.kernel(
        body,
        out_type=jax.ShapeDtypeStruct((NC, acc_rows, D), jnp.float32),
        mesh=mesh,
        scratch_types=[
            pltpu.VMEM_SHARED((acc_rows, D), jnp.float32),
            pltpu.VMEM((_NCHUNK // _NPH, 2, _CHUNK), jnp.int32),
            pltpu.VMEM((_NB, _CHUNK, D), jnp.float32),
            pltpu.SemaphoreType.DMA,
            pltpu.SemaphoreType.DMA,
        ],
    )(table, comb_idx, zeros)


def _pack_idx(gather_idx, scatter_idx, pad_scatter):
    e = gather_idx.shape[0]
    epad = NW * _NCHUNK * _CHUNK
    g = jnp.concatenate(
        [gather_idx, jnp.zeros((epad - e,), jnp.int32)]).reshape(
            NW, _NCHUNK, 1, _CHUNK)
    s = jnp.concatenate(
        [scatter_idx, jnp.full((epad - e,), pad_scatter, jnp.int32)]).reshape(
            NW, _NCHUNK, 1, _CHUNK)
    return jnp.concatenate([g, s], axis=2)


def kernel(vfeat, efeat, v_reg_weight, v_reg_sum, e_reg_weight, e_reg_sum,
           in_src, in_dst, W1, b1, Wve, bve, Wev, bev,
           first_layer=1, last_layer=1):
    N, D_IN = vfeat.shape
    M = e_reg_sum.shape[0]

    MP = 5120
    NP = 10240
    src_i = in_src.astype(jnp.int32)
    dst_i = in_dst.astype(jnp.int32)
    idx_e = _pack_idx(src_i, dst_i, MP - 1)
    idx_v = _pack_idx(dst_i, src_i, NP - 1)

    BA = 2000
    u = pl.pallas_call(
        _mlp_u_body,
        grid=(N // BA,),
        in_specs=[
            pl.BlockSpec((BA, D_IN), lambda i: (i, 0)),
            pl.BlockSpec((D_IN, D), lambda i: (0, 0)),
            pl.BlockSpec((1, D), lambda i: (0, 0)),
            pl.BlockSpec((D, D), lambda i: (0, 0)),
            pl.BlockSpec((1, D), lambda i: (0, 0)),
            pl.BlockSpec((BA, 1), lambda i: (i, 0)),
        ],
        out_specs=pl.BlockSpec((BA, D), lambda i: (i, 0)),
        out_shape=jax.ShapeDtypeStruct((N, D), jnp.float32),
    )(vfeat, W1, b1.reshape(1, D), Wve, bve.reshape(1, D), v_reg_weight)

    pe = _sc_pass(u, idx_e, MP)

    BB = 1000
    feat_e, v = pl.pallas_call(
        _edge_body,
        grid=(M // BB,),
        in_specs=[
            pl.BlockSpec((NC, BB, D), lambda i: (0, i, 0)),
            pl.BlockSpec((BB, 1), lambda i: (i, 0)),
            pl.BlockSpec((BB, 1), lambda i: (i, 0)),
            pl.BlockSpec((D, D), lambda i: (0, 0)),
            pl.BlockSpec((1, D), lambda i: (0, 0)),
        ],
        out_specs=[
            pl.BlockSpec((BB, D), lambda i: (i, 0)),
            pl.BlockSpec((BB, D), lambda i: (i, 0)),
        ],
        out_shape=[
            jax.ShapeDtypeStruct((M, D), jnp.float32),
            jax.ShapeDtypeStruct((M, D), jnp.float32),
        ],
    )(pe, e_reg_sum, e_reg_weight, Wev, bev.reshape(1, D))

    pv = _sc_pass(v, idx_v, NP)

    BC = 2000
    feat_v_out = pl.pallas_call(
        _vout_body,
        grid=(N // BC,),
        in_specs=[
            pl.BlockSpec((NC, BC, D), lambda i: (0, i, 0)),
            pl.BlockSpec((BC, 1), lambda i: (i, 0)),
        ],
        out_specs=pl.BlockSpec((BC, D), lambda i: (i, 0)),
        out_shape=jax.ShapeDtypeStruct((N, D), jnp.float32),
    )(pv, v_reg_sum)

    return (feat_v_out, feat_e)

# --- scband reference (transcript-rebuilt; emitter-appended) ---
"""Pipeline reference for scband-hnhn-7670811591238 (READ-ONLY COPY).

The authoritative reference and input builder live on the scoring server;
editing this copy changes nothing except your own understanding.
"""

import jax, jax.numpy as jnp
import numpy as np

N = 10000   # vertices
M = 5000    # hyperedges
E = 320000  # incidences
D_IN = 128
DV = 128
DE = 128

def setup_inputs(seed: int = 0) -> dict:
    key = jax.random.key(seed)
    ks = jax.random.split(key, 16)
    vfeat = jax.random.normal(ks[0], (N, D_IN), dtype=jnp.float32)
    efeat = jax.random.normal(ks[1], (M, DE), dtype=jnp.float32)
    v_reg_weight = jax.random.uniform(ks[2], (N, 1), dtype=jnp.float32)
    v_reg_sum = jax.random.uniform(ks[3], (N, 1), dtype=jnp.float32) + 0.1
    e_reg_weight = jax.random.uniform(ks[4], (M, 1), dtype=jnp.float32)
    e_reg_sum = jax.random.uniform(ks[5], (M, 1), dtype=jnp.float32) + 0.1
    in_src = jax.random.randint(ks[6], (E,), 0, N)
    in_dst = jax.random.randint(ks[7], (E,), 0, M)
    W1 = jax.random.normal(ks[8], (D_IN, DV), dtype=jnp.float32) * 0.02
    b1 = jnp.zeros((DV,), dtype=jnp.float32)
    Wve = jax.random.normal(ks[9], (DV, DE), dtype=jnp.float32) * 0.02
    bve = jnp.zeros((DE,), dtype=jnp.float32)
    Wev = jax.random.normal(ks[10], (DE, DV), dtype=jnp.float32) * 0.02
    bev = jnp.zeros((DV,), dtype=jnp.float32)
    return {
        'vfeat': vfeat, 'efeat': efeat,
        'v_reg_weight': v_reg_weight, 'v_reg_sum': v_reg_sum,
        'e_reg_weight': e_reg_weight, 'e_reg_sum': e_reg_sum,
        'in_src': in_src, 'in_dst': in_dst,
        'W1': W1, 'b1': b1, 'Wve': Wve, 'bve': bve, 'Wev': Wev, 'bev': bev,
        'first_layer': 1, 'last_layer': 1,
    }

def reference(vfeat, efeat, v_reg_weight, v_reg_sum, e_reg_weight, e_reg_sum,
              in_src, in_dst, W1, b1, Wve, bve, Wev, bev,
              first_layer=1, last_layer=1):
    # first_layer=True path: vtx_lin_1layer
    feat_v = vfeat @ W1 + b1
    # Wh on vertices, sent over 'in' edges (vertex -> hyperedge)
    Wh_v = feat_v @ Wve + bve
    # weight_fn on 'in': src reg_weight (vertex) / dst reg_sum (hyperedge)
    w_in = v_reg_weight[in_src] / e_reg_sum[in_dst]            # [E, 1]
    msg_in = w_in * Wh_v[in_src]                               # [E, DE]
    feat_e = jax.ops.segment_sum(msg_in, in_dst, num_segments=M)
    # Wh on hyperedges, sent over 'con' edges (hyperedge -> vertex)
    Wh_e = feat_e @ Wev + bev
    # weight_fn on 'con': src reg_weight (hyperedge) / dst reg_sum (vertex)
    w_con = e_reg_weight[in_dst] / v_reg_sum[in_src]           # [E, 1]
    msg_con = w_con * Wh_e[in_dst]                             # [E, DV]
    feat_v_out = jax.ops.segment_sum(msg_con, in_src, num_segments=N)
    # last_layer=True -> return (feat_v, feat_e)
    return (feat_v_out, feat_e)

if __name__ == "__main__":
    import jax
    _d = setup_inputs()
    print(jax.jit(kernel)(*tuple(_d.values())))

</pallas_src>

<mosaic_0001>
#map = affine_map<(d0, d1) -> (0, 0)>
#map1 = affine_map<(d0, d1) -> (0, 0, 0, 0)>
#map2 = affine_map<(d0, d1) -> (0, 0, 0)>
module attributes {stable_mosaic.version = 14 : i64} {
  func.func @body(%arg0: i32, %arg1: i32, %arg2: memref<10000x128xf32, #tpu.memory_space<hbm>>, %arg3: memref<32x80x2x128xi32, #tpu.memory_space<hbm>>, %arg4: memref<80x128xf32, #tpu.memory_space<hbm>>, %arg5: memref<2x5120x128xf32, #tpu.memory_space<hbm>>, %arg6: memref<5120x128xf32, #tpu.memory_space<vmem_shared>>, %arg7: memref<20x2x128xi32, #tpu.memory_space<vmem>>, %arg8: memref<2x128x128xf32, #tpu.memory_space<vmem>>, %arg9: memref<!tpu.dma_semaphore, #tpu.memory_space<semaphore_mem>>, %arg10: memref<!tpu.dma_semaphore, #tpu.memory_space<semaphore_mem>>) attributes {dimension_semantics = [#tpu.dimension_semantics<core_parallel>, #tpu.dimension_semantics<subcore_parallel>], iteration_bounds = array<i64: 2, 16>, scalar_prefetch = 0 : i64, scratch_operands = 5 : i64, tpu.core_type = #tpu.core_type<sc_vector_subcore>, window_params = [{transform_indices = #map}, {transform_indices = #map1}, {transform_indices = #map}, {transform_indices = #map2}]} {
    %mul3A = arith.constant 16 : i32
    %mul3A_0 = arith.muli %arg0, %mul3A : i32
    %add3A = arith.addi %mul3A_0, %arg1 : i32
    %run_scoped3A = arith.constant 0 : i32
    "tpu.region"() ({
      %run_scoped3A_49 = tpu.sem_alloc : memref<!tpu.dma_semaphore, #tpu.memory_space<semaphore_mem>>
      %dma_start3A = arith.constant 0 : i32
      %dma_start3A_50 = arith.constant 0 : i32
      %dma_start3A_51 = tpu.memref_slice %arg8[%run_scoped3A, %dma_start3A, %dma_start3A_50] : memref<2x128x128xf32, #tpu.memory_space<vmem>> -> memref<1x80x128xf32, #tpu.memory_space<vmem>>
      %dma_start3A_52 = tpu.memref_squeeze %dma_start3A_51 : memref<1x80x128xf32, #tpu.memory_space<vmem>> -> memref<80x128xf32, #tpu.memory_space<vmem>>
      %dma_start3A_53 = arith.constant 0 : i32
      %dma_start3A_54 = arith.constant 0 : i32
      %dma_start3A_55 = tpu.memref_slice %arg8[%run_scoped3A, %dma_start3A_53, %dma_start3A_54] : memref<2x128x128xf32, #tpu.memory_space<vmem>> -> memref<1x80x128xf32, #tpu.memory_space<vmem>>
      %dma_start3A_56 = tpu.memref_squeeze %dma_start3A_55 : memref<1x80x128xf32, #tpu.memory_space<vmem>> -> memref<80x128xf32, #tpu.memory_space<vmem>>
      tpu.enqueue_dma source(%arg4 : memref<80x128xf32, #tpu.memory_space<hbm>>) target(%dma_start3A_56 : memref<80x128xf32, #tpu.memory_space<vmem>>) target_semaphore(%run_scoped3A_49 : memref<!tpu.dma_semaphore, #tpu.memory_space<semaphore_mem>>)
      %dma_wait3A = arith.constant 0 : i32
      %dma_wait3A_57 = arith.constant 0 : i32
      %dma_wait3A_58 = tpu.memref_slice %arg8[%run_scoped3A, %dma_wait3A, %dma_wait3A_57] : memref<2x128x128xf32, #tpu.memory_space<vmem>> -> memref<1x80x128xf32, #tpu.memory_space<vmem>>
      %dma_wait3A_59 = tpu.memref_squeeze %dma_wait3A_58 : memref<1x80x128xf32, #tpu.memory_space<vmem>> -> memref<80x128xf32, #tpu.memory_space<vmem>>
      %dma_wait3A_60 = arith.constant 0 : i32
      %dma_wait3A_61 = arith.constant 0 : i32
      %dma_wait3A_62 = tpu.memref_slice %arg8[%run_scoped3A, %dma_wait3A_60, %dma_wait3A_61] : memref<2x128x128xf32, #tpu.memory_space<vmem>> -> memref<1x80x128xf32, #tpu.memory_space<vmem>>
      %dma_wait3A_63 = tpu.memref_squeeze %dma_wait3A_62 : memref<1x80x128xf32, #tpu.memory_space<vmem>> -> memref<80x128xf32, #tpu.memory_space<vmem>>
      tpu.wait_dma2 semaphore(%run_scoped3A_49 : memref<!tpu.dma_semaphore, #tpu.memory_space<semaphore_mem>>) src(%arg4 : memref<80x128xf32, #tpu.memory_space<hbm>>) dst(%dma_wait3A_63 : memref<80x128xf32, #tpu.memory_space<vmem>>)
      tpu.yield
    }) : () -> ()
    %mul3A_1 = arith.constant 320 : i32
    %mul3A_2 = arith.muli %arg1, %mul3A_1 : i32
    %add3A_3 = arith.constant 0 : i32
    %add3A_4 = arith.addi %mul3A_2, %add3A_3 : i32
    %run_scoped3A_5 = arith.constant 0 : i32
    "tpu.region"() ({
      %run_scoped3A_49 = tpu.sem_alloc : memref<!tpu.dma_semaphore, #tpu.memory_space<semaphore_mem>>
      %dma_start3A = arith.constant 0 : i32
      %dma_start3A_50 = arith.constant 0 : i32
      %dma_start3A_51 = tpu.memref_slice %arg8[%run_scoped3A_5, %dma_start3A, %dma_start3A_50] : memref<2x128x128xf32, #tpu.memory_space<vmem>> -> memref<1x80x128xf32, #tpu.memory_space<vmem>>
      %dma_start3A_52 = tpu.memref_squeeze %dma_start3A_51 : memref<1x80x128xf32, #tpu.memory_space<vmem>> -> memref<80x128xf32, #tpu.memory_space<vmem>>
      %dma_start3A_53 = arith.constant 0 : i32
      %dma_start3A_54 = tpu.memref_slice %arg6[%add3A_4, %dma_start3A_53] : memref<5120x128xf32, #tpu.memory_space<vmem_shared>> -> memref<80x128xf32, #tpu.memory_space<vmem_shared>>
      %dma_start3A_55 = arith.constant 0 : i32
      %dma_start3A_56 = tpu.memref_slice %arg6[%add3A_4, %dma_start3A_55] : memref<5120x128xf32, #tpu.memory_space<vmem_shared>> -> memref<80x128xf32, #tpu.memory_space<vmem_shared>>
      %dma_start3A_57 = arith.constant 0 : i32
      %dma_start3A_58 = arith.constant 0 : i32
      %dma_start3A_59 = tpu.memref_slice %arg8[%run_scoped3A_5, %dma_start3A_57, %dma_start3A_58] : memref<2x128x128xf32, #tpu.memory_space<vmem>> -> memref<1x80x128xf32, #tpu.memory_space<vmem>>
      %dma_start3A_60 = tpu.memref_squeeze %dma_start3A_59 : memref<1x80x128xf32, #tpu.memory_space<vmem>> -> memref<80x128xf32, #tpu.memory_space<vmem>>
      tpu.enqueue_dma source(%dma_start3A_60 : memref<80x128xf32, #tpu.memory_space<vmem>>) target(%dma_start3A_56 : memref<80x128xf32, #tpu.memory_space<vmem_shared>>) target_semaphore(%run_scoped3A_49 : memref<!tpu.dma_semaphore, #tpu.memory_space<semaphore_mem>>)
      %dma_wait3A = arith.constant 0 : i32
      %dma_wait3A_61 = arith.constant 0 : i32
      %dma_wait3A_62 = tpu.memref_slice %arg8[%run_scoped3A_5, %dma_wait3A, %dma_wait3A_61] : memref<2x128x128xf32, #tpu.memory_space<vmem>> -> memref<1x80x128xf32, #tpu.memory_space<vmem>>
      %dma_wait3A_63 = tpu.memref_squeeze %dma_wait3A_62 : memref<1x80x128xf32, #tpu.memory_space<vmem>> -> memref<80x128xf32, #tpu.memory_space<vmem>>
      %dma_wait3A_64 = arith.constant 0 : i32
      %dma_wait3A_65 = tpu.memref_slice %arg6[%add3A_4, %dma_wait3A_64] : memref<5120x128xf32, #tpu.memory_space<vmem_shared>> -> memref<80x128xf32, #tpu.memory_space<vmem_shared>>
      %dma_wait3A_66 = arith.constant 0 : i32
      %dma_wait3A_67 = tpu.memref_slice %arg6[%add3A_4, %dma_wait3A_66] : memref<5120x128xf32, #tpu.memory_space<vmem_shared>> -> memref<80x128xf32, #tpu.memory_space<vmem_shared>>
      %dma_wait3A_68 = arith.constant 0 : i32
      %dma_wait3A_69 = arith.constant 0 : i32
      %dma_wait3A_70 = tpu.memref_slice %arg8[%run_scoped3A_5, %dma_wait3A_68, %dma_wait3A_69] : memref<2x128x128xf32, #tpu.memory_space<vmem>> -> memref<1x80x128xf32, #tpu.memory_space<vmem>>
      %dma_wait3A_71 = tpu.memref_squeeze %dma_wait3A_70 : memref<1x80x128xf32, #tpu.memory_space<vmem>> -> memref<80x128xf32, #tpu.memory_space<vmem>>
      tpu.wait_dma2 semaphore(%run_scoped3A_49 : memref<!tpu.dma_semaphore, #tpu.memory_space<semaphore_mem>>) src(%dma_wait3A_71 : memref<80x128xf32, #tpu.memory_space<vmem>>) dst(%dma_wait3A_67 : memref<80x128xf32, #tpu.memory_space<vmem_shared>>)
      tpu.yield
    }) : () -> ()
    %mul3A_6 = arith.constant 320 : i32
    %mul3A_7 = arith.muli %arg1, %mul3A_6 : i32
    %add3A_8 = arith.constant 80 : i32
    %add3A_9 = arith.addi %mul3A_7, %add3A_8 : i32
    %run_scoped3A_10 = arith.constant 0 : i32
    "tpu.region"() ({
      %run_scoped3A_49 = tpu.sem_alloc : memref<!tpu.dma_semaphore, #tpu.memory_space<semaphore_mem>>
      %dma_start3A = arith.constant 0 : i32
      %dma_start3A_50 = arith.constant 0 : i32
      %dma_start3A_51 = tpu.memref_slice %arg8[%run_scoped3A_10, %dma_start3A, %dma_start3A_50] : memref<2x128x128xf32, #tpu.memory_space<vmem>> -> memref<1x80x128xf32, #tpu.memory_space<vmem>>
      %dma_start3A_52 = tpu.memref_squeeze %dma_start3A_51 : memref<1x80x128xf32, #tpu.memory_space<vmem>> -> memref<80x128xf32, #tpu.memory_space<vmem>>
      %dma_start3A_53 = arith.constant 0 : i32
      %dma_start3A_54 = tpu.memref_slice %arg6[%add3A_9, %dma_start3A_53] : memref<5120x128xf32, #tpu.memory_space<vmem_shared>> -> memref<80x128xf32, #tpu.memory_space<vmem_shared>>
      %dma_start3A_55 = arith.constant 0 : i32
      %dma_start3A_56 = tpu.memref_slice %arg6[%add3A_9, %dma_start3A_55] : memref<5120x128xf32, #tpu.memory_space<vmem_shared>> -> memref<80x128xf32, #tpu.memory_space<vmem_shared>>
      %dma_start3A_57 = arith.constant 0 : i32
      %dma_start3A_58 = arith.constant 0 : i32
      %dma_start3A_59 = tpu.memref_slice %arg8[%run_scoped3A_10, %dma_start3A_57, %dma_start3A_58] : memref<2x128x128xf32, #tpu.memory_space<vmem>> -> memref<1x80x128xf32, #tpu.memory_space<vmem>>
      %dma_start3A_60 = tpu.memref_squeeze %dma_start3A_59 : memref<1x80x128xf32, #tpu.memory_space<vmem>> -> memref<80x128xf32, #tpu.memory_space<vmem>>
      tpu.enqueue_dma source(%dma_start3A_60 : memref<80x128xf32, #tpu.memory_space<vmem>>) target(%dma_start3A_56 : memref<80x128xf32, #tpu.memory_space<vmem_shared>>) target_semaphore(%run_scoped3A_49 : memref<!tpu.dma_semaphore, #tpu.memory_space<semaphore_mem>>)
      %dma_wait3A = arith.constant 0 : i32
      %dma_wait3A_61 = arith.constant 0 : i32
      %dma_wait3A_62 = tpu.memref_slice %arg8[%run_scoped3A_10, %dma_wait3A, %dma_wait3A_61] : memref<2x128x128xf32, #tpu.memory_space<vmem>> -> memref<1x80x128xf32, #tpu.memory_space<vmem>>
      %dma_wait3A_63 = tpu.memref_squeeze %dma_wait3A_62 : memref<1x80x128xf32, #tpu.memory_space<vmem>> -> memref<80x128xf32, #tpu.memory_space<vmem>>
      %dma_wait3A_64 = arith.constant 0 : i32
      %dma_wait3A_65 = tpu.memref_slice %arg6[%add3A_9, %dma_wait3A_64] : memref<5120x128xf32, #tpu.memory_space<vmem_shared>> -> memref<80x128xf32, #tpu.memory_space<vmem_shared>>
      %dma_wait3A_66 = arith.constant 0 : i32
      %dma_wait3A_67 = tpu.memref_slice %arg6[%add3A_9, %dma_wait3A_66] : memref<5120x128xf32, #tpu.memory_space<vmem_shared>> -> memref<80x128xf32, #tpu.memory_space<vmem_shared>>
      %dma_wait3A_68 = arith.constant 0 : i32
      %dma_wait3A_69 = arith.constant 0 : i32
      %dma_wait3A_70 = tpu.memref_slice %arg8[%run_scoped3A_10, %dma_wait3A_68, %dma_wait3A_69] : memref<2x128x128xf32, #tpu.memory_space<vmem>> -> memref<1x80x128xf32, #tpu.memory_space<vmem>>
      %dma_wait3A_71 = tpu.memref_squeeze %dma_wait3A_70 : memref<1x80x128xf32, #tpu.memory_space<vmem>> -> memref<80x128xf32, #tpu.memory_space<vmem>>
      tpu.wait_dma2 semaphore(%run_scoped3A_49 : memref<!tpu.dma_semaphore, #tpu.memory_space<semaphore_mem>>) src(%dma_wait3A_71 : memref<80x128xf32, #tpu.memory_space<vmem>>) dst(%dma_wait3A_67 : memref<80x128xf32, #tpu.memory_space<vmem_shared>>)
      tpu.yield
    }) : () -> ()
    %mul3A_11 = arith.constant 320 : i32
    %mul3A_12 = arith.muli %arg1, %mul3A_11 : i32
    %add3A_13 = arith.constant 160 : i32
    %add3A_14 = arith.addi %mul3A_12, %add3A_13 : i32
    %run_scoped3A_15 = arith.constant 0 : i32
    "tpu.region"() ({
      %run_scoped3A_49 = tpu.sem_alloc : memref<!tpu.dma_semaphore, #tpu.memory_space<semaphore_mem>>
      %dma_start3A = arith.constant 0 : i32
      %dma_start3A_50 = arith.constant 0 : i32
      %dma_start3A_51 = tpu.memref_slice %arg8[%run_scoped3A_15, %dma_start3A, %dma_start3A_50] : memref<2x128x128xf32, #tpu.memory_space<vmem>> -> memref<1x80x128xf32, #tpu.memory_space<vmem>>
      %dma_start3A_52 = tpu.memref_squeeze %dma_start3A_51 : memref<1x80x128xf32, #tpu.memory_space<vmem>> -> memref<80x128xf32, #tpu.memory_space<vmem>>
      %dma_start3A_53 = arith.constant 0 : i32
      %dma_start3A_54 = tpu.memref_slice %arg6[%add3A_14, %dma_start3A_53] : memref<5120x128xf32, #tpu.memory_space<vmem_shared>> -> memref<80x128xf32, #tpu.memory_space<vmem_shared>>
      %dma_start3A_55 = arith.constant 0 : i32
      %dma_start3A_56 = tpu.memref_slice %arg6[%add3A_14, %dma_start3A_55] : memref<5120x128xf32, #tpu.memory_space<vmem_shared>> -> memref<80x128xf32, #tpu.memory_space<vmem_shared>>
      %dma_start3A_57 = arith.constant 0 : i32
      %dma_start3A_58 = arith.constant 0 : i32
      %dma_start3A_59 = tpu.memref_slice %arg8[%run_scoped3A_15, %dma_start3A_57, %dma_start3A_58] : memref<2x128x128xf32, #tpu.memory_space<vmem>> -> memref<1x80x128xf32, #tpu.memory_space<vmem>>
      %dma_start3A_60 = tpu.memref_squeeze %dma_start3A_59 : memref<1x80x128xf32, #tpu.memory_space<vmem>> -> memref<80x128xf32, #tpu.memory_space<vmem>>
      tpu.enqueue_dma source(%dma_start3A_60 : memref<80x128xf32, #tpu.memory_space<vmem>>) target(%dma_start3A_56 : memref<80x128xf32, #tpu.memory_space<vmem_shared>>) target_semaphore(%run_scoped3A_49 : memref<!tpu.dma_semaphore, #tpu.memory_space<semaphore_mem>>)
      %dma_wait3A = arith.constant 0 : i32
      %dma_wait3A_61 = arith.constant 0 : i32
      %dma_wait3A_62 = tpu.memref_slice %arg8[%run_scoped3A_15, %dma_wait3A, %dma_wait3A_61] : memref<2x128x128xf32, #tpu.memory_space<vmem>> -> memref<1x80x128xf32, #tpu.memory_space<vmem>>
      %dma_wait3A_63 = tpu.memref_squeeze %dma_wait3A_62 : memref<1x80x128xf32, #tpu.memory_space<vmem>> -> memref<80x128xf32, #tpu.memory_space<vmem>>
      %dma_wait3A_64 = arith.constant 0 : i32
      %dma_wait3A_65 = tpu.memref_slice %arg6[%add3A_14, %dma_wait3A_64] : memref<5120x128xf32, #tpu.memory_space<vmem_shared>> -> memref<80x128xf32, #tpu.memory_space<vmem_shared>>
      %dma_wait3A_66 = arith.constant 0 : i32
      %dma_wait3A_67 = tpu.memref_slice %arg6[%add3A_14, %dma_wait3A_66] : memref<5120x128xf32, #tpu.memory_space<vmem_shared>> -> memref<80x128xf32, #tpu.memory_space<vmem_shared>>
      %dma_wait3A_68 = arith.constant 0 : i32
      %dma_wait3A_69 = arith.constant 0 : i32
      %dma_wait3A_70 = tpu.memref_slice %arg8[%run_scoped3A_15, %dma_wait3A_68, %dma_wait3A_69] : memref<2x128x128xf32, #tpu.memory_space<vmem>> -> memref<1x80x128xf32, #tpu.memory_space<vmem>>
      %dma_wait3A_71 = tpu.memref_squeeze %dma_wait3A_70 : memref<1x80x128xf32, #tpu.memory_space<vmem>> -> memref<80x128xf32, #tpu.memory_space<vmem>>
      tpu.wait_dma2 semaphore(%run_scoped3A_49 : memref<!tpu.dma_semaphore, #tpu.memory_space<semaphore_mem>>) src(%dma_wait3A_71 : memref<80x128xf32, #tpu.memory_space<vmem>>) dst(%dma_wait3A_67 : memref<80x128xf32, #tpu.memory_space<vmem_shared>>)
      tpu.yield
    }) : () -> ()
    %mul3A_16 = arith.constant 320 : i32
    %mul3A_17 = arith.muli %arg1, %mul3A_16 : i32
    %add3A_18 = arith.constant 240 : i32
    %add3A_19 = arith.addi %mul3A_17, %add3A_18 : i32
    %run_scoped3A_20 = arith.constant 0 : i32
    "tpu.region"() ({
      %run_scoped3A_49 = tpu.sem_alloc : memref<!tpu.dma_semaphore, #tpu.memory_space<semaphore_mem>>
      %dma_start3A = arith.constant 0 : i32
      %dma_start3A_50 = arith.constant 0 : i32
      %dma_start3A_51 = tpu.memref_slice %arg8[%run_scoped3A_20, %dma_start3A, %dma_start3A_50] : memref<2x128x128xf32, #tpu.memory_space<vmem>> -> memref<1x80x128xf32, #tpu.memory_space<vmem>>
      %dma_start3A_52 = tpu.memref_squeeze %dma_start3A_51 : memref<1x80x128xf32, #tpu.memory_space<vmem>> -> memref<80x128xf32, #tpu.memory_space<vmem>>
      %dma_start3A_53 = arith.constant 0 : i32
      %dma_start3A_54 = tpu.memref_slice %arg6[%add3A_19, %dma_start3A_53] : memref<5120x128xf32, #tpu.memory_space<vmem_shared>> -> memref<80x128xf32, #tpu.memory_space<vmem_shared>>
      %dma_start3A_55 = arith.constant 0 : i32
      %dma_start3A_56 = tpu.memref_slice %arg6[%add3A_19, %dma_start3A_55] : memref<5120x128xf32, #tpu.memory_space<vmem_shared>> -> memref<80x128xf32, #tpu.memory_space<vmem_shared>>
      %dma_start3A_57 = arith.constant 0 : i32
      %dma_start3A_58 = arith.constant 0 : i32
      %dma_start3A_59 = tpu.memref_slice %arg8[%run_scoped3A_20, %dma_start3A_57, %dma_start3A_58] : memref<2x128x128xf32, #tpu.memory_space<vmem>> -> memref<1x80x128xf32, #tpu.memory_space<vmem>>
      %dma_start3A_60 = tpu.memref_squeeze %dma_start3A_59 : memref<1x80x128xf32, #tpu.memory_space<vmem>> -> memref<80x128xf32, #tpu.memory_space<vmem>>
      tpu.enqueue_dma source(%dma_start3A_60 : memref<80x128xf32, #tpu.memory_space<vmem>>) target(%dma_start3A_56 : memref<80x128xf32, #tpu.memory_space<vmem_shared>>) target_semaphore(%run_scoped3A_49 : memref<!tpu.dma_semaphore, #tpu.memory_space<semaphore_mem>>)
      %dma_wait3A = arith.constant 0 : i32
      %dma_wait3A_61 = arith.constant 0 : i32
      %dma_wait3A_62 = tpu.memref_slice %arg8[%run_scoped3A_20, %dma_wait3A, %dma_wait3A_61] : memref<2x128x128xf32, #tpu.memory_space<vmem>> -> memref<1x80x128xf32, #tpu.memory_space<vmem>>
      %dma_wait3A_63 = tpu.memref_squeeze %dma_wait3A_62 : memref<1x80x128xf32, #tpu.memory_space<vmem>> -> memref<80x128xf32, #tpu.memory_space<vmem>>
      %dma_wait3A_64 = arith.constant 0 : i32
      %dma_wait3A_65 = tpu.memref_slice %arg6[%add3A_19, %dma_wait3A_64] : memref<5120x128xf32, #tpu.memory_space<vmem_shared>> -> memref<80x128xf32, #tpu.memory_space<vmem_shared>>
      %dma_wait3A_66 = arith.constant 0 : i32
      %dma_wait3A_67 = tpu.memref_slice %arg6[%add3A_19, %dma_wait3A_66] : memref<5120x128xf32, #tpu.memory_space<vmem_shared>> -> memref<80x128xf32, #tpu.memory_space<vmem_shared>>
      %dma_wait3A_68 = arith.constant 0 : i32
      %dma_wait3A_69 = arith.constant 0 : i32
      %dma_wait3A_70 = tpu.memref_slice %arg8[%run_scoped3A_20, %dma_wait3A_68, %dma_wait3A_69] : memref<2x128x128xf32, #tpu.memory_space<vmem>> -> memref<1x80x128xf32, #tpu.memory_space<vmem>>
      %dma_wait3A_71 = tpu.memref_squeeze %dma_wait3A_70 : memref<1x80x128xf32, #tpu.memory_space<vmem>> -> memref<80x128xf32, #tpu.memory_space<vmem>>
      tpu.wait_dma2 semaphore(%run_scoped3A_49 : memref<!tpu.dma_semaphore, #tpu.memory_space<semaphore_mem>>) src(%dma_wait3A_71 : memref<80x128xf32, #tpu.memory_space<vmem>>) dst(%dma_wait3A_67 : memref<80x128xf32, #tpu.memory_space<vmem_shared>>)
      tpu.yield
    }) : () -> ()
    %barrier3A = arith.constant 0 : index
    tpu.barrier barrier_id(%barrier3A)
    "tpu.region"() ({
      %run_scoped3A_49 = tpu.sem_alloc : memref<!tpu.dma_semaphore, #tpu.memory_space<semaphore_mem>>
      %dma_start3A = arith.constant 0 : i32
      %dma_start3A_50 = arith.constant 0 : i32
      %dma_start3A_51 = arith.constant 0 : i32
      %dma_start3A_52 = tpu.memref_slice %arg3[%add3A, %dma_start3A, %dma_start3A_50, %dma_start3A_51] : memref<32x80x2x128xi32, #tpu.memory_space<hbm>> -> memref<1x20x2x128xi32, #tpu.memory_space<hbm>>
      %dma_start3A_53 = tpu.memref_squeeze %dma_start3A_52 : memref<1x20x2x128xi32, #tpu.memory_space<hbm>> -> memref<20x2x128xi32, #tpu.memory_space<hbm>>
      %dma_start3A_54 = arith.constant 0 : i32
      %dma_start3A_55 = arith.constant 0 : i32
      %dma_start3A_56 = arith.constant 0 : i32
      %dma_start3A_57 = tpu.memref_slice %arg3[%add3A, %dma_start3A_54, %dma_start3A_55, %dma_start3A_56] : memref<32x80x2x128xi32, #tpu.memory_space<hbm>> -> memref<1x20x2x128xi32, #tpu.memory_space<hbm>>
      %dma_start3A_58 = tpu.memref_squeeze %dma_start3A_57 : memref<1x20x2x128xi32, #tpu.memory_space<hbm>> -> memref<20x2x128xi32, #tpu.memory_space<hbm>>
      tpu.enqueue_dma source(%dma_start3A_58 : memref<20x2x128xi32, #tpu.memory_space<hbm>>) target(%arg7 : memref<20x2x128xi32, #tpu.memory_space<vmem>>) target_semaphore(%run_scoped3A_49 : memref<!tpu.dma_semaphore, #tpu.memory_space<semaphore_mem>>)
      %dma_wait3A = arith.constant 0 : i32
      %dma_wait3A_59 = arith.constant 0 : i32
      %dma_wait3A_60 = arith.constant 0 : i32
      %dma_wait3A_61 = tpu.memref_slice %arg3[%add3A, %dma_wait3A, %dma_wait3A_59, %dma_wait3A_60] : memref<32x80x2x128xi32, #tpu.memory_space<hbm>> -> memref<1x20x2x128xi32, #tpu.memory_space<hbm>>
      %dma_wait3A_62 = tpu.memref_squeeze %dma_wait3A_61 : memref<1x20x2x128xi32, #tpu.memory_space<hbm>> -> memref<20x2x128xi32, #tpu.memory_space<hbm>>
      %dma_wait3A_63 = arith.constant 0 : i32
      %dma_wait3A_64 = arith.constant 0 : i32
      %dma_wait3A_65 = arith.constant 0 : i32
      %dma_wait3A_66 = tpu.memref_slice %arg3[%add3A, %dma_wait3A_63, %dma_wait3A_64, %dma_wait3A_65] : memref<32x80x2x128xi32, #tpu.memory_space<hbm>> -> memref<1x20x2x128xi32, #tpu.memory_space<hbm>>
      %dma_wait3A_67 = tpu.memref_squeeze %dma_wait3A_66 : memref<1x20x2x128xi32, #tpu.memory_space<hbm>> -> memref<20x2x128xi32, #tpu.memory_space<hbm>>
      tpu.wait_dma2 semaphore(%run_scoped3A_49 : memref<!tpu.dma_semaphore, #tpu.memory_space<semaphore_mem>>) src(%dma_wait3A_67 : memref<20x2x128xi32, #tpu.memory_space<hbm>>) dst(%arg7 : memref<20x2x128xi32, #tpu.memory_space<vmem>>)
      tpu.yield
    }) : () -> ()
    %scan3A = arith.constant 0 : i32
    %scan3A_21 = arith.constant 0 : i32
    %scan3A_22 = arith.constant 10 : i32
    %scan3A_23 = arith.addi %scan3A_21, %scan3A_22 : i32
    %scan3A_24 = arith.constant 1 : i32
    scf.for %scan3A_49 = %scan3A_21 to %scan3A_23 step %scan3A_24  : i32 {
      %mul3A_50 = arith.constant 2 : i32
      %mul3A_51 = arith.muli %scan3A_49, %mul3A_50 : i32
      %add3A_52 = arith.constant 0 : i32
      %add3A_53 = arith.addi %mul3A_51, %add3A_52 : i32
      %dma_start3A = arith.constant 0 : i32
      %dma_start3A_54 = arith.constant 0 : i32
      %dma_start3A_55 = arith.constant 0 : i32
      %dma_start3A_56 = arith.constant 0 : i32
      %dma_start3A_57 = tpu.memref_slice %arg8[%dma_start3A_54, %dma_start3A_55, %dma_start3A_56] : memref<2x128x128xf32, #tpu.memory_space<vmem>> -> memref<1x128x128xf32, #tpu.memory_space<vmem>>
      %dma_start3A_58 = tpu.memref_squeeze %dma_start3A_57 : memref<1x128x128xf32, #tpu.memory_space<vmem>> -> memref<128x128xf32, #tpu.memory_space<vmem>>
      %dma_start3A_59 = arith.constant 0 : i32
      %dma_start3A_60 = tpu.memref_slice %arg7[%add3A_53, %dma_start3A, %dma_start3A_59] : memref<20x2x128xi32, #tpu.memory_space<vmem>> -> memref<1x1x128xi32, #tpu.memory_space<vmem>>
      %dma_start3A_61 = tpu.memref_squeeze %dma_start3A_60 : memref<1x1x128xi32, #tpu.memory_space<vmem>> -> memref<128xi32, #tpu.memory_space<vmem>>
      %dma_start3A_62 = arith.constant 0 : i32
      %dma_start3A_63 = arith.constant 0 : i32
      %dma_start3A_64 = tpu.memref_slice %arg2[%dma_start3A_62, %dma_start3A_63] : memref<10000x128xf32, #tpu.memory_space<hbm>> -> memref<10000x128xf32, #tpu.memory_space<hbm>>
      tpu.enqueue_indirect_dma source(%dma_start3A_64 : memref<10000x128xf32, #tpu.memory_space<hbm>>) target(%dma_start3A_58 : memref<128x128xf32, #tpu.memory_space<vmem>>) offsets(%dma_start3A_61 : memref<128xi32, #tpu.memory_space<vmem>>) semaphore(%arg9 : memref<!tpu.dma_semaphore, #tpu.memory_space<semaphore_mem>>)
      %add3A_65 = arith.constant 1 : i32
      %add3A_66 = arith.addi %mul3A_51, %add3A_65 : i32
      %dma_start3A_67 = arith.constant 0 : i32
      %dma_start3A_68 = arith.constant 1 : i32
      %dma_start3A_69 = arith.constant 0 : i32
      %dma_start3A_70 = arith.constant 0 : i32
      %dma_start3A_71 = tpu.memref_slice %arg8[%dma_start3A_68, %dma_start3A_69, %dma_start3A_70] : memref<2x128x128xf32, #tpu.memory_space<vmem>> -> memref<1x128x128xf32, #tpu.memory_space<vmem>>
      %dma_start3A_72 = tpu.memref_squeeze %dma_start3A_71 : memref<1x128x128xf32, #tpu.memory_space<vmem>> -> memref<128x128xf32, #tpu.memory_space<vmem>>
      %dma_start3A_73 = arith.constant 0 : i32
      %dma_start3A_74 = tpu.memref_slice %arg7[%add3A_66, %dma_start3A_67, %dma_start3A_73] : memref<20x2x128xi32, #tpu.memory_space<vmem>> -> memref<1x1x128xi32, #tpu.memory_space<vmem>>
      %dma_start3A_75 = tpu.memref_squeeze %dma_start3A_74 : memref<1x1x128xi32, #tpu.memory_space<vmem>> -> memref<128xi32, #tpu.memory_space<vmem>>
      %dma_start3A_76 = arith.constant 0 : i32
      %dma_start3A_77 = arith.constant 0 : i32
      %dma_start3A_78 = tpu.memref_slice %arg2[%dma_start3A_76, %dma_start3A_77] : memref<10000x128xf32, #tpu.memory_space<hbm>> -> memref<10000x128xf32, #tpu.memory_space<hbm>>
      tpu.enqueue_indirect_dma source(%dma_start3A_78 : memref<10000x128xf32, #tpu.memory_space<hbm>>) target(%dma_start3A_72 : memref<128x128xf32, #tpu.memory_space<vmem>>) offsets(%dma_start3A_75 : memref<128xi32, #tpu.memory_space<vmem>>) semaphore(%arg9 : memref<!tpu.dma_semaphore, #tpu.memory_space<semaphore_mem>>)
      %dma_wait3A = arith.constant 0 : i32
      %dma_wait3A_79 = arith.constant 0 : i32
      %dma_wait3A_80 = arith.constant 0 : i32
      %dma_wait3A_81 = arith.constant 0 : i32
      %dma_wait3A_82 = tpu.memref_slice %arg8[%dma_wait3A_79, %dma_wait3A_80, %dma_wait3A_81] : memref<2x128x128xf32, #tpu.memory_space<vmem>> -> memref<1x128x128xf32, #tpu.memory_space<vmem>>
      %dma_wait3A_83 = tpu.memref_squeeze %dma_wait3A_82 : memref<1x128x128xf32, #tpu.memory_space<vmem>> -> memref<128x128xf32, #tpu.memory_space<vmem>>
      %dma_wait3A_84 = arith.constant 0 : i32
      %dma_wait3A_85 = tpu.memref_slice %arg7[%add3A_53, %dma_wait3A, %dma_wait3A_84] : memref<20x2x128xi32, #tpu.memory_space<vmem>> -> memref<1x1x128xi32, #tpu.memory_space<vmem>>
      %dma_wait3A_86 = tpu.memref_squeeze %dma_wait3A_85 : memref<1x1x128xi32, #tpu.memory_space<vmem>> -> memref<128xi32, #tpu.memory_space<vmem>>
      %dma_wait3A_87 = arith.constant 0 : i32
      %dma_wait3A_88 = arith.constant 0 : i32
      %dma_wait3A_89 = tpu.memref_slice %arg2[%dma_wait3A_87, %dma_wait3A_88] : memref<10000x128xf32, #tpu.memory_space<hbm>> -> memref<10000x128xf32, #tpu.memory_space<hbm>>
      tpu.wait_indirect_dma semaphore(%arg9 : memref<!tpu.dma_semaphore, #tpu.memory_space<semaphore_mem>>) src(%dma_wait3A_89 : memref<10000x128xf32, #tpu.memory_space<hbm>>) dst(%dma_wait3A_83 : memref<128x128xf32, #tpu.memory_space<vmem>>)
      %add3A_90 = arith.constant 0 : i32
      %add3A_91 = arith.addi %mul3A_51, %add3A_90 : i32
      %dma_start3A_92 = arith.constant 0 : i32
      %dma_start3A_93 = arith.constant 1 : i32
      %dma_start3A_94 = arith.constant 0 : i32
      %dma_start3A_95 = arith.constant 0 : i32
      %dma_start3A_96 = tpu.memref_slice %arg8[%dma_start3A_92, %dma_start3A_94, %dma_start3A_95] : memref<2x128x128xf32, #tpu.memory_space<vmem>> -> memref<1x128x128xf32, #tpu.memory_space<vmem>>
      %dma_start3A_97 = tpu.memref_squeeze %dma_start3A_96 : memref<1x128x128xf32, #tpu.memory_space<vmem>> -> memref<128x128xf32, #tpu.memory_space<vmem>>
      %dma_start3A_98 = arith.constant 0 : i32
      %dma_start3A_99 = tpu.memref_slice %arg7[%add3A_91, %dma_start3A_93, %dma_start3A_98] : memref<20x2x128xi32, #tpu.memory_space<vmem>> -> memref<1x1x128xi32, #tpu.memory_space<vmem>>
      %dma_start3A_100 = tpu.memref_squeeze %dma_start3A_99 : memref<1x1x128xi32, #tpu.memory_space<vmem>> -> memref<128xi32, #tpu.memory_space<vmem>>
      %dma_start3A_101 = arith.constant 0 : i32
      %dma_start3A_102 = arith.constant 0 : i32
      %dma_start3A_103 = tpu.memref_slice %arg6[%dma_start3A_101, %dma_start3A_102] : memref<5120x128xf32, #tpu.memory_space<vmem_shared>> -> memref<5120x128xf32, #tpu.memory_space<vmem_shared>>
      tpu.enqueue_indirect_dma source(%dma_start3A_97 : memref<128x128xf32, #tpu.memory_space<vmem>>) target(%dma_start3A_103 : memref<5120x128xf32, #tpu.memory_space<vmem_shared>>) offsets(%dma_start3A_100 : memref<128xi32, #tpu.memory_space<vmem>>) semaphore(%arg10 : memref<!tpu.dma_semaphore, #tpu.memory_space<semaphore_mem>>) {add = true}
      %dma_wait3A_104 = arith.constant 0 : i32
      %dma_wait3A_105 = arith.constant 1 : i32
      %dma_wait3A_106 = arith.constant 0 : i32
      %dma_wait3A_107 = arith.constant 0 : i32
      %dma_wait3A_108 = tpu.memref_slice %arg8[%dma_wait3A_105, %dma_wait3A_106, %dma_wait3A_107] : memref<2x128x128xf32, #tpu.memory_space<vmem>> -> memref<1x128x128xf32, #tpu.memory_space<vmem>>
      %dma_wait3A_109 = tpu.memref_squeeze %dma_wait3A_108 : memref<1x128x128xf32, #tpu.memory_space<vmem>> -> memref<128x128xf32, #tpu.memory_space<vmem>>
      %dma_wait3A_110 = arith.constant 0 : i32
      %dma_wait3A_111 = tpu.memref_slice %arg7[%add3A_66, %dma_wait3A_104, %dma_wait3A_110] : memref<20x2x128xi32, #tpu.memory_space<vmem>> -> memref<1x1x128xi32, #tpu.memory_space<vmem>>
      %dma_wait3A_112 = tpu.memref_squeeze %dma_wait3A_111 : memref<1x1x128xi32, #tpu.memory_space<vmem>> -> memref<128xi32, #tpu.memory_space<vmem>>
      %dma_wait3A_113 = arith.constant 0 : i32
      %dma_wait3A_114 = arith.constant 0 : i32
      %dma_wait3A_115 = tpu.memref_slice %arg2[%dma_wait3A_113, %dma_wait3A_114] : memref<10000x128xf32, #tpu.memory_space<hbm>> -> memref<10000x128xf32, #tpu.memory_space<hbm>>
      tpu.wait_indirect_dma semaphore(%arg9 : memref<!tpu.dma_semaphore, #tpu.memory_space<semaphore_mem>>) src(%dma_wait3A_115 : memref<10000x128xf32, #tpu.memory_space<hbm>>) dst(%dma_wait3A_109 : memref<128x128xf32, #tpu.memory_space<vmem>>)
      %add3A_116 = arith.constant 1 : i32
      %add3A_117 = arith.addi %mul3A_51, %add3A_116 : i32
      %dma_start3A_118 = arith.constant 1 : i32
      %dma_start3A_119 = arith.constant 1 : i32
      %dma_start3A_120 = arith.constant 0 : i32
      %dma_start3A_121 = arith.constant 0 : i32
      %dma_start3A_122 = tpu.memref_slice %arg8[%dma_start3A_118, %dma_start3A_120, %dma_start3A_121] : memref<2x128x128xf32, #tpu.memory_space<vmem>> -> memref<1x128x128xf32, #tpu.memory_space<vmem>>
      %dma_start3A_123 = tpu.memref_squeeze %dma_start3A_122 : memref<1x128x128xf32, #tpu.memory_space<vmem>> -> memref<128x128xf32, #tpu.memory_space<vmem>>
      %dma_start3A_124 = arith.constant 0 : i32
      %dma_start3A_125 = tpu.memref_slice %arg7[%add3A_117, %dma_start3A_119, %dma_start3A_124] : memref<20x2x128xi32, #tpu.memory_space<vmem>> -> memref<1x1x128xi32, #tpu.memory_space<vmem>>
      %dma_start3A_126 = tpu.memref_squeeze %dma_start3A_125 : memref<1x1x128xi32, #tpu.memory_space<vmem>> -> memref<128xi32, #tpu.memory_space<vmem>>
      %dma_start3A_127 = arith.constant 0 : i32
      %dma_start3A_128 = arith.constant 0 : i32
      %dma_start3A_129 = tpu.memref_slice %arg6[%dma_start3A_127, %dma_start3A_128] : memref<5120x128xf32, #tpu.memory_space<vmem_shared>> -> memref<5120x128xf32, #tpu.memory_space<vmem_shared>>
      tpu.enqueue_indirect_dma source(%dma_start3A_123 : memref<128x128xf32, #tpu.memory_space<vmem>>) target(%dma_start3A_129 : memref<5120x128xf32, #tpu.memory_space<vmem_shared>>) offsets(%dma_start3A_126 : memref<128xi32, #tpu.memory_space<vmem>>) semaphore(%arg10 : memref<!tpu.dma_semaphore, #tpu.memory_space<semaphore_mem>>) {add = true}
      %dma_wait3A_130 = arith.constant 0 : i32
      %dma_wait3A_131 = arith.constant 1 : i32
      %dma_wait3A_132 = arith.constant 0 : i32
      %dma_wait3A_133 = arith.constant 0 : i32
      %dma_wait3A_134 = tpu.memref_slice %arg8[%dma_wait3A_130, %dma_wait3A_132, %dma_wait3A_133] : memref<2x128x128xf32, #tpu.memory_space<vmem>> -> memref<1x128x128xf32, #tpu.memory_space<vmem>>
      %dma_wait3A_135 = tpu.memref_squeeze %dma_wait3A_134 : memref<1x128x128xf32, #tpu.memory_space<vmem>> -> memref<128x128xf32, #tpu.memory_space<vmem>>
      %dma_wait3A_136 = arith.constant 0 : i32
      %dma_wait3A_137 = tpu.memref_slice %arg7[%add3A_91, %dma_wait3A_131, %dma_wait3A_136] : memref<20x2x128xi32, #tpu.memory_space<vmem>> -> memref<1x1x128xi32, #tpu.memory_space<vmem>>
      %dma_wait3A_138 = tpu.memref_squeeze %dma_wait3A_137 : memref<1x1x128xi32, #tpu.memory_space<vmem>> -> memref<128xi32, #tpu.memory_space<vmem>>
      %dma_wait3A_139 = arith.constant 0 : i32
      %dma_wait3A_140 = arith.constant 0 : i32
      %dma_wait3A_141 = tpu.memref_slice %arg6[%dma_wait3A_139, %dma_wait3A_140] : memref<5120x128xf32, #tpu.memory_space<vmem_shared>> -> memref<5120x128xf32, #tpu.memory_space<vmem_shared>>
      tpu.wait_indirect_dma semaphore(%arg10 : memref<!tpu.dma_semaphore, #tpu.memory_space<semaphore_mem>>) src(%dma_wait3A_135 : memref<128x128xf32, #tpu.memory_space<vmem>>) dst(%dma_wait3A_141 : memref<5120x128xf32, #tpu.memory_space<vmem_shared>>)
      %dma_wait3A_142 = arith.constant 1 : i32
      %dma_wait3A_143 = arith.constant 1 : i32
      %dma_wait3A_144 = arith.constant 0 : i32
      %dma_wait3A_145 = arith.constant 0 : i32
      %dma_wait3A_146 = tpu.memref_slice %arg8[%dma_wait3A_142, %dma_wait3A_144, %dma_wait3A_145] : memref<2x128x128xf32, #tpu.memory_space<vmem>> -> memref<1x128x128xf32, #tpu.memory_space<vmem>>
      %dma_wait3A_147 = tpu.memref_squeeze %dma_wait3A_146 : memref<1x128x128xf32, #tpu.memory_space<vmem>> -> memref<128x128xf32, #tpu.memory_space<vmem>>
      %dma_wait3A_148 = arith.constant 0 : i32
      %dma_wait3A_149 = tpu.memref_slice %arg7[%add3A_117, %dma_wait3A_143, %dma_wait3A_148] : memref<20x2x128xi32, #tpu.memory_space<vmem>> -> memref<1x1x128xi32, #tpu.memory_space<vmem>>
      %dma_wait3A_150 = tpu.memref_squeeze %dma_wait3A_149 : memref<1x1x128xi32, #tpu.memory_space<vmem>> -> memref<128xi32, #tpu.memory_space<vmem>>
      %dma_wait3A_151 = arith.constant 0 : i32
      %dma_wait3A_152 = arith.constant 0 : i32
      %dma_wait3A_153 = tpu.memref_slice %arg6[%dma_wait3A_151, %dma_wait3A_152] : memref<5120x128xf32, #tpu.memory_space<vmem_shared>> -> memref<5120x128xf32, #tpu.memory_space<vmem_shared>>
      tpu.wait_indirect_dma semaphore(%arg10 : memref<!tpu.dma_semaphore, #tpu.memory_space<semaphore_mem>>) src(%dma_wait3A_147 : memref<128x128xf32, #tpu.memory_space<vmem>>) dst(%dma_wait3A_153 : memref<5120x128xf32, #tpu.memory_space<vmem_shared>>)
    }
    %scan3A_25 = arith.constant 10 : i32
    "tpu.region"() ({
      %run_scoped3A_49 = tpu.sem_alloc : memref<!tpu.dma_semaphore, #tpu.memory_space<semaphore_mem>>
      %dma_start3A = arith.constant 20 : i32
      %dma_start3A_50 = arith.constant 0 : i32
      %dma_start3A_51 = arith.constant 0 : i32
      %dma_start3A_52 = tpu.memref_slice %arg3[%add3A, %dma_start3A, %dma_start3A_50, %dma_start3A_51] : memref<32x80x2x128xi32, #tpu.memory_space<hbm>> -> memref<1x20x2x128xi32, #tpu.memory_space<hbm>>
      %dma_start3A_53 = tpu.memref_squeeze %dma_start3A_52 : memref<1x20x2x128xi32, #tpu.memory_space<hbm>> -> memref<20x2x128xi32, #tpu.memory_space<hbm>>
      %dma_start3A_54 = arith.constant 20 : i32
      %dma_start3A_55 = arith.constant 0 : i32
      %dma_start3A_56 = arith.constant 0 : i32
      %dma_start3A_57 = tpu.memref_slice %arg3[%add3A, %dma_start3A_54, %dma_start3A_55, %dma_start3A_56] : memref<32x80x2x128xi32, #tpu.memory_space<hbm>> -> memref<1x20x2x128xi32, #tpu.memory_space<hbm>>
      %dma_start3A_58 = tpu.memref_squeeze %dma_start3A_57 : memref<1x20x2x128xi32, #tpu.memory_space<hbm>> -> memref<20x2x128xi32, #tpu.memory_space<hbm>>
      tpu.enqueue_dma source(%dma_start3A_58 : memref<20x2x128xi32, #tpu.memory_space<hbm>>) target(%arg7 : memref<20x2x128xi32, #tpu.memory_space<vmem>>) target_semaphore(%run_scoped3A_49 : memref<!tpu.dma_semaphore, #tpu.memory_space<semaphore_mem>>)
      %dma_wait3A = arith.constant 20 : i32
      %dma_wait3A_59 = arith.constant 0 : i32
      %dma_wait3A_60 = arith.constant 0 : i32
      %dma_wait3A_61 = tpu.memref_slice %arg3[%add3A, %dma_wait3A, %dma_wait3A_59, %dma_wait3A_60] : memref<32x80x2x128xi32, #tpu.memory_space<hbm>> -> memref<1x20x2x128xi32, #tpu.memory_space<hbm>>
      %dma_wait3A_62 = tpu.memref_squeeze %dma_wait3A_61 : memref<1x20x2x128xi32, #tpu.memory_space<hbm>> -> memref<20x2x128xi32, #tpu.memory_space<hbm>>
      %dma_wait3A_63 = arith.constant 20 : i32
      %dma_wait3A_64 = arith.constant 0 : i32
      %dma_wait3A_65 = arith.constant 0 : i32
      %dma_wait3A_66 = tpu.memref_slice %arg3[%add3A, %dma_wait3A_63, %dma_wait3A_64, %dma_wait3A_65] : memref<32x80x2x128xi32, #tpu.memory_space<hbm>> -> memref<1x20x2x128xi32, #tpu.memory_space<hbm>>
      %dma_wait3A_67 = tpu.memref_squeeze %dma_wait3A_66 : memref<1x20x2x128xi32, #tpu.memory_space<hbm>> -> memref<20x2x128xi32, #tpu.memory_space<hbm>>
      tpu.wait_dma2 semaphore(%run_scoped3A_49 : memref<!tpu.dma_semaphore, #tpu.memory_space<semaphore_mem>>) src(%dma_wait3A_67 : memref<20x2x128xi32, #tpu.memory_space<hbm>>) dst(%arg7 : memref<20x2x128xi32, #tpu.memory_space<vmem>>)
      tpu.yield
    }) : () -> ()
    %scan3A_26 = arith.constant 0 : i32
    %scan3A_27 = arith.constant 0 : i32
    %scan3A_28 = arith.constant 10 : i32
    %scan3A_29 = arith.addi %scan3A_27, %scan3A_28 : i32
    %scan3A_30 = arith.constant 1 : i32
    scf.for %scan3A_49 = %scan3A_27 to %scan3A_29 step %scan3A_30  : i32 {
      %mul3A_50 = arith.constant 2 : i32
      %mul3A_51 = arith.muli %scan3A_49, %mul3A_50 : i32
      %add3A_52 = arith.constant 0 : i32
      %add3A_53 = arith.addi %mul3A_51, %add3A_52 : i32
      %dma_start3A = arith.constant 0 : i32
      %dma_start3A_54 = arith.constant 0 : i32
      %dma_start3A_55 = arith.constant 0 : i32
      %dma_start3A_56 = arith.constant 0 : i32
      %dma_start3A_57 = tpu.memref_slice %arg8[%dma_start3A_54, %dma_start3A_55, %dma_start3A_56] : memref<2x128x128xf32, #tpu.memory_space<vmem>> -> memref<1x128x128xf32, #tpu.memory_space<vmem>>
      %dma_start3A_58 = tpu.memref_squeeze %dma_start3A_57 : memref<1x128x128xf32, #tpu.memory_space<vmem>> -> memref<128x128xf32, #tpu.memory_space<vmem>>
      %dma_start3A_59 = arith.constant 0 : i32
      %dma_start3A_60 = tpu.memref_slice %arg7[%add3A_53, %dma_start3A, %dma_start3A_59] : memref<20x2x128xi32, #tpu.memory_space<vmem>> -> memref<1x1x128xi32, #tpu.memory_space<vmem>>
      %dma_start3A_61 = tpu.memref_squeeze %dma_start3A_60 : memref<1x1x128xi32, #tpu.memory_space<vmem>> -> memref<128xi32, #tpu.memory_space<vmem>>
      %dma_start3A_62 = arith.constant 0 : i32
      %dma_start3A_63 = arith.constant 0 : i32
      %dma_start3A_64 = tpu.memref_slice %arg2[%dma_start3A_62, %dma_start3A_63] : memref<10000x128xf32, #tpu.memory_space<hbm>> -> memref<10000x128xf32, #tpu.memory_space<hbm>>
      tpu.enqueue_indirect_dma source(%dma_start3A_64 : memref<10000x128xf32, #tpu.memory_space<hbm>>) target(%dma_start3A_58 : memref<128x128xf32, #tpu.memory_space<vmem>>) offsets(%dma_start3A_61 : memref<128xi32, #tpu.memory_space<vmem>>) semaphore(%arg9 : memref<!tpu.dma_semaphore, #tpu.memory_space<semaphore_mem>>)
      %add3A_65 = arith.constant 1 : i32
      %add3A_66 = arith.addi %mul3A_51, %add3A_65 : i32
      %dma_start3A_67 = arith.constant 0 : i32
      %dma_start3A_68 = arith.constant 1 : i32
      %dma_start3A_69 = arith.constant 0 : i32
      %dma_start3A_70 = arith.constant 0 : i32
      %dma_start3A_71 = tpu.memref_slice %arg8[%dma_start3A_68, %dma_start3A_69, %dma_start3A_70] : memref<2x128x128xf32, #tpu.memory_space<vmem>> -> memref<1x128x128xf32, #tpu.memory_space<vmem>>
      %dma_start3A_72 = tpu.memref_squeeze %dma_start3A_71 : memref<1x128x128xf32, #tpu.memory_space<vmem>> -> memref<128x128xf32, #tpu.memory_space<vmem>>
      %dma_start3A_73 = arith.constant 0 : i32
      %dma_start3A_74 = tpu.memref_slice %arg7[%add3A_66, %dma_start3A_67, %dma_start3A_73] : memref<20x2x128xi32, #tpu.memory_space<vmem>> -> memref<1x1x128xi32, #tpu.memory_space<vmem>>
      %dma_start3A_75 = tpu.memref_squeeze %dma_start3A_74 : memref<1x1x128xi32, #tpu.memory_space<vmem>> -> memref<128xi32, #tpu.memory_space<vmem>>
      %dma_start3A_76 = arith.constant 0 : i32
      %dma_start3A_77 = arith.constant 0 : i32
      %dma_start3A_78 = tpu.memref_slice %arg2[%dma_start3A_76, %dma_start3A_77] : memref<10000x128xf32, #tpu.memory_space<hbm>> -> memref<10000x128xf32, #tpu.memory_space<hbm>>
      tpu.enqueue_indirect_dma source(%dma_start3A_78 : memref<10000x128xf32, #tpu.memory_space<hbm>>) target(%dma_start3A_72 : memref<128x128xf32, #tpu.memory_space<vmem>>) offsets(%dma_start3A_75 : memref<128xi32, #tpu.memory_space<vmem>>) semaphore(%arg9 : memref<!tpu.dma_semaphore, #tpu.memory_space<semaphore_mem>>)
      %dma_wait3A = arith.constant 0 : i32
      %dma_wait3A_79 = arith.constant 0 : i32
      %dma_wait3A_80 = arith.constant 0 : i32
      %dma_wait3A_81 = arith.constant 0 : i32
      %dma_wait3A_82 = tpu.memref_slice %arg8[%dma_wait3A_79, %dma_wait3A_80, %dma_wait3A_81] : memref<2x128x128xf32, #tpu.memory_space<vmem>> -> memref<1x128x128xf32, #tpu.memory_space<vmem>>
      %dma_wait3A_83 = tpu.memref_squeeze %dma_wait3A_82 : memref<1x128x128xf32, #tpu.memory_space<vmem>> -> memref<128x128xf32, #tpu.memory_space<vmem>>
      %dma_wait3A_84 = arith.constant 0 : i32
      %dma_wait3A_85 = tpu.memref_slice %arg7[%add3A_53, %dma_wait3A, %dma_wait3A_84] : memref<20x2x128xi32, #tpu.memory_space<vmem>> -> memref<1x1x128xi32, #tpu.memory_space<vmem>>
      %dma_wait3A_86 = tpu.memref_squeeze %dma_wait3A_85 : memref<1x1x128xi32, #tpu.memory_space<vmem>> -> memref<128xi32, #tpu.memory_space<vmem>>
      %dma_wait3A_87 = arith.constant 0 : i32
      %dma_wait3A_88 = arith.constant 0 : i32
      %dma_wait3A_89 = tpu.memref_slice %arg2[%dma_wait3A_87, %dma_wait3A_88] : memref<10000x128xf32, #tpu.memory_space<hbm>> -> memref<10000x128xf32, #tpu.memory_space<hbm>>
      tpu.wait_indirect_dma semaphore(%arg9 : memref<!tpu.dma_semaphore, #tpu.memory_space<semaphore_mem>>) src(%dma_wait3A_89 : memref<10000x128xf32, #tpu.memory_space<hbm>>) dst(%dma_wait3A_83 : memref<128x128xf32, #tpu.memory_space<vmem>>)
      %add3A_90 = arith.constant 0 : i32
      %add3A_91 = arith.addi %mul3A_51, %add3A_90 : i32
      %dma_start3A_92 = arith.constant 0 : i32
      %dma_start3A_93 = arith.constant 1 : i32
      %dma_start3A_94 = arith.constant 0 : i32
      %dma_start3A_95 = arith.constant 0 : i32
      %dma_start3A_96 = tpu.memref_slice %arg8[%dma_start3A_92, %dma_start3A_94, %dma_start3A_95] : memref<2x128x128xf32, #tpu.memory_space<vmem>> -> memref<1x128x128xf32, #tpu.memory_space<vmem>>
      %dma_start3A_97 = tpu.memref_squeeze %dma_start3A_96 : memref<1x128x128xf32, #tpu.memory_space<vmem>> -> memref<128x128xf32, #tpu.memory_space<vmem>>
      %dma_start3A_98 = arith.constant 0 : i32
      %dma_start3A_99 = tpu.memref_slice %arg7[%add3A_91, %dma_start3A_93, %dma_start3A_98] : memref<20x2x128xi32, #tpu.memory_space<vmem>> -> memref<1x1x128xi32, #tpu.memory_space<vmem>>
      %dma_start3A_100 = tpu.memref_squeeze %dma_start3A_99 : memref<1x1x128xi32, #tpu.memory_space<vmem>> -> memref<128xi32, #tpu.memory_space<vmem>>
      %dma_start3A_101 = arith.constant 0 : i32
      %dma_start3A_102 = arith.constant 0 : i32
      %dma_start3A_103 = tpu.memref_slice %arg6[%dma_start3A_101, %dma_start3A_102] : memref<5120x128xf32, #tpu.memory_space<vmem_shared>> -> memref<5120x128xf32, #tpu.memory_space<vmem_shared>>
      tpu.enqueue_indirect_dma source(%dma_start3A_97 : memref<128x128xf32, #tpu.memory_space<vmem>>) target(%dma_start3A_103 : memref<5120x128xf32, #tpu.memory_space<vmem_shared>>) offsets(%dma_start3A_100 : memref<128xi32, #tpu.memory_space<vmem>>) semaphore(%arg10 : memref<!tpu.dma_semaphore, #tpu.memory_space<semaphore_mem>>) {add = true}
      %dma_wait3A_104 = arith.constant 0 : i32
      %dma_wait3A_105 = arith.constant 1 : i32
      %dma_wait3A_106 = arith.constant 0 : i32
      %dma_wait3A_107 = arith.constant 0 : i32
      %dma_wait3A_108 = tpu.memref_slice %arg8[%dma_wait3A_105, %dma_wait3A_106, %dma_wait3A_107] : memref<2x128x128xf32, #tpu.memory_space<vmem>> -> memref<1x128x128xf32, #tpu.memory_space<vmem>>
      %dma_wait3A_109 = tpu.memref_squeeze %dma_wait3A_108 : memref<1x128x128xf32, #tpu.memory_space<vmem>> -> memref<128x128xf32, #tpu.memory_space<vmem>>
      %dma_wait3A_110 = arith.constant 0 : i32
      %dma_wait3A_111 = tpu.memref_slice %arg7[%add3A_66, %dma_wait3A_104, %dma_wait3A_110] : memref<20x2x128xi32, #tpu.memory_space<vmem>> -> memref<1x1x128xi32, #tpu.memory_space<vmem>>
      %dma_wait3A_112 = tpu.memref_squeeze %dma_wait3A_111 : memref<1x1x128xi32, #tpu.memory_space<vmem>> -> memref<128xi32, #tpu.memory_space<vmem>>
      %dma_wait3A_113 = arith.constant 0 : i32
      %dma_wait3A_114 = arith.constant 0 : i32
      %dma_wait3A_115 = tpu.memref_slice %arg2[%dma_wait3A_113, %dma_wait3A_114] : memref<10000x128xf32, #tpu.memory_space<hbm>> -> memref<10000x128xf32, #tpu.memory_space<hbm>>
      tpu.wait_indirect_dma semaphore(%arg9 : memref<!tpu.dma_semaphore, #tpu.memory_space<semaphore_mem>>) src(%dma_wait3A_115 : memref<10000x128xf32, #tpu.memory_space<hbm>>) dst(%dma_wait3A_109 : memref<128x128xf32, #tpu.memory_space<vmem>>)
      %add3A_116 = arith.constant 1 : i32
      %add3A_117 = arith.addi %mul3A_51, %add3A_116 : i32
      %dma_start3A_118 = arith.constant 1 : i32
      %dma_start3A_119 = arith.constant 1 : i32
      %dma_start3A_120 = arith.constant 0 : i32
      %dma_start3A_121 = arith.constant 0 : i32
      %dma_start3A_122 = tpu.memref_slice %arg8[%dma_start3A_118, %dma_start3A_120, %dma_start3A_121] : memref<2x128x128xf32, #tpu.memory_space<vmem>> -> memref<1x128x128xf32, #tpu.memory_space<vmem>>
      %dma_start3A_123 = tpu.memref_squeeze %dma_start3A_122 : memref<1x128x128xf32, #tpu.memory_space<vmem>> -> memref<128x128xf32, #tpu.memory_space<vmem>>
      %dma_start3A_124 = arith.constant 0 : i32
      %dma_start3A_125 = tpu.memref_slice %arg7[%add3A_117, %dma_start3A_119, %dma_start3A_124] : memref<20x2x128xi32, #tpu.memory_space<vmem>> -> memref<1x1x128xi32, #tpu.memory_space<vmem>>
      %dma_start3A_126 = tpu.memref_squeeze %dma_start3A_125 : memref<1x1x128xi32, #tpu.memory_space<vmem>> -> memref<128xi32, #tpu.memory_space<vmem>>
      %dma_start3A_127 = arith.constant 0 : i32
      %dma_start3A_128 = arith.constant 0 : i32
      %dma_start3A_129 = tpu.memref_slice %arg6[%dma_start3A_127, %dma_start3A_128] : memref<5120x128xf32, #tpu.memory_space<vmem_shared>> -> memref<5120x128xf32, #tpu.memory_space<vmem_shared>>
      tpu.enqueue_indirect_dma source(%dma_start3A_123 : memref<128x128xf32, #tpu.memory_space<vmem>>) target(%dma_start3A_129 : memref<5120x128xf32, #tpu.memory_space<vmem_shared>>) offsets(%dma_start3A_126 : memref<128xi32, #tpu.memory_space<vmem>>) semaphore(%arg10 : memref<!tpu.dma_semaphore, #tpu.memory_space<semaphore_mem>>) {add = true}
      %dma_wait3A_130 = arith.constant 0 : i32
      %dma_wait3A_131 = arith.constant 1 : i32
      %dma_wait3A_132 = arith.constant 0 : i32
      %dma_wait3A_133 = arith.constant 0 : i32
      %dma_wait3A_134 = tpu.memref_slice %arg8[%dma_wait3A_130, %dma_wait3A_132, %dma_wait3A_133] : memref<2x128x128xf32, #tpu.memory_space<vmem>> -> memref<1x128x128xf32, #tpu.memory_space<vmem>>
      %dma_wait3A_135 = tpu.memref_squeeze %dma_wait3A_134 : memref<1x128x128xf32, #tpu.memory_space<vmem>> -> memref<128x128xf32, #tpu.memory_space<vmem>>
      %dma_wait3A_136 = arith.constant 0 : i32
      %dma_wait3A_137 = tpu.memref_slice %arg7[%add3A_91, %dma_wait3A_131, %dma_wait3A_136] : memref<20x2x128xi32, #tpu.memory_space<vmem>> -> memref<1x1x128xi32, #tpu.memory_space<vmem>>
      %dma_wait3A_138 = tpu.memref_squeeze %dma_wait3A_137 : memref<1x1x128xi32, #tpu.memory_space<vmem>> -> memref<128xi32, #tpu.memory_space<vmem>>
      %dma_wait3A_139 = arith.constant 0 : i32
      %dma_wait3A_140 = arith.constant 0 : i32
      %dma_wait3A_141 = tpu.memref_slice %arg6[%dma_wait3A_139, %dma_wait3A_140] : memref<5120x128xf32, #tpu.memory_space<vmem_shared>> -> memref<5120x128xf32, #tpu.memory_space<vmem_shared>>
      tpu.wait_indirect_dma semaphore(%arg10 : memref<!tpu.dma_semaphore, #tpu.memory_space<semaphore_mem>>) src(%dma_wait3A_135 : memref<128x128xf32, #tpu.memory_space<vmem>>) dst(%dma_wait3A_141 : memref<5120x128xf32, #tpu.memory_space<vmem_shared>>)
      %dma_wait3A_142 = arith.constant 1 : i32
      %dma_wait3A_143 = arith.constant 1 : i32
      %dma_wait3A_144 = arith.constant 0 : i32
      %dma_wait3A_145 = arith.constant 0 : i32
      %dma_wait3A_146 = tpu.memref_slice %arg8[%dma_wait3A_142, %dma_wait3A_144, %dma_wait3A_145] : memref<2x128x128xf32, #tpu.memory_space<vmem>> -> memref<1x128x128xf32, #tpu.memory_space<vmem>>
      %dma_wait3A_147 = tpu.memref_squeeze %dma_wait3A_146 : memref<1x128x128xf32, #tpu.memory_space<vmem>> -> memref<128x128xf32, #tpu.memory_space<vmem>>
      %dma_wait3A_148 = arith.constant 0 : i32
      %dma_wait3A_149 = tpu.memref_slice %arg7[%add3A_117, %dma_wait3A_143, %dma_wait3A_148] : memref<20x2x128xi32, #tpu.memory_space<vmem>> -> memref<1x1x128xi32, #tpu.memory_space<vmem>>
      %dma_wait3A_150 = tpu.memref_squeeze %dma_wait3A_149 : memref<1x1x128xi32, #tpu.memory_space<vmem>> -> memref<128xi32, #tpu.memory_space<vmem>>
      %dma_wait3A_151 = arith.constant 0 : i32
      %dma_wait3A_152 = arith.constant 0 : i32
      %dma_wait3A_153 = tpu.memref_slice %arg6[%dma_wait3A_151, %dma_wait3A_152] : memref<5120x128xf32, #tpu.memory_space<vmem_shared>> -> memref<5120x128xf32, #tpu.memory_space<vmem_shared>>
      tpu.wait_indirect_dma semaphore(%arg10 : memref<!tpu.dma_semaphore, #tpu.memory_space<semaphore_mem>>) src(%dma_wait3A_147 : memref<128x128xf32, #tpu.memory_space<vmem>>) dst(%dma_wait3A_153 : memref<5120x128xf32, #tpu.memory_space<vmem_shared>>)
    }
    %scan3A_31 = arith.constant 10 : i32
    "tpu.region"() ({
      %run_scoped3A_49 = tpu.sem_alloc : memref<!tpu.dma_semaphore, #tpu.memory_space<semaphore_mem>>
      %dma_start3A = arith.constant 40 : i32
      %dma_start3A_50 = arith.constant 0 : i32
      %dma_start3A_51 = arith.constant 0 : i32
      %dma_start3A_52 = tpu.memref_slice %arg3[%add3A, %dma_start3A, %dma_start3A_50, %dma_start3A_51] : memref<32x80x2x128xi32, #tpu.memory_space<hbm>> -> memref<1x20x2x128xi32, #tpu.memory_space<hbm>>
      %dma_start3A_53 = tpu.memref_squeeze %dma_start3A_52 : memref<1x20x2x128xi32, #tpu.memory_space<hbm>> -> memref<20x2x128xi32, #tpu.memory_space<hbm>>
      %dma_start3A_54 = arith.constant 40 : i32
      %dma_start3A_55 = arith.constant 0 : i32
      %dma_start3A_56 = arith.constant 0 : i32
      %dma_start3A_57 = tpu.memref_slice %arg3[%add3A, %dma_start3A_54, %dma_start3A_55, %dma_start3A_56] : memref<32x80x2x128xi32, #tpu.memory_space<hbm>> -> memref<1x20x2x128xi32, #tpu.memory_space<hbm>>
      %dma_start3A_58 = tpu.memref_squeeze %dma_start3A_57 : memref<1x20x2x128xi32, #tpu.memory_space<hbm>> -> memref<20x2x128xi32, #tpu.memory_space<hbm>>
      tpu.enqueue_dma source(%dma_start3A_58 : memref<20x2x128xi32, #tpu.memory_space<hbm>>) target(%arg7 : memref<20x2x128xi32, #tpu.memory_space<vmem>>) target_semaphore(%run_scoped3A_49 : memref<!tpu.dma_semaphore, #tpu.memory_space<semaphore_mem>>)
      %dma_wait3A = arith.constant 40 : i32
      %dma_wait3A_59 = arith.constant 0 : i32
      %dma_wait3A_60 = arith.constant 0 : i32
      %dma_wait3A_61 = tpu.memref_slice %arg3[%add3A, %dma_wait3A, %dma_wait3A_59, %dma_wait3A_60] : memref<32x80x2x128xi32, #tpu.memory_space<hbm>> -> memref<1x20x2x128xi32, #tpu.memory_space<hbm>>
      %dma_wait3A_62 = tpu.memref_squeeze %dma_wait3A_61 : memref<1x20x2x128xi32, #tpu.memory_space<hbm>> -> memref<20x2x128xi32, #tpu.memory_space<hbm>>
      %dma_wait3A_63 = arith.constant 40 : i32
      %dma_wait3A_64 = arith.constant 0 : i32
      %dma_wait3A_65 = arith.constant 0 : i32
      %dma_wait3A_66 = tpu.memref_slice %arg3[%add3A, %dma_wait3A_63, %dma_wait3A_64, %dma_wait3A_65] : memref<32x80x2x128xi32, #tpu.memory_space<hbm>> -> memref<1x20x2x128xi32, #tpu.memory_space<hbm>>
      %dma_wait3A_67 = tpu.memref_squeeze %dma_wait3A_66 : memref<1x20x2x128xi32, #tpu.memory_space<hbm>> -> memref<20x2x128xi32, #tpu.memory_space<hbm>>
      tpu.wait_dma2 semaphore(%run_scoped3A_49 : memref<!tpu.dma_semaphore, #tpu.memory_space<semaphore_mem>>) src(%dma_wait3A_67 : memref<20x2x128xi32, #tpu.memory_space<hbm>>) dst(%arg7 : memref<20x2x128xi32, #tpu.memory_space<vmem>>)
      tpu.yield
    }) : () -> ()
    %scan3A_32 = arith.constant 0 : i32
    %scan3A_33 = arith.constant 0 : i32
    %scan3A_34 = arith.constant 10 : i32
    %scan3A_35 = arith.addi %scan3A_33, %scan3A_34 : i32
    %scan3A_36 = arith.constant 1 : i32
    scf.for %scan3A_49 = %scan3A_33 to %scan3A_35 step %scan3A_36  : i32 {
      %mul3A_50 = arith.constant 2 : i32
      %mul3A_51 = arith.muli %scan3A_49, %mul3A_50 : i32
      %add3A_52 = arith.constant 0 : i32
      %add3A_53 = arith.addi %mul3A_51, %add3A_52 : i32
      %dma_start3A = arith.constant 0 : i32
      %dma_start3A_54 = arith.constant 0 : i32
      %dma_start3A_55 = arith.constant 0 : i32
      %dma_start3A_56 = arith.constant 0 : i32
      %dma_start3A_57 = tpu.memref_slice %arg8[%dma_start3A_54, %dma_start3A_55, %dma_start3A_56] : memref<2x128x128xf32, #tpu.memory_space<vmem>> -> memref<1x128x128xf32, #tpu.memory_space<vmem>>
      %dma_start3A_58 = tpu.memref_squeeze %dma_start3A_57 : memref<1x128x128xf32, #tpu.memory_space<vmem>> -> memref<128x128xf32, #tpu.memory_space<vmem>>
      %dma_start3A_59 = arith.constant 0 : i32
      %dma_start3A_60 = tpu.memref_slice %arg7[%add3A_53, %dma_start3A, %dma_start3A_59] : memref<20x2x128xi32, #tpu.memory_space<vmem>> -> memref<1x1x128xi32, #tpu.memory_space<vmem>>
      %dma_start3A_61 = tpu.memref_squeeze %dma_start3A_60 : memref<1x1x128xi32, #tpu.memory_space<vmem>> -> memref<128xi32, #tpu.memory_space<vmem>>
      %dma_start3A_62 = arith.constant 0 : i32
      %dma_start3A_63 = arith.constant 0 : i32
      %dma_start3A_64 = tpu.memref_slice %arg2[%dma_start3A_62, %dma_start3A_63] : memref<10000x128xf32, #tpu.memory_space<hbm>> -> memref<10000x128xf32, #tpu.memory_space<hbm>>
      tpu.enqueue_indirect_dma source(%dma_start3A_64 : memref<10000x128xf32, #tpu.memory_space<hbm>>) target(%dma_start3A_58 : memref<128x128xf32, #tpu.memory_space<vmem>>) offsets(%dma_start3A_61 : memref<128xi32, #tpu.memory_space<vmem>>) semaphore(%arg9 : memref<!tpu.dma_semaphore, #tpu.memory_space<semaphore_mem>>)
      %add3A_65 = arith.constant 1 : i32
      %add3A_66 = arith.addi %mul3A_51, %add3A_65 : i32
      %dma_start3A_67 = arith.constant 0 : i32
      %dma_start3A_68 = arith.constant 1 : i32
      %dma_start3A_69 = arith.constant 0 : i32
      %dma_start3A_70 = arith.constant 0 : i32
      %dma_start3A_71 = tpu.memref_slice %arg8[%dma_start3A_68, %dma_start3A_69, %dma_start3A_70] : memref<2x128x128xf32, #tpu.memory_space<vmem>> -> memref<1x128x128xf32, #tpu.memory_space<vmem>>
      %dma_start3A_72 = tpu.memref_squeeze %dma_start3A_71 : memref<1x128x128xf32, #tpu.memory_space<vmem>> -> memref<128x128xf32, #tpu.memory_space<vmem>>
      %dma_start3A_73 = arith.constant 0 : i32
      %dma_start3A_74 = tpu.memref_slice %arg7[%add3A_66, %dma_start3A_67, %dma_start3A_73] : memref<20x2x128xi32, #tpu.memory_space<vmem>> -> memref<1x1x128xi32, #tpu.memory_space<vmem>>
      %dma_start3A_75 = tpu.memref_squeeze %dma_start3A_74 : memref<1x1x128xi32, #tpu.memory_space<vmem>> -> memref<128xi32, #tpu.memory_space<vmem>>
      %dma_start3A_76 = arith.constant 0 : i32
      %dma_start3A_77 = arith.constant 0 : i32
      %dma_start3A_78 = tpu.memref_slice %arg2[%dma_start3A_76, %dma_start3A_77] : memref<10000x128xf32, #tpu.memory_space<hbm>> -> memref<10000x128xf32, #tpu.memory_space<hbm>>
      tpu.enqueue_indirect_dma source(%dma_start3A_78 : memref<10000x128xf32, #tpu.memory_space<hbm>>) target(%dma_start3A_72 : memref<128x128xf32, #tpu.memory_space<vmem>>) offsets(%dma_start3A_75 : memref<128xi32, #tpu.memory_space<vmem>>) semaphore(%arg9 : memref<!tpu.dma_semaphore, #tpu.memory_space<semaphore_mem>>)
      %dma_wait3A = arith.constant 0 : i32
      %dma_wait3A_79 = arith.constant 0 : i32
      %dma_wait3A_80 = arith.constant 0 : i32
      %dma_wait3A_81 = arith.constant 0 : i32
      %dma_wait3A_82 = tpu.memref_slice %arg8[%dma_wait3A_79, %dma_wait3A_80, %dma_wait3A_81] : memref<2x128x128xf32, #tpu.memory_space<vmem>> -> memref<1x128x128xf32, #tpu.memory_space<vmem>>
      %dma_wait3A_83 = tpu.memref_squeeze %dma_wait3A_82 : memref<1x128x128xf32, #tpu.memory_space<vmem>> -> memref<128x128xf32, #tpu.memory_space<vmem>>
      %dma_wait3A_84 = arith.constant 0 : i32
      %dma_wait3A_85 = tpu.memref_slice %arg7[%add3A_53, %dma_wait3A, %dma_wait3A_84] : memref<20x2x128xi32, #tpu.memory_space<vmem>> -> memref<1x1x128xi32, #tpu.memory_space<vmem>>
      %dma_wait3A_86 = tpu.memref_squeeze %dma_wait3A_85 : memref<1x1x128xi32, #tpu.memory_space<vmem>> -> memref<128xi32, #tpu.memory_space<vmem>>
      %dma_wait3A_87 = arith.constant 0 : i32
      %dma_wait3A_88 = arith.constant 0 : i32
      %dma_wait3A_89 = tpu.memref_slice %arg2[%dma_wait3A_87, %dma_wait3A_88] : memref<10000x128xf32, #tpu.memory_space<hbm>> -> memref<10000x128xf32, #tpu.memory_space<hbm>>
      tpu.wait_indirect_dma semaphore(%arg9 : memref<!tpu.dma_semaphore, #tpu.memory_space<semaphore_mem>>) src(%dma_wait3A_89 : memref<10000x128xf32, #tpu.memory_space<hbm>>) dst(%dma_wait3A_83 : memref<128x128xf32, #tpu.memory_space<vmem>>)
      %add3A_90 = arith.constant 0 : i32
      %add3A_91 = arith.addi %mul3A_51, %add3A_90 : i32
      %dma_start3A_92 = arith.constant 0 : i32
      %dma_start3A_93 = arith.constant 1 : i32
      %dma_start3A_94 = arith.constant 0 : i32
      %dma_start3A_95 = arith.constant 0 : i32
      %dma_start3A_96 = tpu.memref_slice %arg8[%dma_start3A_92, %dma_start3A_94, %dma_start3A_95] : memref<2x128x128xf32, #tpu.memory_space<vmem>> -> memref<1x128x128xf32, #tpu.memory_space<vmem>>
      %dma_start3A_97 = tpu.memref_squeeze %dma_start3A_96 : memref<1x128x128xf32, #tpu.memory_space<vmem>> -> memref<128x128xf32, #tpu.memory_space<vmem>>
      %dma_start3A_98 = arith.constant 0 : i32
      %dma_start3A_99 = tpu.memref_slice %arg7[%add3A_91, %dma_start3A_93, %dma_start3A_98] : memref<20x2x128xi32, #tpu.memory_space<vmem>> -> memref<1x1x128xi32, #tpu.memory_space<vmem>>
      %dma_start3A_100 = tpu.memref_squeeze %dma_start3A_99 : memref<1x1x128xi32, #tpu.memory_space<vmem>> -> memref<128xi32, #tpu.memory_space<vmem>>
      %dma_start3A_101 = arith.constant 0 : i32
      %dma_start3A_102 = arith.constant 0 : i32
      %dma_start3A_103 = tpu.memref_slice %arg6[%dma_start3A_101, %dma_start3A_102] : memref<5120x128xf32, #tpu.memory_space<vmem_shared>> -> memref<5120x128xf32, #tpu.memory_space<vmem_shared>>
      tpu.enqueue_indirect_dma source(%dma_start3A_97 : memref<128x128xf32, #tpu.memory_space<vmem>>) target(%dma_start3A_103 : memref<5120x128xf32, #tpu.memory_space<vmem_shared>>) offsets(%dma_start3A_100 : memref<128xi32, #tpu.memory_space<vmem>>) semaphore(%arg10 : memref<!tpu.dma_semaphore, #tpu.memory_space<semaphore_mem>>) {add = true}
      %dma_wait3A_104 = arith.constant 0 : i32
      %dma_wait3A_105 = arith.constant 1 : i32
      %dma_wait3A_106 = arith.constant 0 : i32
      %dma_wait3A_107 = arith.constant 0 : i32
      %dma_wait3A_108 = tpu.memref_slice %arg8[%dma_wait3A_105, %dma_wait3A_106, %dma_wait3A_107] : memref<2x128x128xf32, #tpu.memory_space<vmem>> -> memref<1x128x128xf32, #tpu.memory_space<vmem>>
      %dma_wait3A_109 = tpu.memref_squeeze %dma_wait3A_108 : memref<1x128x128xf32, #tpu.memory_space<vmem>> -> memref<128x128xf32, #tpu.memory_space<vmem>>
      %dma_wait3A_110 = arith.constant 0 : i32
      %dma_wait3A_111 = tpu.memref_slice %arg7[%add3A_66, %dma_wait3A_104, %dma_wait3A_110] : memref<20x2x128xi32, #tpu.memory_space<vmem>> -> memref<1x1x128xi32, #tpu.memory_space<vmem>>
      %dma_wait3A_112 = tpu.memref_squeeze %dma_wait3A_111 : memref<1x1x128xi32, #tpu.memory_space<vmem>> -> memref<128xi32, #tpu.memory_space<vmem>>
      %dma_wait3A_113 = arith.constant 0 : i32
      %dma_wait3A_114 = arith.constant 0 : i32
      %dma_wait3A_115 = tpu.memref_slice %arg2[%dma_wait3A_113, %dma_wait3A_114] : memref<10000x128xf32, #tpu.memory_space<hbm>> -> memref<10000x128xf32, #tpu.memory_space<hbm>>
      tpu.wait_indirect_dma semaphore(%arg9 : memref<!tpu.dma_semaphore, #tpu.memory_space<semaphore_mem>>) src(%dma_wait3A_115 : memref<10000x128xf32, #tpu.memory_space<hbm>>) dst(%dma_wait3A_109 : memref<128x128xf32, #tpu.memory_space<vmem>>)
      %add3A_116 = arith.constant 1 : i32
      %add3A_117 = arith.addi %mul3A_51, %add3A_116 : i32
      %dma_start3A_118 = arith.constant 1 : i32
      %dma_start3A_119 = arith.constant 1 : i32
      %dma_start3A_120 = arith.constant 0 : i32
      %dma_start3A_121 = arith.constant 0 : i32
      %dma_start3A_122 = tpu.memref_slice %arg8[%dma_start3A_118, %dma_start3A_120, %dma_start3A_121] : memref<2x128x128xf32, #tpu.memory_space<vmem>> -> memref<1x128x128xf32, #tpu.memory_space<vmem>>
      %dma_start3A_123 = tpu.memref_squeeze %dma_start3A_122 : memref<1x128x128xf32, #tpu.memory_space<vmem>> -> memref<128x128xf32, #tpu.memory_space<vmem>>
      %dma_start3A_124 = arith.constant 0 : i32
      %dma_start3A_125 = tpu.memref_slice %arg7[%add3A_117, %dma_start3A_119, %dma_start3A_124] : memref<20x2x128xi32, #tpu.memory_space<vmem>> -> memref<1x1x128xi32, #tpu.memory_space<vmem>>
      %dma_start3A_126 = tpu.memref_squeeze %dma_start3A_125 : memref<1x1x128xi32, #tpu.memory_space<vmem>> -> memref<128xi32, #tpu.memory_space<vmem>>
      %dma_start3A_127 = arith.constant 0 : i32
      %dma_start3A_128 = arith.constant 0 : i32
      %dma_start3A_129 = tpu.memref_slice %arg6[%dma_start3A_127, %dma_start3A_128] : memref<5120x128xf32, #tpu.memory_space<vmem_shared>> -> memref<5120x128xf32, #tpu.memory_space<vmem_shared>>
      tpu.enqueue_indirect_dma source(%dma_start3A_123 : memref<128x128xf32, #tpu.memory_space<vmem>>) target(%dma_start3A_129 : memref<5120x128xf32, #tpu.memory_space<vmem_shared>>) offsets(%dma_start3A_126 : memref<128xi32, #tpu.memory_space<vmem>>) semaphore(%arg10 : memref<!tpu.dma_semaphore, #tpu.memory_space<semaphore_mem>>) {add = true}
      %dma_wait3A_130 = arith.constant 0 : i32
      %dma_wait3A_131 = arith.constant 1 : i32
      %dma_wait3A_132 = arith.constant 0 : i32
      %dma_wait3A_133 = arith.constant 0 : i32
      %dma_wait3A_134 = tpu.memref_slice %arg8[%dma_wait3A_130, %dma_wait3A_132, %dma_wait3A_133] : memref<2x128x128xf32, #tpu.memory_space<vmem>> -> memref<1x128x128xf32, #tpu.memory_space<vmem>>
      %dma_wait3A_135 = tpu.memref_squeeze %dma_wait3A_134 : memref<1x128x128xf32, #tpu.memory_space<vmem>> -> memref<128x128xf32, #tpu.memory_space<vmem>>
      %dma_wait3A_136 = arith.constant 0 : i32
      %dma_wait3A_137 = tpu.memref_slice %arg7[%add3A_91, %dma_wait3A_131, %dma_wait3A_136] : memref<20x2x128xi32, #tpu.memory_space<vmem>> -> memref<1x1x128xi32, #tpu.memory_space<vmem>>
      %dma_wait3A_138 = tpu.memref_squeeze %dma_wait3A_137 : memref<1x1x128xi32, #tpu.memory_space<vmem>> -> memref<128xi32, #tpu.memory_space<vmem>>
      %dma_wait3A_139 = arith.constant 0 : i32
      %dma_wait3A_140 = arith.constant 0 : i32
      %dma_wait3A_141 = tpu.memref_slice %arg6[%dma_wait3A_139, %dma_wait3A_140] : memref<5120x128xf32, #tpu.memory_space<vmem_shared>> -> memref<5120x128xf32, #tpu.memory_space<vmem_shared>>
      tpu.wait_indirect_dma semaphore(%arg10 : memref<!tpu.dma_semaphore, #tpu.memory_space<semaphore_mem>>) src(%dma_wait3A_135 : memref<128x128xf32, #tpu.memory_space<vmem>>) dst(%dma_wait3A_141 : memref<5120x128xf32, #tpu.memory_space<vmem_shared>>)
      %dma_wait3A_142 = arith.constant 1 : i32
      %dma_wait3A_143 = arith.constant 1 : i32
      %dma_wait3A_144 = arith.constant 0 : i32
      %dma_wait3A_145 = arith.constant 0 : i32
      %dma_wait3A_146 = tpu.memref_slice %arg8[%dma_wait3A_142, %dma_wait3A_144, %dma_wait3A_145] : memref<2x128x128xf32, #tpu.memory_space<vmem>> -> memref<1x128x128xf32, #tpu.memory_space<vmem>>
      %dma_wait3A_147 = tpu.memref_squeeze %dma_wait3A_146 : memref<1x128x128xf32, #tpu.memory_space<vmem>> -> memref<128x128xf32, #tpu.memory_space<vmem>>
      %dma_wait3A_148 = arith.constant 0 : i32
      %dma_wait3A_149 = tpu.memref_slice %arg7[%add3A_117, %dma_wait3A_143, %dma_wait3A_148] : memref<20x2x128xi32, #tpu.memory_space<vmem>> -> memref<1x1x128xi32, #tpu.memory_space<vmem>>
      %dma_wait3A_150 = tpu.memref_squeeze %dma_wait3A_149 : memref<1x1x128xi32, #tpu.memory_space<vmem>> -> memref<128xi32, #tpu.memory_space<vmem>>
      %dma_wait3A_151 = arith.constant 0 : i32
      %dma_wait3A_152 = arith.constant 0 : i32
      %dma_wait3A_153 = tpu.memref_slice %arg6[%dma_wait3A_151, %dma_wait3A_152] : memref<5120x128xf32, #tpu.memory_space<vmem_shared>> -> memref<5120x128xf32, #tpu.memory_space<vmem_shared>>
      tpu.wait_indirect_dma semaphore(%arg10 : memref<!tpu.dma_semaphore, #tpu.memory_space<semaphore_mem>>) src(%dma_wait3A_147 : memref<128x128xf32, #tpu.memory_space<vmem>>) dst(%dma_wait3A_153 : memref<5120x128xf32, #tpu.memory_space<vmem_shared>>)
    }
    %scan3A_37 = arith.constant 10 : i32
    "tpu.region"() ({
      %run_scoped3A_49 = tpu.sem_alloc : memref<!tpu.dma_semaphore, #tpu.memory_space<semaphore_mem>>
      %dma_start3A = arith.constant 60 : i32
      %dma_start3A_50 = arith.constant 0 : i32
      %dma_start3A_51 = arith.constant 0 : i32
      %dma_start3A_52 = tpu.memref_slice %arg3[%add3A, %dma_start3A, %dma_start3A_50, %dma_start3A_51] : memref<32x80x2x128xi32, #tpu.memory_space<hbm>> -> memref<1x20x2x128xi32, #tpu.memory_space<hbm>>
      %dma_start3A_53 = tpu.memref_squeeze %dma_start3A_52 : memref<1x20x2x128xi32, #tpu.memory_space<hbm>> -> memref<20x2x128xi32, #tpu.memory_space<hbm>>
      %dma_start3A_54 = arith.constant 60 : i32
      %dma_start3A_55 = arith.constant 0 : i32
      %dma_start3A_56 = arith.constant 0 : i32
      %dma_start3A_57 = tpu.memref_slice %arg3[%add3A, %dma_start3A_54, %dma_start3A_55, %dma_start3A_56] : memref<32x80x2x128xi32, #tpu.memory_space<hbm>> -> memref<1x20x2x128xi32, #tpu.memory_space<hbm>>
      %dma_start3A_58 = tpu.memref_squeeze %dma_start3A_57 : memref<1x20x2x128xi32, #tpu.memory_space<hbm>> -> memref<20x2x128xi32, #tpu.memory_space<hbm>>
      tpu.enqueue_dma source(%dma_start3A_58 : memref<20x2x128xi32, #tpu.memory_space<hbm>>) target(%arg7 : memref<20x2x128xi32, #tpu.memory_space<vmem>>) target_semaphore(%run_scoped3A_49 : memref<!tpu.dma_semaphore, #tpu.memory_space<semaphore_mem>>)
      %dma_wait3A = arith.constant 60 : i32
      %dma_wait3A_59 = arith.constant 0 : i32
      %dma_wait3A_60 = arith.constant 0 : i32
      %dma_wait3A_61 = tpu.memref_slice %arg3[%add3A, %dma_wait3A, %dma_wait3A_59, %dma_wait3A_60] : memref<32x80x2x128xi32, #tpu.memory_space<hbm>> -> memref<1x20x2x128xi32, #tpu.memory_space<hbm>>
      %dma_wait3A_62 = tpu.memref_squeeze %dma_wait3A_61 : memref<1x20x2x128xi32, #tpu.memory_space<hbm>> -> memref<20x2x128xi32, #tpu.memory_space<hbm>>
      %dma_wait3A_63 = arith.constant 60 : i32
      %dma_wait3A_64 = arith.constant 0 : i32
      %dma_wait3A_65 = arith.constant 0 : i32
      %dma_wait3A_66 = tpu.memref_slice %arg3[%add3A, %dma_wait3A_63, %dma_wait3A_64, %dma_wait3A_65] : memref<32x80x2x128xi32, #tpu.memory_space<hbm>> -> memref<1x20x2x128xi32, #tpu.memory_space<hbm>>
      %dma_wait3A_67 = tpu.memref_squeeze %dma_wait3A_66 : memref<1x20x2x128xi32, #tpu.memory_space<hbm>> -> memref<20x2x128xi32, #tpu.memory_space<hbm>>
      tpu.wait_dma2 semaphore(%run_scoped3A_49 : memref<!tpu.dma_semaphore, #tpu.memory_space<semaphore_mem>>) src(%dma_wait3A_67 : memref<20x2x128xi32, #tpu.memory_space<hbm>>) dst(%arg7 : memref<20x2x128xi32, #tpu.memory_space<vmem>>)
      tpu.yield
    }) : () -> ()
    %scan3A_38 = arith.constant 0 : i32
    %scan3A_39 = arith.constant 0 : i32
    %scan3A_40 = arith.constant 10 : i32
    %scan3A_41 = arith.addi %scan3A_39, %scan3A_40 : i32
    %scan3A_42 = arith.constant 1 : i32
    scf.for %scan3A_49 = %scan3A_39 to %scan3A_41 step %scan3A_42  : i32 {
      %mul3A_50 = arith.constant 2 : i32
      %mul3A_51 = arith.muli %scan3A_49, %mul3A_50 : i32
      %add3A_52 = arith.constant 0 : i32
      %add3A_53 = arith.addi %mul3A_51, %add3A_52 : i32
      %dma_start3A = arith.constant 0 : i32
      %dma_start3A_54 = arith.constant 0 : i32
      %dma_start3A_55 = arith.constant 0 : i32
      %dma_start3A_56 = arith.constant 0 : i32
      %dma_start3A_57 = tpu.memref_slice %arg8[%dma_start3A_54, %dma_start3A_55, %dma_start3A_56] : memref<2x128x128xf32, #tpu.memory_space<vmem>> -> memref<1x128x128xf32, #tpu.memory_space<vmem>>
      %dma_start3A_58 = tpu.memref_squeeze %dma_start3A_57 : memref<1x128x128xf32, #tpu.memory_space<vmem>> -> memref<128x128xf32, #tpu.memory_space<vmem>>
      %dma_start3A_59 = arith.constant 0 : i32
      %dma_start3A_60 = tpu.memref_slice %arg7[%add3A_53, %dma_start3A, %dma_start3A_59] : memref<20x2x128xi32, #tpu.memory_space<vmem>> -> memref<1x1x128xi32, #tpu.memory_space<vmem>>
      %dma_start3A_61 = tpu.memref_squeeze %dma_start3A_60 : memref<1x1x128xi32, #tpu.memory_space<vmem>> -> memref<128xi32, #tpu.memory_space<vmem>>
      %dma_start3A_62 = arith.constant 0 : i32
      %dma_start3A_63 = arith.constant 0 : i32
      %dma_start3A_64 = tpu.memref_slice %arg2[%dma_start3A_62, %dma_start3A_63] : memref<10000x128xf32, #tpu.memory_space<hbm>> -> memref<10000x128xf32, #tpu.memory_space<hbm>>
      tpu.enqueue_indirect_dma source(%dma_start3A_64 : memref<10000x128xf32, #tpu.memory_space<hbm>>) target(%dma_start3A_58 : memref<128x128xf32, #tpu.memory_space<vmem>>) offsets(%dma_start3A_61 : memref<128xi32, #tpu.memory_space<vmem>>) semaphore(%arg9 : memref<!tpu.dma_semaphore, #tpu.memory_space<semaphore_mem>>)
      %add3A_65 = arith.constant 1 : i32
      %add3A_66 = arith.addi %mul3A_51, %add3A_65 : i32
      %dma_start3A_67 = arith.constant 0 : i32
      %dma_start3A_68 = arith.constant 1 : i32
      %dma_start3A_69 = arith.constant 0 : i32
      %dma_start3A_70 = arith.constant 0 : i32
      %dma_start3A_71 = tpu.memref_slice %arg8[%dma_start3A_68, %dma_start3A_69, %dma_start3A_70] : memref<2x128x128xf32, #tpu.memory_space<vmem>> -> memref<1x128x128xf32, #tpu.memory_space<vmem>>
      %dma_start3A_72 = tpu.memref_squeeze %dma_start3A_71 : memref<1x128x128xf32, #tpu.memory_space<vmem>> -> memref<128x128xf32, #tpu.memory_space<vmem>>
      %dma_start3A_73 = arith.constant 0 : i32
      %dma_start3A_74 = tpu.memref_slice %arg7[%add3A_66, %dma_start3A_67, %dma_start3A_73] : memref<20x2x128xi32, #tpu.memory_space<vmem>> -> memref<1x1x128xi32, #tpu.memory_space<vmem>>
      %dma_start3A_75 = tpu.memref_squeeze %dma_start3A_74 : memref<1x1x128xi32, #tpu.memory_space<vmem>> -> memref<128xi32, #tpu.memory_space<vmem>>
      %dma_start3A_76 = arith.constant 0 : i32
      %dma_start3A_77 = arith.constant 0 : i32
      %dma_start3A_78 = tpu.memref_slice %arg2[%dma_start3A_76, %dma_start3A_77] : memref<10000x128xf32, #tpu.memory_space<hbm>> -> memref<10000x128xf32, #tpu.memory_space<hbm>>
      tpu.enqueue_indirect_dma source(%dma_start3A_78 : memref<10000x128xf32, #tpu.memory_space<hbm>>) target(%dma_start3A_72 : memref<128x128xf32, #tpu.memory_space<vmem>>) offsets(%dma_start3A_75 : memref<128xi32, #tpu.memory_space<vmem>>) semaphore(%arg9 : memref<!tpu.dma_semaphore, #tpu.memory_space<semaphore_mem>>)
      %dma_wait3A = arith.constant 0 : i32
      %dma_wait3A_79 = arith.constant 0 : i32
      %dma_wait3A_80 = arith.constant 0 : i32
      %dma_wait3A_81 = arith.constant 0 : i32
      %dma_wait3A_82 = tpu.memref_slice %arg8[%dma_wait3A_79, %dma_wait3A_80, %dma_wait3A_81] : memref<2x128x128xf32, #tpu.memory_space<vmem>> -> memref<1x128x128xf32, #tpu.memory_space<vmem>>
      %dma_wait3A_83 = tpu.memref_squeeze %dma_wait3A_82 : memref<1x128x128xf32, #tpu.memory_space<vmem>> -> memref<128x128xf32, #tpu.memory_space<vmem>>
      %dma_wait3A_84 = arith.constant 0 : i32
      %dma_wait3A_85 = tpu.memref_slice %arg7[%add3A_53, %dma_wait3A, %dma_wait3A_84] : memref<20x2x128xi32, #tpu.memory_space<vmem>> -> memref<1x1x128xi32, #tpu.memory_space<vmem>>
      %dma_wait3A_86 = tpu.memref_squeeze %dma_wait3A_85 : memref<1x1x128xi32, #tpu.memory_space<vmem>> -> memref<128xi32, #tpu.memory_space<vmem>>
      %dma_wait3A_87 = arith.constant 0 : i32
      %dma_wait3A_88 = arith.constant 0 : i32
      %dma_wait3A_89 = tpu.memref_slice %arg2[%dma_wait3A_87, %dma_wait3A_88] : memref<10000x128xf32, #tpu.memory_space<hbm>> -> memref<10000x128xf32, #tpu.memory_space<hbm>>
      tpu.wait_indirect_dma semaphore(%arg9 : memref<!tpu.dma_semaphore, #tpu.memory_space<semaphore_mem>>) src(%dma_wait3A_89 : memref<10000x128xf32, #tpu.memory_space<hbm>>) dst(%dma_wait3A_83 : memref<128x128xf32, #tpu.memory_space<vmem>>)
      %add3A_90 = arith.constant 0 : i32
      %add3A_91 = arith.addi %mul3A_51, %add3A_90 : i32
      %dma_start3A_92 = arith.constant 0 : i32
      %dma_start3A_93 = arith.constant 1 : i32
      %dma_start3A_94 = arith.constant 0 : i32
      %dma_start3A_95 = arith.constant 0 : i32
      %dma_start3A_96 = tpu.memref_slice %arg8[%dma_start3A_92, %dma_start3A_94, %dma_start3A_95] : memref<2x128x128xf32, #tpu.memory_space<vmem>> -> memref<1x128x128xf32, #tpu.memory_space<vmem>>
      %dma_start3A_97 = tpu.memref_squeeze %dma_start3A_96 : memref<1x128x128xf32, #tpu.memory_space<vmem>> -> memref<128x128xf32, #tpu.memory_space<vmem>>
      %dma_start3A_98 = arith.constant 0 : i32
      %dma_start3A_99 = tpu.memref_slice %arg7[%add3A_91, %dma_start3A_93, %dma_start3A_98] : memref<20x2x128xi32, #tpu.memory_space<vmem>> -> memref<1x1x128xi32, #tpu.memory_space<vmem>>
      %dma_start3A_100 = tpu.memref_squeeze %dma_start3A_99 : memref<1x1x128xi32, #tpu.memory_space<vmem>> -> memref<128xi32, #tpu.memory_space<vmem>>
      %dma_start3A_101 = arith.constant 0 : i32
      %dma_start3A_102 = arith.constant 0 : i32
      %dma_start3A_103 = tpu.memref_slice %arg6[%dma_start3A_101, %dma_start3A_102] : memref<5120x128xf32, #tpu.memory_space<vmem_shared>> -> memref<5120x128xf32, #tpu.memory_space<vmem_shared>>
      tpu.enqueue_indirect_dma source(%dma_start3A_97 : memref<128x128xf32, #tpu.memory_space<vmem>>) target(%dma_start3A_103 : memref<5120x128xf32, #tpu.memory_space<vmem_shared>>) offsets(%dma_start3A_100 : memref<128xi32, #tpu.memory_space<vmem>>) semaphore(%arg10 : memref<!tpu.dma_semaphore, #tpu.memory_space<semaphore_mem>>) {add = true}
      %dma_wait3A_104 = arith.constant 0 : i32
      %dma_wait3A_105 = arith.constant 1 : i32
      %dma_wait3A_106 = arith.constant 0 : i32
      %dma_wait3A_107 = arith.constant 0 : i32
      %dma_wait3A_108 = tpu.memref_slice %arg8[%dma_wait3A_105, %dma_wait3A_106, %dma_wait3A_107] : memref<2x128x128xf32, #tpu.memory_space<vmem>> -> memref<1x128x128xf32, #tpu.memory_space<vmem>>
      %dma_wait3A_109 = tpu.memref_squeeze %dma_wait3A_108 : memref<1x128x128xf32, #tpu.memory_space<vmem>> -> memref<128x128xf32, #tpu.memory_space<vmem>>
      %dma_wait3A_110 = arith.constant 0 : i32
      %dma_wait3A_111 = tpu.memref_slice %arg7[%add3A_66, %dma_wait3A_104, %dma_wait3A_110] : memref<20x2x128xi32, #tpu.memory_space<vmem>> -> memref<1x1x128xi32, #tpu.memory_space<vmem>>
      %dma_wait3A_112 = tpu.memref_squeeze %dma_wait3A_111 : memref<1x1x128xi32, #tpu.memory_space<vmem>> -> memref<128xi32, #tpu.memory_space<vmem>>
      %dma_wait3A_113 = arith.constant 0 : i32
      %dma_wait3A_114 = arith.constant 0 : i32
      %dma_wait3A_115 = tpu.memref_slice %arg2[%dma_wait3A_113, %dma_wait3A_114] : memref<10000x128xf32, #tpu.memory_space<hbm>> -> memref<10000x128xf32, #tpu.memory_space<hbm>>
      tpu.wait_indirect_dma semaphore(%arg9 : memref<!tpu.dma_semaphore, #tpu.memory_space<semaphore_mem>>) src(%dma_wait3A_115 : memref<10000x128xf32, #tpu.memory_space<hbm>>) dst(%dma_wait3A_109 : memref<128x128xf32, #tpu.memory_space<vmem>>)
      %add3A_116 = arith.constant 1 : i32
      %add3A_117 = arith.addi %mul3A_51, %add3A_116 : i32
      %dma_start3A_118 = arith.constant 1 : i32
      %dma_start3A_119 = arith.constant 1 : i32
      %dma_start3A_120 = arith.constant 0 : i32
      %dma_start3A_121 = arith.constant 0 : i32
      %dma_start3A_122 = tpu.memref_slice %arg8[%dma_start3A_118, %dma_start3A_120, %dma_start3A_121] : memref<2x128x128xf32, #tpu.memory_space<vmem>> -> memref<1x128x128xf32, #tpu.memory_space<vmem>>
      %dma_start3A_123 = tpu.memref_squeeze %dma_start3A_122 : memref<1x128x128xf32, #tpu.memory_space<vmem>> -> memref<128x128xf32, #tpu.memory_space<vmem>>
      %dma_start3A_124 = arith.constant 0 : i32
      %dma_start3A_125 = tpu.memref_slice %arg7[%add3A_117, %dma_start3A_119, %dma_start3A_124] : memref<20x2x128xi32, #tpu.memory_space<vmem>> -> memref<1x1x128xi32, #tpu.memory_space<vmem>>
      %dma_start3A_126 = tpu.memref_squeeze %dma_start3A_125 : memref<1x1x128xi32, #tpu.memory_space<vmem>> -> memref<128xi32, #tpu.memory_space<vmem>>
      %dma_start3A_127 = arith.constant 0 : i32
      %dma_start3A_128 = arith.constant 0 : i32
      %dma_start3A_129 = tpu.memref_slice %arg6[%dma_start3A_127, %dma_start3A_128] : memref<5120x128xf32, #tpu.memory_space<vmem_shared>> -> memref<5120x128xf32, #tpu.memory_space<vmem_shared>>
      tpu.enqueue_indirect_dma source(%dma_start3A_123 : memref<128x128xf32, #tpu.memory_space<vmem>>) target(%dma_start3A_129 : memref<5120x128xf32, #tpu.memory_space<vmem_shared>>) offsets(%dma_start3A_126 : memref<128xi32, #tpu.memory_space<vmem>>) semaphore(%arg10 : memref<!tpu.dma_semaphore, #tpu.memory_space<semaphore_mem>>) {add = true}
      %dma_wait3A_130 = arith.constant 0 : i32
      %dma_wait3A_131 = arith.constant 1 : i32
      %dma_wait3A_132 = arith.constant 0 : i32
      %dma_wait3A_133 = arith.constant 0 : i32
      %dma_wait3A_134 = tpu.memref_slice %arg8[%dma_wait3A_130, %dma_wait3A_132, %dma_wait3A_133] : memref<2x128x128xf32, #tpu.memory_space<vmem>> -> memref<1x128x128xf32, #tpu.memory_space<vmem>>
      %dma_wait3A_135 = tpu.memref_squeeze %dma_wait3A_134 : memref<1x128x128xf32, #tpu.memory_space<vmem>> -> memref<128x128xf32, #tpu.memory_space<vmem>>
      %dma_wait3A_136 = arith.constant 0 : i32
      %dma_wait3A_137 = tpu.memref_slice %arg7[%add3A_91, %dma_wait3A_131, %dma_wait3A_136] : memref<20x2x128xi32, #tpu.memory_space<vmem>> -> memref<1x1x128xi32, #tpu.memory_space<vmem>>
      %dma_wait3A_138 = tpu.memref_squeeze %dma_wait3A_137 : memref<1x1x128xi32, #tpu.memory_space<vmem>> -> memref<128xi32, #tpu.memory_space<vmem>>
      %dma_wait3A_139 = arith.constant 0 : i32
      %dma_wait3A_140 = arith.constant 0 : i32
      %dma_wait3A_141 = tpu.memref_slice %arg6[%dma_wait3A_139, %dma_wait3A_140] : memref<5120x128xf32, #tpu.memory_space<vmem_shared>> -> memref<5120x128xf32, #tpu.memory_space<vmem_shared>>
      tpu.wait_indirect_dma semaphore(%arg10 : memref<!tpu.dma_semaphore, #tpu.memory_space<semaphore_mem>>) src(%dma_wait3A_135 : memref<128x128xf32, #tpu.memory_space<vmem>>) dst(%dma_wait3A_141 : memref<5120x128xf32, #tpu.memory_space<vmem_shared>>)
      %dma_wait3A_142 = arith.constant 1 : i32
      %dma_wait3A_143 = arith.constant 1 : i32
      %dma_wait3A_144 = arith.constant 0 : i32
      %dma_wait3A_145 = arith.constant 0 : i32
      %dma_wait3A_146 = tpu.memref_slice %arg8[%dma_wait3A_142, %dma_wait3A_144, %dma_wait3A_145] : memref<2x128x128xf32, #tpu.memory_space<vmem>> -> memref<1x128x128xf32, #tpu.memory_space<vmem>>
      %dma_wait3A_147 = tpu.memref_squeeze %dma_wait3A_146 : memref<1x128x128xf32, #tpu.memory_space<vmem>> -> memref<128x128xf32, #tpu.memory_space<vmem>>
      %dma_wait3A_148 = arith.constant 0 : i32
      %dma_wait3A_149 = tpu.memref_slice %arg7[%add3A_117, %dma_wait3A_143, %dma_wait3A_148] : memref<20x2x128xi32, #tpu.memory_space<vmem>> -> memref<1x1x128xi32, #tpu.memory_space<vmem>>
      %dma_wait3A_150 = tpu.memref_squeeze %dma_wait3A_149 : memref<1x1x128xi32, #tpu.memory_space<vmem>> -> memref<128xi32, #tpu.memory_space<vmem>>
      %dma_wait3A_151 = arith.constant 0 : i32
      %dma_wait3A_152 = arith.constant 0 : i32
      %dma_wait3A_153 = tpu.memref_slice %arg6[%dma_wait3A_151, %dma_wait3A_152] : memref<5120x128xf32, #tpu.memory_space<vmem_shared>> -> memref<5120x128xf32, #tpu.memory_space<vmem_shared>>
      tpu.wait_indirect_dma semaphore(%arg10 : memref<!tpu.dma_semaphore, #tpu.memory_space<semaphore_mem>>) src(%dma_wait3A_147 : memref<128x128xf32, #tpu.memory_space<vmem>>) dst(%dma_wait3A_153 : memref<5120x128xf32, #tpu.memory_space<vmem_shared>>)
    }
    %scan3A_43 = arith.constant 10 : i32
    %barrier3A_44 = arith.constant 0 : index
    tpu.barrier barrier_id(%barrier3A_44)
    %mul3A_45 = arith.constant 320 : i32
    %mul3A_46 = arith.muli %arg1, %mul3A_45 : i32
    %mul3A_47 = arith.constant 320 : i32
    %mul3A_48 = arith.muli %arg1, %mul3A_47 : i32
    "tpu.region"() ({
      %run_scoped3A_49 = tpu.sem_alloc : memref<!tpu.dma_semaphore, #tpu.memory_space<semaphore_mem>>
      %dma_start3A = arith.constant 0 : i32
      %dma_start3A_50 = tpu.memref_slice %arg5[%arg0, %mul3A_48, %dma_start3A] : memref<2x5120x128xf32, #tpu.memory_space<hbm>> -> memref<1x320x128xf32, #tpu.memory_space<hbm>>
      %dma_start3A_51 = tpu.memref_squeeze %dma_start3A_50 : memref<1x320x128xf32, #tpu.memory_space<hbm>> -> memref<320x128xf32, #tpu.memory_space<hbm>>
      %dma_start3A_52 = arith.constant 0 : i32
      %dma_start3A_53 = tpu.memref_slice %arg6[%mul3A_46, %dma_start3A_52] : memref<5120x128xf32, #tpu.memory_space<vmem_shared>> -> memref<320x128xf32, #tpu.memory_space<vmem_shared>>
      tpu.enqueue_dma source(%dma_start3A_53 : memref<320x128xf32, #tpu.memory_space<vmem_shared>>) target(%dma_start3A_51 : memref<320x128xf32, #tpu.memory_space<hbm>>) target_semaphore(%run_scoped3A_49 : memref<!tpu.dma_semaphore, #tpu.memory_space<semaphore_mem>>)
      %dma_wait3A = arith.constant 0 : i32
      %dma_wait3A_54 = tpu.memref_slice %arg5[%arg0, %mul3A_48, %dma_wait3A] : memref<2x5120x128xf32, #tpu.memory_space<hbm>> -> memref<1x320x128xf32, #tpu.memory_space<hbm>>
      %dma_wait3A_55 = tpu.memref_squeeze %dma_wait3A_54 : memref<1x320x128xf32, #tpu.memory_space<hbm>> -> memref<320x128xf32, #tpu.memory_space<hbm>>
      %dma_wait3A_56 = arith.constant 0 : i32
      %dma_wait3A_57 = tpu.memref_slice %arg6[%mul3A_46, %dma_wait3A_56] : memref<5120x128xf32, #tpu.memory_space<vmem_shared>> -> memref<320x128xf32, #tpu.memory_space<vmem_shared>>
      tpu.wait_dma2 semaphore(%run_scoped3A_49 : memref<!tpu.dma_semaphore, #tpu.memory_space<semaphore_mem>>) src(%dma_wait3A_57 : memref<320x128xf32, #tpu.memory_space<vmem_shared>>) dst(%dma_wait3A_55 : memref<320x128xf32, #tpu.memory_space<hbm>>)
      tpu.yield
    }) : () -> ()
    return
  }
}

#map = affine_map<(d0, d1) -> (0, 0)>
#map1 = affine_map<(d0, d1) -> (0, 0, 0, 0)>
#map2 = affine_map<(d0, d1) -> (0, 0, 0)>
module attributes {stable_mosaic.version = 14 : i64} {
  func.func @body(%arg0: i32, %arg1: i32, %arg2: memref<5000x128xf32, #tpu.memory_space<hbm>>, %arg3: memref<32x80x2x128xi32, #tpu.memory_space<hbm>>, %arg4: memref<80x128xf32, #tpu.memory_space<hbm>>, %arg5: memref<2x10240x128xf32, #tpu.memory_space<hbm>>, %arg6: memref<10240x128xf32, #tpu.memory_space<vmem_shared>>, %arg7: memref<20x2x128xi32, #tpu.memory_space<vmem>>, %arg8: memref<2x128x128xf32, #tpu.memory_space<vmem>>, %arg9: memref<!tpu.dma_semaphore, #tpu.memory_space<semaphore_mem>>, %arg10: memref<!tpu.dma_semaphore, #tpu.memory_space<semaphore_mem>>) attributes {dimension_semantics = [#tpu.dimension_semantics<core_parallel>, #tpu.dimension_semantics<subcore_parallel>], iteration_bounds = array<i64: 2, 16>, scalar_prefetch = 0 : i64, scratch_operands = 5 : i64, tpu.core_type = #tpu.core_type<sc_vector_subcore>, window_params = [{transform_indices = #map}, {transform_indices = #map1}, {transform_indices = #map}, {transform_indices = #map2}]} {
    %mul3A = arith.constant 16 : i32
    %mul3A_0 = arith.muli %arg0, %mul3A : i32
    %add3A = arith.addi %mul3A_0, %arg1 : i32
    %run_scoped3A = arith.constant 0 : i32
    "tpu.region"() ({
      %run_scoped3A_69 = tpu.sem_alloc : memref<!tpu.dma_semaphore, #tpu.memory_space<semaphore_mem>>
      %dma_start3A = arith.constant 0 : i32
      %dma_start3A_70 = arith.constant 0 : i32
      %dma_start3A_71 = tpu.memref_slice %arg8[%run_scoped3A, %dma_start3A, %dma_start3A_70] : memref<2x128x128xf32, #tpu.memory_space<vmem>> -> memref<1x80x128xf32, #tpu.memory_space<vmem>>
      %dma_start3A_72 = tpu.memref_squeeze %dma_start3A_71 : memref<1x80x128xf32, #tpu.memory_space<vmem>> -> memref<80x128xf32, #tpu.memory_space<vmem>>
      %dma_start3A_73 = arith.constant 0 : i32
      %dma_start3A_74 = arith.constant 0 : i32
      %dma_start3A_75 = tpu.memref_slice %arg8[%run_scoped3A, %dma_start3A_73, %dma_start3A_74] : memref<2x128x128xf32, #tpu.memory_space<vmem>> -> memref<1x80x128xf32, #tpu.memory_space<vmem>>
      %dma_start3A_76 = tpu.memref_squeeze %dma_start3A_75 : memref<1x80x128xf32, #tpu.memory_space<vmem>> -> memref<80x128xf32, #tpu.memory_space<vmem>>
      tpu.enqueue_dma source(%arg4 : memref<80x128xf32, #tpu.memory_space<hbm>>) target(%dma_start3A_76 : memref<80x128xf32, #tpu.memory_space<vmem>>) target_semaphore(%run_scoped3A_69 : memref<!tpu.dma_semaphore, #tpu.memory_space<semaphore_mem>>)
      %dma_wait3A = arith.constant 0 : i32
      %dma_wait3A_77 = arith.constant 0 : i32
      %dma_wait3A_78 = tpu.memref_slice %arg8[%run_scoped3A, %dma_wait3A, %dma_wait3A_77] : memref<2x128x128xf32, #tpu.memory_space<vmem>> -> memref<1x80x128xf32, #tpu.memory_space<vmem>>
      %dma_wait3A_79 = tpu.memref_squeeze %dma_wait3A_78 : memref<1x80x128xf32, #tpu.memory_space<vmem>> -> memref<80x128xf32, #tpu.memory_space<vmem>>
      %dma_wait3A_80 = arith.constant 0 : i32
      %dma_wait3A_81 = arith.constant 0 : i32
      %dma_wait3A_82 = tpu.memref_slice %arg8[%run_scoped3A, %dma_wait3A_80, %dma_wait3A_81] : memref<2x128x128xf32, #tpu.memory_space<vmem>> -> memref<1x80x128xf32, #tpu.memory_space<vmem>>
      %dma_wait3A_83 = tpu.memref_squeeze %dma_wait3A_82 : memref<1x80x128xf32, #tpu.memory_space<vmem>> -> memref<80x128xf32, #tpu.memory_space<vmem>>
      tpu.wait_dma2 semaphore(%run_scoped3A_69 : memref<!tpu.dma_semaphore, #tpu.memory_space<semaphore_mem>>) src(%arg4 : memref<80x128xf32, #tpu.memory_space<hbm>>) dst(%dma_wait3A_83 : memref<80x128xf32, #tpu.memory_space<vmem>>)
      tpu.yield
    }) : () -> ()
    %mul3A_1 = arith.constant 640 : i32
    %mul3A_2 = arith.muli %arg1, %mul3A_1 : i32
    %add3A_3 = arith.constant 0 : i32
    %add3A_4 = arith.addi %mul3A_2, %add3A_3 : i32
    %run_scoped3A_5 = arith.constant 0 : i32
    "tpu.region"() ({
      %run_scoped3A_69 = tpu.sem_alloc : memref<!tpu.dma_semaphore, #tpu.memory_space<semaphore_mem>>
      %dma_start3A = arith.constant 0 : i32
      %dma_start3A_70 = arith.constant 0 : i32
      %dma_start3A_71 = tpu.memref_slice %arg8[%run_scoped3A_5, %dma_start3A, %dma_start3A_70] : memref<2x128x128xf32, #tpu.memory_space<vmem>> -> memref<1x80x128xf32, #tpu.memory_space<vmem>>
      %dma_start3A_72 = tpu.memref_squeeze %dma_start3A_71 : memref<1x80x128xf32, #tpu.memory_space<vmem>> -> memref<80x128xf32, #tpu.memory_space<vmem>>
      %dma_start3A_73 = arith.constant 0 : i32
      %dma_start3A_74 = tpu.memref_slice %arg6[%add3A_4, %dma_start3A_73] : memref<10240x128xf32, #tpu.memory_space<vmem_shared>> -> memref<80x128xf32, #tpu.memory_space<vmem_shared>>
      %dma_start3A_75 = arith.constant 0 : i32
      %dma_start3A_76 = tpu.memref_slice %arg6[%add3A_4, %dma_start3A_75] : memref<10240x128xf32, #tpu.memory_space<vmem_shared>> -> memref<80x128xf32, #tpu.memory_space<vmem_shared>>
      %dma_start3A_77 = arith.constant 0 : i32
      %dma_start3A_78 = arith.constant 0 : i32
      %dma_start3A_79 = tpu.memref_slice %arg8[%run_scoped3A_5, %dma_start3A_77, %dma_start3A_78] : memref<2x128x128xf32, #tpu.memory_space<vmem>> -> memref<1x80x128xf32, #tpu.memory_space<vmem>>
      %dma_start3A_80 = tpu.memref_squeeze %dma_start3A_79 : memref<1x80x128xf32, #tpu.memory_space<vmem>> -> memref<80x128xf32, #tpu.memory_space<vmem>>
      tpu.enqueue_dma source(%dma_start3A_80 : memref<80x128xf32, #tpu.memory_space<vmem>>) target(%dma_start3A_76 : memref<80x128xf32, #tpu.memory_space<vmem_shared>>) target_semaphore(%run_scoped3A_69 : memref<!tpu.dma_semaphore, #tpu.memory_space<semaphore_mem>>)
      %dma_wait3A = arith.constant 0 : i32
      %dma_wait3A_81 = arith.constant 0 : i32
      %dma_wait3A_82 = tpu.memref_slice %arg8[%run_scoped3A_5, %dma_wait3A, %dma_wait3A_81] : memref<2x128x128xf32, #tpu.memory_space<vmem>> -> memref<1x80x128xf32, #tpu.memory_space<vmem>>
      %dma_wait3A_83 = tpu.memref_squeeze %dma_wait3A_82 : memref<1x80x128xf32, #tpu.memory_space<vmem>> -> memref<80x128xf32, #tpu.memory_space<vmem>>
      %dma_wait3A_84 = arith.constant 0 : i32
      %dma_wait3A_85 = tpu.memref_slice %arg6[%add3A_4, %dma_wait3A_84] : memref<10240x128xf32, #tpu.memory_space<vmem_shared>> -> memref<80x128xf32, #tpu.memory_space<vmem_shared>>
      %dma_wait3A_86 = arith.constant 0 : i32
      %dma_wait3A_87 = tpu.memref_slice %arg6[%add3A_4, %dma_wait3A_86] : memref<10240x128xf32, #tpu.memory_space<vmem_shared>> -> memref<80x128xf32, #tpu.memory_space<vmem_shared>>
      %dma_wait3A_88 = arith.constant 0 : i32
      %dma_wait3A_89 = arith.constant 0 : i32
      %dma_wait3A_90 = tpu.memref_slice %arg8[%run_scoped3A_5, %dma_wait3A_88, %dma_wait3A_89] : memref<2x128x128xf32, #tpu.memory_space<vmem>> -> memref<1x80x128xf32, #tpu.memory_space<vmem>>
      %dma_wait3A_91 = tpu.memref_squeeze %dma_wait3A_90 : memref<1x80x128xf32, #tpu.memory_space<vmem>> -> memref<80x128xf32, #tpu.memory_space<vmem>>
      tpu.wait_dma2 semaphore(%run_scoped3A_69 : memref<!tpu.dma_semaphore, #tpu.memory_space<semaphore_mem>>) src(%dma_wait3A_91 : memref<80x128xf32, #tpu.memory_space<vmem>>) dst(%dma_wait3A_87 : memref<80x128xf32, #tpu.memory_space<vmem_shared>>)
      tpu.yield
    }) : () -> ()
    %mul3A_6 = arith.constant 640 : i32
    %mul3A_7 = arith.muli %arg1, %mul3A_6 : i32
    %add3A_8 = arith.constant 80 : i32
    %add3A_9 = arith.addi %mul3A_7, %add3A_8 : i32
    %run_scoped3A_10 = arith.constant 0 : i32
    "tpu.region"() ({
      %run_scoped3A_69 = tpu.sem_alloc : memref<!tpu.dma_semaphore, #tpu.memory_space<semaphore_mem>>
      %dma_start3A = arith.constant 0 : i32
      %dma_start3A_70 = arith.constant 0 : i32
      %dma_start3A_71 = tpu.memref_slice %arg8[%run_scoped3A_10, %dma_start3A, %dma_start3A_70] : memref<2x128x128xf32, #tpu.memory_space<vmem>> -> memref<1x80x128xf32, #tpu.memory_space<vmem>>
      %dma_start3A_72 = tpu.memref_squeeze %dma_start3A_71 : memref<1x80x128xf32, #tpu.memory_space<vmem>> -> memref<80x128xf32, #tpu.memory_space<vmem>>
      %dma_start3A_73 = arith.constant 0 : i32
      %dma_start3A_74 = tpu.memref_slice %arg6[%add3A_9, %dma_start3A_73] : memref<10240x128xf32, #tpu.memory_space<vmem_shared>> -> memref<80x128xf32, #tpu.memory_space<vmem_shared>>
      %dma_start3A_75 = arith.constant 0 : i32
      %dma_start3A_76 = tpu.memref_slice %arg6[%add3A_9, %dma_start3A_75] : memref<10240x128xf32, #tpu.memory_space<vmem_shared>> -> memref<80x128xf32, #tpu.memory_space<vmem_shared>>
      %dma_start3A_77 = arith.constant 0 : i32
      %dma_start3A_78 = arith.constant 0 : i32
      %dma_start3A_79 = tpu.memref_slice %arg8[%run_scoped3A_10, %dma_start3A_77, %dma_start3A_78] : memref<2x128x128xf32, #tpu.memory_space<vmem>> -> memref<1x80x128xf32, #tpu.memory_space<vmem>>
      %dma_start3A_80 = tpu.memref_squeeze %dma_start3A_79 : memref<1x80x128xf32, #tpu.memory_space<vmem>> -> memref<80x128xf32, #tpu.memory_space<vmem>>
      tpu.enqueue_dma source(%dma_start3A_80 : memref<80x128xf32, #tpu.memory_space<vmem>>) target(%dma_start3A_76 : memref<80x128xf32, #tpu.memory_space<vmem_shared>>) target_semaphore(%run_scoped3A_69 : memref<!tpu.dma_semaphore, #tpu.memory_space<semaphore_mem>>)
      %dma_wait3A = arith.constant 0 : i32
      %dma_wait3A_81 = arith.constant 0 : i32
      %dma_wait3A_82 = tpu.memref_slice %arg8[%run_scoped3A_10, %dma_wait3A, %dma_wait3A_81] : memref<2x128x128xf32, #tpu.memory_space<vmem>> -> memref<1x80x128xf32, #tpu.memory_space<vmem>>
      %dma_wait3A_83 = tpu.memref_squeeze %dma_wait3A_82 : memref<1x80x128xf32, #tpu.memory_space<vmem>> -> memref<80x128xf32, #tpu.memory_space<vmem>>
      %dma_wait3A_84 = arith.constant 0 : i32
      %dma_wait3A_85 = tpu.memref_slice %arg6[%add3A_9, %dma_wait3A_84] : memref<10240x128xf32, #tpu.memory_space<vmem_shared>> -> memref<80x128xf32, #tpu.memory_space<vmem_shared>>
      %dma_wait3A_86 = arith.constant 0 : i32
      %dma_wait3A_87 = tpu.memref_slice %arg6[%add3A_9, %dma_wait3A_86] : memref<10240x128xf32, #tpu.memory_space<vmem_shared>> -> memref<80x128xf32, #tpu.memory_space<vmem_shared>>
      %dma_wait3A_88 = arith.constant 0 : i32
      %dma_wait3A_89 = arith.constant 0 : i32
      %dma_wait3A_90 = tpu.memref_slice %arg8[%run_scoped3A_10, %dma_wait3A_88, %dma_wait3A_89] : memref<2x128x128xf32, #tpu.memory_space<vmem>> -> memref<1x80x128xf32, #tpu.memory_space<vmem>>
      %dma_wait3A_91 = tpu.memref_squeeze %dma_wait3A_90 : memref<1x80x128xf32, #tpu.memory_space<vmem>> -> memref<80x128xf32, #tpu.memory_space<vmem>>
      tpu.wait_dma2 semaphore(%run_scoped3A_69 : memref<!tpu.dma_semaphore, #tpu.memory_space<semaphore_mem>>) src(%dma_wait3A_91 : memref<80x128xf32, #tpu.memory_space<vmem>>) dst(%dma_wait3A_87 : memref<80x128xf32, #tpu.memory_space<vmem_shared>>)
      tpu.yield
    }) : () -> ()
    %mul3A_11 = arith.constant 640 : i32
    %mul3A_12 = arith.muli %arg1, %mul3A_11 : i32
    %add3A_13 = arith.constant 160 : i32
    %add3A_14 = arith.addi %mul3A_12, %add3A_13 : i32
    %run_scoped3A_15 = arith.constant 0 : i32
    "tpu.region"() ({
      %run_scoped3A_69 = tpu.sem_alloc : memref<!tpu.dma_semaphore, #tpu.memory_space<semaphore_mem>>
      %dma_start3A = arith.constant 0 : i32
      %dma_start3A_70 = arith.constant 0 : i32
      %dma_start3A_71 = tpu.memref_slice %arg8[%run_scoped3A_15, %dma_start3A, %dma_start3A_70] : memref<2x128x128xf32, #tpu.memory_space<vmem>> -> memref<1x80x128xf32, #tpu.memory_space<vmem>>
      %dma_start3A_72 = tpu.memref_squeeze %dma_start3A_71 : memref<1x80x128xf32, #tpu.memory_space<vmem>> -> memref<80x128xf32, #tpu.memory_space<vmem>>
      %dma_start3A_73 = arith.constant 0 : i32
      %dma_start3A_74 = tpu.memref_slice %arg6[%add3A_14, %dma_start3A_73] : memref<10240x128xf32, #tpu.memory_space<vmem_shared>> -> memref<80x128xf32, #tpu.memory_space<vmem_shared>>
      %dma_start3A_75 = arith.constant 0 : i32
      %dma_start3A_76 = tpu.memref_slice %arg6[%add3A_14, %dma_start3A_75] : memref<10240x128xf32, #tpu.memory_space<vmem_shared>> -> memref<80x128xf32, #tpu.memory_space<vmem_shared>>
      %dma_start3A_77 = arith.constant 0 : i32
      %dma_start3A_78 = arith.constant 0 : i32
      %dma_start3A_79 = tpu.memref_slice %arg8[%run_scoped3A_15, %dma_start3A_77, %dma_start3A_78] : memref<2x128x128xf32, #tpu.memory_space<vmem>> -> memref<1x80x128xf32, #tpu.memory_space<vmem>>
      %dma_start3A_80 = tpu.memref_squeeze %dma_start3A_79 : memref<1x80x128xf32, #tpu.memory_space<vmem>> -> memref<80x128xf32, #tpu.memory_space<vmem>>
      tpu.enqueue_dma source(%dma_start3A_80 : memref<80x128xf32, #tpu.memory_space<vmem>>) target(%dma_start3A_76 : memref<80x128xf32, #tpu.memory_space<vmem_shared>>) target_semaphore(%run_scoped3A_69 : memref<!tpu.dma_semaphore, #tpu.memory_space<semaphore_mem>>)
      %dma_wait3A = arith.constant 0 : i32
      %dma_wait3A_81 = arith.constant 0 : i32
      %dma_wait3A_82 = tpu.memref_slice %arg8[%run_scoped3A_15, %dma_wait3A, %dma_wait3A_81] : memref<2x128x128xf32, #tpu.memory_space<vmem>> -> memref<1x80x128xf32, #tpu.memory_space<vmem>>
      %dma_wait3A_83 = tpu.memref_squeeze %dma_wait3A_82 : memref<1x80x128xf32, #tpu.memory_space<vmem>> -> memref<80x128xf32, #tpu.memory_space<vmem>>
      %dma_wait3A_84 = arith.constant 0 : i32
      %dma_wait3A_85 = tpu.memref_slice %arg6[%add3A_14, %dma_wait3A_84] : memref<10240x128xf32, #tpu.memory_space<vmem_shared>> -> memref<80x128xf32, #tpu.memory_space<vmem_shared>>
      %dma_wait3A_86 = arith.constant 0 : i32
      %dma_wait3A_87 = tpu.memref_slice %arg6[%add3A_14, %dma_wait3A_86] : memref<10240x128xf32, #tpu.memory_space<vmem_shared>> -> memref<80x128xf32, #tpu.memory_space<vmem_shared>>
      %dma_wait3A_88 = arith.constant 0 : i32
      %dma_wait3A_89 = arith.constant 0 : i32
      %dma_wait3A_90 = tpu.memref_slice %arg8[%run_scoped3A_15, %dma_wait3A_88, %dma_wait3A_89] : memref<2x128x128xf32, #tpu.memory_space<vmem>> -> memref<1x80x128xf32, #tpu.memory_space<vmem>>
      %dma_wait3A_91 = tpu.memref_squeeze %dma_wait3A_90 : memref<1x80x128xf32, #tpu.memory_space<vmem>> -> memref<80x128xf32, #tpu.memory_space<vmem>>
      tpu.wait_dma2 semaphore(%run_scoped3A_69 : memref<!tpu.dma_semaphore, #tpu.memory_space<semaphore_mem>>) src(%dma_wait3A_91 : memref<80x128xf32, #tpu.memory_space<vmem>>) dst(%dma_wait3A_87 : memref<80x128xf32, #tpu.memory_space<vmem_shared>>)
      tpu.yield
    }) : () -> ()
    %mul3A_16 = arith.constant 640 : i32
    %mul3A_17 = arith.muli %arg1, %mul3A_16 : i32
    %add3A_18 = arith.constant 240 : i32
    %add3A_19 = arith.addi %mul3A_17, %add3A_18 : i32
    %run_scoped3A_20 = arith.constant 0 : i32
    "tpu.region"() ({
      %run_scoped3A_69 = tpu.sem_alloc : memref<!tpu.dma_semaphore, #tpu.memory_space<semaphore_mem>>
      %dma_start3A = arith.constant 0 : i32
      %dma_start3A_70 = arith.constant 0 : i32
      %dma_start3A_71 = tpu.memref_slice %arg8[%run_scoped3A_20, %dma_start3A, %dma_start3A_70] : memref<2x128x128xf32, #tpu.memory_space<vmem>> -> memref<1x80x128xf32, #tpu.memory_space<vmem>>
      %dma_start3A_72 = tpu.memref_squeeze %dma_start3A_71 : memref<1x80x128xf32, #tpu.memory_space<vmem>> -> memref<80x128xf32, #tpu.memory_space<vmem>>
      %dma_start3A_73 = arith.constant 0 : i32
      %dma_start3A_74 = tpu.memref_slice %arg6[%add3A_19, %dma_start3A_73] : memref<10240x128xf32, #tpu.memory_space<vmem_shared>> -> memref<80x128xf32, #tpu.memory_space<vmem_shared>>
      %dma_start3A_75 = arith.constant 0 : i32
      %dma_start3A_76 = tpu.memref_slice %arg6[%add3A_19, %dma_start3A_75] : memref<10240x128xf32, #tpu.memory_space<vmem_shared>> -> memref<80x128xf32, #tpu.memory_space<vmem_shared>>
      %dma_start3A_77 = arith.constant 0 : i32
      %dma_start3A_78 = arith.constant 0 : i32
      %dma_start3A_79 = tpu.memref_slice %arg8[%run_scoped3A_20, %dma_start3A_77, %dma_start3A_78] : memref<2x128x128xf32, #tpu.memory_space<vmem>> -> memref<1x80x128xf32, #tpu.memory_space<vmem>>
      %dma_start3A_80 = tpu.memref_squeeze %dma_start3A_79 : memref<1x80x128xf32, #tpu.memory_space<vmem>> -> memref<80x128xf32, #tpu.memory_space<vmem>>
      tpu.enqueue_dma source(%dma_start3A_80 : memref<80x128xf32, #tpu.memory_space<vmem>>) target(%dma_start3A_76 : memref<80x128xf32, #tpu.memory_space<vmem_shared>>) target_semaphore(%run_scoped3A_69 : memref<!tpu.dma_semaphore, #tpu.memory_space<semaphore_mem>>)
      %dma_wait3A = arith.constant 0 : i32
      %dma_wait3A_81 = arith.constant 0 : i32
      %dma_wait3A_82 = tpu.memref_slice %arg8[%run_scoped3A_20, %dma_wait3A, %dma_wait3A_81] : memref<2x128x128xf32, #tpu.memory_space<vmem>> -> memref<1x80x128xf32, #tpu.memory_space<vmem>>
      %dma_wait3A_83 = tpu.memref_squeeze %dma_wait3A_82 : memref<1x80x128xf32, #tpu.memory_space<vmem>> -> memref<80x128xf32, #tpu.memory_space<vmem>>
      %dma_wait3A_84 = arith.constant 0 : i32
      %dma_wait3A_85 = tpu.memref_slice %arg6[%add3A_19, %dma_wait3A_84] : memref<10240x128xf32, #tpu.memory_space<vmem_shared>> -> memref<80x128xf32, #tpu.memory_space<vmem_shared>>
      %dma_wait3A_86 = arith.constant 0 : i32
      %dma_wait3A_87 = tpu.memref_slice %arg6[%add3A_19, %dma_wait3A_86] : memref<10240x128xf32, #tpu.memory_space<vmem_shared>> -> memref<80x128xf32, #tpu.memory_space<vmem_shared>>
      %dma_wait3A_88 = arith.constant 0 : i32
      %dma_wait3A_89 = arith.constant 0 : i32
      %dma_wait3A_90 = tpu.memref_slice %arg8[%run_scoped3A_20, %dma_wait3A_88, %dma_wait3A_89] : memref<2x128x128xf32, #tpu.memory_space<vmem>> -> memref<1x80x128xf32, #tpu.memory_space<vmem>>
      %dma_wait3A_91 = tpu.memref_squeeze %dma_wait3A_90 : memref<1x80x128xf32, #tpu.memory_space<vmem>> -> memref<80x128xf32, #tpu.memory_space<vmem>>
      tpu.wait_dma2 semaphore(%run_scoped3A_69 : memref<!tpu.dma_semaphore, #tpu.memory_space<semaphore_mem>>) src(%dma_wait3A_91 : memref<80x128xf32, #tpu.memory_space<vmem>>) dst(%dma_wait3A_87 : memref<80x128xf32, #tpu.memory_space<vmem_shared>>)
      tpu.yield
    }) : () -> ()
    %mul3A_21 = arith.constant 640 : i32
    %mul3A_22 = arith.muli %arg1, %mul3A_21 : i32
    %add3A_23 = arith.constant 320 : i32
    %add3A_24 = arith.addi %mul3A_22, %add3A_23 : i32
    %run_scoped3A_25 = arith.constant 0 : i32
    "tpu.region"() ({
      %run_scoped3A_69 = tpu.sem_alloc : memref<!tpu.dma_semaphore, #tpu.memory_space<semaphore_mem>>
      %dma_start3A = arith.constant 0 : i32
      %dma_start3A_70 = arith.constant 0 : i32
      %dma_start3A_71 = tpu.memref_slice %arg8[%run_scoped3A_25, %dma_start3A, %dma_start3A_70] : memref<2x128x128xf32, #tpu.memory_space<vmem>> -> memref<1x80x128xf32, #tpu.memory_space<vmem>>
      %dma_start3A_72 = tpu.memref_squeeze %dma_start3A_71 : memref<1x80x128xf32, #tpu.memory_space<vmem>> -> memref<80x128xf32, #tpu.memory_space<vmem>>
      %dma_start3A_73 = arith.constant 0 : i32
      %dma_start3A_74 = tpu.memref_slice %arg6[%add3A_24, %dma_start3A_73] : memref<10240x128xf32, #tpu.memory_space<vmem_shared>> -> memref<80x128xf32, #tpu.memory_space<vmem_shared>>
      %dma_start3A_75 = arith.constant 0 : i32
      %dma_start3A_76 = tpu.memref_slice %arg6[%add3A_24, %dma_start3A_75] : memref<10240x128xf32, #tpu.memory_space<vmem_shared>> -> memref<80x128xf32, #tpu.memory_space<vmem_shared>>
      %dma_start3A_77 = arith.constant 0 : i32
      %dma_start3A_78 = arith.constant 0 : i32
      %dma_start3A_79 = tpu.memref_slice %arg8[%run_scoped3A_25, %dma_start3A_77, %dma_start3A_78] : memref<2x128x128xf32, #tpu.memory_space<vmem>> -> memref<1x80x128xf32, #tpu.memory_space<vmem>>
      %dma_start3A_80 = tpu.memref_squeeze %dma_start3A_79 : memref<1x80x128xf32, #tpu.memory_space<vmem>> -> memref<80x128xf32, #tpu.memory_space<vmem>>
      tpu.enqueue_dma source(%dma_start3A_80 : memref<80x128xf32, #tpu.memory_space<vmem>>) target(%dma_start3A_76 : memref<80x128xf32, #tpu.memory_space<vmem_shared>>) target_semaphore(%run_scoped3A_69 : memref<!tpu.dma_semaphore, #tpu.memory_space<semaphore_mem>>)
      %dma_wait3A = arith.constant 0 : i32
      %dma_wait3A_81 = arith.constant 0 : i32
      %dma_wait3A_82 = tpu.memref_slice %arg8[%run_scoped3A_25, %dma_wait3A, %dma_wait3A_81] : memref<2x128x128xf32, #tpu.memory_space<vmem>> -> memref<1x80x128xf32, #tpu.memory_space<vmem>>
      %dma_wait3A_83 = tpu.memref_squeeze %dma_wait3A_82 : memref<1x80x128xf32, #tpu.memory_space<vmem>> -> memref<80x128xf32, #tpu.memory_space<vmem>>
      %dma_wait3A_84 = arith.constant 0 : i32
      %dma_wait3A_85 = tpu.memref_slice %arg6[%add3A_24, %dma_wait3A_84] : memref<10240x128xf32, #tpu.memory_space<vmem_shared>> -> memref<80x128xf32, #tpu.memory_space<vmem_shared>>
      %dma_wait3A_86 = arith.constant 0 : i32
      %dma_wait3A_87 = tpu.memref_slice %arg6[%add3A_24, %dma_wait3A_86] : memref<10240x128xf32, #tpu.memory_space<vmem_shared>> -> memref<80x128xf32, #tpu.memory_space<vmem_shared>>
      %dma_wait3A_88 = arith.constant 0 : i32
      %dma_wait3A_89 = arith.constant 0 : i32
      %dma_wait3A_90 = tpu.memref_slice %arg8[%run_scoped3A_25, %dma_wait3A_88, %dma_wait3A_89] : memref<2x128x128xf32, #tpu.memory_space<vmem>> -> memref<1x80x128xf32, #tpu.memory_space<vmem>>
      %dma_wait3A_91 = tpu.memref_squeeze %dma_wait3A_90 : memref<1x80x128xf32, #tpu.memory_space<vmem>> -> memref<80x128xf32, #tpu.memory_space<vmem>>
      tpu.wait_dma2 semaphore(%run_scoped3A_69 : memref<!tpu.dma_semaphore, #tpu.memory_space<semaphore_mem>>) src(%dma_wait3A_91 : memref<80x128xf32, #tpu.memory_space<vmem>>) dst(%dma_wait3A_87 : memref<80x128xf32, #tpu.memory_space<vmem_shared>>)
      tpu.yield
    }) : () -> ()
    %mul3A_26 = arith.constant 640 : i32
    %mul3A_27 = arith.muli %arg1, %mul3A_26 : i32
    %add3A_28 = arith.constant 400 : i32
    %add3A_29 = arith.addi %mul3A_27, %add3A_28 : i32
    %run_scoped3A_30 = arith.constant 0 : i32
    "tpu.region"() ({
      %run_scoped3A_69 = tpu.sem_alloc : memref<!tpu.dma_semaphore, #tpu.memory_space<semaphore_mem>>
      %dma_start3A = arith.constant 0 : i32
      %dma_start3A_70 = arith.constant 0 : i32
      %dma_start3A_71 = tpu.memref_slice %arg8[%run_scoped3A_30, %dma_start3A, %dma_start3A_70] : memref<2x128x128xf32, #tpu.memory_space<vmem>> -> memref<1x80x128xf32, #tpu.memory_space<vmem>>
      %dma_start3A_72 = tpu.memref_squeeze %dma_start3A_71 : memref<1x80x128xf32, #tpu.memory_space<vmem>> -> memref<80x128xf32, #tpu.memory_space<vmem>>
      %dma_start3A_73 = arith.constant 0 : i32
      %dma_start3A_74 = tpu.memref_slice %arg6[%add3A_29, %dma_start3A_73] : memref<10240x128xf32, #tpu.memory_space<vmem_shared>> -> memref<80x128xf32, #tpu.memory_space<vmem_shared>>
      %dma_start3A_75 = arith.constant 0 : i32
      %dma_start3A_76 = tpu.memref_slice %arg6[%add3A_29, %dma_start3A_75] : memref<10240x128xf32, #tpu.memory_space<vmem_shared>> -> memref<80x128xf32, #tpu.memory_space<vmem_shared>>
      %dma_start3A_77 = arith.constant 0 : i32
      %dma_start3A_78 = arith.constant 0 : i32
      %dma_start3A_79 = tpu.memref_slice %arg8[%run_scoped3A_30, %dma_start3A_77, %dma_start3A_78] : memref<2x128x128xf32, #tpu.memory_space<vmem>> -> memref<1x80x128xf32, #tpu.memory_space<vmem>>
      %dma_start3A_80 = tpu.memref_squeeze %dma_start3A_79 : memref<1x80x128xf32, #tpu.memory_space<vmem>> -> memref<80x128xf32, #tpu.memory_space<vmem>>
      tpu.enqueue_dma source(%dma_start3A_80 : memref<80x128xf32, #tpu.memory_space<vmem>>) target(%dma_start3A_76 : memref<80x128xf32, #tpu.memory_space<vmem_shared>>) target_semaphore(%run_scoped3A_69 : memref<!tpu.dma_semaphore, #tpu.memory_space<semaphore_mem>>)
      %dma_wait3A = arith.constant 0 : i32
      %dma_wait3A_81 = arith.constant 0 : i32
      %dma_wait3A_82 = tpu.memref_slice %arg8[%run_scoped3A_30, %dma_wait3A, %dma_wait3A_81] : memref<2x128x128xf32, #tpu.memory_space<vmem>> -> memref<1x80x128xf32, #tpu.memory_space<vmem>>
      %dma_wait3A_83 = tpu.memref_squeeze %dma_wait3A_82 : memref<1x80x128xf32, #tpu.memory_space<vmem>> -> memref<80x128xf32, #tpu.memory_space<vmem>>
      %dma_wait3A_84 = arith.constant 0 : i32
      %dma_wait3A_85 = tpu.memref_slice %arg6[%add3A_29, %dma_wait3A_84] : memref<10240x128xf32, #tpu.memory_space<vmem_shared>> -> memref<80x128xf32, #tpu.memory_space<vmem_shared>>
      %dma_wait3A_86 = arith.constant 0 : i32
      %dma_wait3A_87 = tpu.memref_slice %arg6[%add3A_29, %dma_wait3A_86] : memref<10240x128xf32, #tpu.memory_space<vmem_shared>> -> memref<80x128xf32, #tpu.memory_space<vmem_shared>>
      %dma_wait3A_88 = arith.constant 0 : i32
      %dma_wait3A_89 = arith.constant 0 : i32
      %dma_wait3A_90 = tpu.memref_slice %arg8[%run_scoped3A_30, %dma_wait3A_88, %dma_wait3A_89] : memref<2x128x128xf32, #tpu.memory_space<vmem>> -> memref<1x80x128xf32, #tpu.memory_space<vmem>>
      %dma_wait3A_91 = tpu.memref_squeeze %dma_wait3A_90 : memref<1x80x128xf32, #tpu.memory_space<vmem>> -> memref<80x128xf32, #tpu.memory_space<vmem>>
      tpu.wait_dma2 semaphore(%run_scoped3A_69 : memref<!tpu.dma_semaphore, #tpu.memory_space<semaphore_mem>>) src(%dma_wait3A_91 : memref<80x128xf32, #tpu.memory_space<vmem>>) dst(%dma_wait3A_87 : memref<80x128xf32, #tpu.memory_space<vmem_shared>>)
      tpu.yield
    }) : () -> ()
    %mul3A_31 = arith.constant 640 : i32
    %mul3A_32 = arith.muli %arg1, %mul3A_31 : i32
    %add3A_33 = arith.constant 480 : i32
    %add3A_34 = arith.addi %mul3A_32, %add3A_33 : i32
    %run_scoped3A_35 = arith.constant 0 : i32
    "tpu.region"() ({
      %run_scoped3A_69 = tpu.sem_alloc : memref<!tpu.dma_semaphore, #tpu.memory_space<semaphore_mem>>
      %dma_start3A = arith.constant 0 : i32
      %dma_start3A_70 = arith.constant 0 : i32
      %dma_start3A_71 = tpu.memref_slice %arg8[%run_scoped3A_35, %dma_start3A, %dma_start3A_70] : memref<2x128x128xf32, #tpu.memory_space<vmem>> -> memref<1x80x128xf32, #tpu.memory_space<vmem>>
      %dma_start3A_72 = tpu.memref_squeeze %dma_start3A_71 : memref<1x80x128xf32, #tpu.memory_space<vmem>> -> memref<80x128xf32, #tpu.memory_space<vmem>>
      %dma_start3A_73 = arith.constant 0 : i32
      %dma_start3A_74 = tpu.memref_slice %arg6[%add3A_34, %dma_start3A_73] : memref<10240x128xf32, #tpu.memory_space<vmem_shared>> -> memref<80x128xf32, #tpu.memory_space<vmem_shared>>
      %dma_start3A_75 = arith.constant 0 : i32
      %dma_start3A_76 = tpu.memref_slice %arg6[%add3A_34, %dma_start3A_75] : memref<10240x128xf32, #tpu.memory_space<vmem_shared>> -> memref<80x128xf32, #tpu.memory_space<vmem_shared>>
      %dma_start3A_77 = arith.constant 0 : i32
      %dma_start3A_78 = arith.constant 0 : i32
      %dma_start3A_79 = tpu.memref_slice %arg8[%run_scoped3A_35, %dma_start3A_77, %dma_start3A_78] : memref<2x128x128xf32, #tpu.memory_space<vmem>> -> memref<1x80x128xf32, #tpu.memory_space<vmem>>
      %dma_start3A_80 = tpu.memref_squeeze %dma_start3A_79 : memref<1x80x128xf32, #tpu.memory_space<vmem>> -> memref<80x128xf32, #tpu.memory_space<vmem>>
      tpu.enqueue_dma source(%dma_start3A_80 : memref<80x128xf32, #tpu.memory_space<vmem>>) target(%dma_start3A_76 : memref<80x128xf32, #tpu.memory_space<vmem_shared>>) target_semaphore(%run_scoped3A_69 : memref<!tpu.dma_semaphore, #tpu.memory_space<semaphore_mem>>)
      %dma_wait3A = arith.constant 0 : i32
      %dma_wait3A_81 = arith.constant 0 : i32
      %dma_wait3A_82 = tpu.memref_slice %arg8[%run_scoped3A_35, %dma_wait3A, %dma_wait3A_81] : memref<2x128x128xf32, #tpu.memory_space<vmem>> -> memref<1x80x128xf32, #tpu.memory_space<vmem>>
      %dma_wait3A_83 = tpu.memref_squeeze %dma_wait3A_82 : memref<1x80x128xf32, #tpu.memory_space<vmem>> -> memref<80x128xf32, #tpu.memory_space<vmem>>
      %dma_wait3A_84 = arith.constant 0 : i32
      %dma_wait3A_85 = tpu.memref_slice %arg6[%add3A_34, %dma_wait3A_84] : memref<10240x128xf32, #tpu.memory_space<vmem_shared>> -> memref<80x128xf32, #tpu.memory_space<vmem_shared>>
      %dma_wait3A_86 = arith.constant 0 : i32
      %dma_wait3A_87 = tpu.memref_slice %arg6[%add3A_34, %dma_wait3A_86] : memref<10240x128xf32, #tpu.memory_space<vmem_shared>> -> memref<80x128xf32, #tpu.memory_space<vmem_shared>>
      %dma_wait3A_88 = arith.constant 0 : i32
      %dma_wait3A_89 = arith.constant 0 : i32
      %dma_wait3A_90 = tpu.memref_slice %arg8[%run_scoped3A_35, %dma_wait3A_88, %dma_wait3A_89] : memref<2x128x128xf32, #tpu.memory_space<vmem>> -> memref<1x80x128xf32, #tpu.memory_space<vmem>>
      %dma_wait3A_91 = tpu.memref_squeeze %dma_wait3A_90 : memref<1x80x128xf32, #tpu.memory_space<vmem>> -> memref<80x128xf32, #tpu.memory_space<vmem>>
      tpu.wait_dma2 semaphore(%run_scoped3A_69 : memref<!tpu.dma_semaphore, #tpu.memory_space<semaphore_mem>>) src(%dma_wait3A_91 : memref<80x128xf32, #tpu.memory_space<vmem>>) dst(%dma_wait3A_87 : memref<80x128xf32, #tpu.memory_space<vmem_shared>>)
      tpu.yield
    }) : () -> ()
    %mul3A_36 = arith.constant 640 : i32
    %mul3A_37 = arith.muli %arg1, %mul3A_36 : i32
    %add3A_38 = arith.constant 560 : i32
    %add3A_39 = arith.addi %mul3A_37, %add3A_38 : i32
    %run_scoped3A_40 = arith.constant 0 : i32
    "tpu.region"() ({
      %run_scoped3A_69 = tpu.sem_alloc : memref<!tpu.dma_semaphore, #tpu.memory_space<semaphore_mem>>
      %dma_start3A = arith.constant 0 : i32
      %dma_start3A_70 = arith.constant 0 : i32
      %dma_start3A_71 = tpu.memref_slice %arg8[%run_scoped3A_40, %dma_start3A, %dma_start3A_70] : memref<2x128x128xf32, #tpu.memory_space<vmem>> -> memref<1x80x128xf32, #tpu.memory_space<vmem>>
      %dma_start3A_72 = tpu.memref_squeeze %dma_start3A_71 : memref<1x80x128xf32, #tpu.memory_space<vmem>> -> memref<80x128xf32, #tpu.memory_space<vmem>>
      %dma_start3A_73 = arith.constant 0 : i32
      %dma_start3A_74 = tpu.memref_slice %arg6[%add3A_39, %dma_start3A_73] : memref<10240x128xf32, #tpu.memory_space<vmem_shared>> -> memref<80x128xf32, #tpu.memory_space<vmem_shared>>
      %dma_start3A_75 = arith.constant 0 : i32
      %dma_start3A_76 = tpu.memref_slice %arg6[%add3A_39, %dma_start3A_75] : memref<10240x128xf32, #tpu.memory_space<vmem_shared>> -> memref<80x128xf32, #tpu.memory_space<vmem_shared>>
      %dma_start3A_77 = arith.constant 0 : i32
      %dma_start3A_78 = arith.constant 0 : i32
      %dma_start3A_79 = tpu.memref_slice %arg8[%run_scoped3A_40, %dma_start3A_77, %dma_start3A_78] : memref<2x128x128xf32, #tpu.memory_space<vmem>> -> memref<1x80x128xf32, #tpu.memory_space<vmem>>
      %dma_start3A_80 = tpu.memref_squeeze %dma_start3A_79 : memref<1x80x128xf32, #tpu.memory_space<vmem>> -> memref<80x128xf32, #tpu.memory_space<vmem>>
      tpu.enqueue_dma source(%dma_start3A_80 : memref<80x128xf32, #tpu.memory_space<vmem>>) target(%dma_start3A_76 : memref<80x128xf32, #tpu.memory_space<vmem_shared>>) target_semaphore(%run_scoped3A_69 : memref<!tpu.dma_semaphore, #tpu.memory_space<semaphore_mem>>)
      %dma_wait3A = arith.constant 0 : i32
      %dma_wait3A_81 = arith.constant 0 : i32
      %dma_wait3A_82 = tpu.memref_slice %arg8[%run_scoped3A_40, %dma_wait3A, %dma_wait3A_81] : memref<2x128x128xf32, #tpu.memory_space<vmem>> -> memref<1x80x128xf32, #tpu.memory_space<vmem>>
      %dma_wait3A_83 = tpu.memref_squeeze %dma_wait3A_82 : memref<1x80x128xf32, #tpu.memory_space<vmem>> -> memref<80x128xf32, #tpu.memory_space<vmem>>
      %dma_wait3A_84 = arith.constant 0 : i32
      %dma_wait3A_85 = tpu.memref_slice %arg6[%add3A_39, %dma_wait3A_84] : memref<10240x128xf32, #tpu.memory_space<vmem_shared>> -> memref<80x128xf32, #tpu.memory_space<vmem_shared>>
      %dma_wait3A_86 = arith.constant 0 : i32
      %dma_wait3A_87 = tpu.memref_slice %arg6[%add3A_39, %dma_wait3A_86] : memref<10240x128xf32, #tpu.memory_space<vmem_shared>> -> memref<80x128xf32, #tpu.memory_space<vmem_shared>>
      %dma_wait3A_88 = arith.constant 0 : i32
      %dma_wait3A_89 = arith.constant 0 : i32
      %dma_wait3A_90 = tpu.memref_slice %arg8[%run_scoped3A_40, %dma_wait3A_88, %dma_wait3A_89] : memref<2x128x128xf32, #tpu.memory_space<vmem>> -> memref<1x80x128xf32, #tpu.memory_space<vmem>>
      %dma_wait3A_91 = tpu.memref_squeeze %dma_wait3A_90 : memref<1x80x128xf32, #tpu.memory_space<vmem>> -> memref<80x128xf32, #tpu.memory_space<vmem>>
      tpu.wait_dma2 semaphore(%run_scoped3A_69 : memref<!tpu.dma_semaphore, #tpu.memory_space<semaphore_mem>>) src(%dma_wait3A_91 : memref<80x128xf32, #tpu.memory_space<vmem>>) dst(%dma_wait3A_87 : memref<80x128xf32, #tpu.memory_space<vmem_shared>>)
      tpu.yield
    }) : () -> ()
    %barrier3A = arith.constant 0 : index
    tpu.barrier barrier_id(%barrier3A)
    "tpu.region"() ({
      %run_scoped3A_69 = tpu.sem_alloc : memref<!tpu.dma_semaphore, #tpu.memory_space<semaphore_mem>>
      %dma_start3A = arith.constant 0 : i32
      %dma_start3A_70 = arith.constant 0 : i32
      %dma_start3A_71 = arith.constant 0 : i32
      %dma_start3A_72 = tpu.memref_slice %arg3[%add3A, %dma_start3A, %dma_start3A_70, %dma_start3A_71] : memref<32x80x2x128xi32, #tpu.memory_space<hbm>> -> memref<1x20x2x128xi32, #tpu.memory_space<hbm>>
      %dma_start3A_73 = tpu.memref_squeeze %dma_start3A_72 : memref<1x20x2x128xi32, #tpu.memory_space<hbm>> -> memref<20x2x128xi32, #tpu.memory_space<hbm>>
      %dma_start3A_74 = arith.constant 0 : i32
      %dma_start3A_75 = arith.constant 0 : i32
      %dma_start3A_76 = arith.constant 0 : i32
      %dma_start3A_77 = tpu.memref_slice %arg3[%add3A, %dma_start3A_74, %dma_start3A_75, %dma_start3A_76] : memref<32x80x2x128xi32, #tpu.memory_space<hbm>> -> memref<1x20x2x128xi32, #tpu.memory_space<hbm>>
      %dma_start3A_78 = tpu.memref_squeeze %dma_start3A_77 : memref<1x20x2x128xi32, #tpu.memory_space<hbm>> -> memref<20x2x128xi32, #tpu.memory_space<hbm>>
      tpu.enqueue_dma source(%dma_start3A_78 : memref<20x2x128xi32, #tpu.memory_space<hbm>>) target(%arg7 : memref<20x2x128xi32, #tpu.memory_space<vmem>>) target_semaphore(%run_scoped3A_69 : memref<!tpu.dma_semaphore, #tpu.memory_space<semaphore_mem>>)
      %dma_wait3A = arith.constant 0 : i32
      %dma_wait3A_79 = arith.constant 0 : i32
      %dma_wait3A_80 = arith.constant 0 : i32
      %dma_wait3A_81 = tpu.memref_slice %arg3[%add3A, %dma_wait3A, %dma_wait3A_79, %dma_wait3A_80] : memref<32x80x2x128xi32, #tpu.memory_space<hbm>> -> memref<1x20x2x128xi32, #tpu.memory_space<hbm>>
      %dma_wait3A_82 = tpu.memref_squeeze %dma_wait3A_81 : memref<1x20x2x128xi32, #tpu.memory_space<hbm>> -> memref<20x2x128xi32, #tpu.memory_space<hbm>>
      %dma_wait3A_83 = arith.constant 0 : i32
      %dma_wait3A_84 = arith.constant 0 : i32
      %dma_wait3A_85 = arith.constant 0 : i32
      %dma_wait3A_86 = tpu.memref_slice %arg3[%add3A, %dma_wait3A_83, %dma_wait3A_84, %dma_wait3A_85] : memref<32x80x2x128xi32, #tpu.memory_space<hbm>> -> memref<1x20x2x128xi32, #tpu.memory_space<hbm>>
      %dma_wait3A_87 = tpu.memref_squeeze %dma_wait3A_86 : memref<1x20x2x128xi32, #tpu.memory_space<hbm>> -> memref<20x2x128xi32, #tpu.memory_space<hbm>>
      tpu.wait_dma2 semaphore(%run_scoped3A_69 : memref<!tpu.dma_semaphore, #tpu.memory_space<semaphore_mem>>) src(%dma_wait3A_87 : memref<20x2x128xi32, #tpu.memory_space<hbm>>) dst(%arg7 : memref<20x2x128xi32, #tpu.memory_space<vmem>>)
      tpu.yield
    }) : () -> ()
    %scan3A = arith.constant 0 : i32
    %scan3A_41 = arith.constant 0 : i32
    %scan3A_42 = arith.constant 10 : i32
    %scan3A_43 = arith.addi %scan3A_41, %scan3A_42 : i32
    %scan3A_44 = arith.constant 1 : i32
    scf.for %scan3A_69 = %scan3A_41 to %scan3A_43 step %scan3A_44  : i32 {
      %mul3A_70 = arith.constant 2 : i32
      %mul3A_71 = arith.muli %scan3A_69, %mul3A_70 : i32
      %add3A_72 = arith.constant 0 : i32
      %add3A_73 = arith.addi %mul3A_71, %add3A_72 : i32
      %dma_start3A = arith.constant 0 : i32
      %dma_start3A_74 = arith.constant 0 : i32
      %dma_start3A_75 = arith.constant 0 : i32
      %dma_start3A_76 = arith.constant 0 : i32
      %dma_start3A_77 = tpu.memref_slice %arg8[%dma_start3A_74, %dma_start3A_75, %dma_start3A_76] : memref<2x128x128xf32, #tpu.memory_space<vmem>> -> memref<1x128x128xf32, #tpu.memory_space<vmem>>
      %dma_start3A_78 = tpu.memref_squeeze %dma_start3A_77 : memref<1x128x128xf32, #tpu.memory_space<vmem>> -> memref<128x128xf32, #tpu.memory_space<vmem>>
      %dma_start3A_79 = arith.constant 0 : i32
      %dma_start3A_80 = tpu.memref_slice %arg7[%add3A_73, %dma_start3A, %dma_start3A_79] : memref<20x2x128xi32, #tpu.memory_space<vmem>> -> memref<1x1x128xi32, #tpu.memory_space<vmem>>
      %dma_start3A_81 = tpu.memref_squeeze %dma_start3A_80 : memref<1x1x128xi32, #tpu.memory_space<vmem>> -> memref<128xi32, #tpu.memory_space<vmem>>
      %dma_start3A_82 = arith.constant 0 : i32
      %dma_start3A_83 = arith.constant 0 : i32
      %dma_start3A_84 = tpu.memref_slice %arg2[%dma_start3A_82, %dma_start3A_83] : memref<5000x128xf32, #tpu.memory_space<hbm>> -> memref<5000x128xf32, #tpu.memory_space<hbm>>
      tpu.enqueue_indirect_dma source(%dma_start3A_84 : memref<5000x128xf32, #tpu.memory_space<hbm>>) target(%dma_start3A_78 : memref<128x128xf32, #tpu.memory_space<vmem>>) offsets(%dma_start3A_81 : memref<128xi32, #tpu.memory_space<vmem>>) semaphore(%arg9 : memref<!tpu.dma_semaphore, #tpu.memory_space<semaphore_mem>>)
      %add3A_85 = arith.constant 1 : i32
      %add3A_86 = arith.addi %mul3A_71, %add3A_85 : i32
      %dma_start3A_87 = arith.constant 0 : i32
      %dma_start3A_88 = arith.constant 1 : i32
      %dma_start3A_89 = arith.constant 0 : i32
      %dma_start3A_90 = arith.constant 0 : i32
      %dma_start3A_91 = tpu.memref_slice %arg8[%dma_start3A_88, %dma_start3A_89, %dma_start3A_90] : memref<2x128x128xf32, #tpu.memory_space<vmem>> -> memref<1x128x128xf32, #tpu.memory_space<vmem>>
      %dma_start3A_92 = tpu.memref_squeeze %dma_start3A_91 : memref<1x128x128xf32, #tpu.memory_space<vmem>> -> memref<128x128xf32, #tpu.memory_space<vmem>>
      %dma_start3A_93 = arith.constant 0 : i32
      %dma_start3A_94 = tpu.memref_slice %arg7[%add3A_86, %dma_start3A_87, %dma_start3A_93] : memref<20x2x128xi32, #tpu.memory_space<vmem>> -> memref<1x1x128xi32, #tpu.memory_space<vmem>>
      %dma_start3A_95 = tpu.memref_squeeze %dma_start3A_94 : memref<1x1x128xi32, #tpu.memory_space<vmem>> -> memref<128xi32, #tpu.memory_space<vmem>>
      %dma_start3A_96 = arith.constant 0 : i32
      %dma_start3A_97 = arith.constant 0 : i32
      %dma_start3A_98 = tpu.memref_slice %arg2[%dma_start3A_96, %dma_start3A_97] : memref<5000x128xf32, #tpu.memory_space<hbm>> -> memref<5000x128xf32, #tpu.memory_space<hbm>>
      tpu.enqueue_indirect_dma source(%dma_start3A_98 : memref<5000x128xf32, #tpu.memory_space<hbm>>) target(%dma_start3A_92 : memref<128x128xf32, #tpu.memory_space<vmem>>) offsets(%dma_start3A_95 : memref<128xi32, #tpu.memory_space<vmem>>) semaphore(%arg9 : memref<!tpu.dma_semaphore, #tpu.memory_space<semaphore_mem>>)
      %dma_wait3A = arith.constant 0 : i32
      %dma_wait3A_99 = arith.constant 0 : i32
      %dma_wait3A_100 = arith.constant 0 : i32
      %dma_wait3A_101 = arith.constant 0 : i32
      %dma_wait3A_102 = tpu.memref_slice %arg8[%dma_wait3A_99, %dma_wait3A_100, %dma_wait3A_101] : memref<2x128x128xf32, #tpu.memory_space<vmem>> -> memref<1x128x128xf32, #tpu.memory_space<vmem>>
      %dma_wait3A_103 = tpu.memref_squeeze %dma_wait3A_102 : memref<1x128x128xf32, #tpu.memory_space<vmem>> -> memref<128x128xf32, #tpu.memory_space<vmem>>
      %dma_wait3A_104 = arith.constant 0 : i32
      %dma_wait3A_105 = tpu.memref_slice %arg7[%add3A_73, %dma_wait3A, %dma_wait3A_104] : memref<20x2x128xi32, #tpu.memory_space<vmem>> -> memref<1x1x128xi32, #tpu.memory_space<vmem>>
      %dma_wait3A_106 = tpu.memref_squeeze %dma_wait3A_105 : memref<1x1x128xi32, #tpu.memory_space<vmem>> -> memref<128xi32, #tpu.memory_space<vmem>>
      %dma_wait3A_107 = arith.constant 0 : i32
      %dma_wait3A_108 = arith.constant 0 : i32
      %dma_wait3A_109 = tpu.memref_slice %arg2[%dma_wait3A_107, %dma_wait3A_108] : memref<5000x128xf32, #tpu.memory_space<hbm>> -> memref<5000x128xf32, #tpu.memory_space<hbm>>
      tpu.wait_indirect_dma semaphore(%arg9 : memref<!tpu.dma_semaphore, #tpu.memory_space<semaphore_mem>>) src(%dma_wait3A_109 : memref<5000x128xf32, #tpu.memory_space<hbm>>) dst(%dma_wait3A_103 : memref<128x128xf32, #tpu.memory_space<vmem>>)
      %add3A_110 = arith.constant 0 : i32
      %add3A_111 = arith.addi %mul3A_71, %add3A_110 : i32
      %dma_start3A_112 = arith.constant 0 : i32
      %dma_start3A_113 = arith.constant 1 : i32
      %dma_start3A_114 = arith.constant 0 : i32
      %dma_start3A_115 = arith.constant 0 : i32
      %dma_start3A_116 = tpu.memref_slice %arg8[%dma_start3A_112, %dma_start3A_114, %dma_start3A_115] : memref<2x128x128xf32, #tpu.memory_space<vmem>> -> memref<1x128x128xf32, #tpu.memory_space<vmem>>
      %dma_start3A_117 = tpu.memref_squeeze %dma_start3A_116 : memref<1x128x128xf32, #tpu.memory_space<vmem>> -> memref<128x128xf32, #tpu.memory_space<vmem>>
      %dma_start3A_118 = arith.constant 0 : i32
      %dma_start3A_119 = tpu.memref_slice %arg7[%add3A_111, %dma_start3A_113, %dma_start3A_118] : memref<20x2x128xi32, #tpu.memory_space<vmem>> -> memref<1x1x128xi32, #tpu.memory_space<vmem>>
      %dma_start3A_120 = tpu.memref_squeeze %dma_start3A_119 : memref<1x1x128xi32, #tpu.memory_space<vmem>> -> memref<128xi32, #tpu.memory_space<vmem>>
      %dma_start3A_121 = arith.constant 0 : i32
      %dma_start3A_122 = arith.constant 0 : i32
      %dma_start3A_123 = tpu.memref_slice %arg6[%dma_start3A_121, %dma_start3A_122] : memref<10240x128xf32, #tpu.memory_space<vmem_shared>> -> memref<10240x128xf32, #tpu.memory_space<vmem_shared>>
      tpu.enqueue_indirect_dma source(%dma_start3A_117 : memref<128x128xf32, #tpu.memory_space<vmem>>) target(%dma_start3A_123 : memref<10240x128xf32, #tpu.memory_space<vmem_shared>>) offsets(%dma_start3A_120 : memref<128xi32, #tpu.memory_space<vmem>>) semaphore(%arg10 : memref<!tpu.dma_semaphore, #tpu.memory_space<semaphore_mem>>) {add = true}
      %dma_wait3A_124 = arith.constant 0 : i32
      %dma_wait3A_125 = arith.constant 1 : i32
      %dma_wait3A_126 = arith.constant 0 : i32
      %dma_wait3A_127 = arith.constant 0 : i32
      %dma_wait3A_128 = tpu.memref_slice %arg8[%dma_wait3A_125, %dma_wait3A_126, %dma_wait3A_127] : memref<2x128x128xf32, #tpu.memory_space<vmem>> -> memref<1x128x128xf32, #tpu.memory_space<vmem>>
      %dma_wait3A_129 = tpu.memref_squeeze %dma_wait3A_128 : memref<1x128x128xf32, #tpu.memory_space<vmem>> -> memref<128x128xf32, #tpu.memory_space<vmem>>
      %dma_wait3A_130 = arith.constant 0 : i32
      %dma_wait3A_131 = tpu.memref_slice %arg7[%add3A_86, %dma_wait3A_124, %dma_wait3A_130] : memref<20x2x128xi32, #tpu.memory_space<vmem>> -> memref<1x1x128xi32, #tpu.memory_space<vmem>>
      %dma_wait3A_132 = tpu.memref_squeeze %dma_wait3A_131 : memref<1x1x128xi32, #tpu.memory_space<vmem>> -> memref<128xi32, #tpu.memory_space<vmem>>
      %dma_wait3A_133 = arith.constant 0 : i32
      %dma_wait3A_134 = arith.constant 0 : i32
      %dma_wait3A_135 = tpu.memref_slice %arg2[%dma_wait3A_133, %dma_wait3A_134] : memref<5000x128xf32, #tpu.memory_space<hbm>> -> memref<5000x128xf32, #tpu.memory_space<hbm>>
      tpu.wait_indirect_dma semaphore(%arg9 : memref<!tpu.dma_semaphore, #tpu.memory_space<semaphore_mem>>) src(%dma_wait3A_135 : memref<5000x128xf32, #tpu.memory_space<hbm>>) dst(%dma_wait3A_129 : memref<128x128xf32, #tpu.memory_space<vmem>>)
      %add3A_136 = arith.constant 1 : i32
      %add3A_137 = arith.addi %mul3A_71, %add3A_136 : i32
      %dma_start3A_138 = arith.constant 1 : i32
      %dma_start3A_139 = arith.constant 1 : i32
      %dma_start3A_140 = arith.constant 0 : i32
      %dma_start3A_141 = arith.constant 0 : i32
      %dma_start3A_142 = tpu.memref_slice %arg8[%dma_start3A_138, %dma_start3A_140, %dma_start3A_141] : memref<2x128x128xf32, #tpu.memory_space<vmem>> -> memref<1x128x128xf32, #tpu.memory_space<vmem>>
      %dma_start3A_143 = tpu.memref_squeeze %dma_start3A_142 : memref<1x128x128xf32, #tpu.memory_space<vmem>> -> memref<128x128xf32, #tpu.memory_space<vmem>>
      %dma_start3A_144 = arith.constant 0 : i32
      %dma_start3A_145 = tpu.memref_slice %arg7[%add3A_137, %dma_start3A_139, %dma_start3A_144] : memref<20x2x128xi32, #tpu.memory_space<vmem>> -> memref<1x1x128xi32, #tpu.memory_space<vmem>>
      %dma_start3A_146 = tpu.memref_squeeze %dma_start3A_145 : memref<1x1x128xi32, #tpu.memory_space<vmem>> -> memref<128xi32, #tpu.memory_space<vmem>>
      %dma_start3A_147 = arith.constant 0 : i32
      %dma_start3A_148 = arith.constant 0 : i32
      %dma_start3A_149 = tpu.memref_slice %arg6[%dma_start3A_147, %dma_start3A_148] : memref<10240x128xf32, #tpu.memory_space<vmem_shared>> -> memref<10240x128xf32, #tpu.memory_space<vmem_shared>>
      tpu.enqueue_indirect_dma source(%dma_start3A_143 : memref<128x128xf32, #tpu.memory_space<vmem>>) target(%dma_start3A_149 : memref<10240x128xf32, #tpu.memory_space<vmem_shared>>) offsets(%dma_start3A_146 : memref<128xi32, #tpu.memory_space<vmem>>) semaphore(%arg10 : memref<!tpu.dma_semaphore, #tpu.memory_space<semaphore_mem>>) {add = true}
      %dma_wait3A_150 = arith.constant 0 : i32
      %dma_wait3A_151 = arith.constant 1 : i32
      %dma_wait3A_152 = arith.constant 0 : i32
      %dma_wait3A_153 = arith.constant 0 : i32
      %dma_wait3A_154 = tpu.memref_slice %arg8[%dma_wait3A_150, %dma_wait3A_152, %dma_wait3A_153] : memref<2x128x128xf32, #tpu.memory_space<vmem>> -> memref<1x128x128xf32, #tpu.memory_space<vmem>>
      %dma_wait3A_155 = tpu.memref_squeeze %dma_wait3A_154 : memref<1x128x128xf32, #tpu.memory_space<vmem>> -> memref<128x128xf32, #tpu.memory_space<vmem>>
      %dma_wait3A_156 = arith.constant 0 : i32
      %dma_wait3A_157 = tpu.memref_slice %arg7[%add3A_111, %dma_wait3A_151, %dma_wait3A_156] : memref<20x2x128xi32, #tpu.memory_space<vmem>> -> memref<1x1x128xi32, #tpu.memory_space<vmem>>
      %dma_wait3A_158 = tpu.memref_squeeze %dma_wait3A_157 : memref<1x1x128xi32, #tpu.memory_space<vmem>> -> memref<128xi32, #tpu.memory_space<vmem>>
      %dma_wait3A_159 = arith.constant 0 : i32
      %dma_wait3A_160 = arith.constant 0 : i32
      %dma_wait3A_161 = tpu.memref_slice %arg6[%dma_wait3A_159, %dma_wait3A_160] : memref<10240x128xf32, #tpu.memory_space<vmem_shared>> -> memref<10240x128xf32, #tpu.memory_space<vmem_shared>>
      tpu.wait_indirect_dma semaphore(%arg10 : memref<!tpu.dma_semaphore, #tpu.memory_space<semaphore_mem>>) src(%dma_wait3A_155 : memref<128x128xf32, #tpu.memory_space<vmem>>) dst(%dma_wait3A_161 : memref<10240x128xf32, #tpu.memory_space<vmem_shared>>)
      %dma_wait3A_162 = arith.constant 1 : i32
      %dma_wait3A_163 = arith.constant 1 : i32
      %dma_wait3A_164 = arith.constant 0 : i32
      %dma_wait3A_165 = arith.constant 0 : i32
      %dma_wait3A_166 = tpu.memref_slice %arg8[%dma_wait3A_162, %dma_wait3A_164, %dma_wait3A_165] : memref<2x128x128xf32, #tpu.memory_space<vmem>> -> memref<1x128x128xf32, #tpu.memory_space<vmem>>
      %dma_wait3A_167 = tpu.memref_squeeze %dma_wait3A_166 : memref<1x128x128xf32, #tpu.memory_space<vmem>> -> memref<128x128xf32, #tpu.memory_space<vmem>>
      %dma_wait3A_168 = arith.constant 0 : i32
      %dma_wait3A_169 = tpu.memref_slice %arg7[%add3A_137, %dma_wait3A_163, %dma_wait3A_168] : memref<20x2x128xi32, #tpu.memory_space<vmem>> -> memref<1x1x128xi32, #tpu.memory_space<vmem>>
      %dma_wait3A_170 = tpu.memref_squeeze %dma_wait3A_169 : memref<1x1x128xi32, #tpu.memory_space<vmem>> -> memref<128xi32, #tpu.memory_space<vmem>>
      %dma_wait3A_171 = arith.constant 0 : i32
      %dma_wait3A_172 = arith.constant 0 : i32
      %dma_wait3A_173 = tpu.memref_slice %arg6[%dma_wait3A_171, %dma_wait3A_172] : memref<10240x128xf32, #tpu.memory_space<vmem_shared>> -> memref<10240x128xf32, #tpu.memory_space<vmem_shared>>
      tpu.wait_indirect_dma semaphore(%arg10 : memref<!tpu.dma_semaphore, #tpu.memory_space<semaphore_mem>>) src(%dma_wait3A_167 : memref<128x128xf32, #tpu.memory_space<vmem>>) dst(%dma_wait3A_173 : memref<10240x128xf32, #tpu.memory_space<vmem_shared>>)
    }
    %scan3A_45 = arith.constant 10 : i32
    "tpu.region"() ({
      %run_scoped3A_69 = tpu.sem_alloc : memref<!tpu.dma_semaphore, #tpu.memory_space<semaphore_mem>>
      %dma_start3A = arith.constant 20 : i32
      %dma_start3A_70 = arith.constant 0 : i32
      %dma_start3A_71 = arith.constant 0 : i32
      %dma_start3A_72 = tpu.memref_slice %arg3[%add3A, %dma_start3A, %dma_start3A_70, %dma_start3A_71] : memref<32x80x2x128xi32, #tpu.memory_space<hbm>> -> memref<1x20x2x128xi32, #tpu.memory_space<hbm>>
      %dma_start3A_73 = tpu.memref_squeeze %dma_start3A_72 : memref<1x20x2x128xi32, #tpu.memory_space<hbm>> -> memref<20x2x128xi32, #tpu.memory_space<hbm>>
      %dma_start3A_74 = arith.constant 20 : i32
      %dma_start3A_75 = arith.constant 0 : i32
      %dma_start3A_76 = arith.constant 0 : i32
      %dma_start3A_77 = tpu.memref_slice %arg3[%add3A, %dma_start3A_74, %dma_start3A_75, %dma_start3A_76] : memref<32x80x2x128xi32, #tpu.memory_space<hbm>> -> memref<1x20x2x128xi32, #tpu.memory_space<hbm>>
      %dma_start3A_78 = tpu.memref_squeeze %dma_start3A_77 : memref<1x20x2x128xi32, #tpu.memory_space<hbm>> -> memref<20x2x128xi32, #tpu.memory_space<hbm>>
      tpu.enqueue_dma source(%dma_start3A_78 : memref<20x2x128xi32, #tpu.memory_space<hbm>>) target(%arg7 : memref<20x2x128xi32, #tpu.memory_space<vmem>>) target_semaphore(%run_scoped3A_69 : memref<!tpu.dma_semaphore, #tpu.memory_space<semaphore_mem>>)
      %dma_wait3A = arith.constant 20 : i32
      %dma_wait3A_79 = arith.constant 0 : i32
      %dma_wait3A_80 = arith.constant 0 : i32
      %dma_wait3A_81 = tpu.memref_slice %arg3[%add3A, %dma_wait3A, %dma_wait3A_79, %dma_wait3A_80] : memref<32x80x2x128xi32, #tpu.memory_space<hbm>> -> memref<1x20x2x128xi32, #tpu.memory_space<hbm>>
      %dma_wait3A_82 = tpu.memref_squeeze %dma_wait3A_81 : memref<1x20x2x128xi32, #tpu.memory_space<hbm>> -> memref<20x2x128xi32, #tpu.memory_space<hbm>>
      %dma_wait3A_83 = arith.constant 20 : i32
      %dma_wait3A_84 = arith.constant 0 : i32
      %dma_wait3A_85 = arith.constant 0 : i32
      %dma_wait3A_86 = tpu.memref_slice %arg3[%add3A, %dma_wait3A_83, %dma_wait3A_84, %dma_wait3A_85] : memref<32x80x2x128xi32, #tpu.memory_space<hbm>> -> memref<1x20x2x128xi32, #tpu.memory_space<hbm>>
      %dma_wait3A_87 = tpu.memref_squeeze %dma_wait3A_86 : memref<1x20x2x128xi32, #tpu.memory_space<hbm>> -> memref<20x2x128xi32, #tpu.memory_space<hbm>>
      tpu.wait_dma2 semaphore(%run_scoped3A_69 : memref<!tpu.dma_semaphore, #tpu.memory_space<semaphore_mem>>) src(%dma_wait3A_87 : memref<20x2x128xi32, #tpu.memory_space<hbm>>) dst(%arg7 : memref<20x2x128xi32, #tpu.memory_space<vmem>>)
      tpu.yield
    }) : () -> ()
    %scan3A_46 = arith.constant 0 : i32
    %scan3A_47 = arith.constant 0 : i32
    %scan3A_48 = arith.constant 10 : i32
    %scan3A_49 = arith.addi %scan3A_47, %scan3A_48 : i32
    %scan3A_50 = arith.constant 1 : i32
    scf.for %scan3A_69 = %scan3A_47 to %scan3A_49 step %scan3A_50  : i32 {
      %mul3A_70 = arith.constant 2 : i32
      %mul3A_71 = arith.muli %scan3A_69, %mul3A_70 : i32
      %add3A_72 = arith.constant 0 : i32
      %add3A_73 = arith.addi %mul3A_71, %add3A_72 : i32
      %dma_start3A = arith.constant 0 : i32
      %dma_start3A_74 = arith.constant 0 : i32
      %dma_start3A_75 = arith.constant 0 : i32
      %dma_start3A_76 = arith.constant 0 : i32
      %dma_start3A_77 = tpu.memref_slice %arg8[%dma_start3A_74, %dma_start3A_75, %dma_start3A_76] : memref<2x128x128xf32, #tpu.memory_space<vmem>> -> memref<1x128x128xf32, #tpu.memory_space<vmem>>
      %dma_start3A_78 = tpu.memref_squeeze %dma_start3A_77 : memref<1x128x128xf32, #tpu.memory_space<vmem>> -> memref<128x128xf32, #tpu.memory_space<vmem>>
      %dma_start3A_79 = arith.constant 0 : i32
      %dma_start3A_80 = tpu.memref_slice %arg7[%add3A_73, %dma_start3A, %dma_start3A_79] : memref<20x2x128xi32, #tpu.memory_space<vmem>> -> memref<1x1x128xi32, #tpu.memory_space<vmem>>
      %dma_start3A_81 = tpu.memref_squeeze %dma_start3A_80 : memref<1x1x128xi32, #tpu.memory_space<vmem>> -> memref<128xi32, #tpu.memory_space<vmem>>
      %dma_start3A_82 = arith.constant 0 : i32
      %dma_start3A_83 = arith.constant 0 : i32
      %dma_start3A_84 = tpu.memref_slice %arg2[%dma_start3A_82, %dma_start3A_83] : memref<5000x128xf32, #tpu.memory_space<hbm>> -> memref<5000x128xf32, #tpu.memory_space<hbm>>
      tpu.enqueue_indirect_dma source(%dma_start3A_84 : memref<5000x128xf32, #tpu.memory_space<hbm>>) target(%dma_start3A_78 : memref<128x128xf32, #tpu.memory_space<vmem>>) offsets(%dma_start3A_81 : memref<128xi32, #tpu.memory_space<vmem>>) semaphore(%arg9 : memref<!tpu.dma_semaphore, #tpu.memory_space<semaphore_mem>>)
      %add3A_85 = arith.constant 1 : i32
      %add3A_86 = arith.addi %mul3A_71, %add3A_85 : i32
      %dma_start3A_87 = arith.constant 0 : i32
      %dma_start3A_88 = arith.constant 1 : i32
      %dma_start3A_89 = arith.constant 0 : i32
      %dma_start3A_90 = arith.constant 0 : i32
      %dma_start3A_91 = tpu.memref_slice %arg8[%dma_start3A_88, %dma_start3A_89, %dma_start3A_90] : memref<2x128x128xf32, #tpu.memory_space<vmem>> -> memref<1x128x128xf32, #tpu.memory_space<vmem>>
      %dma_start3A_92 = tpu.memref_squeeze %dma_start3A_91 : memref<1x128x128xf32, #tpu.memory_space<vmem>> -> memref<128x128xf32, #tpu.memory_space<vmem>>
      %dma_start3A_93 = arith.constant 0 : i32
      %dma_start3A_94 = tpu.memref_slice %arg7[%add3A_86, %dma_start3A_87, %dma_start3A_93] : memref<20x2x128xi32, #tpu.memory_space<vmem>> -> memref<1x1x128xi32, #tpu.memory_space<vmem>>
      %dma_start3A_95 = tpu.memref_squeeze %dma_start3A_94 : memref<1x1x128xi32, #tpu.memory_space<vmem>> -> memref<128xi32, #tpu.memory_space<vmem>>
      %dma_start3A_96 = arith.constant 0 : i32
      %dma_start3A_97 = arith.constant 0 : i32
      %dma_start3A_98 = tpu.memref_slice %arg2[%dma_start3A_96, %dma_start3A_97] : memref<5000x128xf32, #tpu.memory_space<hbm>> -> memref<5000x128xf32, #tpu.memory_space<hbm>>
      tpu.enqueue_indirect_dma source(%dma_start3A_98 : memref<5000x128xf32, #tpu.memory_space<hbm>>) target(%dma_start3A_92 : memref<128x128xf32, #tpu.memory_space<vmem>>) offsets(%dma_start3A_95 : memref<128xi32, #tpu.memory_space<vmem>>) semaphore(%arg9 : memref<!tpu.dma_semaphore, #tpu.memory_space<semaphore_mem>>)
      %dma_wait3A = arith.constant 0 : i32
      %dma_wait3A_99 = arith.constant 0 : i32
      %dma_wait3A_100 = arith.constant 0 : i32
      %dma_wait3A_101 = arith.constant 0 : i32
      %dma_wait3A_102 = tpu.memref_slice %arg8[%dma_wait3A_99, %dma_wait3A_100, %dma_wait3A_101] : memref<2x128x128xf32, #tpu.memory_space<vmem>> -> memref<1x128x128xf32, #tpu.memory_space<vmem>>
      %dma_wait3A_103 = tpu.memref_squeeze %dma_wait3A_102 : memref<1x128x128xf32, #tpu.memory_space<vmem>> -> memref<128x128xf32, #tpu.memory_space<vmem>>
      %dma_wait3A_104 = arith.constant 0 : i32
      %dma_wait3A_105 = tpu.memref_slice %arg7[%add3A_73, %dma_wait3A, %dma_wait3A_104] : memref<20x2x128xi32, #tpu.memory_space<vmem>> -> memref<1x1x128xi32, #tpu.memory_space<vmem>>
      %dma_wait3A_106 = tpu.memref_squeeze %dma_wait3A_105 : memref<1x1x128xi32, #tpu.memory_space<vmem>> -> memref<128xi32, #tpu.memory_space<vmem>>
      %dma_wait3A_107 = arith.constant 0 : i32
      %dma_wait3A_108 = arith.constant 0 : i32
      %dma_wait3A_109 = tpu.memref_slice %arg2[%dma_wait3A_107, %dma_wait3A_108] : memref<5000x128xf32, #tpu.memory_space<hbm>> -> memref<5000x128xf32, #tpu.memory_space<hbm>>
      tpu.wait_indirect_dma semaphore(%arg9 : memref<!tpu.dma_semaphore, #tpu.memory_space<semaphore_mem>>) src(%dma_wait3A_109 : memref<5000x128xf32, #tpu.memory_space<hbm>>) dst(%dma_wait3A_103 : memref<128x128xf32, #tpu.memory_space<vmem>>)
      %add3A_110 = arith.constant 0 : i32
      %add3A_111 = arith.addi %mul3A_71, %add3A_110 : i32
      %dma_start3A_112 = arith.constant 0 : i32
      %dma_start3A_113 = arith.constant 1 : i32
      %dma_start3A_114 = arith.constant 0 : i32
      %dma_start3A_115 = arith.constant 0 : i32
      %dma_start3A_116 = tpu.memref_slice %arg8[%dma_start3A_112, %dma_start3A_114, %dma_start3A_115] : memref<2x128x128xf32, #tpu.memory_space<vmem>> -> memref<1x128x128xf32, #tpu.memory_space<vmem>>
      %dma_start3A_117 = tpu.memref_squeeze %dma_start3A_116 : memref<1x128x128xf32, #tpu.memory_space<vmem>> -> memref<128x128xf32, #tpu.memory_space<vmem>>
      %dma_start3A_118 = arith.constant 0 : i32
      %dma_start3A_119 = tpu.memref_slice %arg7[%add3A_111, %dma_start3A_113, %dma_start3A_118] : memref<20x2x128xi32, #tpu.memory_space<vmem>> -> memref<1x1x128xi32, #tpu.memory_space<vmem>>
      %dma_start3A_120 = tpu.memref_squeeze %dma_start3A_119 : memref<1x1x128xi32, #tpu.memory_space<vmem>> -> memref<128xi32, #tpu.memory_space<vmem>>
      %dma_start3A_121 = arith.constant 0 : i32
      %dma_start3A_122 = arith.constant 0 : i32
      %dma_start3A_123 = tpu.memref_slice %arg6[%dma_start3A_121, %dma_start3A_122] : memref<10240x128xf32, #tpu.memory_space<vmem_shared>> -> memref<10240x128xf32, #tpu.memory_space<vmem_shared>>
      tpu.enqueue_indirect_dma source(%dma_start3A_117 : memref<128x128xf32, #tpu.memory_space<vmem>>) target(%dma_start3A_123 : memref<10240x128xf32, #tpu.memory_space<vmem_shared>>) offsets(%dma_start3A_120 : memref<128xi32, #tpu.memory_space<vmem>>) semaphore(%arg10 : memref<!tpu.dma_semaphore, #tpu.memory_space<semaphore_mem>>) {add = true}
      %dma_wait3A_124 = arith.constant 0 : i32
      %dma_wait3A_125 = arith.constant 1 : i32
      %dma_wait3A_126 = arith.constant 0 : i32
      %dma_wait3A_127 = arith.constant 0 : i32
      %dma_wait3A_128 = tpu.memref_slice %arg8[%dma_wait3A_125, %dma_wait3A_126, %dma_wait3A_127] : memref<2x128x128xf32, #tpu.memory_space<vmem>> -> memref<1x128x128xf32, #tpu.memory_space<vmem>>
      %dma_wait3A_129 = tpu.memref_squeeze %dma_wait3A_128 : memref<1x128x128xf32, #tpu.memory_space<vmem>> -> memref<128x128xf32, #tpu.memory_space<vmem>>
      %dma_wait3A_130 = arith.constant 0 : i32
      %dma_wait3A_131 = tpu.memref_slice %arg7[%add3A_86, %dma_wait3A_124, %dma_wait3A_130] : memref<20x2x128xi32, #tpu.memory_space<vmem>> -> memref<1x1x128xi32, #tpu.memory_space<vmem>>
      %dma_wait3A_132 = tpu.memref_squeeze %dma_wait3A_131 : memref<1x1x128xi32, #tpu.memory_space<vmem>> -> memref<128xi32, #tpu.memory_space<vmem>>
      %dma_wait3A_133 = arith.constant 0 : i32
      %dma_wait3A_134 = arith.constant 0 : i32
      %dma_wait3A_135 = tpu.memref_slice %arg2[%dma_wait3A_133, %dma_wait3A_134] : memref<5000x128xf32, #tpu.memory_space<hbm>> -> memref<5000x128xf32, #tpu.memory_space<hbm>>
      tpu.wait_indirect_dma semaphore(%arg9 : memref<!tpu.dma_semaphore, #tpu.memory_space<semaphore_mem>>) src(%dma_wait3A_135 : memref<5000x128xf32, #tpu.memory_space<hbm>>) dst(%dma_wait3A_129 : memref<128x128xf32, #tpu.memory_space<vmem>>)
      %add3A_136 = arith.constant 1 : i32
      %add3A_137 = arith.addi %mul3A_71, %add3A_136 : i32
      %dma_start3A_138 = arith.constant 1 : i32
      %dma_start3A_139 = arith.constant 1 : i32
      %dma_start3A_140 = arith.constant 0 : i32
      %dma_start3A_141 = arith.constant 0 : i32
      %dma_start3A_142 = tpu.memref_slice %arg8[%dma_start3A_138, %dma_start3A_140, %dma_start3A_141] : memref<2x128x128xf32, #tpu.memory_space<vmem>> -> memref<1x128x128xf32, #tpu.memory_space<vmem>>
      %dma_start3A_143 = tpu.memref_squeeze %dma_start3A_142 : memref<1x128x128xf32, #tpu.memory_space<vmem>> -> memref<128x128xf32, #tpu.memory_space<vmem>>
      %dma_start3A_144 = arith.constant 0 : i32
      %dma_start3A_145 = tpu.memref_slice %arg7[%add3A_137, %dma_start3A_139, %dma_start3A_144] : memref<20x2x128xi32, #tpu.memory_space<vmem>> -> memref<1x1x128xi32, #tpu.memory_space<vmem>>
      %dma_start3A_146 = tpu.memref_squeeze %dma_start3A_145 : memref<1x1x128xi32, #tpu.memory_space<vmem>> -> memref<128xi32, #tpu.memory_space<vmem>>
      %dma_start3A_147 = arith.constant 0 : i32
      %dma_start3A_148 = arith.constant 0 : i32
      %dma_start3A_149 = tpu.memref_slice %arg6[%dma_start3A_147, %dma_start3A_148] : memref<10240x128xf32, #tpu.memory_space<vmem_shared>> -> memref<10240x128xf32, #tpu.memory_space<vmem_shared>>
      tpu.enqueue_indirect_dma source(%dma_start3A_143 : memref<128x128xf32, #tpu.memory_space<vmem>>) target(%dma_start3A_149 : memref<10240x128xf32, #tpu.memory_space<vmem_shared>>) offsets(%dma_start3A_146 : memref<128xi32, #tpu.memory_space<vmem>>) semaphore(%arg10 : memref<!tpu.dma_semaphore, #tpu.memory_space<semaphore_mem>>) {add = true}
      %dma_wait3A_150 = arith.constant 0 : i32
      %dma_wait3A_151 = arith.constant 1 : i32
      %dma_wait3A_152 = arith.constant 0 : i32
      %dma_wait3A_153 = arith.constant 0 : i32
      %dma_wait3A_154 = tpu.memref_slice %arg8[%dma_wait3A_150, %dma_wait3A_152, %dma_wait3A_153] : memref<2x128x128xf32, #tpu.memory_space<vmem>> -> memref<1x128x128xf32, #tpu.memory_space<vmem>>
      %dma_wait3A_155 = tpu.memref_squeeze %dma_wait3A_154 : memref<1x128x128xf32, #tpu.memory_space<vmem>> -> memref<128x128xf32, #tpu.memory_space<vmem>>
      %dma_wait3A_156 = arith.constant 0 : i32
      %dma_wait3A_157 = tpu.memref_slice %arg7[%add3A_111, %dma_wait3A_151, %dma_wait3A_156] : memref<20x2x128xi32, #tpu.memory_space<vmem>> -> memref<1x1x128xi32, #tpu.memory_space<vmem>>
      %dma_wait3A_158 = tpu.memref_squeeze %dma_wait3A_157 : memref<1x1x128xi32, #tpu.memory_space<vmem>> -> memref<128xi32, #tpu.memory_space<vmem>>
      %dma_wait3A_159 = arith.constant 0 : i32
      %dma_wait3A_160 = arith.constant 0 : i32
      %dma_wait3A_161 = tpu.memref_slice %arg6[%dma_wait3A_159, %dma_wait3A_160] : memref<10240x128xf32, #tpu.memory_space<vmem_shared>> -> memref<10240x128xf32, #tpu.memory_space<vmem_shared>>
      tpu.wait_indirect_dma semaphore(%arg10 : memref<!tpu.dma_semaphore, #tpu.memory_space<semaphore_mem>>) src(%dma_wait3A_155 : memref<128x128xf32, #tpu.memory_space<vmem>>) dst(%dma_wait3A_161 : memref<10240x128xf32, #tpu.memory_space<vmem_shared>>)
      %dma_wait3A_162 = arith.constant 1 : i32
      %dma_wait3A_163 = arith.constant 1 : i32
      %dma_wait3A_164 = arith.constant 0 : i32
      %dma_wait3A_165 = arith.constant 0 : i32
      %dma_wait3A_166 = tpu.memref_slice %arg8[%dma_wait3A_162, %dma_wait3A_164, %dma_wait3A_165] : memref<2x128x128xf32, #tpu.memory_space<vmem>> -> memref<1x128x128xf32, #tpu.memory_space<vmem>>
      %dma_wait3A_167 = tpu.memref_squeeze %dma_wait3A_166 : memref<1x128x128xf32, #tpu.memory_space<vmem>> -> memref<128x128xf32, #tpu.memory_space<vmem>>
      %dma_wait3A_168 = arith.constant 0 : i32
      %dma_wait3A_169 = tpu.memref_slice %arg7[%add3A_137, %dma_wait3A_163, %dma_wait3A_168] : memref<20x2x128xi32, #tpu.memory_space<vmem>> -> memref<1x1x128xi32, #tpu.memory_space<vmem>>
      %dma_wait3A_170 = tpu.memref_squeeze %dma_wait3A_169 : memref<1x1x128xi32, #tpu.memory_space<vmem>> -> memref<128xi32, #tpu.memory_space<vmem>>
      %dma_wait3A_171 = arith.constant 0 : i32
      %dma_wait3A_172 = arith.constant 0 : i32
      %dma_wait3A_173 = tpu.memref_slice %arg6[%dma_wait3A_171, %dma_wait3A_172] : memref<10240x128xf32, #tpu.memory_space<vmem_shared>> -> memref<10240x128xf32, #tpu.memory_space<vmem_shared>>
      tpu.wait_indirect_dma semaphore(%arg10 : memref<!tpu.dma_semaphore, #tpu.memory_space<semaphore_mem>>) src(%dma_wait3A_167 : memref<128x128xf32, #tpu.memory_space<vmem>>) dst(%dma_wait3A_173 : memref<10240x128xf32, #tpu.memory_space<vmem_shared>>)
    }
    %scan3A_51 = arith.constant 10 : i32
    "tpu.region"() ({
      %run_scoped3A_69 = tpu.sem_alloc : memref<!tpu.dma_semaphore, #tpu.memory_space<semaphore_mem>>
      %dma_start3A = arith.constant 40 : i32
      %dma_start3A_70 = arith.constant 0 : i32
      %dma_start3A_71 = arith.constant 0 : i32
      %dma_start3A_72 = tpu.memref_slice %arg3[%add3A, %dma_start3A, %dma_start3A_70, %dma_start3A_71] : memref<32x80x2x128xi32, #tpu.memory_space<hbm>> -> memref<1x20x2x128xi32, #tpu.memory_space<hbm>>
      %dma_start3A_73 = tpu.memref_squeeze %dma_start3A_72 : memref<1x20x2x128xi32, #tpu.memory_space<hbm>> -> memref<20x2x128xi32, #tpu.memory_space<hbm>>
      %dma_start3A_74 = arith.constant 40 : i32
      %dma_start3A_75 = arith.constant 0 : i32
      %dma_start3A_76 = arith.constant 0 : i32
      %dma_start3A_77 = tpu.memref_slice %arg3[%add3A, %dma_start3A_74, %dma_start3A_75, %dma_start3A_76] : memref<32x80x2x128xi32, #tpu.memory_space<hbm>> -> memref<1x20x2x128xi32, #tpu.memory_space<hbm>>
      %dma_start3A_78 = tpu.memref_squeeze %dma_start3A_77 : memref<1x20x2x128xi32, #tpu.memory_space<hbm>> -> memref<20x2x128xi32, #tpu.memory_space<hbm>>
      tpu.enqueue_dma source(%dma_start3A_78 : memref<20x2x128xi32, #tpu.memory_space<hbm>>) target(%arg7 : memref<20x2x128xi32, #tpu.memory_space<vmem>>) target_semaphore(%run_scoped3A_69 : memref<!tpu.dma_semaphore, #tpu.memory_space<semaphore_mem>>)
      %dma_wait3A = arith.constant 40 : i32
      %dma_wait3A_79 = arith.constant 0 : i32
      %dma_wait3A_80 = arith.constant 0 : i32
      %dma_wait3A_81 = tpu.memref_slice %arg3[%add3A, %dma_wait3A, %dma_wait3A_79, %dma_wait3A_80] : memref<32x80x2x128xi32, #tpu.memory_space<hbm>> -> memref<1x20x2x128xi32, #tpu.memory_space<hbm>>
      %dma_wait3A_82 = tpu.memref_squeeze %dma_wait3A_81 : memref<1x20x2x128xi32, #tpu.memory_space<hbm>> -> memref<20x2x128xi32, #tpu.memory_space<hbm>>
      %dma_wait3A_83 = arith.constant 40 : i32
      %dma_wait3A_84 = arith.constant 0 : i32
      %dma_wait3A_85 = arith.constant 0 : i32
      %dma_wait3A_86 = tpu.memref_slice %arg3[%add3A, %dma_wait3A_83, %dma_wait3A_84, %dma_wait3A_85] : memref<32x80x2x128xi32, #tpu.memory_space<hbm>> -> memref<1x20x2x128xi32, #tpu.memory_space<hbm>>
      %dma_wait3A_87 = tpu.memref_squeeze %dma_wait3A_86 : memref<1x20x2x128xi32, #tpu.memory_space<hbm>> -> memref<20x2x128xi32, #tpu.memory_space<hbm>>
      tpu.wait_dma2 semaphore(%run_scoped3A_69 : memref<!tpu.dma_semaphore, #tpu.memory_space<semaphore_mem>>) src(%dma_wait3A_87 : memref<20x2x128xi32, #tpu.memory_space<hbm>>) dst(%arg7 : memref<20x2x128xi32, #tpu.memory_space<vmem>>)
      tpu.yield
    }) : () -> ()
    %scan3A_52 = arith.constant 0 : i32
    %scan3A_53 = arith.constant 0 : i32
    %scan3A_54 = arith.constant 10 : i32
    %scan3A_55 = arith.addi %scan3A_53, %scan3A_54 : i32
    %scan3A_56 = arith.constant 1 : i32
    scf.for %scan3A_69 = %scan3A_53 to %scan3A_55 step %scan3A_56  : i32 {
      %mul3A_70 = arith.constant 2 : i32
      %mul3A_71 = arith.muli %scan3A_69, %mul3A_70 : i32
      %add3A_72 = arith.constant 0 : i32
      %add3A_73 = arith.addi %mul3A_71, %add3A_72 : i32
      %dma_start3A = arith.constant 0 : i32
      %dma_start3A_74 = arith.constant 0 : i32
      %dma_start3A_75 = arith.constant 0 : i32
      %dma_start3A_76 = arith.constant 0 : i32
      %dma_start3A_77 = tpu.memref_slice %arg8[%dma_start3A_74, %dma_start3A_75, %dma_start3A_76] : memref<2x128x128xf32, #tpu.memory_space<vmem>> -> memref<1x128x128xf32, #tpu.memory_space<vmem>>
      %dma_start3A_78 = tpu.memref_squeeze %dma_start3A_77 : memref<1x128x128xf32, #tpu.memory_space<vmem>> -> memref<128x128xf32, #tpu.memory_space<vmem>>
      %dma_start3A_79 = arith.constant 0 : i32
      %dma_start3A_80 = tpu.memref_slice %arg7[%add3A_73, %dma_start3A, %dma_start3A_79] : memref<20x2x128xi32, #tpu.memory_space<vmem>> -> memref<1x1x128xi32, #tpu.memory_space<vmem>>
      %dma_start3A_81 = tpu.memref_squeeze %dma_start3A_80 : memref<1x1x128xi32, #tpu.memory_space<vmem>> -> memref<128xi32, #tpu.memory_space<vmem>>
      %dma_start3A_82 = arith.constant 0 : i32
      %dma_start3A_83 = arith.constant 0 : i32
      %dma_start3A_84 = tpu.memref_slice %arg2[%dma_start3A_82, %dma_start3A_83] : memref<5000x128xf32, #tpu.memory_space<hbm>> -> memref<5000x128xf32, #tpu.memory_space<hbm>>
      tpu.enqueue_indirect_dma source(%dma_start3A_84 : memref<5000x128xf32, #tpu.memory_space<hbm>>) target(%dma_start3A_78 : memref<128x128xf32, #tpu.memory_space<vmem>>) offsets(%dma_start3A_81 : memref<128xi32, #tpu.memory_space<vmem>>) semaphore(%arg9 : memref<!tpu.dma_semaphore, #tpu.memory_space<semaphore_mem>>)
      %add3A_85 = arith.constant 1 : i32
      %add3A_86 = arith.addi %mul3A_71, %add3A_85 : i32
      %dma_start3A_87 = arith.constant 0 : i32
      %dma_start3A_88 = arith.constant 1 : i32
      %dma_start3A_89 = arith.constant 0 : i32
      %dma_start3A_90 = arith.constant 0 : i32
      %dma_start3A_91 = tpu.memref_slice %arg8[%dma_start3A_88, %dma_start3A_89, %dma_start3A_90] : memref<2x128x128xf32, #tpu.memory_space<vmem>> -> memref<1x128x128xf32, #tpu.memory_space<vmem>>
      %dma_start3A_92 = tpu.memref_squeeze %dma_start3A_91 : memref<1x128x128xf32, #tpu.memory_space<vmem>> -> memref<128x128xf32, #tpu.memory_space<vmem>>
      %dma_start3A_93 = arith.constant 0 : i32
      %dma_start3A_94 = tpu.memref_slice %arg7[%add3A_86, %dma_start3A_87, %dma_start3A_93] : memref<20x2x128xi32, #tpu.memory_space<vmem>> -> memref<1x1x128xi32, #tpu.memory_space<vmem>>
      %dma_start3A_95 = tpu.memref_squeeze %dma_start3A_94 : memref<1x1x128xi32, #tpu.memory_space<vmem>> -> memref<128xi32, #tpu.memory_space<vmem>>
      %dma_start3A_96 = arith.constant 0 : i32
      %dma_start3A_97 = arith.constant 0 : i32
      %dma_start3A_98 = tpu.memref_slice %arg2[%dma_start3A_96, %dma_start3A_97] : memref<5000x128xf32, #tpu.memory_space<hbm>> -> memref<5000x128xf32, #tpu.memory_space<hbm>>
      tpu.enqueue_indirect_dma source(%dma_start3A_98 : memref<5000x128xf32, #tpu.memory_space<hbm>>) target(%dma_start3A_92 : memref<128x128xf32, #tpu.memory_space<vmem>>) offsets(%dma_start3A_95 : memref<128xi32, #tpu.memory_space<vmem>>) semaphore(%arg9 : memref<!tpu.dma_semaphore, #tpu.memory_space<semaphore_mem>>)
      %dma_wait3A = arith.constant 0 : i32
      %dma_wait3A_99 = arith.constant 0 : i32
      %dma_wait3A_100 = arith.constant 0 : i32
      %dma_wait3A_101 = arith.constant 0 : i32
      %dma_wait3A_102 = tpu.memref_slice %arg8[%dma_wait3A_99, %dma_wait3A_100, %dma_wait3A_101] : memref<2x128x128xf32, #tpu.memory_space<vmem>> -> memref<1x128x128xf32, #tpu.memory_space<vmem>>
      %dma_wait3A_103 = tpu.memref_squeeze %dma_wait3A_102 : memref<1x128x128xf32, #tpu.memory_space<vmem>> -> memref<128x128xf32, #tpu.memory_space<vmem>>
      %dma_wait3A_104 = arith.constant 0 : i32
      %dma_wait3A_105 = tpu.memref_slice %arg7[%add3A_73, %dma_wait3A, %dma_wait3A_104] : memref<20x2x128xi32, #tpu.memory_space<vmem>> -> memref<1x1x128xi32, #tpu.memory_space<vmem>>
      %dma_wait3A_106 = tpu.memref_squeeze %dma_wait3A_105 : memref<1x1x128xi32, #tpu.memory_space<vmem>> -> memref<128xi32, #tpu.memory_space<vmem>>
      %dma_wait3A_107 = arith.constant 0 : i32
      %dma_wait3A_108 = arith.constant 0 : i32
      %dma_wait3A_109 = tpu.memref_slice %arg2[%dma_wait3A_107, %dma_wait3A_108] : memref<5000x128xf32, #tpu.memory_space<hbm>> -> memref<5000x128xf32, #tpu.memory_space<hbm>>
      tpu.wait_indirect_dma semaphore(%arg9 : memref<!tpu.dma_semaphore, #tpu.memory_space<semaphore_mem>>) src(%dma_wait3A_109 : memref<5000x128xf32, #tpu.memory_space<hbm>>) dst(%dma_wait3A_103 : memref<128x128xf32, #tpu.memory_space<vmem>>)
      %add3A_110 = arith.constant 0 : i32
      %add3A_111 = arith.addi %mul3A_71, %add3A_110 : i32
      %dma_start3A_112 = arith.constant 0 : i32
      %dma_start3A_113 = arith.constant 1 : i32
      %dma_start3A_114 = arith.constant 0 : i32
      %dma_start3A_115 = arith.constant 0 : i32
      %dma_start3A_116 = tpu.memref_slice %arg8[%dma_start3A_112, %dma_start3A_114, %dma_start3A_115] : memref<2x128x128xf32, #tpu.memory_space<vmem>> -> memref<1x128x128xf32, #tpu.memory_space<vmem>>
      %dma_start3A_117 = tpu.memref_squeeze %dma_start3A_116 : memref<1x128x128xf32, #tpu.memory_space<vmem>> -> memref<128x128xf32, #tpu.memory_space<vmem>>
      %dma_start3A_118 = arith.constant 0 : i32
      %dma_start3A_119 = tpu.memref_slice %arg7[%add3A_111, %dma_start3A_113, %dma_start3A_118] : memref<20x2x128xi32, #tpu.memory_space<vmem>> -> memref<1x1x128xi32, #tpu.memory_space<vmem>>
      %dma_start3A_120 = tpu.memref_squeeze %dma_start3A_119 : memref<1x1x128xi32, #tpu.memory_space<vmem>> -> memref<128xi32, #tpu.memory_space<vmem>>
      %dma_start3A_121 = arith.constant 0 : i32
      %dma_start3A_122 = arith.constant 0 : i32
      %dma_start3A_123 = tpu.memref_slice %arg6[%dma_start3A_121, %dma_start3A_122] : memref<10240x128xf32, #tpu.memory_space<vmem_shared>> -> memref<10240x128xf32, #tpu.memory_space<vmem_shared>>
      tpu.enqueue_indirect_dma source(%dma_start3A_117 : memref<128x128xf32, #tpu.memory_space<vmem>>) target(%dma_start3A_123 : memref<10240x128xf32, #tpu.memory_space<vmem_shared>>) offsets(%dma_start3A_120 : memref<128xi32, #tpu.memory_space<vmem>>) semaphore(%arg10 : memref<!tpu.dma_semaphore, #tpu.memory_space<semaphore_mem>>) {add = true}
      %dma_wait3A_124 = arith.constant 0 : i32
      %dma_wait3A_125 = arith.constant 1 : i32
      %dma_wait3A_126 = arith.constant 0 : i32
      %dma_wait3A_127 = arith.constant 0 : i32
      %dma_wait3A_128 = tpu.memref_slice %arg8[%dma_wait3A_125, %dma_wait3A_126, %dma_wait3A_127] : memref<2x128x128xf32, #tpu.memory_space<vmem>> -> memref<1x128x128xf32, #tpu.memory_space<vmem>>
      %dma_wait3A_129 = tpu.memref_squeeze %dma_wait3A_128 : memref<1x128x128xf32, #tpu.memory_space<vmem>> -> memref<128x128xf32, #tpu.memory_space<vmem>>
      %dma_wait3A_130 = arith.constant 0 : i32
      %dma_wait3A_131 = tpu.memref_slice %arg7[%add3A_86, %dma_wait3A_124, %dma_wait3A_130] : memref<20x2x128xi32, #tpu.memory_space<vmem>> -> memref<1x1x128xi32, #tpu.memory_space<vmem>>
      %dma_wait3A_132 = tpu.memref_squeeze %dma_wait3A_131 : memref<1x1x128xi32, #tpu.memory_space<vmem>> -> memref<128xi32, #tpu.memory_space<vmem>>
      %dma_wait3A_133 = arith.constant 0 : i32
      %dma_wait3A_134 = arith.constant 0 : i32
      %dma_wait3A_135 = tpu.memref_slice %arg2[%dma_wait3A_133, %dma_wait3A_134] : memref<5000x128xf32, #tpu.memory_space<hbm>> -> memref<5000x128xf32, #tpu.memory_space<hbm>>
      tpu.wait_indirect_dma semaphore(%arg9 : memref<!tpu.dma_semaphore, #tpu.memory_space<semaphore_mem>>) src(%dma_wait3A_135 : memref<5000x128xf32, #tpu.memory_space<hbm>>) dst(%dma_wait3A_129 : memref<128x128xf32, #tpu.memory_space<vmem>>)
      %add3A_136 = arith.constant 1 : i32
      %add3A_137 = arith.addi %mul3A_71, %add3A_136 : i32
      %dma_start3A_138 = arith.constant 1 : i32
      %dma_start3A_139 = arith.constant 1 : i32
      %dma_start3A_140 = arith.constant 0 : i32
      %dma_start3A_141 = arith.constant 0 : i32
      %dma_start3A_142 = tpu.memref_slice %arg8[%dma_start3A_138, %dma_start3A_140, %dma_start3A_141] : memref<2x128x128xf32, #tpu.memory_space<vmem>> -> memref<1x128x128xf32, #tpu.memory_space<vmem>>
      %dma_start3A_143 = tpu.memref_squeeze %dma_start3A_142 : memref<1x128x128xf32, #tpu.memory_space<vmem>> -> memref<128x128xf32, #tpu.memory_space<vmem>>
      %dma_start3A_144 = arith.constant 0 : i32
      %dma_start3A_145 = tpu.memref_slice %arg7[%add3A_137, %dma_start3A_139, %dma_start3A_144] : memref<20x2x128xi32, #tpu.memory_space<vmem>> -> memref<1x1x128xi32, #tpu.memory_space<vmem>>
      %dma_start3A_146 = tpu.memref_squeeze %dma_start3A_145 : memref<1x1x128xi32, #tpu.memory_space<vmem>> -> memref<128xi32, #tpu.memory_space<vmem>>
      %dma_start3A_147 = arith.constant 0 : i32
      %dma_start3A_148 = arith.constant 0 : i32
      %dma_start3A_149 = tpu.memref_slice %arg6[%dma_start3A_147, %dma_start3A_148] : memref<10240x128xf32, #tpu.memory_space<vmem_shared>> -> memref<10240x128xf32, #tpu.memory_space<vmem_shared>>
      tpu.enqueue_indirect_dma source(%dma_start3A_143 : memref<128x128xf32, #tpu.memory_space<vmem>>) target(%dma_start3A_149 : memref<10240x128xf32, #tpu.memory_space<vmem_shared>>) offsets(%dma_start3A_146 : memref<128xi32, #tpu.memory_space<vmem>>) semaphore(%arg10 : memref<!tpu.dma_semaphore, #tpu.memory_space<semaphore_mem>>) {add = true}
      %dma_wait3A_150 = arith.constant 0 : i32
      %dma_wait3A_151 = arith.constant 1 : i32
      %dma_wait3A_152 = arith.constant 0 : i32
      %dma_wait3A_153 = arith.constant 0 : i32
      %dma_wait3A_154 = tpu.memref_slice %arg8[%dma_wait3A_150, %dma_wait3A_152, %dma_wait3A_153] : memref<2x128x128xf32, #tpu.memory_space<vmem>> -> memref<1x128x128xf32, #tpu.memory_space<vmem>>
      %dma_wait3A_155 = tpu.memref_squeeze %dma_wait3A_154 : memref<1x128x128xf32, #tpu.memory_space<vmem>> -> memref<128x128xf32, #tpu.memory_space<vmem>>
      %dma_wait3A_156 = arith.constant 0 : i32
      %dma_wait3A_157 = tpu.memref_slice %arg7[%add3A_111, %dma_wait3A_151, %dma_wait3A_156] : memref<20x2x128xi32, #tpu.memory_space<vmem>> -> memref<1x1x128xi32, #tpu.memory_space<vmem>>
      %dma_wait3A_158 = tpu.memref_squeeze %dma_wait3A_157 : memref<1x1x128xi32, #tpu.memory_space<vmem>> -> memref<128xi32, #tpu.memory_space<vmem>>
      %dma_wait3A_159 = arith.constant 0 : i32
      %dma_wait3A_160 = arith.constant 0 : i32
      %dma_wait3A_161 = tpu.memref_slice %arg6[%dma_wait3A_159, %dma_wait3A_160] : memref<10240x128xf32, #tpu.memory_space<vmem_shared>> -> memref<10240x128xf32, #tpu.memory_space<vmem_shared>>
      tpu.wait_indirect_dma semaphore(%arg10 : memref<!tpu.dma_semaphore, #tpu.memory_space<semaphore_mem>>) src(%dma_wait3A_155 : memref<128x128xf32, #tpu.memory_space<vmem>>) dst(%dma_wait3A_161 : memref<10240x128xf32, #tpu.memory_space<vmem_shared>>)
      %dma_wait3A_162 = arith.constant 1 : i32
      %dma_wait3A_163 = arith.constant 1 : i32
      %dma_wait3A_164 = arith.constant 0 : i32
      %dma_wait3A_165 = arith.constant 0 : i32
      %dma_wait3A_166 = tpu.memref_slice %arg8[%dma_wait3A_162, %dma_wait3A_164, %dma_wait3A_165] : memref<2x128x128xf32, #tpu.memory_space<vmem>> -> memref<1x128x128xf32, #tpu.memory_space<vmem>>
      %dma_wait3A_167 = tpu.memref_squeeze %dma_wait3A_166 : memref<1x128x128xf32, #tpu.memory_space<vmem>> -> memref<128x128xf32, #tpu.memory_space<vmem>>
      %dma_wait3A_168 = arith.constant 0 : i32
      %dma_wait3A_169 = tpu.memref_slice %arg7[%add3A_137, %dma_wait3A_163, %dma_wait3A_168] : memref<20x2x128xi32, #tpu.memory_space<vmem>> -> memref<1x1x128xi32, #tpu.memory_space<vmem>>
      %dma_wait3A_170 = tpu.memref_squeeze %dma_wait3A_169 : memref<1x1x128xi32, #tpu.memory_space<vmem>> -> memref<128xi32, #tpu.memory_space<vmem>>
      %dma_wait3A_171 = arith.constant 0 : i32
      %dma_wait3A_172 = arith.constant 0 : i32
      %dma_wait3A_173 = tpu.memref_slice %arg6[%dma_wait3A_171, %dma_wait3A_172] : memref<10240x128xf32, #tpu.memory_space<vmem_shared>> -> memref<10240x128xf32, #tpu.memory_space<vmem_shared>>
      tpu.wait_indirect_dma semaphore(%arg10 : memref<!tpu.dma_semaphore, #tpu.memory_space<semaphore_mem>>) src(%dma_wait3A_167 : memref<128x128xf32, #tpu.memory_space<vmem>>) dst(%dma_wait3A_173 : memref<10240x128xf32, #tpu.memory_space<vmem_shared>>)
    }
    %scan3A_57 = arith.constant 10 : i32
    "tpu.region"() ({
      %run_scoped3A_69 = tpu.sem_alloc : memref<!tpu.dma_semaphore, #tpu.memory_space<semaphore_mem>>
      %dma_start3A = arith.constant 60 : i32
      %dma_start3A_70 = arith.constant 0 : i32
      %dma_start3A_71 = arith.constant 0 : i32
      %dma_start3A_72 = tpu.memref_slice %arg3[%add3A, %dma_start3A, %dma_start3A_70, %dma_start3A_71] : memref<32x80x2x128xi32, #tpu.memory_space<hbm>> -> memref<1x20x2x128xi32, #tpu.memory_space<hbm>>
      %dma_start3A_73 = tpu.memref_squeeze %dma_start3A_72 : memref<1x20x2x128xi32, #tpu.memory_space<hbm>> -> memref<20x2x128xi32, #tpu.memory_space<hbm>>
      %dma_start3A_74 = arith.constant 60 : i32
      %dma_start3A_75 = arith.constant 0 : i32
      %dma_start3A_76 = arith.constant 0 : i32
      %dma_start3A_77 = tpu.memref_slice %arg3[%add3A, %dma_start3A_74, %dma_start3A_75, %dma_start3A_76] : memref<32x80x2x128xi32, #tpu.memory_space<hbm>> -> memref<1x20x2x128xi32, #tpu.memory_space<hbm>>
      %dma_start3A_78 = tpu.memref_squeeze %dma_start3A_77 : memref<1x20x2x128xi32, #tpu.memory_space<hbm>> -> memref<20x2x128xi32, #tpu.memory_space<hbm>>
      tpu.enqueue_dma source(%dma_start3A_78 : memref<20x2x128xi32, #tpu.memory_space<hbm>>) target(%arg7 : memref<20x2x128xi32, #tpu.memory_space<vmem>>) target_semaphore(%run_scoped3A_69 : memref<!tpu.dma_semaphore, #tpu.memory_space<semaphore_mem>>)
      %dma_wait3A = arith.constant 60 : i32
      %dma_wait3A_79 = arith.constant 0 : i32
      %dma_wait3A_80 = arith.constant 0 : i32
      %dma_wait3A_81 = tpu.memref_slice %arg3[%add3A, %dma_wait3A, %dma_wait3A_79, %dma_wait3A_80] : memref<32x80x2x128xi32, #tpu.memory_space<hbm>> -> memref<1x20x2x128xi32, #tpu.memory_space<hbm>>
      %dma_wait3A_82 = tpu.memref_squeeze %dma_wait3A_81 : memref<1x20x2x128xi32, #tpu.memory_space<hbm>> -> memref<20x2x128xi32, #tpu.memory_space<hbm>>
      %dma_wait3A_83 = arith.constant 60 : i32
      %dma_wait3A_84 = arith.constant 0 : i32
      %dma_wait3A_85 = arith.constant 0 : i32
      %dma_wait3A_86 = tpu.memref_slice %arg3[%add3A, %dma_wait3A_83, %dma_wait3A_84, %dma_wait3A_85] : memref<32x80x2x128xi32, #tpu.memory_space<hbm>> -> memref<1x20x2x128xi32, #tpu.memory_space<hbm>>
      %dma_wait3A_87 = tpu.memref_squeeze %dma_wait3A_86 : memref<1x20x2x128xi32, #tpu.memory_space<hbm>> -> memref<20x2x128xi32, #tpu.memory_space<hbm>>
      tpu.wait_dma2 semaphore(%run_scoped3A_69 : memref<!tpu.dma_semaphore, #tpu.memory_space<semaphore_mem>>) src(%dma_wait3A_87 : memref<20x2x128xi32, #tpu.memory_space<hbm>>) dst(%arg7 : memref<20x2x128xi32, #tpu.memory_space<vmem>>)
      tpu.yield
    }) : () -> ()
    %scan3A_58 = arith.constant 0 : i32
    %scan3A_59 = arith.constant 0 : i32
    %scan3A_60 = arith.constant 10 : i32
    %scan3A_61 = arith.addi %scan3A_59, %scan3A_60 : i32
    %scan3A_62 = arith.constant 1 : i32
    scf.for %scan3A_69 = %scan3A_59 to %scan3A_61 step %scan3A_62  : i32 {
      %mul3A_70 = arith.constant 2 : i32
      %mul3A_71 = arith.muli %scan3A_69, %mul3A_70 : i32
      %add3A_72 = arith.constant 0 : i32
      %add3A_73 = arith.addi %mul3A_71, %add3A_72 : i32
      %dma_start3A = arith.constant 0 : i32
      %dma_start3A_74 = arith.constant 0 : i32
      %dma_start3A_75 = arith.constant 0 : i32
      %dma_start3A_76 = arith.constant 0 : i32
      %dma_start3A_77 = tpu.memref_slice %arg8[%dma_start3A_74, %dma_start3A_75, %dma_start3A_76] : memref<2x128x128xf32, #tpu.memory_space<vmem>> -> memref<1x128x128xf32, #tpu.memory_space<vmem>>
      %dma_start3A_78 = tpu.memref_squeeze %dma_start3A_77 : memref<1x128x128xf32, #tpu.memory_space<vmem>> -> memref<128x128xf32, #tpu.memory_space<vmem>>
      %dma_start3A_79 = arith.constant 0 : i32
      %dma_start3A_80 = tpu.memref_slice %arg7[%add3A_73, %dma_start3A, %dma_start3A_79] : memref<20x2x128xi32, #tpu.memory_space<vmem>> -> memref<1x1x128xi32, #tpu.memory_space<vmem>>
      %dma_start3A_81 = tpu.memref_squeeze %dma_start3A_80 : memref<1x1x128xi32, #tpu.memory_space<vmem>> -> memref<128xi32, #tpu.memory_space<vmem>>
      %dma_start3A_82 = arith.constant 0 : i32
      %dma_start3A_83 = arith.constant 0 : i32
      %dma_start3A_84 = tpu.memref_slice %arg2[%dma_start3A_82, %dma_start3A_83] : memref<5000x128xf32, #tpu.memory_space<hbm>> -> memref<5000x128xf32, #tpu.memory_space<hbm>>
      tpu.enqueue_indirect_dma source(%dma_start3A_84 : memref<5000x128xf32, #tpu.memory_space<hbm>>) target(%dma_start3A_78 : memref<128x128xf32, #tpu.memory_space<vmem>>) offsets(%dma_start3A_81 : memref<128xi32, #tpu.memory_space<vmem>>) semaphore(%arg9 : memref<!tpu.dma_semaphore, #tpu.memory_space<semaphore_mem>>)
      %add3A_85 = arith.constant 1 : i32
      %add3A_86 = arith.addi %mul3A_71, %add3A_85 : i32
      %dma_start3A_87 = arith.constant 0 : i32
      %dma_start3A_88 = arith.constant 1 : i32
      %dma_start3A_89 = arith.constant 0 : i32
      %dma_start3A_90 = arith.constant 0 : i32
      %dma_start3A_91 = tpu.memref_slice %arg8[%dma_start3A_88, %dma_start3A_89, %dma_start3A_90] : memref<2x128x128xf32, #tpu.memory_space<vmem>> -> memref<1x128x128xf32, #tpu.memory_space<vmem>>
      %dma_start3A_92 = tpu.memref_squeeze %dma_start3A_91 : memref<1x128x128xf32, #tpu.memory_space<vmem>> -> memref<128x128xf32, #tpu.memory_space<vmem>>
      %dma_start3A_93 = arith.constant 0 : i32
      %dma_start3A_94 = tpu.memref_slice %arg7[%add3A_86, %dma_start3A_87, %dma_start3A_93] : memref<20x2x128xi32, #tpu.memory_space<vmem>> -> memref<1x1x128xi32, #tpu.memory_space<vmem>>
      %dma_start3A_95 = tpu.memref_squeeze %dma_start3A_94 : memref<1x1x128xi32, #tpu.memory_space<vmem>> -> memref<128xi32, #tpu.memory_space<vmem>>
      %dma_start3A_96 = arith.constant 0 : i32
      %dma_start3A_97 = arith.constant 0 : i32
      %dma_start3A_98 = tpu.memref_slice %arg2[%dma_start3A_96, %dma_start3A_97] : memref<5000x128xf32, #tpu.memory_space<hbm>> -> memref<5000x128xf32, #tpu.memory_space<hbm>>
      tpu.enqueue_indirect_dma source(%dma_start3A_98 : memref<5000x128xf32, #tpu.memory_space<hbm>>) target(%dma_start3A_92 : memref<128x128xf32, #tpu.memory_space<vmem>>) offsets(%dma_start3A_95 : memref<128xi32, #tpu.memory_space<vmem>>) semaphore(%arg9 : memref<!tpu.dma_semaphore, #tpu.memory_space<semaphore_mem>>)
      %dma_wait3A = arith.constant 0 : i32
      %dma_wait3A_99 = arith.constant 0 : i32
      %dma_wait3A_100 = arith.constant 0 : i32
      %dma_wait3A_101 = arith.constant 0 : i32
      %dma_wait3A_102 = tpu.memref_slice %arg8[%dma_wait3A_99, %dma_wait3A_100, %dma_wait3A_101] : memref<2x128x128xf32, #tpu.memory_space<vmem>> -> memref<1x128x128xf32, #tpu.memory_space<vmem>>
      %dma_wait3A_103 = tpu.memref_squeeze %dma_wait3A_102 : memref<1x128x128xf32, #tpu.memory_space<vmem>> -> memref<128x128xf32, #tpu.memory_space<vmem>>
      %dma_wait3A_104 = arith.constant 0 : i32
      %dma_wait3A_105 = tpu.memref_slice %arg7[%add3A_73, %dma_wait3A, %dma_wait3A_104] : memref<20x2x128xi32, #tpu.memory_space<vmem>> -> memref<1x1x128xi32, #tpu.memory_space<vmem>>
      %dma_wait3A_106 = tpu.memref_squeeze %dma_wait3A_105 : memref<1x1x128xi32, #tpu.memory_space<vmem>> -> memref<128xi32, #tpu.memory_space<vmem>>
      %dma_wait3A_107 = arith.constant 0 : i32
      %dma_wait3A_108 = arith.constant 0 : i32
      %dma_wait3A_109 = tpu.memref_slice %arg2[%dma_wait3A_107, %dma_wait3A_108] : memref<5000x128xf32, #tpu.memory_space<hbm>> -> memref<5000x128xf32, #tpu.memory_space<hbm>>
      tpu.wait_indirect_dma semaphore(%arg9 : memref<!tpu.dma_semaphore, #tpu.memory_space<semaphore_mem>>) src(%dma_wait3A_109 : memref<5000x128xf32, #tpu.memory_space<hbm>>) dst(%dma_wait3A_103 : memref<128x128xf32, #tpu.memory_space<vmem>>)
      %add3A_110 = arith.constant 0 : i32
      %add3A_111 = arith.addi %mul3A_71, %add3A_110 : i32
      %dma_start3A_112 = arith.constant 0 : i32
      %dma_start3A_113 = arith.constant 1 : i32
      %dma_start3A_114 = arith.constant 0 : i32
      %dma_start3A_115 = arith.constant 0 : i32
      %dma_start3A_116 = tpu.memref_slice %arg8[%dma_start3A_112, %dma_start3A_114, %dma_start3A_115] : memref<2x128x128xf32, #tpu.memory_space<vmem>> -> memref<1x128x128xf32, #tpu.memory_space<vmem>>
      %dma_start3A_117 = tpu.memref_squeeze %dma_start3A_116 : memref<1x128x128xf32, #tpu.memory_space<vmem>> -> memref<128x128xf32, #tpu.memory_space<vmem>>
      %dma_start3A_118 = arith.constant 0 : i32
      %dma_start3A_119 = tpu.memref_slice %arg7[%add3A_111, %dma_start3A_113, %dma_start3A_118] : memref<20x2x128xi32, #tpu.memory_space<vmem>> -> memref<1x1x128xi32, #tpu.memory_space<vmem>>
      %dma_start3A_120 = tpu.memref_squeeze %dma_start3A_119 : memref<1x1x128xi32, #tpu.memory_space<vmem>> -> memref<128xi32, #tpu.memory_space<vmem>>
      %dma_start3A_121 = arith.constant 0 : i32
      %dma_start3A_122 = arith.constant 0 : i32
      %dma_start3A_123 = tpu.memref_slice %arg6[%dma_start3A_121, %dma_start3A_122] : memref<10240x128xf32, #tpu.memory_space<vmem_shared>> -> memref<10240x128xf32, #tpu.memory_space<vmem_shared>>
      tpu.enqueue_indirect_dma source(%dma_start3A_117 : memref<128x128xf32, #tpu.memory_space<vmem>>) target(%dma_start3A_123 : memref<10240x128xf32, #tpu.memory_space<vmem_shared>>) offsets(%dma_start3A_120 : memref<128xi32, #tpu.memory_space<vmem>>) semaphore(%arg10 : memref<!tpu.dma_semaphore, #tpu.memory_space<semaphore_mem>>) {add = true}
      %dma_wait3A_124 = arith.constant 0 : i32
      %dma_wait3A_125 = arith.constant 1 : i32
      %dma_wait3A_126 = arith.constant 0 : i32
      %dma_wait3A_127 = arith.constant 0 : i32
      %dma_wait3A_128 = tpu.memref_slice %arg8[%dma_wait3A_125, %dma_wait3A_126, %dma_wait3A_127] : memref<2x128x128xf32, #tpu.memory_space<vmem>> -> memref<1x128x128xf32, #tpu.memory_space<vmem>>
      %dma_wait3A_129 = tpu.memref_squeeze %dma_wait3A_128 : memref<1x128x128xf32, #tpu.memory_space<vmem>> -> memref<128x128xf32, #tpu.memory_space<vmem>>
      %dma_wait3A_130 = arith.constant 0 : i32
      %dma_wait3A_131 = tpu.memref_slice %arg7[%add3A_86, %dma_wait3A_124, %dma_wait3A_130] : memref<20x2x128xi32, #tpu.memory_space<vmem>> -> memref<1x1x128xi32, #tpu.memory_space<vmem>>
      %dma_wait3A_132 = tpu.memref_squeeze %dma_wait3A_131 : memref<1x1x128xi32, #tpu.memory_space<vmem>> -> memref<128xi32, #tpu.memory_space<vmem>>
      %dma_wait3A_133 = arith.constant 0 : i32
      %dma_wait3A_134 = arith.constant 0 : i32
      %dma_wait3A_135 = tpu.memref_slice %arg2[%dma_wait3A_133, %dma_wait3A_134] : memref<5000x128xf32, #tpu.memory_space<hbm>> -> memref<5000x128xf32, #tpu.memory_space<hbm>>
      tpu.wait_indirect_dma semaphore(%arg9 : memref<!tpu.dma_semaphore, #tpu.memory_space<semaphore_mem>>) src(%dma_wait3A_135 : memref<5000x128xf32, #tpu.memory_space<hbm>>) dst(%dma_wait3A_129 : memref<128x128xf32, #tpu.memory_space<vmem>>)
      %add3A_136 = arith.constant 1 : i32
      %add3A_137 = arith.addi %mul3A_71, %add3A_136 : i32
      %dma_start3A_138 = arith.constant 1 : i32
      %dma_start3A_139 = arith.constant 1 : i32
      %dma_start3A_140 = arith.constant 0 : i32
      %dma_start3A_141 = arith.constant 0 : i32
      %dma_start3A_142 = tpu.memref_slice %arg8[%dma_start3A_138, %dma_start3A_140, %dma_start3A_141] : memref<2x128x128xf32, #tpu.memory_space<vmem>> -> memref<1x128x128xf32, #tpu.memory_space<vmem>>
      %dma_start3A_143 = tpu.memref_squeeze %dma_start3A_142 : memref<1x128x128xf32, #tpu.memory_space<vmem>> -> memref<128x128xf32, #tpu.memory_space<vmem>>
      %dma_start3A_144 = arith.constant 0 : i32
      %dma_start3A_145 = tpu.memref_slice %arg7[%add3A_137, %dma_start3A_139, %dma_start3A_144] : memref<20x2x128xi32, #tpu.memory_space<vmem>> -> memref<1x1x128xi32, #tpu.memory_space<vmem>>
      %dma_start3A_146 = tpu.memref_squeeze %dma_start3A_145 : memref<1x1x128xi32, #tpu.memory_space<vmem>> -> memref<128xi32, #tpu.memory_space<vmem>>
      %dma_start3A_147 = arith.constant 0 : i32
      %dma_start3A_148 = arith.constant 0 : i32
      %dma_start3A_149 = tpu.memref_slice %arg6[%dma_start3A_147, %dma_start3A_148] : memref<10240x128xf32, #tpu.memory_space<vmem_shared>> -> memref<10240x128xf32, #tpu.memory_space<vmem_shared>>
      tpu.enqueue_indirect_dma source(%dma_start3A_143 : memref<128x128xf32, #tpu.memory_space<vmem>>) target(%dma_start3A_149 : memref<10240x128xf32, #tpu.memory_space<vmem_shared>>) offsets(%dma_start3A_146 : memref<128xi32, #tpu.memory_space<vmem>>) semaphore(%arg10 : memref<!tpu.dma_semaphore, #tpu.memory_space<semaphore_mem>>) {add = true}
      %dma_wait3A_150 = arith.constant 0 : i32
      %dma_wait3A_151 = arith.constant 1 : i32
      %dma_wait3A_152 = arith.constant 0 : i32
      %dma_wait3A_153 = arith.constant 0 : i32
      %dma_wait3A_154 = tpu.memref_slice %arg8[%dma_wait3A_150, %dma_wait3A_152, %dma_wait3A_153] : memref<2x128x128xf32, #tpu.memory_space<vmem>> -> memref<1x128x128xf32, #tpu.memory_space<vmem>>
      %dma_wait3A_155 = tpu.memref_squeeze %dma_wait3A_154 : memref<1x128x128xf32, #tpu.memory_space<vmem>> -> memref<128x128xf32, #tpu.memory_space<vmem>>
      %dma_wait3A_156 = arith.constant 0 : i32
      %dma_wait3A_157 = tpu.memref_slice %arg7[%add3A_111, %dma_wait3A_151, %dma_wait3A_156] : memref<20x2x128xi32, #tpu.memory_space<vmem>> -> memref<1x1x128xi32, #tpu.memory_space<vmem>>
      %dma_wait3A_158 = tpu.memref_squeeze %dma_wait3A_157 : memref<1x1x128xi32, #tpu.memory_space<vmem>> -> memref<128xi32, #tpu.memory_space<vmem>>
      %dma_wait3A_159 = arith.constant 0 : i32
      %dma_wait3A_160 = arith.constant 0 : i32
      %dma_wait3A_161 = tpu.memref_slice %arg6[%dma_wait3A_159, %dma_wait3A_160] : memref<10240x128xf32, #tpu.memory_space<vmem_shared>> -> memref<10240x128xf32, #tpu.memory_space<vmem_shared>>
      tpu.wait_indirect_dma semaphore(%arg10 : memref<!tpu.dma_semaphore, #tpu.memory_space<semaphore_mem>>) src(%dma_wait3A_155 : memref<128x128xf32, #tpu.memory_space<vmem>>) dst(%dma_wait3A_161 : memref<10240x128xf32, #tpu.memory_space<vmem_shared>>)
      %dma_wait3A_162 = arith.constant 1 : i32
      %dma_wait3A_163 = arith.constant 1 : i32
      %dma_wait3A_164 = arith.constant 0 : i32
      %dma_wait3A_165 = arith.constant 0 : i32
      %dma_wait3A_166 = tpu.memref_slice %arg8[%dma_wait3A_162, %dma_wait3A_164, %dma_wait3A_165] : memref<2x128x128xf32, #tpu.memory_space<vmem>> -> memref<1x128x128xf32, #tpu.memory_space<vmem>>
      %dma_wait3A_167 = tpu.memref_squeeze %dma_wait3A_166 : memref<1x128x128xf32, #tpu.memory_space<vmem>> -> memref<128x128xf32, #tpu.memory_space<vmem>>
      %dma_wait3A_168 = arith.constant 0 : i32
      %dma_wait3A_169 = tpu.memref_slice %arg7[%add3A_137, %dma_wait3A_163, %dma_wait3A_168] : memref<20x2x128xi32, #tpu.memory_space<vmem>> -> memref<1x1x128xi32, #tpu.memory_space<vmem>>
      %dma_wait3A_170 = tpu.memref_squeeze %dma_wait3A_169 : memref<1x1x128xi32, #tpu.memory_space<vmem>> -> memref<128xi32, #tpu.memory_space<vmem>>
      %dma_wait3A_171 = arith.constant 0 : i32
      %dma_wait3A_172 = arith.constant 0 : i32
      %dma_wait3A_173 = tpu.memref_slice %arg6[%dma_wait3A_171, %dma_wait3A_172] : memref<10240x128xf32, #tpu.memory_space<vmem_shared>> -> memref<10240x128xf32, #tpu.memory_space<vmem_shared>>
      tpu.wait_indirect_dma semaphore(%arg10 : memref<!tpu.dma_semaphore, #tpu.memory_space<semaphore_mem>>) src(%dma_wait3A_167 : memref<128x128xf32, #tpu.memory_space<vmem>>) dst(%dma_wait3A_173 : memref<10240x128xf32, #tpu.memory_space<vmem_shared>>)
    }
    %scan3A_63 = arith.constant 10 : i32
    %barrier3A_64 = arith.constant 0 : index
    tpu.barrier barrier_id(%barrier3A_64)
    %mul3A_65 = arith.constant 640 : i32
    %mul3A_66 = arith.muli %arg1, %mul3A_65 : i32
    %mul3A_67 = arith.constant 640 : i32
    %mul3A_68 = arith.muli %arg1, %mul3A_67 : i32
    "tpu.region"() ({
      %run_scoped3A_69 = tpu.sem_alloc : memref<!tpu.dma_semaphore, #tpu.memory_space<semaphore_mem>>
      %dma_start3A = arith.constant 0 : i32
      %dma_start3A_70 = tpu.memref_slice %arg5[%arg0, %mul3A_68, %dma_start3A] : memref<2x10240x128xf32, #tpu.memory_space<hbm>> -> memref<1x640x128xf32, #tpu.memory_space<hbm>>
      %dma_start3A_71 = tpu.memref_squeeze %dma_start3A_70 : memref<1x640x128xf32, #tpu.memory_space<hbm>> -> memref<640x128xf32, #tpu.memory_space<hbm>>
      %dma_start3A_72 = arith.constant 0 : i32
      %dma_start3A_73 = tpu.memref_slice %arg6[%mul3A_66, %dma_start3A_72] : memref<10240x128xf32, #tpu.memory_space<vmem_shared>> -> memref<640x128xf32, #tpu.memory_space<vmem_shared>>
      tpu.enqueue_dma source(%dma_start3A_73 : memref<640x128xf32, #tpu.memory_space<vmem_shared>>) target(%dma_start3A_71 : memref<640x128xf32, #tpu.memory_space<hbm>>) target_semaphore(%run_scoped3A_69 : memref<!tpu.dma_semaphore, #tpu.memory_space<semaphore_mem>>)
      %dma_wait3A = arith.constant 0 : i32
      %dma_wait3A_74 = tpu.memref_slice %arg5[%arg0, %mul3A_68, %dma_wait3A] : memref<2x10240x128xf32, #tpu.memory_space<hbm>> -> memref<1x640x128xf32, #tpu.memory_space<hbm>>
      %dma_wait3A_75 = tpu.memref_squeeze %dma_wait3A_74 : memref<1x640x128xf32, #tpu.memory_space<hbm>> -> memref<640x128xf32, #tpu.memory_space<hbm>>
      %dma_wait3A_76 = arith.constant 0 : i32
      %dma_wait3A_77 = tpu.memref_slice %arg6[%mul3A_66, %dma_wait3A_76] : memref<10240x128xf32, #tpu.memory_space<vmem_shared>> -> memref<640x128xf32, #tpu.memory_space<vmem_shared>>
      tpu.wait_dma2 semaphore(%run_scoped3A_69 : memref<!tpu.dma_semaphore, #tpu.memory_space<semaphore_mem>>) src(%dma_wait3A_77 : memref<640x128xf32, #tpu.memory_space<vmem_shared>>) dst(%dma_wait3A_75 : memref<640x128xf32, #tpu.memory_space<hbm>>)
      tpu.yield
    }) : () -> ()
    return
  }
}

module attributes {stable_mosaic.version = 14 : i64} {
  func.func @_mlp_u_body(%arg0: i32, %arg1: memref<2000x128xf32, #tpu.memory_space<vmem>>, %arg2: memref<128x128xf32, #tpu.memory_space<vmem>>, %arg3: memref<1x128xf32, #tpu.memory_space<vmem>>, %arg4: memref<128x128xf32, #tpu.memory_space<vmem>>, %arg5: memref<1x128xf32, #tpu.memory_space<vmem>>, %arg6: memref<2000x1xf32, #tpu.memory_space<vmem>>, %arg7: memref<2000x128xf32, #tpu.memory_space<vmem>>) attributes {dimension_semantics = [#tpu.dimension_semantics<arbitrary>], iteration_bounds = array<i64: 5>, scalar_prefetch = 0 : i64, scratch_operands = 0 : i64, tpu.core_type = #tpu.core_type<tc>, window_params = [{transform_indices = @transform_0, window_bounds = array<i64: 2000, 128>}, {pipeline_mode = #tpu.pipeline_mode<synchronous>, transform_indices = @transform_1, window_bounds = array<i64: 128, 128>}, {pipeline_mode = #tpu.pipeline_mode<synchronous>, transform_indices = @transform_2, window_bounds = array<i64: 1, 128>}, {pipeline_mode = #tpu.pipeline_mode<synchronous>, transform_indices = @transform_3, window_bounds = array<i64: 128, 128>}, {pipeline_mode = #tpu.pipeline_mode<synchronous>, transform_indices = @transform_4, window_bounds = array<i64: 1, 128>}, {transform_indices = @transform_5, window_bounds = array<i64: 2000, 1>}, {transform_indices = @transform_6, window_bounds = array<i64: 2000, 128>}]} {
    %get3A = arith.constant 0 : index
    %get3A_0 = arith.constant 0 : index
    %get3A_1 = vector.load %arg1[%get3A, %get3A_0] : memref<2000x128xf32, #tpu.memory_space<vmem>>, vector<2000x128xf32>
    %get3A_2 = arith.constant 0 : index
    %get3A_3 = arith.constant 0 : index
    %get3A_4 = vector.load %arg2[%get3A_2, %get3A_3] : memref<128x128xf32, #tpu.memory_space<vmem>>, vector<128x128xf32>
    %dot_general3A = arith.constant dense<0.000000e+00> : vector<2000x128xf32>
    %dot_general3A_5 = tpu.matmul %get3A_1, %get3A_4, %dot_general3A {dimension_numbers = #tpu.dot_dimension_numbers<[1], [0], [0], [1], [0, 0, 1, 1], [], []>, transpose_lhs_hint = false} : vector<2000x128xf32>, vector<128x128xf32>, vector<2000x128xf32> -> vector<2000x128xf32>
    %get3A_6 = arith.constant 0 : index
    %get3A_7 = arith.constant 0 : index
    %get3A_8 = vector.load %arg3[%get3A_6, %get3A_7] : memref<1x128xf32, #tpu.memory_space<vmem>>, vector<1x128xf32>
    %add3A = vector.broadcast %get3A_8 : vector<1x128xf32> to vector<2000x128xf32>
    %add3A_9 = arith.addf %dot_general3A_5, %add3A : vector<2000x128xf32>
    %get3A_10 = arith.constant 0 : index
    %get3A_11 = arith.constant 0 : index
    %get3A_12 = vector.load %arg4[%get3A_10, %get3A_11] : memref<128x128xf32, #tpu.memory_space<vmem>>, vector<128x128xf32>
    %dot_general3A_13 = arith.constant dense<0.000000e+00> : vector<2000x128xf32>
    %dot_general3A_14 = tpu.matmul %add3A_9, %get3A_12, %dot_general3A_13 {dimension_numbers = #tpu.dot_dimension_numbers<[1], [0], [0], [1], [0, 0, 1, 1], [], []>, transpose_lhs_hint = false} : vector<2000x128xf32>, vector<128x128xf32>, vector<2000x128xf32> -> vector<2000x128xf32>
    %get3A_15 = arith.constant 0 : index
    %get3A_16 = arith.constant 0 : index
    %get3A_17 = vector.load %arg5[%get3A_15, %get3A_16] : memref<1x128xf32, #tpu.memory_space<vmem>>, vector<1x128xf32>
    %add3A_18 = vector.broadcast %get3A_17 : vector<1x128xf32> to vector<2000x128xf32>
    %add3A_19 = arith.addf %dot_general3A_14, %add3A_18 : vector<2000x128xf32>
    %get3A_20 = arith.constant 0 : index
    %get3A_21 = arith.constant 0 : index
    %get3A_22 = vector.load %arg6[%get3A_20, %get3A_21] : memref<2000x1xf32, #tpu.memory_space<vmem>>, vector<2000x1xf32>
    %mul3A = vector.broadcast %get3A_22 : vector<2000x1xf32> to vector<2000x128xf32>
    %mul3A_23 = arith.mulf %mul3A, %add3A_19 : vector<2000x128xf32>
    %swap3A = arith.constant 0 : index
    %swap3A_24 = arith.constant 0 : index
    %swap3A_25 = vector.load %arg7[%swap3A, %swap3A_24] : memref<2000x128xf32, #tpu.memory_space<vmem>>, vector<2000x128xf32>
    tpu.vector_store %arg7[%swap3A, %swap3A_24], %mul3A_23 {strides = array<i32>} : memref<2000x128xf32, #tpu.memory_space<vmem>>, vector<2000x128xf32>,
    return
  }
  func.func @transform_0(%arg0: i32) -> (i32, i32) {
    %c0_i32 = arith.constant 0 : i32
    %c0_i32_0 = arith.constant 0 : i32
    return %arg0, %c0_i32 : i32, i32
  }
  func.func @transform_1(%arg0: i32) -> (i32, i32) {
    %c0_i32 = arith.constant 0 : i32
    %c0_i32_0 = arith.constant 0 : i32
    %c0_i32_1 = arith.constant 0 : i32
    return %c0_i32, %c0_i32_0 : i32, i32
  }
  func.func @transform_2(%arg0: i32) -> (i32, i32) {
    %c0_i32 = arith.constant 0 : i32
    %c0_i32_0 = arith.constant 0 : i32
    %c0_i32_1 = arith.constant 0 : i32
    return %c0_i32, %c0_i32_0 : i32, i32
  }
  func.func @transform_3(%arg0: i32) -> (i32, i32) {
    %c0_i32 = arith.constant 0 : i32
    %c0_i32_0 = arith.constant 0 : i32
    %c0_i32_1 = arith.constant 0 : i32
    return %c0_i32, %c0_i32_0 : i32, i32
  }
  func.func @transform_4(%arg0: i32) -> (i32, i32) {
    %c0_i32 = arith.constant 0 : i32
    %c0_i32_0 = arith.constant 0 : i32
    %c0_i32_1 = arith.constant 0 : i32
    return %c0_i32, %c0_i32_0 : i32, i32
  }
  func.func @transform_5(%arg0: i32) -> (i32, i32) {
    %c0_i32 = arith.constant 0 : i32
    %c0_i32_0 = arith.constant 0 : i32
    return %arg0, %c0_i32 : i32, i32
  }
  func.func @transform_6(%arg0: i32) -> (i32, i32) {
    %c0_i32 = arith.constant 0 : i32
    %c0_i32_0 = arith.constant 0 : i32
    return %arg0, %c0_i32 : i32, i32
  }
}

module attributes {stable_mosaic.version = 14 : i64} {
  func.func @_edge_body(%arg0: i32, %arg1: memref<2x1000x128xf32, #tpu.memory_space<vmem>>, %arg2: memref<1000x1xf32, #tpu.memory_space<vmem>>, %arg3: memref<1000x1xf32, #tpu.memory_space<vmem>>, %arg4: memref<128x128xf32, #tpu.memory_space<vmem>>, %arg5: memref<1x128xf32, #tpu.memory_space<vmem>>, %arg6: memref<1000x128xf32, #tpu.memory_space<vmem>>, %arg7: memref<1000x128xf32, #tpu.memory_space<vmem>>) attributes {dimension_semantics = [#tpu.dimension_semantics<arbitrary>], iteration_bounds = array<i64: 5>, scalar_prefetch = 0 : i64, scratch_operands = 0 : i64, tpu.core_type = #tpu.core_type<tc>, window_params = [{transform_indices = @transform_0, window_bounds = array<i64: 2, 1000, 128>}, {transform_indices = @transform_1, window_bounds = array<i64: 1000, 1>}, {transform_indices = @transform_2, window_bounds = array<i64: 1000, 1>}, {pipeline_mode = #tpu.pipeline_mode<synchronous>, transform_indices = @transform_3, window_bounds = array<i64: 128, 128>}, {pipeline_mode = #tpu.pipeline_mode<synchronous>, transform_indices = @transform_4, window_bounds = array<i64: 1, 128>}, {transform_indices = @transform_5, window_bounds = array<i64: 1000, 128>}, {transform_indices = @transform_6, window_bounds = array<i64: 1000, 128>}]} {
    %get3A = arith.constant 0 : index
    %get3A_0 = arith.constant 0 : index
    %get3A_1 = arith.constant 0 : index
    %get3A_2 = vector.load %arg1[%get3A, %get3A_0, %get3A_1] : memref<2x1000x128xf32, #tpu.memory_space<vmem>>, vector<1x1000x128xf32>
    %get3A_3 = vector.shape_cast %get3A_2 : vector<1x1000x128xf32> to vector<1000x128xf32>
    %get3A_4 = arith.constant 1 : index
    %get3A_5 = arith.constant 0 : index
    %get3A_6 = arith.constant 0 : index
    %get3A_7 = vector.load %arg1[%get3A_4, %get3A_5, %get3A_6] : memref<2x1000x128xf32, #tpu.memory_space<vmem>>, vector<1x1000x128xf32>
    %get3A_8 = vector.shape_cast %get3A_7 : vector<1x1000x128xf32> to vector<1000x128xf32>
    %add3A = arith.addf %get3A_3, %get3A_8 : vector<1000x128xf32>
    %get3A_9 = arith.constant 0 : index
    %get3A_10 = arith.constant 0 : index
    %get3A_11 = vector.load %arg2[%get3A_9, %get3A_10] : memref<1000x1xf32, #tpu.memory_space<vmem>>, vector<1000x1xf32>
    %div3A = vector.broadcast %get3A_11 : vector<1000x1xf32> to vector<1000x128xf32>
    %div3A_12 = arith.divf %add3A, %div3A : vector<1000x128xf32>
    %swap3A = arith.constant 0 : index
    %swap3A_13 = arith.constant 0 : index
    %swap3A_14 = vector.load %arg6[%swap3A, %swap3A_13] : memref<1000x128xf32, #tpu.memory_space<vmem>>, vector<1000x128xf32>
    tpu.vector_store %arg6[%swap3A, %swap3A_13], %div3A_12 {strides = array<i32>} : memref<1000x128xf32, #tpu.memory_space<vmem>>, vector<1000x128xf32>,
    %get3A_15 = arith.constant 0 : index
    %get3A_16 = arith.constant 0 : index
    %get3A_17 = vector.load %arg4[%get3A_15, %get3A_16] : memref<128x128xf32, #tpu.memory_space<vmem>>, vector<128x128xf32>
    %dot_general3A = arith.constant dense<0.000000e+00> : vector<1000x128xf32>
    %dot_general3A_18 = tpu.matmul %div3A_12, %get3A_17, %dot_general3A {dimension_numbers = #tpu.dot_dimension_numbers<[1], [0], [0], [1], [0, 0, 1, 1], [], []>, transpose_lhs_hint = false} : vector<1000x128xf32>, vector<128x128xf32>, vector<1000x128xf32> -> vector<1000x128xf32>
    %get3A_19 = arith.constant 0 : index
    %get3A_20 = arith.constant 0 : index
    %get3A_21 = vector.load %arg5[%get3A_19, %get3A_20] : memref<1x128xf32, #tpu.memory_space<vmem>>, vector<1x128xf32>
    %add3A_22 = vector.broadcast %get3A_21 : vector<1x128xf32> to vector<1000x128xf32>
    %add3A_23 = arith.addf %dot_general3A_18, %add3A_22 : vector<1000x128xf32>
    %get3A_24 = arith.constant 0 : index
    %get3A_25 = arith.constant 0 : index
    %get3A_26 = vector.load %arg3[%get3A_24, %get3A_25] : memref<1000x1xf32, #tpu.memory_space<vmem>>, vector<1000x1xf32>
    %mul3A = vector.broadcast %get3A_26 : vector<1000x1xf32> to vector<1000x128xf32>
    %mul3A_27 = arith.mulf %mul3A, %add3A_23 : vector<1000x128xf32>
    %swap3A_28 = arith.constant 0 : index
    %swap3A_29 = arith.constant 0 : index
    %swap3A_30 = vector.load %arg7[%swap3A_28, %swap3A_29] : memref<1000x128xf32, #tpu.memory_space<vmem>>, vector<1000x128xf32>
    tpu.vector_store %arg7[%swap3A_28, %swap3A_29], %mul3A_27 {strides = array<i32>} : memref<1000x128xf32, #tpu.memory_space<vmem>>, vector<1000x128xf32>,
    return
  }
  func.func @transform_0(%arg0: i32) -> (i32, i32, i32) {
    %c0_i32 = arith.constant 0 : i32
    %c0_i32_0 = arith.constant 0 : i32
    %c0_i32_1 = arith.constant 0 : i32
    return %c0_i32, %arg0, %c0_i32_0 : i32, i32, i32
  }
  func.func @transform_1(%arg0: i32) -> (i32, i32) {
    %c0_i32 = arith.constant 0 : i32
    %c0_i32_0 = arith.constant 0 : i32
    return %arg0, %c0_i32 : i32, i32
  }
  func.func @transform_2(%arg0: i32) -> (i32, i32) {
    %c0_i32 = arith.constant 0 : i32
    %c0_i32_0 = arith.constant 0 : i32
    return %arg0, %c0_i32 : i32, i32
  }
  func.func @transform_3(%arg0: i32) -> (i32, i32) {
    %c0_i32 = arith.constant 0 : i32
    %c0_i32_0 = arith.constant 0 : i32
    %c0_i32_1 = arith.constant 0 : i32
    return %c0_i32, %c0_i32_0 : i32, i32
  }
  func.func @transform_4(%arg0: i32) -> (i32, i32) {
    %c0_i32 = arith.constant 0 : i32
    %c0_i32_0 = arith.constant 0 : i32
    %c0_i32_1 = arith.constant 0 : i32
    return %c0_i32, %c0_i32_0 : i32, i32
  }
  func.func @transform_5(%arg0: i32) -> (i32, i32) {
    %c0_i32 = arith.constant 0 : i32
    %c0_i32_0 = arith.constant 0 : i32
    return %arg0, %c0_i32 : i32, i32
  }
  func.func @transform_6(%arg0: i32) -> (i32, i32) {
    %c0_i32 = arith.constant 0 : i32
    %c0_i32_0 = arith.constant 0 : i32
    return %arg0, %c0_i32 : i32, i32
  }
}

module attributes {stable_mosaic.version = 14 : i64} {
  func.func @_vout_body(%arg0: i32, %arg1: memref<2x2000x128xf32, #tpu.memory_space<vmem>>, %arg2: memref<2000x1xf32, #tpu.memory_space<vmem>>, %arg3: memref<2000x128xf32, #tpu.memory_space<vmem>>) attributes {dimension_semantics = [#tpu.dimension_semantics<arbitrary>], iteration_bounds = array<i64: 5>, scalar_prefetch = 0 : i64, scratch_operands = 0 : i64, tpu.core_type = #tpu.core_type<tc>, window_params = [{transform_indices = @transform_0, window_bounds = array<i64: 2, 2000, 128>}, {transform_indices = @transform_1, window_bounds = array<i64: 2000, 1>}, {transform_indices = @transform_2, window_bounds = array<i64: 2000, 128>}]} {
    %get3A = arith.constant 0 : index
    %get3A_0 = arith.constant 0 : index
    %get3A_1 = arith.constant 0 : index
    %get3A_2 = vector.load %arg1[%get3A, %get3A_0, %get3A_1] : memref<2x2000x128xf32, #tpu.memory_space<vmem>>, vector<1x2000x128xf32>
    %get3A_3 = vector.shape_cast %get3A_2 : vector<1x2000x128xf32> to vector<2000x128xf32>
    %get3A_4 = arith.constant 1 : index
    %get3A_5 = arith.constant 0 : index
    %get3A_6 = arith.constant 0 : index
    %get3A_7 = vector.load %arg1[%get3A_4, %get3A_5, %get3A_6] : memref<2x2000x128xf32, #tpu.memory_space<vmem>>, vector<1x2000x128xf32>
    %get3A_8 = vector.shape_cast %get3A_7 : vector<1x2000x128xf32> to vector<2000x128xf32>
    %add3A = arith.addf %get3A_3, %get3A_8 : vector<2000x128xf32>
    %get3A_9 = arith.constant 0 : index
    %get3A_10 = arith.constant 0 : index
    %get3A_11 = vector.load %arg2[%get3A_9, %get3A_10] : memref<2000x1xf32, #tpu.memory_space<vmem>>, vector<2000x1xf32>
    %div3A = vector.broadcast %get3A_11 : vector<2000x1xf32> to vector<2000x128xf32>
    %div3A_12 = arith.divf %add3A, %div3A : vector<2000x128xf32>
    %swap3A = arith.constant 0 : index
    %swap3A_13 = arith.constant 0 : index
    %swap3A_14 = vector.load %arg3[%swap3A, %swap3A_13] : memref<2000x128xf32, #tpu.memory_space<vmem>>, vector<2000x128xf32>
    tpu.vector_store %arg3[%swap3A, %swap3A_13], %div3A_12 {strides = array<i32>} : memref<2000x128xf32, #tpu.memory_space<vmem>>, vector<2000x128xf32>,
    return
  }
  func.func @transform_0(%arg0: i32) -> (i32, i32, i32) {
    %c0_i32 = arith.constant 0 : i32
    %c0_i32_0 = arith.constant 0 : i32
    %c0_i32_1 = arith.constant 0 : i32
    return %c0_i32, %arg0, %c0_i32_0 : i32, i32, i32
  }
  func.func @transform_1(%arg0: i32) -> (i32, i32) {
    %c0_i32 = arith.constant 0 : i32
    %c0_i32_0 = arith.constant 0 : i32
    return %arg0, %c0_i32 : i32, i32
  }
  func.func @transform_2(%arg0: i32) -> (i32, i32) {
    %c0_i32 = arith.constant 0 : i32
    %c0_i32_0 = arith.constant 0 : i32
    return %arg0, %c0_i32 : i32, i32
  }
}

</mosaic_0001>

<sc_bundles>
// kernel: kernel.10.cloned.1.call-start
scs
__scs_entry_jumppad:
0x0: {  	(pc) =	sbr.rel $0x88, $3  }
0x1: {  	(tag) =	ssettag $0x0;
	lr =	simm.s32 $0x1  }
0x2: {  	[smem:$0x3F94] =	sst lr;
	_ =	strace $0xD0000000  }
0x3: {  	_ = 	snop  }
0x4: {  	_ = 	snop  }
0x5: {  	_ = 	snop  }
0x6: {  	_ = 	snop  }
0x7: {  	_ = 	snop  }
__scs_overlays_trampoline_lowered:
0x8: {  	[smem:$0x3FA3] =	sst s0  }
0x9: {  	[smem:$0x3FA4] =	sst s1  }
0xa: {  	[smem:$0x3FA5] =	sst s2  }
0xb: {  	[smem:$0x3FA6] =	sst s3  }
0xc: {  	[smem:$0x3FA7] =	sst s4  }
0xd: {  	[smem:$0x3FA8] =	sst s5  }
0xe: {  	[smem:$0x3FA9] =	sst s6  }
0xf: {  	[smem:$0x3FAA] =	sst s7  }
0x10: {  	[smem:$0x3FAB] =	sst s8  }
0x11: {  	[smem:$0x3FAC] =	sst s9;
	s0 =	simm.s32 @!p0 $0x0  }
0x12: {  	s1 =	sld [smem:$0x3F92];
	s0 =	simm.s32 @p0 $0x1  }
0x13: {  	[smem:$0x3FAD] =	sst s0;
	s0 =	simm.s32 @!p1 $0x0  }
0x14: {  	s2 =	sld [smem:$0x3F91];
	s0 =	simm.s32 @p1 $0x1  }
0x15: {  	[smem:$0x3FAE] =	sst s0;
	s0 =	simm.s32 @!p2 $0x0  }
0x16: {  	s3 =	sld [smem:$0x3FDB];
	s0 =	simm.s32 @p2 $0x1  }
0x17: {  	s4 =	simm.s32 $0x1BF5;
	[smem:$0x3FB0] =	sst s0  }
0x18: {  	s0 =	sld [smem:$0x3F93];
	_ =	swait.ge [sflag:s4], $0x0  }
0x19: {  	s7 =	sld [smem:$0x3F94]  }
0x1a: {  	s8 =	sadd.s32 $0xFFFFE003, lr  }
0x1b: {  	s9 =	sadd.s32 $0xFFFFFEF7, lr;
	s5 =	simm.s32 $0xFFFFFFFF;
	p2 =	slt.u32 s8, $0xFFFFF086  }
0x1c: {  	p1 =	slt.u32 s9, $0xF7A;
	s5 =	simm.s32 @!p2 $0x0  }
0x1d: {  	s5 =	simm.s32 @p1 $0x1;
	p0 =	seq.s32 s7, s2  }
0x1e: {  	s7 =	smul.u32 @!p0 $0xF7A, s2;
	p2 =	seq.s32 @!p0 s5, $0x0  }
0x1f: {  	s9 =	smul.u32 $0xF7A, s1;
	s8 =	simm.s32 @!p0 $0x1BF5;
	p2 =	por !p2, p0  }
0x20: {  	[sflag:s8] =	ssyncset.s32 @!p0 $0xFFFFF086;
	s6 =	sadd.s32 @!p0 s3, s7;
	s7 =	simm.s32 @!p0 $0x108  }
0x21: {  	s3 =	sadd.s32 s3, s9;
	s6 =	sadd.s32 @!p0 $0x88, s6;
	s7 =	simm.s32 @p2 $0x1082  }
0x22: {  	[simem:s7], [sflag:s8] =	dma.local @!p0 [hbm:s6], $0xF7A  }
0x23: {  	s9 =	sor.u32 $0xD0000000, s2;
	s6 =	simm.s32 $0x108;
	_ =	swait.ge @!p0 [sflag:s8], $0x0  }
0x24: {  	s3 =	sadd.s32 $0x88, s3;
	s6 =	simm.s32 @!p1 $0x1082;
	[sflag:s4] =	ssyncset.s32 $0xFFFFF086  }
0x25: {  	[simem:s6], [sflag:s4] =	dma.local [hbm:s3], $0xF7A  }
0x26: {  	[smem:$0x3F94] =	sst s1;
	(tag) =	ssettag s2;
	_ =	strace s9  }
0x27: {  	s1 =	sld [smem:$0x3FA4]  }
0x28: {  	s2 =	sld [smem:$0x3FA5]  }
0x29: {  	s4 =	sld [smem:$0x3FA7]  }
0x2a: {  	p0 =	seq.s32 s5, $0x0;
	s5 =	sld [smem:$0x3FA8]  }
0x2b: {  	s6 =	sld [smem:$0x3FA9]  }
0x2c: {  	s7 =	sld [smem:$0x3FAA]  }
0x2d: {  	s3 =	simm.s32 $0x108;
	s8 =	sld [smem:$0x3FAB]  }
0x2e: {  	s3 =	simm.s32 @!p0 $0x1082;
	s9 =	sld [smem:$0x3FAC]  }
0x2f: {  	lr =	sadd.s32 s0, s3;
	s0 =	sld [smem:$0x3FA3]  }
0x30: {  	s3 =	sld [smem:$0x3FA6]  }
0x31: {  	[smem:$0x3FAF] =	sst s10  }
0x32: {  	s10 =	sld [smem:$0x3FAD];
	_ =	sdelay $0x3  }
0x33: {  	p0 =	seq.s32 s10, $0x1;
	s10 =	sld [smem:$0x3FAF];
	_ =	sdelay $0x3  }
0x34: {  	[smem:$0x3FAF] =	sst s10  }
0x35: {  	s10 =	sld [smem:$0x3FAE];
	_ =	sdelay $0x3  }
0x36: {  	p1 =	seq.s32 s10, $0x1;
	s10 =	sld [smem:$0x3FAF];
	_ =	sdelay $0x3  }
0x37: {  	[smem:$0x3FAF] =	sst s10  }
0x38: {  	s10 =	sld [smem:$0x3FB0]  }
0x39: {  	_ = 	snop;
	(pc) =	sbr.ind lr, $3  }
0x3a: {  	_ = 	snop  }
0x3b: {  	_ = 	snop  }
0x3c: {  	p2 =	seq.s32 s10, $0x1;
	s10 =	sld [smem:$0x3FAF]  }
0x3d: {  	_ =	shalt  }
0x3e: {  	_ =	shalt  }
0x3f: {  	_ =	shalt  }
0x40: {  	_ =	shalt  }
0x41: {  	_ =	shalt  }
0x42: {  	_ =	shalt  }
0x43: {  	_ =	shalt  }
0x44: {  	_ =	shalt  }
0x45: {  	_ =	shalt  }
0x46: {  	_ =	shalt  }
0x47: {  	_ =	shalt  }
0x48: {  	_ =	shalt  }
0x49: {  	_ =	shalt  }
0x4a: {  	_ =	shalt  }
0x4b: {  	_ =	shalt  }
0x4c: {  	_ =	shalt  }
0x4d: {  	_ =	shalt  }
0x4e: {  	_ =	shalt  }
0x4f: {  	_ =	shalt  }
0x50: {  	_ =	shalt  }
0x51: {  	_ =	shalt  }
0x52: {  	_ =	shalt  }
0x53: {  	_ =	shalt  }
0x54: {  	_ =	shalt  }
0x55: {  	_ =	shalt  }
0x56: {  	_ =	shalt  }
0x57: {  	_ =	shalt  }
0x58: {  	_ =	shalt  }
0x59: {  	_ =	shalt  }
0x5a: {  	_ =	shalt  }
0x5b: {  	_ =	shalt  }
0x5c: {  	_ =	shalt  }
0x5d: {  	_ =	shalt  }
0x5e: {  	_ =	shalt  }
0x5f: {  	_ =	shalt  }
0x60: {  	_ =	shalt  }
0x61: {  	_ =	shalt  }
0x62: {  	_ =	shalt  }
0x63: {  	_ =	shalt  }
0x64: {  	_ =	shalt  }
0x65: {  	_ =	shalt  }
0x66: {  	_ =	shalt  }
0x67: {  	_ =	shalt  }
0x68: {  	_ =	shalt  }
0x69: {  	_ =	shalt  }
0x6a: {  	_ =	shalt  }
0x6b: {  	_ =	shalt  }
0x6c: {  	_ =	shalt  }
0x6d: {  	_ =	shalt  }
0x6e: {  	_ =	shalt  }
0x6f: {  	_ =	shalt  }
0x70: {  	_ =	shalt  }
0x71: {  	_ =	shalt  }
0x72: {  	_ =	shalt  }
0x73: {  	_ =	shalt  }
0x74: {  	_ =	shalt  }
0x75: {  	_ =	shalt  }
0x76: {  	_ =	shalt  }
0x77: {  	_ =	shalt  }
0x78: {  	_ =	shalt  }
0x79: {  	_ =	shalt  }
0x7a: {  	_ =	shalt  }
0x7b: {  	_ =	shalt  }
0x7c: {  	_ =	shalt  }
0x7d: {  	_ =	shalt  }
0x7e: {  	_ =	shalt  }
0x7f: {  	_ =	shalt  }
0x80: {  	_ =	shalt  }
0x81: {  	_ =	shalt  }
0x82: {  	_ =	shalt  }
0x83: {  	_ =	shalt  }
0x84: {  	_ =	shalt  }
0x85: {  	_ =	shalt  }
0x86: {  	_ =	shalt  }
0x87: {  	_ =	shalt  }
.Lfunc_end0:
.L_simem_size_0:
called_computation.1_lowered:
.L_overlay_start_0:
0x88: {  	s2 =	sld [smem:$0x3FD9]  }
0x89: {  	s3 =	sld [smem:$0x3FFE];
	_ =	sdelay $0x1  }
0x8a: {  	s1 =	srdreg.scid  }
0x8b: {  	s0 =	sand.u32 $0x1, s1  }
0x8c: {  	s14 =	sshll.u32 s0, $0xA;
	s2 =	sadd.s32 s3, s2  }
0x8d: {  	s2 =	sadd.s32 s2, s14  }
0x8e: {  	[smem:$0x3FBB] =	sst s2  }
0x8f: {  	_ = 	snop  }
0x90: {  	s2 =	sld [smem:$0x3FD0];
	_ =	sdelay $0x2  }
0x91: {  	s15 =	simm.s32 $0xA;
	s4 =	simm.s32 $0x10  }
0x92: {  	[smem:s4], [sflag:s15] =	dma.local [hbm:s2], $0x1  }
0x93: {  	_ =	swait.eq [sflag:s15], $0x1  }
0x94: {  	[sflag:s15] =	ssyncset.done $0x0  }
0x95: {  	[sflag:s15] =	ssyncadd.s32 $0xFFFFFFFF  }
0x96: {  	s16 =	sld [smem:$0x10];
	(tm) =	ssettm $0x1  }
0x97: {  	s17 =	sld [smem:$0x3FFB];
	_ =	sdelay $0x3  }
0x98: {  	_ =	strace s17  }
0x99: {  	s3 =	sld [smem:$0x3FFC];
	_ =	sdelay $0x3  }
0x9a: {  	_ =	strace s3  }
0x9b: {  	s3 =	sld [smem:$0x3FFD];
	_ =	sdelay $0x3  }
0x9c: {  	_ =	strace s3  }
0x9d: {  	_ =	strace $0x8FFFFFFF  }
0x9e: {  	s18 =	sld [smem:$0x3FDB];
	_ =	sdelay $0x1  }
0x9f: {  	s19 =	simm.s32 $_scs_section_size  }
0xa0: {  	s5 =	simm.s32 $_size__tile_overlayer_lowered;
	s6 =	simm.s32 $_tile_overlayer_lowered  }
0xa1: {  	s22 =	simm.s32 $0x1BFF;
	s21 =	sshll.u32 s6, $0x1;
	s3 =	sadd.s32 s19, s18  }
0xa2: {  	s7 =	simm.s32 $0x0;
	s20 =	sshll.u32 s5, $0x1;
	s5 =	sadd.s32 s21, s3  }
0xa3: {  	[timem:s7], [sflag:s22] =	dma.local [hbm:s5], s20  }
0xa4: {  	_ =	swait.ge [sflag:s22], s20  }
0xa5: {  	s4 =	ssub.s32 $0x0, s20;
	[sflag:s22] =	ssyncset.done $0x0  }
0xa6: {  	[sflag:s22] =	ssyncadd.s32 s4;
	_ =	sdelay $0x1  }
0xa7: {  	s23 =	simm.s32 $0x1B8B  }
0xa8: {  	_ =	swait.ge [sflag:s23], $0x1  }
0xa9: {  	[sflag:s23] =	ssyncset.done $0x0  }
0xaa: {  	s25 =	simm.s32 $0x1B8E;
	s24 =	sld [smem:$0x3FFE];
	[sflag:s23] =	ssyncadd.s32 $0xFFFFFFFF  }
0xab: {  	s26 =	simm.s32 $execute0_lowered;
	[smem:$0x3FD2] =	sst s25  }
0xac: {  	s5 =	sshll.u32 s26, $0x1;
	_ =	strace $0x80000049;
	[dreg:$0x1] =	wrdreg $0xFFFFFFFF  }
0xad: {  	s28 =	simm.s32 $_size_execute0_lowered;
	s3 =	sadd.s32 s3, s5;
	[dreg:$0x0] =	wrdreg $0x0  }
0xae: {  	s5 =	sshll.u32 s28, $0x1;
	[dreg:$0x2] =	wrdreg s3  }
0xaf: {  	[dreg:$0x3] =	wrdreg s5  }
0xb0: {  	[dreg:$0x4] =	wrdreg $0xC0  }
0xb1: {  	_ =	task [dreg:s7], $0x5FFFF  }
0xb2: {  	[dreg:$0x1] =	wrdreg $0xFFFFFFFF  }
0xb3: {  	[dreg:$0x0] =	wrdreg $0x60  }
0xb4: {  	[dreg:$0x2] =	wrdreg s16  }
0xb5: {  	[dreg:$0x3] =	wrdreg s24  }
0xb6: {  	[dreg:$0x4] =	wrdreg $0x0  }
0xb7: {  	[dreg:$0x5] =	wrdreg $0x9  }
0xb8: {  	_ =	task.clear_ibuf [dreg:s7], $0x6FFFF;
	_ =	strace $0x90000049  }
0xb9: {  	s29 =	simm.s32 $0x9;
	_ =	strace $0x8000004B  }
0xba: {  	_ =	swait.ge [sflag:s29], $0x1  }
0xbb: {  	[sflag:s29] =	ssyncadd.s32 $0xFFFFFFFF  }
0xbc: {  	_ =	strace $0x9000004B  }
0xbd: {  	_ =	sfence  }
0xbe: {  	s30 =	sld [smem:$0x0];
	_ =	sdelay $0x2  }
0xbf: {  	s31 =	sshll.u32 s1, $0xD;
	s1 =	sshrl.u32 s1, $0x2  }
0xc0: {  	s3 =	sand.u32 $0x4000, s31;
	s1 =	sadd.s32 s1, s30  }
0xc1: {  	s0 =	sor.u32 s3, s0;
	s1 =	sshll.u32 s1, $0x11  }
0xc2: {  	s0 =	sor.u32 s1, s0  }
0xc3: {  	s0 =	sadd.s32 $0x8F2B, s0  }
0xc4: {  	[sflag:s0] =	ssyncadd.remote.s32 $0x1  }
0xc5: {  	_ =	sfence.sel $0xFFFF  }
0xc6: {  	[dreg:$0x0] =	wrdreg $0xFFFFFFFF;
	(pc) =	sbr.abs _section_cstart, $3  }
0xc7: {  	[dreg:$0x1] =	wrdreg $0xFFFFFFFF  }
0xc8: {  	_ =	task.clear_ibuf [dreg:s7], $0x2FFFF;
	_ =	strace $0x9FFFFFFF  }
0xc9: {  	(tm) =	ssettm $0x7FFFFFFF  }
tec
execute0_lowered:
.L_overlay_start_1:
0x0: {  	(tag) =	ssettag $0x1  }
0x1: {  	s2 =	rddreg [dreg:$0x0]  }
0x2: {  	s1 =	rddreg [dreg:$0x1]  }
0x3: {  	s3 =	rddreg [dreg:$0x2]  }
0x4: {  	s0 =	stileid.u32;
	s31 =	simm.s32 $0x0;
	s5 =	srdreg.scid  }
0x5: {  	s0 =	smul.u32 $0x50000, s0;
	[smem:$0x7FF] =	sst s31;
	s7 =	sand.u32 $0x1, s5  }
0x6: {  	s9 =	sadd.s32 $0x16E00, s1;
	_ =	strace $0x8000004A;
	[dreg:$0x14] =	wrdreg s7  }
0x7: {  	s4 =	stileid.u32;
	[dreg:$0x4] =	wrdreg s9;
	s6 =	sshrl.u32 s0, $0x2  }
0x8: {  	s8 =	stileid.u32;
	s22 =	rddreg [dreg:$0x4];
	s0 =	sadd.s32 s6, s3  }
0x9: {  	s8 =	smul.u32 $0x14000, s8;
	s11 =	sadd.s32 $0x2800, s0;
	[dreg:$0x11] =	wrdreg s0  }
0xa: {  	s10 =	sshll.u32 s7, $0x4;
	s12 =	sadd.s32 $0x5000, s0;
	[dreg:$0x5] =	wrdreg s11  }
0xb: {  	s7 =	smul.u32 $0x140000, s7;
	s13 =	sadd.s32 $0x7800, s0;
	[dreg:$0x6] =	wrdreg s12  }
0xc: {  	s6 =	sor.u32 s4, s10;
	s14 =	sadd.s32 $0xA000, s0;
	[dreg:$0x7] =	wrdreg s13  }
0xd: {  	s6 =	smul.u32 $0x5000, s6;
	s15 =	sadd.s32 $0xC800, s0;
	[dreg:$0x8] =	wrdreg s14  }
0xe: {  	s7 =	sadd.s32 s8, s7;
	s16 =	sadd.s32 $0xF000, s0;
	[dreg:$0x9] =	wrdreg s15  }
0xf: {  	s17 =	sadd.s32 $0x11800, s0;
	[dreg:$0xa] =	wrdreg s16;
	s6 =	sshrl.u32 s6, $0x3  }
0x10: {  	s7 =	sshrl.u32 s7, $0x3;
	[dreg:$0xb] =	wrdreg s17;
	s6 =	sadd.s32 s6, s1  }
0x11: {  	s1 =	sadd.s32 s7, s1;
	s7 =	simm.s32 $0x15400;
	s18 =	sadd.s32 $0x3F400, s6  }
0x12: {  	[tilespmem:s7], [sflag:$0x3] =	stream.linear.gather [hbm4b:s22+s31], $0x2800, $0x38;
	[tilespmem:$0x1D400] =	vst v63  }
0x13: {  	s19 =	sadd.s32 $0x3F680, s6;
	[dreg:$0xc] =	wrdreg s18  }
0x14: {  	s20 =	sadd.s32 $0x3F900, s6;
	[dreg:$0xd] =	wrdreg s19  }
0x15: {  	s21 =	sadd.s32 $0x3FB80, s6;
	[dreg:$0xe] =	wrdreg s20  }
0x16: {  	s1 =	sadd.s32 $0x53400, s1;
	[dreg:$0xf] =	wrdreg s21  }
0x17: {  	s6 =	simm.s32 $0x3;
	[dreg:$0x10] =	wrdreg s1  }
0x18: {  	_ =	swait.ge [sflag:s6], $0x2800  }
0x19: {  	[sflag:s6] =	ssyncset.done $0x0  }
0x1a: {  	[sflag:s6] =	ssyncadd.s32 $0xFFFFD800  }
0x1b: {  	[spmem:s0] =	stream.linear.scatter [tilespmem:s7], [sflag:$0x3], $0x2800, $0x38;
	[tilespmem:$0x1D400] =	vst v63  }
0x1c: {  	_ =	swait.ge [sflag:s6], $0x2800  }
0x1d: {  	[sflag:s6] =	ssyncset.done $0x0  }
0x1e: {  	s23 =	rddreg [dreg:$0x5];
	[sflag:s6] =	ssyncadd.s32 $0xFFFFD800  }
0x1f: {  	[spmem:s23] =	stream.linear.scatter [tilespmem:s7], [sflag:$0x3], $0x2800, $0x38;
	[tilespmem:$0x1D400] =	vst v63  }
0x20: {  	_ =	swait.ge [sflag:s6], $0x2800  }
0x21: {  	[sflag:s6] =	ssyncset.done $0x0  }
0x22: {  	s24 =	rddreg [dreg:$0x6];
	[sflag:s6] =	ssyncadd.s32 $0xFFFFD800  }
0x23: {  	[spmem:s24] =	stream.linear.scatter [tilespmem:s7], [sflag:$0x3], $0x2800, $0x38;
	[tilespmem:$0x1D400] =	vst v63  }
0x24: {  	_ =	swait.ge [sflag:s6], $0x2800  }
0x25: {  	[sflag:s6] =	ssyncset.done $0x0  }
0x26: {  	s25 =	rddreg [dreg:$0x7];
	[sflag:s6] =	ssyncadd.s32 $0xFFFFD800  }
0x27: {  	[spmem:s25] =	stream.linear.scatter [tilespmem:s7], [sflag:$0x3], $0x2800, $0x38;
	[tilespmem:$0x1D400] =	vst v63  }
0x28: {  	_ =	swait.ge [sflag:s6], $0x2800  }
0x29: {  	[sflag:s6] =	ssyncset.done $0x0  }
0x2a: {  	s26 =	rddreg [dreg:$0x8];
	[sflag:s6] =	ssyncadd.s32 $0xFFFFD800  }
0x2b: {  	[spmem:s26] =	stream.linear.scatter [tilespmem:s7], [sflag:$0x3], $0x2800, $0x38;
	[tilespmem:$0x1D400] =	vst v63  }
0x2c: {  	_ =	swait.ge [sflag:s6], $0x2800  }
0x2d: {  	[sflag:s6] =	ssyncset.done $0x0  }
0x2e: {  	s28 =	rddreg [dreg:$0x9];
	[sflag:s6] =	ssyncadd.s32 $0xFFFFD800  }
0x2f: {  	[spmem:s28] =	stream.linear.scatter [tilespmem:s7], [sflag:$0x3], $0x2800, $0x38;
	[tilespmem:$0x1D400] =	vst v63  }
0x30: {  	_ =	swait.ge [sflag:s6], $0x2800  }
0x31: {  	[sflag:s6] =	ssyncset.done $0x0  }
0x32: {  	s29 =	rddreg [dreg:$0xa];
	[sflag:s6] =	ssyncadd.s32 $0xFFFFD800  }
0x33: {  	[spmem:s29] =	stream.linear.scatter [tilespmem:s7], [sflag:$0x3], $0x2800, $0x38;
	[tilespmem:$0x1D400] =	vst v63  }
0x34: {  	_ =	swait.ge [sflag:s6], $0x2800  }
0x35: {  	[sflag:s6] =	ssyncset.done $0x0  }
0x36: {  	s30 =	rddreg [dreg:$0xb];
	[sflag:s6] =	ssyncadd.s32 $0xFFFFD800  }
0x37: {  	[spmem:s30] =	stream.linear.scatter [tilespmem:s7], [sflag:$0x3], $0x2800, $0x38;
	[tilespmem:$0x1D400] =	vst v63  }
0x38: {  	_ =	swait.ge [sflag:s6], $0x2800  }
0x39: {  	[sflag:s6] =	ssyncset.done $0x0  }
0x3a: {  	[sflag:s6] =	ssyncadd.s32 $0xFFFFD800  }
0x3b: {  	[bflag:$0x0] =	sbarrier.arrive $0xFFFF  }
0x3c: {  	s8 =	simm.s32 $0x14000;
	s0 =	rddreg [dreg:$0xc]  }
0x3d: {  	[tilespmem:s8], [sflag:$0x3] =	stream.linear.gather [hbm4b:s0+s31], $0x1400, $0x38;
	[tilespmem:$0x1D400] =	vst v63  }
0x3e: {  	_ =	swait.ge [sflag:s6], $0x1400  }
0x3f: {  	[sflag:s6] =	ssyncset.done $0x0  }
0x40: {  	s9 =	simm.s32 $0x80;
	[sflag:s6] =	ssyncadd.s32 $0xFFFFEC00  }
0x41: {  	[tilespmem:s7], [sflag:$0x1] =	stream.indirect.gather [hbm4b:s2+s9], $0x80, s8, s9, $0xb8;
	[tilespmem:$0x1D400] =	vst v63  }
0x42: {  	s4 =	simm.s32 $0x14100;
	s11 =	simm.s32 $0x19400;
	s12 =	simm.s32 $0x1  }
0x43: {  	[tilespmem:s11], [sflag:$0x1] =	stream.indirect.gather [hbm4b:s2+s9], $0x80, s4, s9, $0xb8;
	[tilespmem:$0x1D400] =	vst v63  }
0x44: {  	_ =	swait.ge [sflag:s12], $0x4000  }
0x45: {  	[sflag:s12] =	ssyncset.done $0x0  }
0x46: {  	s5 =	simm.s32 $0x14080;
	[sflag:s12] =	ssyncadd.s32 $0xFFFFC000  }
0x47: {  	[spmem:s3] =	stream.indirect.scatter.add.f32 [tilespmem:s7], [sflag:$0x2], $0x80, s5, s9, $0xb8;
	[tilespmem:$0x1D400] =	vst v63  }
0x48: {  	_ =	swait.ge [sflag:s12], $0x4000  }
0x49: {  	[sflag:s12] =	ssyncset.done $0x0  }
0x4a: {  	s10 =	simm.s32 $0x14180;
	s15 =	simm.s32 $0x2;
	[sflag:s12] =	ssyncadd.s32 $0xFFFFC000  }
0x4b: {  	[spmem:s3] =	stream.indirect.scatter.add.f32 [tilespmem:s11], [sflag:$0x2], $0x80, s10, s9, $0xb8;
	[tilespmem:$0x1D400] =	vst v63  }
0x4c: {  	_ =	swait.ge [sflag:s15], $0x4000  }
0x4d: {  	[sflag:s15] =	ssyncset.done $0x0  }
0x4e: {  	[sflag:s15] =	ssyncadd.s32 $0xFFFFC000  }
0x4f: {  	_ =	swait.ge [sflag:s15], $0x4000  }
0x50: {  	[sflag:s15] =	ssyncset.done $0x0  }
0x51: {  	s13 =	simm.s32 $0x14200;
	[sflag:s15] =	ssyncadd.s32 $0xFFFFC000  }
0x52: {  	[tilespmem:s7], [sflag:$0x1] =	stream.indirect.gather [hbm4b:s2+s9], $0x80, s13, s9, $0xb8;
	[tilespmem:$0x1D400] =	vst v63  }
0x53: {  	s14 =	simm.s32 $0x14300  }
0x54: {  	[tilespmem:s11], [sflag:$0x1] =	stream.indirect.gather [hbm4b:s2+s9], $0x80, s14, s9, $0xb8;
	[tilespmem:$0x1D400] =	vst v63  }
0x55: {  	_ =	swait.ge [sflag:s12], $0x4000  }
0x56: {  	[sflag:s12] =	ssyncset.done $0x0  }
0x57: {  	s16 =	simm.s32 $0x14280;
	[sflag:s12] =	ssyncadd.s32 $0xFFFFC000  }
0x58: {  	[spmem:s3] =	stream.indirect.scatter.add.f32 [tilespmem:s7], [sflag:$0x2], $0x80, s16, s9, $0xb8;
	[tilespmem:$0x1D400] =	vst v63  }
0x59: {  	_ =	swait.ge [sflag:s12], $0x4000  }
0x5a: {  	[sflag:s12] =	ssyncset.done $0x0  }
0x5b: {  	s17 =	simm.s32 $0x14380;
	[sflag:s12] =	ssyncadd.s32 $0xFFFFC000  }
0x5c: {  	[spmem:s3] =	stream.indirect.scatter.add.f32 [tilespmem:s11], [sflag:$0x2], $0x80, s17, s9, $0xb8;
	[tilespmem:$0x1D400] =	vst v63  }
0x5d: {  	_ =	swait.ge [sflag:s15], $0x4000  }
0x5e: {  	[sflag:s15] =	ssyncset.done $0x0  }
0x5f: {  	[sflag:s15] =	ssyncadd.s32 $0xFFFFC000  }
0x60: {  	_ =	swait.ge [sflag:s15], $0x4000  }
0x61: {  	[sflag:s15] =	ssyncset.done $0x0  }
0x62: {  	s18 =	simm.s32 $0x14400;
	[sflag:s15] =	ssyncadd.s32 $0xFFFFC000  }
0x63: {  	[tilespmem:s7], [sflag:$0x1] =	stream.indirect.gather [hbm4b:s2+s9], $0x80, s18, s9, $0xb8;
	[tilespmem:$0x1D400] =	vst v63  }
0x64: {  	s19 =	simm.s32 $0x14500  }
0x65: {  	[tilespmem:s11], [sflag:$0x1] =	stream.indirect.gather [hbm4b:s2+s9], $0x80, s19, s9, $0xb8;
	[tilespmem:$0x1D400] =	vst v63  }
0x66: {  	_ =	swait.ge [sflag:s12], $0x4000  }
0x67: {  	[sflag:s12] =	ssyncset.done $0x0  }
0x68: {  	s20 =	simm.s32 $0x14480;
	[sflag:s12] =	ssyncadd.s32 $0xFFFFC000  }
0x69: {  	[spmem:s3] =	stream.indirect.scatter.add.f32 [tilespmem:s7], [sflag:$0x2], $0x80, s20, s9, $0xb8;
	[tilespmem:$0x1D400] =	vst v63  }
0x6a: {  	_ =	swait.ge [sflag:s12], $0x4000  }
0x6b: {  	[sflag:s12] =	ssyncset.done $0x0  }
0x6c: {  	s21 =	simm.s32 $0x14580;
	[sflag:s12] =	ssyncadd.s32 $0xFFFFC000  }
0x6d: {  	[spmem:s3] =	stream.indirect.scatter.add.f32 [tilespmem:s11], [sflag:$0x2], $0x80, s21, s9, $0xb8;
	[tilespmem:$0x1D400] =	vst v63  }
0x6e: {  	_ =	swait.ge [sflag:s15], $0x4000  }
0x6f: {  	[sflag:s15] =	ssyncset.done $0x0  }
0x70: {  	[sflag:s15] =	ssyncadd.s32 $0xFFFFC000  }
0x71: {  	_ =	swait.ge [sflag:s15], $0x4000  }
0x72: {  	[sflag:s15] =	ssyncset.done $0x0  }
0x73: {  	s22 =	simm.s32 $0x14600;
	[sflag:s15] =	ssyncadd.s32 $0xFFFFC000  }
0x74: {  	[tilespmem:s7], [sflag:$0x1] =	stream.indirect.gather [hbm4b:s2+s9], $0x80, s22, s9, $0xb8;
	[tilespmem:$0x1D400] =	vst v63  }
0x75: {  	s23 =	simm.s32 $0x14700  }
0x76: {  	[tilespmem:s11], [sflag:$0x1] =	stream.indirect.gather [hbm4b:s2+s9], $0x80, s23, s9, $0xb8;
	[tilespmem:$0x1D400] =	vst v63  }
0x77: {  	_ =	swait.ge [sflag:s12], $0x4000  }
0x78: {  	[sflag:s12] =	ssyncset.done $0x0  }
0x79: {  	s24 =	simm.s32 $0x14680;
	[sflag:s12] =	ssyncadd.s32 $0xFFFFC000  }
0x7a: {  	[spmem:s3] =	stream.indirect.scatter.add.f32 [tilespmem:s7], [sflag:$0x2], $0x80, s24, s9, $0xb8;
	[tilespmem:$0x1D400] =	vst v63  }
0x7b: {  	_ =	swait.ge [sflag:s12], $0x4000  }
0x7c: {  	[sflag:s12] =	ssyncset.done $0x0  }
0x7d: {  	s25 =	simm.s32 $0x14780;
	[sflag:s12] =	ssyncadd.s32 $0xFFFFC000  }
0x7e: {  	[spmem:s3] =	stream.indirect.scatter.add.f32 [tilespmem:s11], [sflag:$0x2], $0x80, s25, s9, $0xb8;
	[tilespmem:$0x1D400] =	vst v63  }
0x7f: {  	_ =	swait.ge [sflag:s15], $0x4000  }
0x80: {  	[sflag:s15] =	ssyncset.done $0x0  }
0x81: {  	[sflag:s15] =	ssyncadd.s32 $0xFFFFC000  }
0x82: {  	_ =	swait.ge [sflag:s15], $0x4000  }
0x83: {  	[sflag:s15] =	ssyncset.done $0x0  }
0x84: {  	s26 =	simm.s32 $0x14800;
	[sflag:s15] =	ssyncadd.s32 $0xFFFFC000  }
0x85: {  	[tilespmem:s7], [sflag:$0x1] =	stream.indirect.gather [hbm4b:s2+s9], $0x80, s26, s9, $0xb8;
	[tilespmem:$0x1D400] =	vst v63  }
0x86: {  	s28 =	simm.s32 $0x14900  }
0x87: {  	[tilespmem:s11], [sflag:$0x1] =	stream.indirect.gather [hbm4b:s2+s9], $0x80, s28, s9, $0xb8;
	[tilespmem:$0x1D400] =	vst v63  }
0x88: {  	_ =	swait.ge [sflag:s12], $0x4000  }
0x89: {  	[sflag:s12] =	ssyncset.done $0x0  }
0x8a: {  	s29 =	simm.s32 $0x14880;
	[sflag:s12] =	ssyncadd.s32 $0xFFFFC000  }
0x8b: {  	[spmem:s3] =	stream.indirect.scatter.add.f32 [tilespmem:s7], [sflag:$0x2], $0x80, s29, s9, $0xb8;
	[tilespmem:$0x1D400] =	vst v63  }
0x8c: {  	_ =	swait.ge [sflag:s12], $0x4000  }
0x8d: {  	[sflag:s12] =	ssyncset.done $0x0  }
0x8e: {  	s30 =	simm.s32 $0x14980;
	[sflag:s12] =	ssyncadd.s32 $0xFFFFC000  }
0x8f: {  	[spmem:s3] =	stream.indirect.scatter.add.f32 [tilespmem:s11], [sflag:$0x2], $0x80, s30, s9, $0xb8;
	[tilespmem:$0x1D400] =	vst v63  }
0x90: {  	_ =	swait.ge [sflag:s15], $0x4000  }
0x91: {  	[sflag:s15] =	ssyncset.done $0x0  }
0x92: {  	[sflag:s15] =	ssyncadd.s32 $0xFFFFC000  }
0x93: {  	_ =	swait.ge [sflag:s15], $0x4000  }
0x94: {  	[sflag:s15] =	ssyncset.done $0x0  }
0x95: {  	s1 =	simm.s32 $0x14A00;
	[sflag:s15] =	ssyncadd.s32 $0xFFFFC000  }
0x96: {  	[tilespmem:s7], [sflag:$0x1] =	stream.indirect.gather [hbm4b:s2+s9], $0x80, s1, s9, $0xb8;
	[tilespmem:$0x1D400] =	vst v63  }
0x97: {  	s1 =	simm.s32 $0x14B00  }
0x98: {  	[tilespmem:s11], [sflag:$0x1] =	stream.indirect.gather [hbm4b:s2+s9], $0x80, s1, s9, $0xb8;
	[tilespmem:$0x1D400] =	vst v63  }
0x99: {  	_ =	swait.ge [sflag:s12], $0x4000  }
0x9a: {  	[sflag:s12] =	ssyncset.done $0x0  }
0x9b: {  	s1 =	simm.s32 $0x14A80;
	[sflag:s12] =	ssyncadd.s32 $0xFFFFC000  }
0x9c: {  	[spmem:s3] =	stream.indirect.scatter.add.f32 [tilespmem:s7], [sflag:$0x2], $0x80, s1, s9, $0xb8;
	[tilespmem:$0x1D400] =	vst v63  }
0x9d: {  	_ =	swait.ge [sflag:s12], $0x4000  }
0x9e: {  	[sflag:s12] =	ssyncset.done $0x0  }
0x9f: {  	s1 =	simm.s32 $0x14B80;
	[sflag:s12] =	ssyncadd.s32 $0xFFFFC000  }
0xa0: {  	[spmem:s3] =	stream.indirect.scatter.add.f32 [tilespmem:s11], [sflag:$0x2], $0x80, s1, s9, $0xb8;
	[tilespmem:$0x1D400] =	vst v63  }
0xa1: {  	_ =	swait.ge [sflag:s15], $0x4000  }
0xa2: {  	[sflag:s15] =	ssyncset.done $0x0  }
0xa3: {  	[sflag:s15] =	ssyncadd.s32 $0xFFFFC000  }
0xa4: {  	_ =	swait.ge [sflag:s15], $0x4000  }
0xa5: {  	[sflag:s15] =	ssyncset.done $0x0  }
0xa6: {  	s1 =	simm.s32 $0x14C00;
	[sflag:s15] =	ssyncadd.s32 $0xFFFFC000  }
0xa7: {  	[tilespmem:s7], [sflag:$0x1] =	stream.indirect.gather [hbm4b:s2+s9], $0x80, s1, s9, $0xb8;
	[tilespmem:$0x1D400] =	vst v63  }
0xa8: {  	s1 =	simm.s32 $0x14D00  }
0xa9: {  	[tilespmem:s11], [sflag:$0x1] =	stream.indirect.gather [hbm4b:s2+s9], $0x80, s1, s9, $0xb8;
	[tilespmem:$0x1D400] =	vst v63  }
0xaa: {  	_ =	swait.ge [sflag:s12], $0x4000  }
0xab: {  	[sflag:s12] =	ssyncset.done $0x0  }
0xac: {  	s1 =	simm.s32 $0x14C80;
	[sflag:s12] =	ssyncadd.s32 $0xFFFFC000  }
0xad: {  	[spmem:s3] =	stream.indirect.scatter.add.f32 [tilespmem:s7], [sflag:$0x2], $0x80, s1, s9, $0xb8;
	[tilespmem:$0x1D400] =	vst v63  }
0xae: {  	_ =	swait.ge [sflag:s12], $0x4000  }
0xaf: {  	[sflag:s12] =	ssyncset.done $0x0  }
0xb0: {  	s1 =	simm.s32 $0x14D80;
	[sflag:s12] =	ssyncadd.s32 $0xFFFFC000  }
0xb1: {  	[spmem:s3] =	stream.indirect.scatter.add.f32 [tilespmem:s11], [sflag:$0x2], $0x80, s1, s9, $0xb8;
	[tilespmem:$0x1D400] =	vst v63  }
0xb2: {  	_ =	swait.ge [sflag:s15], $0x4000  }
0xb3: {  	[sflag:s15] =	ssyncset.done $0x0  }
0xb4: {  	[sflag:s15] =	ssyncadd.s32 $0xFFFFC000  }
0xb5: {  	_ =	swait.ge [sflag:s15], $0x4000  }
0xb6: {  	[sflag:s15] =	ssyncset.done $0x0  }
0xb7: {  	s1 =	simm.s32 $0x14E00;
	[sflag:s15] =	ssyncadd.s32 $0xFFFFC000  }
0xb8: {  	[tilespmem:s7], [sflag:$0x1] =	stream.indirect.gather [hbm4b:s2+s9], $0x80, s1, s9, $0xb8;
	[tilespmem:$0x1D400] =	vst v63  }
0xb9: {  	s1 =	simm.s32 $0x14F00  }
0xba: {  	[tilespmem:s11], [sflag:$0x1] =	stream.indirect.gather [hbm4b:s2+s9], $0x80, s1, s9, $0xb8;
	[tilespmem:$0x1D400] =	vst v63  }
0xbb: {  	_ =	swait.ge [sflag:s12], $0x4000  }
0xbc: {  	[sflag:s12] =	ssyncset.done $0x0  }
0xbd: {  	s1 =	simm.s32 $0x14E80;
	[sflag:s12] =	ssyncadd.s32 $0xFFFFC000  }
0xbe: {  	[spmem:s3] =	stream.indirect.scatter.add.f32 [tilespmem:s7], [sflag:$0x2], $0x80, s1, s9, $0xb8;
	[tilespmem:$0x1D400] =	vst v63  }
0xbf: {  	_ =	swait.ge [sflag:s12], $0x4000  }
0xc0: {  	[sflag:s12] =	ssyncset.done $0x0  }
0xc1: {  	s1 =	simm.s32 $0x14F80;
	[sflag:s12] =	ssyncadd.s32 $0xFFFFC000  }
0xc2: {  	[spmem:s3] =	stream.indirect.scatter.add.f32 [tilespmem:s11], [sflag:$0x2], $0x80, s1, s9, $0xb8;
	[tilespmem:$0x1D400] =	vst v63  }
0xc3: {  	_ =	swait.ge [sflag:s15], $0x4000  }
0xc4: {  	[sflag:s15] =	ssyncset.done $0x0  }
0xc5: {  	[sflag:s15] =	ssyncadd.s32 $0xFFFFC000  }
0xc6: {  	_ =	swait.ge [sflag:s15], $0x4000  }
0xc7: {  	[sflag:s15] =	ssyncset.done $0x0  }
0xc8: {  	s1 =	simm.s32 $0x15000;
	[sflag:s15] =	ssyncadd.s32 $0xFFFFC000  }
0xc9: {  	[tilespmem:s7], [sflag:$0x1] =	stream.indirect.gather [hbm4b:s2+s9], $0x80, s1, s9, $0xb8;
	[tilespmem:$0x1D400] =	vst v63  }
0xca: {  	s1 =	simm.s32 $0x15100  }
0xcb: {  	[tilespmem:s11], [sflag:$0x1] =	stream.indirect.gather [hbm4b:s2+s9], $0x80, s1, s9, $0xb8;
	[tilespmem:$0x1D400] =	vst v63  }
0xcc: {  	_ =	swait.ge [sflag:s12], $0x4000  }
0xcd: {  	[sflag:s12] =	ssyncset.done $0x0  }
0xce: {  	s1 =	simm.s32 $0x15080;
	[sflag:s12] =	ssyncadd.s32 $0xFFFFC000  }
0xcf: {  	[spmem:s3] =	stream.indirect.scatter.add.f32 [tilespmem:s7], [sflag:$0x2], $0x80, s1, s9, $0xb8;
	[tilespmem:$0x1D400] =	vst v63  }
0xd0: {  	_ =	swait.ge [sflag:s12], $0x4000  }
0xd1: {  	[sflag:s12] =	ssyncset.done $0x0  }
0xd2: {  	s1 =	simm.s32 $0x15180;
	[sflag:s12] =	ssyncadd.s32 $0xFFFFC000  }
0xd3: {  	[spmem:s3] =	stream.indirect.scatter.add.f32 [tilespmem:s11], [sflag:$0x2], $0x80, s1, s9, $0xb8;
	[tilespmem:$0x1D400] =	vst v63  }
0xd4: {  	_ =	swait.ge [sflag:s15], $0x4000  }
0xd5: {  	[sflag:s15] =	ssyncset.done $0x0  }
0xd6: {  	[sflag:s15] =	ssyncadd.s32 $0xFFFFC000  }
0xd7: {  	_ =	swait.ge [sflag:s15], $0x4000  }
0xd8: {  	[sflag:s15] =	ssyncset.done $0x0  }
0xd9: {  	s1 =	simm.s32 $0x15200;
	[sflag:s15] =	ssyncadd.s32 $0xFFFFC000  }
0xda: {  	[tilespmem:s7], [sflag:$0x1] =	stream.indirect.gather [hbm4b:s2+s9], $0x80, s1, s9, $0xb8;
	[tilespmem:$0x1D400] =	vst v63  }
0xdb: {  	s1 =	simm.s32 $0x15300  }
0xdc: {  	[tilespmem:s11], [sflag:$0x1] =	stream.indirect.gather [hbm4b:s2+s9], $0x80, s1, s9, $0xb8;
	[tilespmem:$0x1D400] =	vst v63  }
0xdd: {  	_ =	swait.ge [sflag:s12], $0x4000  }
0xde: {  	[sflag:s12] =	ssyncset.done $0x0  }
0xdf: {  	s1 =	simm.s32 $0x15280;
	[sflag:s12] =	ssyncadd.s32 $0xFFFFC000  }
0xe0: {  	[spmem:s3] =	stream.indirect.scatter.add.f32 [tilespmem:s7], [sflag:$0x2], $0x80, s1, s9, $0xb8;
	[tilespmem:$0x1D400] =	vst v63  }
0xe1: {  	_ =	swait.ge [sflag:s12], $0x4000  }
0xe2: {  	[sflag:s12] =	ssyncset.done $0x0  }
0xe3: {  	s1 =	simm.s32 $0x15380;
	[sflag:s12] =	ssyncadd.s32 $0xFFFFC000  }
0xe4: {  	[spmem:s3] =	stream.indirect.scatter.add.f32 [tilespmem:s11], [sflag:$0x2], $0x80, s1, s9, $0xb8;
	[tilespmem:$0x1D400] =	vst v63  }
0xe5: {  	_ =	swait.ge [sflag:s15], $0x4000  }
0xe6: {  	[sflag:s15] =	ssyncset.done $0x0  }
0xe7: {  	[sflag:s15] =	ssyncadd.s32 $0xFFFFC000  }
0xe8: {  	_ =	swait.ge [sflag:s15], $0x4000  }
0xe9: {  	[sflag:s15] =	ssyncset.done $0x0  }
0xea: {  	s0 =	rddreg [dreg:$0xd];
	[sflag:s15] =	ssyncadd.s32 $0xFFFFC000  }
0xeb: {  	[tilespmem:s8], [sflag:$0x3] =	stream.linear.gather [hbm4b:s0+s31], $0x1400, $0x38;
	[tilespmem:$0x1D400] =	vst v63  }
0xec: {  	_ =	swait.ge [sflag:s6], $0x1400  }
0xed: {  	[sflag:s6] =	ssyncset.done $0x0  }
0xee: {  	[sflag:s6] =	ssyncadd.s32 $0xFFFFEC00  }
0xef: {  	[tilespmem:s7], [sflag:$0x1] =	stream.indirect.gather [hbm4b:s2+s9], $0x80, s8, s9, $0xb8;
	[tilespmem:$0x1D400] =	vst v63  }
0xf0: {  	s4 =	simm.s32 $0x14100  }
0xf1: {  	[tilespmem:s11], [sflag:$0x1] =	stream.indirect.gather [hbm4b:s2+s9], $0x80, s4, s9, $0xb8;
	[tilespmem:$0x1D400] =	vst v63  }
0xf2: {  	_ =	swait.ge [sflag:s12], $0x4000  }
0xf3: {  	[sflag:s12] =	ssyncset.done $0x0  }
0xf4: {  	s5 =	simm.s32 $0x14080;
	[sflag:s12] =	ssyncadd.s32 $0xFFFFC000  }
0xf5: {  	[spmem:s3] =	stream.indirect.scatter.add.f32 [tilespmem:s7], [sflag:$0x2], $0x80, s5, s9, $0xb8;
	[tilespmem:$0x1D400] =	vst v63  }
0xf6: {  	_ =	swait.ge [sflag:s12], $0x4000  }
0xf7: {  	[sflag:s12] =	ssyncset.done $0x0  }
0xf8: {  	s10 =	simm.s32 $0x14180;
	[sflag:s12] =	ssyncadd.s32 $0xFFFFC000  }
0xf9: {  	[spmem:s3] =	stream.indirect.scatter.add.f32 [tilespmem:s11], [sflag:$0x2], $0x80, s10, s9, $0xb8;
	[tilespmem:$0x1D400] =	vst v63  }
0xfa: {  	_ =	swait.ge [sflag:s15], $0x4000  }
0xfb: {  	[sflag:s15] =	ssyncset.done $0x0  }
0xfc: {  	[sflag:s15] =	ssyncadd.s32 $0xFFFFC000  }
0xfd: {  	_ =	swait.ge [sflag:s15], $0x4000  }
0xfe: {  	[sflag:s15] =	ssyncset.done $0x0  }
0xff: {  	s13 =	simm.s32 $0x14200;
	[sflag:s15] =	ssyncadd.s32 $0xFFFFC000  }
0x100: {  	[tilespmem:s7], [sflag:$0x1] =	stream.indirect.gather [hbm4b:s2+s9], $0x80, s13, s9, $0xb8;
	[tilespmem:$0x1D400] =	vst v63  }
0x101: {  	s14 =	simm.s32 $0x14300  }
0x102: {  	[tilespmem:s11], [sflag:$0x1] =	stream.indirect.gather [hbm4b:s2+s9], $0x80, s14, s9, $0xb8;
	[tilespmem:$0x1D400] =	vst v63  }
0x103: {  	_ =	swait.ge [sflag:s12], $0x4000  }
0x104: {  	[sflag:s12] =	ssyncset.done $0x0  }
0x105: {  	s16 =	simm.s32 $0x14280;
	[sflag:s12] =	ssyncadd.s32 $0xFFFFC000  }
0x106: {  	[spmem:s3] =	stream.indirect.scatter.add.f32 [tilespmem:s7], [sflag:$0x2], $0x80, s16, s9, $0xb8;
	[tilespmem:$0x1D400] =	vst v63  }
0x107: {  	_ =	swait.ge [sflag:s12], $0x4000  }
0x108: {  	[sflag:s12] =	ssyncset.done $0x0  }
0x109: {  	s17 =	simm.s32 $0x14380;
	[sflag:s12] =	ssyncadd.s32 $0xFFFFC000  }
0x10a: {  	[spmem:s3] =	stream.indirect.scatter.add.f32 [tilespmem:s11], [sflag:$0x2], $0x80, s17, s9, $0xb8;
	[tilespmem:$0x1D400] =	vst v63  }
0x10b: {  	_ =	swait.ge [sflag:s15], $0x4000  }
0x10c: {  	[sflag:s15] =	ssyncset.done $0x0  }
0x10d: {  	[sflag:s15] =	ssyncadd.s32 $0xFFFFC000  }
0x10e: {  	_ =	swait.ge [sflag:s15], $0x4000  }
0x10f: {  	[sflag:s15] =	ssyncset.done $0x0  }
0x110: {  	s18 =	simm.s32 $0x14400;
	[sflag:s15] =	ssyncadd.s32 $0xFFFFC000  }
0x111: {  	[tilespmem:s7], [sflag:$0x1] =	stream.indirect.gather [hbm4b:s2+s9], $0x80, s18, s9, $0xb8;
	[tilespmem:$0x1D400] =	vst v63  }
0x112: {  	s19 =	simm.s32 $0x14500  }
0x113: {  	[tilespmem:s11], [sflag:$0x1] =	stream.indirect.gather [hbm4b:s2+s9], $0x80, s19, s9, $0xb8;
	[tilespmem:$0x1D400] =	vst v63  }
0x114: {  	_ =	swait.ge [sflag:s12], $0x4000  }
0x115: {  	[sflag:s12] =	ssyncset.done $0x0  }
0x116: {  	s20 =	simm.s32 $0x14480;
	[sflag:s12] =	ssyncadd.s32 $0xFFFFC000  }
0x117: {  	[spmem:s3] =	stream.indirect.scatter.add.f32 [tilespmem:s7], [sflag:$0x2], $0x80, s20, s9, $0xb8;
	[tilespmem:$0x1D400] =	vst v63  }
0x118: {  	_ =	swait.ge [sflag:s12], $0x4000  }
0x119: {  	[sflag:s12] =	ssyncset.done $0x0  }
0x11a: {  	s21 =	simm.s32 $0x14580;
	[sflag:s12] =	ssyncadd.s32 $0xFFFFC000  }
0x11b: {  	[spmem:s3] =	stream.indirect.scatter.add.f32 [tilespmem:s11], [sflag:$0x2], $0x80, s21, s9, $0xb8;
	[tilespmem:$0x1D400] =	vst v63  }
0x11c: {  	_ =	swait.ge [sflag:s15], $0x4000  }
0x11d: {  	[sflag:s15] =	ssyncset.done $0x0  }
0x11e: {  	[sflag:s15] =	ssyncadd.s32 $0xFFFFC000  }
0x11f: {  	_ =	swait.ge [sflag:s15], $0x4000  }
0x120: {  	[sflag:s15] =	ssyncset.done $0x0  }
0x121: {  	s22 =	simm.s32 $0x14600;
	[sflag:s15] =	ssyncadd.s32 $0xFFFFC000  }
0x122: {  	[tilespmem:s7], [sflag:$0x1] =	stream.indirect.gather [hbm4b:s2+s9], $0x80, s22, s9, $0xb8;
	[tilespmem:$0x1D400] =	vst v63  }
0x123: {  	s23 =	simm.s32 $0x14700  }
0x124: {  	[tilespmem:s11], [sflag:$0x1] =	stream.indirect.gather [hbm4b:s2+s9], $0x80, s23, s9, $0xb8;
	[tilespmem:$0x1D400] =	vst v63  }
0x125: {  	_ =	swait.ge [sflag:s12], $0x4000  }
0x126: {  	[sflag:s12] =	ssyncset.done $0x0  }
0x127: {  	s24 =	simm.s32 $0x14680;
	[sflag:s12] =	ssyncadd.s32 $0xFFFFC000  }
0x128: {  	[spmem:s3] =	stream.indirect.scatter.add.f32 [tilespmem:s7], [sflag:$0x2], $0x80, s24, s9, $0xb8;
	[tilespmem:$0x1D400] =	vst v63  }
0x129: {  	_ =	swait.ge [sflag:s12], $0x4000  }
0x12a: {  	[sflag:s12] =	ssyncset.done $0x0  }
0x12b: {  	s25 =	simm.s32 $0x14780;
	[sflag:s12] =	ssyncadd.s32 $0xFFFFC000  }
0x12c: {  	[spmem:s3] =	stream.indirect.scatter.add.f32 [tilespmem:s11], [sflag:$0x2], $0x80, s25, s9, $0xb8;
	[tilespmem:$0x1D400] =	vst v63  }
0x12d: {  	_ =	swait.ge [sflag:s15], $0x4000  }
0x12e: {  	[sflag:s15] =	ssyncset.done $0x0  }
0x12f: {  	[sflag:s15] =	ssyncadd.s32 $0xFFFFC000  }
0x130: {  	_ =	swait.ge [sflag:s15], $0x4000  }
0x131: {  	[sflag:s15] =	ssyncset.done $0x0  }
0x132: {  	s26 =	simm.s32 $0x14800;
	[sflag:s15] =	ssyncadd.s32 $0xFFFFC000  }
0x133: {  	[tilespmem:s7], [sflag:$0x1] =	stream.indirect.gather [hbm4b:s2+s9], $0x80, s26, s9, $0xb8;
	[tilespmem:$0x1D400] =	vst v63  }
0x134: {  	s28 =	simm.s32 $0x14900  }
0x135: {  	[tilespmem:s11], [sflag:$0x1] =	stream.indirect.gather [hbm4b:s2+s9], $0x80, s28, s9, $0xb8;
	[tilespmem:$0x1D400] =	vst v63  }
0x136: {  	_ =	swait.ge [sflag:s12], $0x4000  }
0x137: {  	[sflag:s12] =	ssyncset.done $0x0  }
0x138: {  	s29 =	simm.s32 $0x14880;
	[sflag:s12] =	ssyncadd.s32 $0xFFFFC000  }
0x139: {  	[spmem:s3] =	stream.indirect.scatter.add.f32 [tilespmem:s7], [sflag:$0x2], $0x80, s29, s9, $0xb8;
	[tilespmem:$0x1D400] =	vst v63  }
0x13a: {  	_ =	swait.ge [sflag:s12], $0x4000  }
0x13b: {  	[sflag:s12] =	ssyncset.done $0x0  }
0x13c: {  	s30 =	simm.s32 $0x14980;
	[sflag:s12] =	ssyncadd.s32 $0xFFFFC000  }
0x13d: {  	[spmem:s3] =	stream.indirect.scatter.add.f32 [tilespmem:s11], [sflag:$0x2], $0x80, s30, s9, $0xb8;
	[tilespmem:$0x1D400] =	vst v63  }
0x13e: {  	_ =	swait.ge [sflag:s15], $0x4000  }
0x13f: {  	[sflag:s15] =	ssyncset.done $0x0  }
0x140: {  	[sflag:s15] =	ssyncadd.s32 $0xFFFFC000  }
0x141: {  	_ =	swait.ge [sflag:s15], $0x4000  }
0x142: {  	[sflag:s15] =	ssyncset.done $0x0  }
0x143: {  	s0 =	simm.s32 $0x14A00;
	[sflag:s15] =	ssyncadd.s32 $0xFFFFC000  }
0x144: {  	[tilespmem:s7], [sflag:$0x1] =	stream.indirect.gather [hbm4b:s2+s9], $0x80, s0, s9, $0xb8;
	[tilespmem:$0x1D400] =	vst v63  }
0x145: {  	s0 =	simm.s32 $0x14B00  }
0x146: {  	[tilespmem:s11], [sflag:$0x1] =	stream.indirect.gather [hbm4b:s2+s9], $0x80, s0, s9, $0xb8;
	[tilespmem:$0x1D400] =	vst v63  }
0x147: {  	_ =	swait.ge [sflag:s12], $0x4000  }
0x148: {  	[sflag:s12] =	ssyncset.done $0x0  }
0x149: {  	s0 =	simm.s32 $0x14A80;
	[sflag:s12] =	ssyncadd.s32 $0xFFFFC000  }
0x14a: {  	[spmem:s3] =	stream.indirect.scatter.add.f32 [tilespmem:s7], [sflag:$0x2], $0x80, s0, s9, $0xb8;
	[tilespmem:$0x1D400] =	vst v63  }
0x14b: {  	_ =	swait.ge [sflag:s12], $0x4000  }
0x14c: {  	[sflag:s12] =	ssyncset.done $0x0  }
0x14d: {  	s0 =	simm.s32 $0x14B80;
	[sflag:s12] =	ssyncadd.s32 $0xFFFFC000  }
0x14e: {  	[spmem:s3] =	stream.indirect.scatter.add.f32 [tilespmem:s11], [sflag:$0x2], $0x80, s0, s9, $0xb8;
	[tilespmem:$0x1D400] =	vst v63  }
0x14f: {  	_ =	swait.ge [sflag:s15], $0x4000  }
0x150: {  	[sflag:s15] =	ssyncset.done $0x0  }
0x151: {  	[sflag:s15] =	ssyncadd.s32 $0xFFFFC000  }
0x152: {  	_ =	swait.ge [sflag:s15], $0x4000  }
0x153: {  	[sflag:s15] =	ssyncset.done $0x0  }
0x154: {  	s0 =	simm.s32 $0x14C00;
	[sflag:s15] =	ssyncadd.s32 $0xFFFFC000  }
0x155: {  	[tilespmem:s7], [sflag:$0x1] =	stream.indirect.gather [hbm4b:s2+s9], $0x80, s0, s9, $0xb8;
	[tilespmem:$0x1D400] =	vst v63  }
0x156: {  	s0 =	simm.s32 $0x14D00  }
0x157: {  	[tilespmem:s11], [sflag:$0x1] =	stream.indirect.gather [hbm4b:s2+s9], $0x80, s0, s9, $0xb8;
	[tilespmem:$0x1D400] =	vst v63  }
0x158: {  	_ =	swait.ge [sflag:s12], $0x4000  }
0x159: {  	[sflag:s12] =	ssyncset.done $0x0  }
0x15a: {  	s0 =	simm.s32 $0x14C80;
	[sflag:s12] =	ssyncadd.s32 $0xFFFFC000  }
0x15b: {  	[spmem:s3] =	stream.indirect.scatter.add.f32 [tilespmem:s7], [sflag:$0x2], $0x80, s0, s9, $0xb8;
	[tilespmem:$0x1D400] =	vst v63  }
0x15c: {  	_ =	swait.ge [sflag:s12], $0x4000  }
0x15d: {  	[sflag:s12] =	ssyncset.done $0x0  }
0x15e: {  	s0 =	simm.s32 $0x14D80;
	[sflag:s12] =	ssyncadd.s32 $0xFFFFC000  }
0x15f: {  	[spmem:s3] =	stream.indirect.scatter.add.f32 [tilespmem:s11], [sflag:$0x2], $0x80, s0, s9, $0xb8;
	[tilespmem:$0x1D400] =	vst v63  }
0x160: {  	_ =	swait.ge [sflag:s15], $0x4000  }
0x161: {  	[sflag:s15] =	ssyncset.done $0x0  }
0x162: {  	[sflag:s15] =	ssyncadd.s32 $0xFFFFC000  }
0x163: {  	_ =	swait.ge [sflag:s15], $0x4000  }
0x164: {  	[sflag:s15] =	ssyncset.done $0x0  }
0x165: {  	s0 =	simm.s32 $0x14E00;
	[sflag:s15] =	ssyncadd.s32 $0xFFFFC000  }
0x166: {  	[tilespmem:s7], [sflag:$0x1] =	stream.indirect.gather [hbm4b:s2+s9], $0x80, s0, s9, $0xb8;
	[tilespmem:$0x1D400] =	vst v63  }
0x167: {  	s0 =	simm.s32 $0x14F00  }
0x168: {  	[tilespmem:s11], [sflag:$0x1] =	stream.indirect.gather [hbm4b:s2+s9], $0x80, s0, s9, $0xb8;
	[tilespmem:$0x1D400] =	vst v63  }
0x169: {  	_ =	swait.ge [sflag:s12], $0x4000  }
0x16a: {  	[sflag:s12] =	ssyncset.done $0x0  }
0x16b: {  	s0 =	simm.s32 $0x14E80;
	[sflag:s12] =	ssyncadd.s32 $0xFFFFC000  }
0x16c: {  	[spmem:s3] =	stream.indirect.scatter.add.f32 [tilespmem:s7], [sflag:$0x2], $0x80, s0, s9, $0xb8;
	[tilespmem:$0x1D400] =	vst v63  }
0x16d: {  	_ =	swait.ge [sflag:s12], $0x4000  }
0x16e: {  	[sflag:s12] =	ssyncset.done $0x0  }
0x16f: {  	s0 =	simm.s32 $0x14F80;
	[sflag:s12] =	ssyncadd.s32 $0xFFFFC000  }
0x170: {  	[spmem:s3] =	stream.indirect.scatter.add.f32 [tilespmem:s11], [sflag:$0x2], $0x80, s0, s9, $0xb8;
	[tilespmem:$0x1D400] =	vst v63  }
0x171: {  	_ =	swait.ge [sflag:s15], $0x4000  }
0x172: {  	[sflag:s15] =	ssyncset.done $0x0  }
0x173: {  	[sflag:s15] =	ssyncadd.s32 $0xFFFFC000  }
0x174: {  	_ =	swait.ge [sflag:s15], $0x4000  }
0x175: {  	[sflag:s15] =	ssyncset.done $0x0  }
0x176: {  	s0 =	simm.s32 $0x15000;
	[sflag:s15] =	ssyncadd.s32 $0xFFFFC000  }
0x177: {  	[tilespmem:s7], [sflag:$0x1] =	stream.indirect.gather [hbm4b:s2+s9], $0x80, s0, s9, $0xb8;
	[tilespmem:$0x1D400] =	vst v63  }
0x178: {  	s0 =	simm.s32 $0x15100  }
0x179: {  	[tilespmem:s11], [sflag:$0x1] =	stream.indirect.gather [hbm4b:s2+s9], $0x80, s0, s9, $0xb8;
	[tilespmem:$0x1D400] =	vst v63  }
0x17a: {  	_ =	swait.ge [sflag:s12], $0x4000  }
0x17b: {  	[sflag:s12] =	ssyncset.done $0x0  }
0x17c: {  	s0 =	simm.s32 $0x15080;
	[sflag:s12] =	ssyncadd.s32 $0xFFFFC000  }
0x17d: {  	[spmem:s3] =	stream.indirect.scatter.add.f32 [tilespmem:s7], [sflag:$0x2], $0x80, s0, s9, $0xb8;
	[tilespmem:$0x1D400] =	vst v63  }
0x17e: {  	_ =	swait.ge [sflag:s12], $0x4000  }
0x17f: {  	[sflag:s12] =	ssyncset.done $0x0  }
0x180: {  	s0 =	simm.s32 $0x15180;
	[sflag:s12] =	ssyncadd.s32 $0xFFFFC000  }
0x181: {  	[spmem:s3] =	stream.indirect.scatter.add.f32 [tilespmem:s11], [sflag:$0x2], $0x80, s0, s9, $0xb8;
	[tilespmem:$0x1D400] =	vst v63  }
0x182: {  	_ =	swait.ge [sflag:s15], $0x4000  }
0x183: {  	[sflag:s15] =	ssyncset.done $0x0  }
0x184: {  	[sflag:s15] =	ssyncadd.s32 $0xFFFFC000  }
0x185: {  	_ =	swait.ge [sflag:s15], $0x4000  }
0x186: {  	[sflag:s15] =	ssyncset.done $0x0  }
0x187: {  	s0 =	simm.s32 $0x15200;
	[sflag:s15] =	ssyncadd.s32 $0xFFFFC000  }
0x188: {  	[tilespmem:s7], [sflag:$0x1] =	stream.indirect.gather [hbm4b:s2+s9], $0x80, s0, s9, $0xb8;
	[tilespmem:$0x1D400] =	vst v63  }
0x189: {  	s0 =	simm.s32 $0x15300  }
0x18a: {  	[tilespmem:s11], [sflag:$0x1] =	stream.indirect.gather [hbm4b:s2+s9], $0x80, s0, s9, $0xb8;
	[tilespmem:$0x1D400] =	vst v63  }
0x18b: {  	_ =	swait.ge [sflag:s12], $0x4000  }
0x18c: {  	[sflag:s12] =	ssyncset.done $0x0  }
0x18d: {  	s0 =	simm.s32 $0x15280;
	[sflag:s12] =	ssyncadd.s32 $0xFFFFC000  }
0x18e: {  	[spmem:s3] =	stream.indirect.scatter.add.f32 [tilespmem:s7], [sflag:$0x2], $0x80, s0, s9, $0xb8;
	[tilespmem:$0x1D400] =	vst v63  }
0x18f: {  	_ =	swait.ge [sflag:s12], $0x4000  }
0x190: {  	[sflag:s12] =	ssyncset.done $0x0  }
0x191: {  	s1 =	simm.s32 $0x15380;
	[sflag:s12] =	ssyncadd.s32 $0xFFFFC000  }
0x192: {  	[spmem:s3] =	stream.indirect.scatter.add.f32 [tilespmem:s11], [sflag:$0x2], $0x80, s1, s9, $0xb8;
	[tilespmem:$0x1D400] =	vst v63  }
0x193: {  	_ =	swait.ge [sflag:s15], $0x4000  }
0x194: {  	[sflag:s15] =	ssyncset.done $0x0  }
0x195: {  	[sflag:s15] =	ssyncadd.s32 $0xFFFFC000  }
0x196: {  	_ =	swait.ge [sflag:s15], $0x4000  }
0x197: {  	[sflag:s15] =	ssyncset.done $0x0  }
0x198: {  	s1 =	rddreg [dreg:$0xe];
	[sflag:s15] =	ssyncadd.s32 $0xFFFFC000  }
0x199: {  	[tilespmem:s8], [sflag:$0x3] =	stream.linear.gather [hbm4b:s1+s31], $0x1400, $0x38;
	[tilespmem:$0x1D400] =	vst v63  }
0x19a: {  	_ =	swait.ge [sflag:s6], $0x1400  }
0x19b: {  	[sflag:s6] =	ssyncset.done $0x0  }
0x19c: {  	[sflag:s6] =	ssyncadd.s32 $0xFFFFEC00  }
0x19d: {  	[tilespmem:s7], [sflag:$0x1] =	stream.indirect.gather [hbm4b:s2+s9], $0x80, s8, s9, $0xb8;
	[tilespmem:$0x1D400] =	vst v63  }
0x19e: {  	s4 =	simm.s32 $0x14100  }
0x19f: {  	[tilespmem:s11], [sflag:$0x1] =	stream.indirect.gather [hbm4b:s2+s9], $0x80, s4, s9, $0xb8;
	[tilespmem:$0x1D400] =	vst v63  }
0x1a0: {  	_ =	swait.ge [sflag:s12], $0x4000  }
0x1a1: {  	[sflag:s12] =	ssyncset.done $0x0  }
0x1a2: {  	s5 =	simm.s32 $0x14080;
	[sflag:s12] =	ssyncadd.s32 $0xFFFFC000  }
0x1a3: {  	[spmem:s3] =	stream.indirect.scatter.add.f32 [tilespmem:s7], [sflag:$0x2], $0x80, s5, s9, $0xb8;
	[tilespmem:$0x1D400] =	vst v63  }
0x1a4: {  	_ =	swait.ge [sflag:s12], $0x4000  }
0x1a5: {  	[sflag:s12] =	ssyncset.done $0x0  }
0x1a6: {  	s10 =	simm.s32 $0x14180;
	[sflag:s12] =	ssyncadd.s32 $0xFFFFC000  }
0x1a7: {  	[spmem:s3] =	stream.indirect.scatter.add.f32 [tilespmem:s11], [sflag:$0x2], $0x80, s10, s9, $0xb8;
	[tilespmem:$0x1D400] =	vst v63  }
0x1a8: {  	_ =	swait.ge [sflag:s15], $0x4000  }
0x1a9: {  	[sflag:s15] =	ssyncset.done $0x0  }
0x1aa: {  	[sflag:s15] =	ssyncadd.s32 $0xFFFFC000  }
0x1ab: {  	_ =	swait.ge [sflag:s15], $0x4000  }
0x1ac: {  	[sflag:s15] =	ssyncset.done $0x0  }
0x1ad: {  	s13 =	simm.s32 $0x14200;
	[sflag:s15] =	ssyncadd.s32 $0xFFFFC000  }
0x1ae: {  	[tilespmem:s7], [sflag:$0x1] =	stream.indirect.gather [hbm4b:s2+s9], $0x80, s13, s9, $0xb8;
	[tilespmem:$0x1D400] =	vst v63  }
0x1af: {  	s14 =	simm.s32 $0x14300  }
0x1b0: {  	[tilespmem:s11], [sflag:$0x1] =	stream.indirect.gather [hbm4b:s2+s9], $0x80, s14, s9, $0xb8;
	[tilespmem:$0x1D400] =	vst v63  }
0x1b1: {  	_ =	swait.ge [sflag:s12], $0x4000  }
0x1b2: {  	[sflag:s12] =	ssyncset.done $0x0  }
0x1b3: {  	s16 =	simm.s32 $0x14280;
	[sflag:s12] =	ssyncadd.s32 $0xFFFFC000  }
0x1b4: {  	[spmem:s3] =	stream.indirect.scatter.add.f32 [tilespmem:s7], [sflag:$0x2], $0x80, s16, s9, $0xb8;
	[tilespmem:$0x1D400] =	vst v63  }
0x1b5: {  	_ =	swait.ge [sflag:s12], $0x4000  }
0x1b6: {  	[sflag:s12] =	ssyncset.done $0x0  }
0x1b7: {  	s17 =	simm.s32 $0x14380;
	[sflag:s12] =	ssyncadd.s32 $0xFFFFC000  }
0x1b8: {  	[spmem:s3] =	stream.indirect.scatter.add.f32 [tilespmem:s11], [sflag:$0x2], $0x80, s17, s9, $0xb8;
	[tilespmem:$0x1D400] =	vst v63  }
0x1b9: {  	_ =	swait.ge [sflag:s15], $0x4000  }
0x1ba: {  	[sflag:s15] =	ssyncset.done $0x0  }
0x1bb: {  	[sflag:s15] =	ssyncadd.s32 $0xFFFFC000  }
0x1bc: {  	_ =	swait.ge [sflag:s15], $0x4000  }
0x1bd: {  	[sflag:s15] =	ssyncset.done $0x0  }
0x1be: {  	s18 =	simm.s32 $0x14400;
	[sflag:s15] =	ssyncadd.s32 $0xFFFFC000  }
0x1bf: {  	[tilespmem:s7], [sflag:$0x1] =	stream.indirect.gather [hbm4b:s2+s9], $0x80, s18, s9, $0xb8;
	[tilespmem:$0x1D400] =	vst v63  }
0x1c0: {  	s19 =	simm.s32 $0x14500  }
0x1c1: {  	[tilespmem:s11], [sflag:$0x1] =	stream.indirect.gather [hbm4b:s2+s9], $0x80, s19, s9, $0xb8;
	[tilespmem:$0x1D400] =	vst v63  }
0x1c2: {  	_ =	swait.ge [sflag:s12], $0x4000  }
0x1c3: {  	[sflag:s12] =	ssyncset.done $0x0  }
0x1c4: {  	s20 =	simm.s32 $0x14480;
	[sflag:s12] =	ssyncadd.s32 $0xFFFFC000  }
0x1c5: {  	[spmem:s3] =	stream.indirect.scatter.add.f32 [tilespmem:s7], [sflag:$0x2], $0x80, s20, s9, $0xb8;
	[tilespmem:$0x1D400] =	vst v63  }
0x1c6: {  	_ =	swait.ge [sflag:s12], $0x4000  }
0x1c7: {  	[sflag:s12] =	ssyncset.done $0x0  }
0x1c8: {  	s21 =	simm.s32 $0x14580;
	[sflag:s12] =	ssyncadd.s32 $0xFFFFC000  }
0x1c9: {  	[spmem:s3] =	stream.indirect.scatter.add.f32 [tilespmem:s11], [sflag:$0x2], $0x80, s21, s9, $0xb8;
	[tilespmem:$0x1D400] =	vst v63  }
0x1ca: {  	_ =	swait.ge [sflag:s15], $0x4000  }
0x1cb: {  	[sflag:s15] =	ssyncset.done $0x0  }
0x1cc: {  	[sflag:s15] =	ssyncadd.s32 $0xFFFFC000  }
0x1cd: {  	_ =	swait.ge [sflag:s15], $0x4000  }
0x1ce: {  	[sflag:s15] =	ssyncset.done $0x0  }
0x1cf: {  	s22 =	simm.s32 $0x14600;
	[sflag:s15] =	ssyncadd.s32 $0xFFFFC000  }
0x1d0: {  	[tilespmem:s7], [sflag:$0x1] =	stream.indirect.gather [hbm4b:s2+s9], $0x80, s22, s9, $0xb8;
	[tilespmem:$0x1D400] =	vst v63  }
0x1d1: {  	s23 =	simm.s32 $0x14700  }
0x1d2: {  	[tilespmem:s11], [sflag:$0x1] =	stream.indirect.gather [hbm4b:s2+s9], $0x80, s23, s9, $0xb8;
	[tilespmem:$0x1D400] =	vst v63  }
0x1d3: {  	_ =	swait.ge [sflag:s12], $0x4000  }
0x1d4: {  	[sflag:s12] =	ssyncset.done $0x0  }
0x1d5: {  	s24 =	simm.s32 $0x14680;
	[sflag:s12] =	ssyncadd.s32 $0xFFFFC000  }
0x1d6: {  	[spmem:s3] =	stream.indirect.scatter.add.f32 [tilespmem:s7], [sflag:$0x2], $0x80, s24, s9, $0xb8;
	[tilespmem:$0x1D400] =	vst v63  }
0x1d7: {  	_ =	swait.ge [sflag:s12], $0x4000  }
0x1d8: {  	[sflag:s12] =	ssyncset.done $0x0  }
0x1d9: {  	s25 =	simm.s32 $0x14780;
	[sflag:s12] =	ssyncadd.s32 $0xFFFFC000  }
0x1da: {  	[spmem:s3] =	stream.indirect.scatter.add.f32 [tilespmem:s11], [sflag:$0x2], $0x80, s25, s9, $0xb8;
	[tilespmem:$0x1D400] =	vst v63  }
0x1db: {  	_ =	swait.ge [sflag:s15], $0x4000  }
0x1dc: {  	[sflag:s15] =	ssyncset.done $0x0  }
0x1dd: {  	[sflag:s15] =	ssyncadd.s32 $0xFFFFC000  }
0x1de: {  	_ =	swait.ge [sflag:s15], $0x4000  }
0x1df: {  	[sflag:s15] =	ssyncset.done $0x0  }
0x1e0: {  	s26 =	simm.s32 $0x14800;
	[sflag:s15] =	ssyncadd.s32 $0xFFFFC000  }
0x1e1: {  	[tilespmem:s7], [sflag:$0x1] =	stream.indirect.gather [hbm4b:s2+s9], $0x80, s26, s9, $0xb8;
	[tilespmem:$0x1D400] =	vst v63  }
0x1e2: {  	s28 =	simm.s32 $0x14900  }
0x1e3: {  	[tilespmem:s11], [sflag:$0x1] =	stream.indirect.gather [hbm4b:s2+s9], $0x80, s28, s9, $0xb8;
	[tilespmem:$0x1D400] =	vst v63  }
0x1e4: {  	_ =	swait.ge [sflag:s12], $0x4000  }
0x1e5: {  	[sflag:s12] =	ssyncset.done $0x0  }
0x1e6: {  	s29 =	simm.s32 $0x14880;
	[sflag:s12] =	ssyncadd.s32 $0xFFFFC000  }
0x1e7: {  	[spmem:s3] =	stream.indirect.scatter.add.f32 [tilespmem:s7], [sflag:$0x2], $0x80, s29, s9, $0xb8;
	[tilespmem:$0x1D400] =	vst v63  }
0x1e8: {  	_ =	swait.ge [sflag:s12], $0x4000  }
0x1e9: {  	[sflag:s12] =	ssyncset.done $0x0  }
0x1ea: {  	s30 =	simm.s32 $0x14980;
	[sflag:s12] =	ssyncadd.s32 $0xFFFFC000  }
0x1eb: {  	[spmem:s3] =	stream.indirect.scatter.add.f32 [tilespmem:s11], [sflag:$0x2], $0x80, s30, s9, $0xb8;
	[tilespmem:$0x1D400] =	vst v63  }
0x1ec: {  	_ =	swait.ge [sflag:s15], $0x4000  }
0x1ed: {  	[sflag:s15] =	ssyncset.done $0x0  }
0x1ee: {  	[sflag:s15] =	ssyncadd.s32 $0xFFFFC000  }
0x1ef: {  	_ =	swait.ge [sflag:s15], $0x4000  }
0x1f0: {  	[sflag:s15] =	ssyncset.done $0x0  }
0x1f1: {  	s30 =	simm.s32 $0x14A00;
	[sflag:s15] =	ssyncadd.s32 $0xFFFFC000  }
0x1f2: {  	[tilespmem:s7], [sflag:$0x1] =	stream.indirect.gather [hbm4b:s2+s9], $0x80, s30, s9, $0xb8;
	[tilespmem:$0x1D400] =	vst v63  }
0x1f3: {  	s0 =	simm.s32 $0x14B00  }
0x1f4: {  	[tilespmem:s11], [sflag:$0x1] =	stream.indirect.gather [hbm4b:s2+s9], $0x80, s0, s9, $0xb8;
	[tilespmem:$0x1D400] =	vst v63  }
0x1f5: {  	_ =	swait.ge [sflag:s12], $0x4000  }
0x1f6: {  	[sflag:s12] =	ssyncset.done $0x0  }
0x1f7: {  	s0 =	simm.s32 $0x14A80;
	[sflag:s12] =	ssyncadd.s32 $0xFFFFC000  }
0x1f8: {  	[spmem:s3] =	stream.indirect.scatter.add.f32 [tilespmem:s7], [sflag:$0x2], $0x80, s0, s9, $0xb8;
	[tilespmem:$0x1D400] =	vst v63  }
0x1f9: {  	_ =	swait.ge [sflag:s12], $0x4000  }
0x1fa: {  	[sflag:s12] =	ssyncset.done $0x0  }
0x1fb: {  	s0 =	simm.s32 $0x14B80;
	[sflag:s12] =	ssyncadd.s32 $0xFFFFC000  }
0x1fc: {  	[spmem:s3] =	stream.indirect.scatter.add.f32 [tilespmem:s11], [sflag:$0x2], $0x80, s0, s9, $0xb8;
	[tilespmem:$0x1D400] =	vst v63  }
0x1fd: {  	_ =	swait.ge [sflag:s15], $0x4000  }
0x1fe: {  	[sflag:s15] =	ssyncset.done $0x0  }
0x1ff: {  	[sflag:s15] =	ssyncadd.s32 $0xFFFFC000  }
0x200: {  	_ =	swait.ge [sflag:s15], $0x4000  }
0x201: {  	[sflag:s15] =	ssyncset.done $0x0  }
0x202: {  	s0 =	simm.s32 $0x14C00;
	[sflag:s15] =	ssyncadd.s32 $0xFFFFC000  }
0x203: {  	[tilespmem:s7], [sflag:$0x1] =	stream.indirect.gather [hbm4b:s2+s9], $0x80, s0, s9, $0xb8;
	[tilespmem:$0x1D400] =	vst v63  }
0x204: {  	s0 =	simm.s32 $0x14D00  }
0x205: {  	[tilespmem:s11], [sflag:$0x1] =	stream.indirect.gather [hbm4b:s2+s9], $0x80, s0, s9, $0xb8;
	[tilespmem:$0x1D400] =	vst v63  }
0x206: {  	_ =	swait.ge [sflag:s12], $0x4000  }
0x207: {  	[sflag:s12] =	ssyncset.done $0x0  }
0x208: {  	s0 =	simm.s32 $0x14C80;
	[sflag:s12] =	ssyncadd.s32 $0xFFFFC000  }
0x209: {  	[spmem:s3] =	stream.indirect.scatter.add.f32 [tilespmem:s7], [sflag:$0x2], $0x80, s0, s9, $0xb8;
	[tilespmem:$0x1D400] =	vst v63  }
0x20a: {  	_ =	swait.ge [sflag:s12], $0x4000  }
0x20b: {  	[sflag:s12] =	ssyncset.done $0x0  }
0x20c: {  	s0 =	simm.s32 $0x14D80;
	[sflag:s12] =	ssyncadd.s32 $0xFFFFC000  }
0x20d: {  	[spmem:s3] =	stream.indirect.scatter.add.f32 [tilespmem:s11], [sflag:$0x2], $0x80, s0, s9, $0xb8;
	[tilespmem:$0x1D400] =	vst v63  }
0x20e: {  	_ =	swait.ge [sflag:s15], $0x4000  }
0x20f: {  	[sflag:s15] =	ssyncset.done $0x0  }
0x210: {  	[sflag:s15] =	ssyncadd.s32 $0xFFFFC000  }
0x211: {  	_ =	swait.ge [sflag:s15], $0x4000  }
0x212: {  	[sflag:s15] =	ssyncset.done $0x0  }
0x213: {  	s0 =	simm.s32 $0x14E00;
	[sflag:s15] =	ssyncadd.s32 $0xFFFFC000  }
0x214: {  	[tilespmem:s7], [sflag:$0x1] =	stream.indirect.gather [hbm4b:s2+s9], $0x80, s0, s9, $0xb8;
	[tilespmem:$0x1D400] =	vst v63  }
0x215: {  	s0 =	simm.s32 $0x14F00  }
0x216: {  	[tilespmem:s11], [sflag:$0x1] =	stream.indirect.gather [hbm4b:s2+s9], $0x80, s0, s9, $0xb8;
	[tilespmem:$0x1D400] =	vst v63  }
0x217: {  	_ =	swait.ge [sflag:s12], $0x4000  }
0x218: {  	[sflag:s12] =	ssyncset.done $0x0  }
0x219: {  	s0 =	simm.s32 $0x14E80;
	[sflag:s12] =	ssyncadd.s32 $0xFFFFC000  }
0x21a: {  	[spmem:s3] =	stream.indirect.scatter.add.f32 [tilespmem:s7], [sflag:$0x2], $0x80, s0, s9, $0xb8;
	[tilespmem:$0x1D400] =	vst v63  }
0x21b: {  	_ =	swait.ge [sflag:s12], $0x4000  }
0x21c: {  	[sflag:s12] =	ssyncset.done $0x0  }
0x21d: {  	s0 =	simm.s32 $0x14F80;
	[sflag:s12] =	ssyncadd.s32 $0xFFFFC000  }
0x21e: {  	[spmem:s3] =	stream.indirect.scatter.add.f32 [tilespmem:s11], [sflag:$0x2], $0x80, s0, s9, $0xb8;
	[tilespmem:$0x1D400] =	vst v63  }
0x21f: {  	_ =	swait.ge [sflag:s15], $0x4000  }
0x220: {  	[sflag:s15] =	ssyncset.done $0x0  }
0x221: {  	[sflag:s15] =	ssyncadd.s32 $0xFFFFC000  }
0x222: {  	_ =	swait.ge [sflag:s15], $0x4000  }
0x223: {  	[sflag:s15] =	ssyncset.done $0x0  }
0x224: {  	s0 =	simm.s32 $0x15000;
	[sflag:s15] =	ssyncadd.s32 $0xFFFFC000  }
0x225: {  	[tilespmem:s7], [sflag:$0x1] =	stream.indirect.gather [hbm4b:s2+s9], $0x80, s0, s9, $0xb8;
	[tilespmem:$0x1D400] =	vst v63  }
0x226: {  	s0 =	simm.s32 $0x15100  }
0x227: {  	[tilespmem:s11], [sflag:$0x1] =	stream.indirect.gather [hbm4b:s2+s9], $0x80, s0, s9, $0xb8;
	[tilespmem:$0x1D400] =	vst v63  }
0x228: {  	_ =	swait.ge [sflag:s12], $0x4000  }
0x229: {  	[sflag:s12] =	ssyncset.done $0x0  }
0x22a: {  	s0 =	simm.s32 $0x15080;
	[sflag:s12] =	ssyncadd.s32 $0xFFFFC000  }
0x22b: {  	[spmem:s3] =	stream.indirect.scatter.add.f32 [tilespmem:s7], [sflag:$0x2], $0x80, s0, s9, $0xb8;
	[tilespmem:$0x1D400] =	vst v63  }
0x22c: {  	_ =	swait.ge [sflag:s12], $0x4000  }
0x22d: {  	[sflag:s12] =	ssyncset.done $0x0  }
0x22e: {  	s0 =	simm.s32 $0x15180;
	[sflag:s12] =	ssyncadd.s32 $0xFFFFC000  }
0x22f: {  	[spmem:s3] =	stream.indirect.scatter.add.f32 [tilespmem:s11], [sflag:$0x2], $0x80, s0, s9, $0xb8;
	[tilespmem:$0x1D400] =	vst v63  }
0x230: {  	_ =	swait.ge [sflag:s15], $0x4000  }
0x231: {  	[sflag:s15] =	ssyncset.done $0x0  }
0x232: {  	[sflag:s15] =	ssyncadd.s32 $0xFFFFC000  }
0x233: {  	_ =	swait.ge [sflag:s15], $0x4000  }
0x234: {  	[sflag:s15] =	ssyncset.done $0x0  }
0x235: {  	s0 =	simm.s32 $0x15200;
	[sflag:s15] =	ssyncadd.s32 $0xFFFFC000  }
0x236: {  	[tilespmem:s7], [sflag:$0x1] =	stream.indirect.gather [hbm4b:s2+s9], $0x80, s0, s9, $0xb8;
	[tilespmem:$0x1D400] =	vst v63  }
0x237: {  	s0 =	simm.s32 $0x15300  }
0x238: {  	[tilespmem:s11], [sflag:$0x1] =	stream.indirect.gather [hbm4b:s2+s9], $0x80, s0, s9, $0xb8;
	[tilespmem:$0x1D400] =	vst v63  }
0x239: {  	_ =	swait.ge [sflag:s12], $0x4000  }
0x23a: {  	[sflag:s12] =	ssyncset.done $0x0  }
0x23b: {  	s0 =	simm.s32 $0x15280;
	[sflag:s12] =	ssyncadd.s32 $0xFFFFC000  }
0x23c: {  	[spmem:s3] =	stream.indirect.scatter.add.f32 [tilespmem:s7], [sflag:$0x2], $0x80, s0, s9, $0xb8;
	[tilespmem:$0x1D400] =	vst v63  }
0x23d: {  	_ =	swait.ge [sflag:s12], $0x4000  }
0x23e: {  	[sflag:s12] =	ssyncset.done $0x0  }
0x23f: {  	s0 =	simm.s32 $0x15380;
	[sflag:s12] =	ssyncadd.s32 $0xFFFFC000  }
0x240: {  	[spmem:s3] =	stream.indirect.scatter.add.f32 [tilespmem:s11], [sflag:$0x2], $0x80, s0, s9, $0xb8;
	[tilespmem:$0x1D400] =	vst v63  }
0x241: {  	_ =	swait.ge [sflag:s15], $0x4000  }
0x242: {  	[sflag:s15] =	ssyncset.done $0x0  }
0x243: {  	[sflag:s15] =	ssyncadd.s32 $0xFFFFC000  }
0x244: {  	_ =	swait.ge [sflag:s15], $0x4000  }
0x245: {  	[sflag:s15] =	ssyncset.done $0x0  }
0x246: {  	s0 =	rddreg [dreg:$0xf];
	[sflag:s15] =	ssyncadd.s32 $0xFFFFC000  }
0x247: {  	[tilespmem:s8], [sflag:$0x3] =	stream.linear.gather [hbm4b:s0+s31], $0x1400, $0x38;
	[tilespmem:$0x1D400] =	vst v63  }
0x248: {  	_ =	swait.ge [sflag:s6], $0x1400  }
0x249: {  	[sflag:s6] =	ssyncset.done $0x0  }
0x24a: {  	[sflag:s6] =	ssyncadd.s32 $0xFFFFEC00  }
0x24b: {  	[tilespmem:s7], [sflag:$0x1] =	stream.indirect.gather [hbm4b:s2+s9], $0x80, s8, s9, $0xb8;
	[tilespmem:$0x1D400] =	vst v63  }
0x24c: {  	s1 =	simm.s32 $0x14100  }
0x24d: {  	[tilespmem:s11], [sflag:$0x1] =	stream.indirect.gather [hbm4b:s2+s9], $0x80, s1, s9, $0xb8;
	[tilespmem:$0x1D400] =	vst v63  }
0x24e: {  	_ =	swait.ge [sflag:s12], $0x4000  }
0x24f: {  	[sflag:s12] =	ssyncset.done $0x0  }
0x250: {  	s4 =	simm.s32 $0x14080;
	[sflag:s12] =	ssyncadd.s32 $0xFFFFC000  }
0x251: {  	[spmem:s3] =	stream.indirect.scatter.add.f32 [tilespmem:s7], [sflag:$0x2], $0x80, s4, s9, $0xb8;
	[tilespmem:$0x1D400] =	vst v63  }
0x252: {  	_ =	swait.ge [sflag:s12], $0x4000  }
0x253: {  	[sflag:s12] =	ssyncset.done $0x0  }
0x254: {  	s5 =	simm.s32 $0x14180;
	[sflag:s12] =	ssyncadd.s32 $0xFFFFC000  }
0x255: {  	[spmem:s3] =	stream.indirect.scatter.add.f32 [tilespmem:s11], [sflag:$0x2], $0x80, s5, s9, $0xb8;
	[tilespmem:$0x1D400] =	vst v63  }
0x256: {  	_ =	swait.ge [sflag:s15], $0x4000  }
0x257: {  	[sflag:s15] =	ssyncset.done $0x0  }
0x258: {  	[sflag:s15] =	ssyncadd.s32 $0xFFFFC000  }
0x259: {  	_ =	swait.ge [sflag:s15], $0x4000  }
0x25a: {  	[sflag:s15] =	ssyncset.done $0x0  }
0x25b: {  	s10 =	simm.s32 $0x14200;
	[sflag:s15] =	ssyncadd.s32 $0xFFFFC000  }
0x25c: {  	[tilespmem:s7], [sflag:$0x1] =	stream.indirect.gather [hbm4b:s2+s9], $0x80, s10, s9, $0xb8;
	[tilespmem:$0x1D400] =	vst v63  }
0x25d: {  	s13 =	simm.s32 $0x14300  }
0x25e: {  	[tilespmem:s11], [sflag:$0x1] =	stream.indirect.gather [hbm4b:s2+s9], $0x80, s13, s9, $0xb8;
	[tilespmem:$0x1D400] =	vst v63  }
0x25f: {  	_ =	swait.ge [sflag:s12], $0x4000  }
0x260: {  	[sflag:s12] =	ssyncset.done $0x0  }
0x261: {  	s14 =	simm.s32 $0x14280;
	[sflag:s12] =	ssyncadd.s32 $0xFFFFC000  }
0x262: {  	[spmem:s3] =	stream.indirect.scatter.add.f32 [tilespmem:s7], [sflag:$0x2], $0x80, s14, s9, $0xb8;
	[tilespmem:$0x1D400] =	vst v63  }
0x263: {  	_ =	swait.ge [sflag:s12], $0x4000  }
0x264: {  	[sflag:s12] =	ssyncset.done $0x0  }
0x265: {  	s16 =	simm.s32 $0x14380;
	[sflag:s12] =	ssyncadd.s32 $0xFFFFC000  }
0x266: {  	[spmem:s3] =	stream.indirect.scatter.add.f32 [tilespmem:s11], [sflag:$0x2], $0x80, s16, s9, $0xb8;
	[tilespmem:$0x1D400] =	vst v63  }
0x267: {  	_ =	swait.ge [sflag:s15], $0x4000  }
0x268: {  	[sflag:s15] =	ssyncset.done $0x0  }
0x269: {  	[sflag:s15] =	ssyncadd.s32 $0xFFFFC000  }
0x26a: {  	_ =	swait.ge [sflag:s15], $0x4000  }
0x26b: {  	[sflag:s15] =	ssyncset.done $0x0  }
0x26c: {  	s17 =	simm.s32 $0x14400;
	[sflag:s15] =	ssyncadd.s32 $0xFFFFC000  }
0x26d: {  	[tilespmem:s7], [sflag:$0x1] =	stream.indirect.gather [hbm4b:s2+s9], $0x80, s17, s9, $0xb8;
	[tilespmem:$0x1D400] =	vst v63  }
0x26e: {  	s18 =	simm.s32 $0x14500  }
0x26f: {  	[tilespmem:s11], [sflag:$0x1] =	stream.indirect.gather [hbm4b:s2+s9], $0x80, s18, s9, $0xb8;
	[tilespmem:$0x1D400] =	vst v63  }
0x270: {  	_ =	swait.ge [sflag:s12], $0x4000  }
0x271: {  	[sflag:s12] =	ssyncset.done $0x0  }
0x272: {  	s19 =	simm.s32 $0x14480;
	[sflag:s12] =	ssyncadd.s32 $0xFFFFC000  }
0x273: {  	[spmem:s3] =	stream.indirect.scatter.add.f32 [tilespmem:s7], [sflag:$0x2], $0x80, s19, s9, $0xb8;
	[tilespmem:$0x1D400] =	vst v63  }
0x274: {  	_ =	swait.ge [sflag:s12], $0x4000  }
0x275: {  	[sflag:s12] =	ssyncset.done $0x0  }
0x276: {  	s20 =	simm.s32 $0x14580;
	[sflag:s12] =	ssyncadd.s32 $0xFFFFC000  }
0x277: {  	[spmem:s3] =	stream.indirect.scatter.add.f32 [tilespmem:s11], [sflag:$0x2], $0x80, s20, s9, $0xb8;
	[tilespmem:$0x1D400] =	vst v63  }
0x278: {  	_ =	swait.ge [sflag:s15], $0x4000  }
0x279: {  	[sflag:s15] =	ssyncset.done $0x0  }
0x27a: {  	[sflag:s15] =	ssyncadd.s32 $0xFFFFC000  }
0x27b: {  	_ =	swait.ge [sflag:s15], $0x4000  }
0x27c: {  	[sflag:s15] =	ssyncset.done $0x0  }
0x27d: {  	s21 =	simm.s32 $0x14600;
	[sflag:s15] =	ssyncadd.s32 $0xFFFFC000  }
0x27e: {  	[tilespmem:s7], [sflag:$0x1] =	stream.indirect.gather [hbm4b:s2+s9], $0x80, s21, s9, $0xb8;
	[tilespmem:$0x1D400] =	vst v63  }
0x27f: {  	s22 =	simm.s32 $0x14700  }
0x280: {  	[tilespmem:s11], [sflag:$0x1] =	stream.indirect.gather [hbm4b:s2+s9], $0x80, s22, s9, $0xb8;
	[tilespmem:$0x1D400] =	vst v63  }
0x281: {  	_ =	swait.ge [sflag:s12], $0x4000  }
0x282: {  	[sflag:s12] =	ssyncset.done $0x0  }
0x283: {  	s23 =	simm.s32 $0x14680;
	[sflag:s12] =	ssyncadd.s32 $0xFFFFC000  }
0x284: {  	[spmem:s3] =	stream.indirect.scatter.add.f32 [tilespmem:s7], [sflag:$0x2], $0x80, s23, s9, $0xb8;
	[tilespmem:$0x1D400] =	vst v63  }
0x285: {  	_ =	swait.ge [sflag:s12], $0x4000  }
0x286: {  	[sflag:s12] =	ssyncset.done $0x0  }
0x287: {  	s24 =	simm.s32 $0x14780;
	[sflag:s12] =	ssyncadd.s32 $0xFFFFC000  }
0x288: {  	[spmem:s3] =	stream.indirect.scatter.add.f32 [tilespmem:s11], [sflag:$0x2], $0x80, s24, s9, $0xb8;
	[tilespmem:$0x1D400] =	vst v63  }
0x289: {  	_ =	swait.ge [sflag:s15], $0x4000  }
0x28a: {  	[sflag:s15] =	ssyncset.done $0x0  }
0x28b: {  	[sflag:s15] =	ssyncadd.s32 $0xFFFFC000  }
0x28c: {  	_ =	swait.ge [sflag:s15], $0x4000  }
0x28d: {  	[sflag:s15] =	ssyncset.done $0x0  }
0x28e: {  	s25 =	simm.s32 $0x14800;
	[sflag:s15] =	ssyncadd.s32 $0xFFFFC000  }
0x28f: {  	[tilespmem:s7], [sflag:$0x1] =	stream.indirect.gather [hbm4b:s2+s9], $0x80, s25, s9, $0xb8;
	[tilespmem:$0x1D400] =	vst v63  }
0x290: {  	s26 =	simm.s32 $0x14900  }
0x291: {  	[tilespmem:s11], [sflag:$0x1] =	stream.indirect.gather [hbm4b:s2+s9], $0x80, s26, s9, $0xb8;
	[tilespmem:$0x1D400] =	vst v63  }
0x292: {  	_ =	swait.ge [sflag:s12], $0x4000  }
0x293: {  	[sflag:s12] =	ssyncset.done $0x0  }
0x294: {  	s28 =	simm.s32 $0x14880;
	[sflag:s12] =	ssyncadd.s32 $0xFFFFC000  }
0x295: {  	[spmem:s3] =	stream.indirect.scatter.add.f32 [tilespmem:s7], [sflag:$0x2], $0x80, s28, s9, $0xb8;
	[tilespmem:$0x1D400] =	vst v63  }
0x296: {  	_ =	swait.ge [sflag:s12], $0x4000  }
0x297: {  	[sflag:s12] =	ssyncset.done $0x0  }
0x298: {  	s29 =	simm.s32 $0x14980;
	[sflag:s12] =	ssyncadd.s32 $0xFFFFC000  }
0x299: {  	[spmem:s3] =	stream.indirect.scatter.add.f32 [tilespmem:s11], [sflag:$0x2], $0x80, s29, s9, $0xb8;
	[tilespmem:$0x1D400] =	vst v63  }
0x29a: {  	_ =	swait.ge [sflag:s15], $0x4000  }
0x29b: {  	[sflag:s15] =	ssyncset.done $0x0  }
0x29c: {  	[sflag:s15] =	ssyncadd.s32 $0xFFFFC000  }
0x29d: {  	_ =	swait.ge [sflag:s15], $0x4000  }
0x29e: {  	[sflag:s15] =	ssyncset.done $0x0  }
0x29f: {  	s30 =	simm.s32 $0x14A00;
	[sflag:s15] =	ssyncadd.s32 $0xFFFFC000  }
0x2a0: {  	[tilespmem:s7], [sflag:$0x1] =	stream.indirect.gather [hbm4b:s2+s9], $0x80, s30, s9, $0xb8;
	[tilespmem:$0x1D400] =	vst v63  }
0x2a1: {  	s30 =	simm.s32 $0x14B00  }
0x2a2: {  	[tilespmem:s11], [sflag:$0x1] =	stream.indirect.gather [hbm4b:s2+s9], $0x80, s30, s9, $0xb8;
	[tilespmem:$0x1D400] =	vst v63  }
0x2a3: {  	_ =	swait.ge [sflag:s12], $0x4000  }
0x2a4: {  	[sflag:s12] =	ssyncset.done $0x0  }
0x2a5: {  	s31 =	simm.s32 $0x14A80;
	[sflag:s12] =	ssyncadd.s32 $0xFFFFC000  }
0x2a6: {  	[spmem:s3] =	stream.indirect.scatter.add.f32 [tilespmem:s7], [sflag:$0x2], $0x80, s31, s9, $0xb8;
	[tilespmem:$0x1D400] =	vst v63  }
0x2a7: {  	_ =	swait.ge [sflag:s12], $0x4000  }
0x2a8: {  	[sflag:s12] =	ssyncset.done $0x0  }
0x2a9: {  	s1 =	simm.s32 $0x14B80;
	[sflag:s12] =	ssyncadd.s32 $0xFFFFC000  }
0x2aa: {  	[spmem:s3] =	stream.indirect.scatter.add.f32 [tilespmem:s11], [sflag:$0x2], $0x80, s1, s9, $0xb8;
	[tilespmem:$0x1D400] =	vst v63  }
0x2ab: {  	_ =	swait.ge [sflag:s15], $0x4000  }
0x2ac: {  	[sflag:s15] =	ssyncset.done $0x0  }
0x2ad: {  	[sflag:s15] =	ssyncadd.s32 $0xFFFFC000  }
0x2ae: {  	_ =	swait.ge [sflag:s15], $0x4000  }
0x2af: {  	[sflag:s15] =	ssyncset.done $0x0  }
0x2b0: {  	s4 =	simm.s32 $0x14C00;
	[sflag:s15] =	ssyncadd.s32 $0xFFFFC000  }
0x2b1: {  	[tilespmem:s7], [sflag:$0x1] =	stream.indirect.gather [hbm4b:s2+s9], $0x80, s4, s9, $0xb8;
	[tilespmem:$0x1D400] =	vst v63  }
0x2b2: {  	s5 =	simm.s32 $0x14D00  }
0x2b3: {  	[tilespmem:s11], [sflag:$0x1] =	stream.indirect.gather [hbm4b:s2+s9], $0x80, s5, s9, $0xb8;
	[tilespmem:$0x1D400] =	vst v63  }
0x2b4: {  	_ =	swait.ge [sflag:s12], $0x4000  }
0x2b5: {  	[sflag:s12] =	ssyncset.done $0x0  }
0x2b6: {  	s8 =	simm.s32 $0x14C80;
	[sflag:s12] =	ssyncadd.s32 $0xFFFFC000  }
0x2b7: {  	[spmem:s3] =	stream.indirect.scatter.add.f32 [tilespmem:s7], [sflag:$0x2], $0x80, s8, s9, $0xb8;
	[tilespmem:$0x1D400] =	vst v63  }
0x2b8: {  	_ =	swait.ge [sflag:s12], $0x4000  }
0x2b9: {  	[sflag:s12] =	ssyncset.done $0x0  }
0x2ba: {  	s10 =	simm.s32 $0x14D80;
	[sflag:s12] =	ssyncadd.s32 $0xFFFFC000  }
0x2bb: {  	[spmem:s3] =	stream.indirect.scatter.add.f32 [tilespmem:s11], [sflag:$0x2], $0x80, s10, s9, $0xb8;
	[tilespmem:$0x1D400] =	vst v63  }
0x2bc: {  	_ =	swait.ge [sflag:s15], $0x4000  }
0x2bd: {  	[sflag:s15] =	ssyncset.done $0x0  }
0x2be: {  	[sflag:s15] =	ssyncadd.s32 $0xFFFFC000  }
0x2bf: {  	_ =	swait.ge [sflag:s15], $0x4000  }
0x2c0: {  	[sflag:s15] =	ssyncset.done $0x0  }
0x2c1: {  	s13 =	simm.s32 $0x14E00;
	[sflag:s15] =	ssyncadd.s32 $0xFFFFC000  }
0x2c2: {  	[tilespmem:s7], [sflag:$0x1] =	stream.indirect.gather [hbm4b:s2+s9], $0x80, s13, s9, $0xb8;
	[tilespmem:$0x1D400] =	vst v63  }
0x2c3: {  	s14 =	simm.s32 $0x14F00  }
0x2c4: {  	[tilespmem:s11], [sflag:$0x1] =	stream.indirect.gather [hbm4b:s2+s9], $0x80, s14, s9, $0xb8;
	[tilespmem:$0x1D400] =	vst v63  }
0x2c5: {  	_ =	swait.ge [sflag:s12], $0x4000  }
0x2c6: {  	[sflag:s12] =	ssyncset.done $0x0  }
0x2c7: {  	s16 =	simm.s32 $0x14E80;
	[sflag:s12] =	ssyncadd.s32 $0xFFFFC000  }
0x2c8: {  	[spmem:s3] =	stream.indirect.scatter.add.f32 [tilespmem:s7], [sflag:$0x2], $0x80, s16, s9, $0xb8;
	[tilespmem:$0x1D400] =	vst v63  }
0x2c9: {  	_ =	swait.ge [sflag:s12], $0x4000  }
0x2ca: {  	[sflag:s12] =	ssyncset.done $0x0  }
0x2cb: {  	s17 =	simm.s32 $0x14F80;
	[sflag:s12] =	ssyncadd.s32 $0xFFFFC000  }
0x2cc: {  	[spmem:s3] =	stream.indirect.scatter.add.f32 [tilespmem:s11], [sflag:$0x2], $0x80, s17, s9, $0xb8;
	[tilespmem:$0x1D400] =	vst v63  }
0x2cd: {  	_ =	swait.ge [sflag:s15], $0x4000  }
0x2ce: {  	[sflag:s15] =	ssyncset.done $0x0  }
0x2cf: {  	[sflag:s15] =	ssyncadd.s32 $0xFFFFC000  }
0x2d0: {  	_ =	swait.ge [sflag:s15], $0x4000  }
0x2d1: {  	[sflag:s15] =	ssyncset.done $0x0  }
0x2d2: {  	s18 =	simm.s32 $0x15000;
	[sflag:s15] =	ssyncadd.s32 $0xFFFFC000  }
0x2d3: {  	[tilespmem:s7], [sflag:$0x1] =	stream.indirect.gather [hbm4b:s2+s9], $0x80, s18, s9, $0xb8;
	[tilespmem:$0x1D400] =	vst v63  }
0x2d4: {  	s19 =	simm.s32 $0x15100  }
0x2d5: {  	[tilespmem:s11], [sflag:$0x1] =	stream.indirect.gather [hbm4b:s2+s9], $0x80, s19, s9, $0xb8;
	[tilespmem:$0x1D400] =	vst v63  }
0x2d6: {  	_ =	swait.ge [sflag:s12], $0x4000  }
0x2d7: {  	[sflag:s12] =	ssyncset.done $0x0  }
0x2d8: {  	s20 =	simm.s32 $0x15080;
	[sflag:s12] =	ssyncadd.s32 $0xFFFFC000  }
0x2d9: {  	[spmem:s3] =	stream.indirect.scatter.add.f32 [tilespmem:s7], [sflag:$0x2], $0x80, s20, s9, $0xb8;
	[tilespmem:$0x1D400] =	vst v63  }
0x2da: {  	_ =	swait.ge [sflag:s12], $0x4000  }
0x2db: {  	[sflag:s12] =	ssyncset.done $0x0  }
0x2dc: {  	s21 =	simm.s32 $0x15180;
	[sflag:s12] =	ssyncadd.s32 $0xFFFFC000  }
0x2dd: {  	[spmem:s3] =	stream.indirect.scatter.add.f32 [tilespmem:s11], [sflag:$0x2], $0x80, s21, s9, $0xb8;
	[tilespmem:$0x1D400] =	vst v63  }
0x2de: {  	_ =	swait.ge [sflag:s15], $0x4000  }
0x2df: {  	[sflag:s15] =	ssyncset.done $0x0  }
0x2e0: {  	[sflag:s15] =	ssyncadd.s32 $0xFFFFC000  }
0x2e1: {  	_ =	swait.ge [sflag:s15], $0x4000  }
0x2e2: {  	[sflag:s15] =	ssyncset.done $0x0  }
0x2e3: {  	s22 =	simm.s32 $0x15200;
	[sflag:s15] =	ssyncadd.s32 $0xFFFFC000  }
0x2e4: {  	[tilespmem:s7], [sflag:$0x1] =	stream.indirect.gather [hbm4b:s2+s9], $0x80, s22, s9, $0xb8;
	[tilespmem:$0x1D400] =	vst v63  }
0x2e5: {  	s23 =	simm.s32 $0x15300  }
0x2e6: {  	[tilespmem:s11], [sflag:$0x1] =	stream.indirect.gather [hbm4b:s2+s9], $0x80, s23, s9, $0xb8;
	[tilespmem:$0x1D400] =	vst v63  }
0x2e7: {  	_ =	swait.ge [sflag:s12], $0x4000  }
0x2e8: {  	[sflag:s12] =	ssyncset.done $0x0  }
0x2e9: {  	s24 =	simm.s32 $0x15280;
	[sflag:s12] =	ssyncadd.s32 $0xFFFFC000  }
0x2ea: {  	[spmem:s3] =	stream.indirect.scatter.add.f32 [tilespmem:s7], [sflag:$0x2], $0x80, s24, s9, $0xb8;
	[tilespmem:$0x1D400] =	vst v63  }
0x2eb: {  	_ =	swait.ge [sflag:s12], $0x4000  }
0x2ec: {  	[sflag:s12] =	ssyncset.done $0x0  }
0x2ed: {  	s25 =	simm.s32 $0x15380;
	[sflag:s12] =	ssyncadd.s32 $0xFFFFC000  }
0x2ee: {  	[spmem:s3] =	stream.indirect.scatter.add.f32 [tilespmem:s11], [sflag:$0x2], $0x80, s25, s9, $0xb8;
	[tilespmem:$0x1D400] =	vst v63  }
0x2ef: {  	_ =	swait.ge [sflag:s15], $0x4000  }
0x2f0: {  	[sflag:s15] =	ssyncset.done $0x0  }
0x2f1: {  	[sflag:s15] =	ssyncadd.s32 $0xFFFFC000  }
0x2f2: {  	_ =	swait.ge [sflag:s15], $0x4000  }
0x2f3: {  	[sflag:s15] =	ssyncset.done $0x0  }
0x2f4: {  	[sflag:s15] =	ssyncadd.s32 $0xFFFFC000  }
0x2f5: {  	[bflag:$0x0] =	sbarrier.arrive $0xFFFF  }
0x2f6: {  	s26 =	rddreg [dreg:$0x14]  }
0x2f7: {  	s0 =	ssub.s32 $0x2, s26  }
0x2f8: {  	s29 =	sshrl.u32 s0, $0x1  }
0x2f9: {  	s0 =	ssub.s32 s0, s29  }
0x2fa: {  	s30 =	stileid.u32;
	s0 =	smax.u32 s0, $0x1  }
0x2fb: {  	s1 =	sshll.u32 s30, $0x6;
	s28 =	rddreg [dreg:$0x10];
	p0 =	sne.s32 s0, $0x1  }
.Ltmp0:
0x2fc: {  	s1 =	sor.u32 $0x1C03, s1;
	s31 =	rddreg [dreg:$0x11];
	(pc) =	sbr.rel @!p0 .LBB2_2-.Ltmp0, $4  }
0x2fd: {  	[dreg:$0x12] =	wrdreg s1;
	s4 =	sshrl.u32 s31, $0x3  }
0x2fe: {  	[dreg:$0x13] =	wrdreg s4  }
0x2ff: {  	[hbm:s28], [sflag:s1] =	dma.local [spmem:s4], $0x2800  }
0x300: {  	_ =	swait.ge [sflag:s6], $0x2800;
	s0 =	sadd.s32 $0xFFFFFFFF, s0  }
.LBB2_1:
0x301: {  	[sflag:s6] =	ssyncset.done $0x0  }
0x302: {  	s1 =	rddreg [dreg:$0x4];
	s4 =	simm.s32 $0x0;
	[sflag:s6] =	ssyncadd.s32 $0xFFFFD800  }
0x303: {  	[tilespmem:s7], [sflag:$0x3] =	stream.linear.gather [hbm4b:s1+s4], $0x2800, $0x38;
	[tilespmem:$0x1D400] =	vst v63  }
0x304: {  	_ =	swait.ge [sflag:s6], $0x2800  }
0x305: {  	[sflag:s6] =	ssyncset.done $0x0  }
0x306: {  	s22 =	rddreg [dreg:$0x11];
	[sflag:s6] =	ssyncadd.s32 $0xFFFFD800  }
0x307: {  	[spmem:s22] =	stream.linear.scatter [tilespmem:s7], [sflag:$0x3], $0x2800, $0x38;
	[tilespmem:$0x1D400] =	vst v63  }
0x308: {  	_ =	swait.ge [sflag:s6], $0x2800  }
0x309: {  	[sflag:s6] =	ssyncset.done $0x0  }
0x30a: {  	s23 =	rddreg [dreg:$0x5];
	[sflag:s6] =	ssyncadd.s32 $0xFFFFD800  }
0x30b: {  	[spmem:s23] =	stream.linear.scatter [tilespmem:s7], [sflag:$0x3], $0x2800, $0x38;
	[tilespmem:$0x1D400] =	vst v63  }
0x30c: {  	_ =	swait.ge [sflag:s6], $0x2800  }
0x30d: {  	[sflag:s6] =	ssyncset.done $0x0  }
0x30e: {  	s24 =	rddreg [dreg:$0x6];
	[sflag:s6] =	ssyncadd.s32 $0xFFFFD800  }
0x30f: {  	[spmem:s24] =	stream.linear.scatter [tilespmem:s7], [sflag:$0x3], $0x2800, $0x38;
	[tilespmem:$0x1D400] =	vst v63  }
0x310: {  	_ =	swait.ge [sflag:s6], $0x2800  }
0x311: {  	[sflag:s6] =	ssyncset.done $0x0  }
0x312: {  	s25 =	rddreg [dreg:$0x7];
	[sflag:s6] =	ssyncadd.s32 $0xFFFFD800  }
0x313: {  	[spmem:s25] =	stream.linear.scatter [tilespmem:s7], [sflag:$0x3], $0x2800, $0x38;
	[tilespmem:$0x1D400] =	vst v63  }
0x314: {  	_ =	swait.ge [sflag:s6], $0x2800  }
0x315: {  	[sflag:s6] =	ssyncset.done $0x0  }
0x316: {  	s26 =	rddreg [dreg:$0x8];
	[sflag:s6] =	ssyncadd.s32 $0xFFFFD800  }
0x317: {  	[spmem:s26] =	stream.linear.scatter [tilespmem:s7], [sflag:$0x3], $0x2800, $0x38;
	[tilespmem:$0x1D400] =	vst v63  }
0x318: {  	_ =	swait.ge [sflag:s6], $0x2800  }
0x319: {  	[sflag:s6] =	ssyncset.done $0x0  }
0x31a: {  	s28 =	rddreg [dreg:$0x9];
	[sflag:s6] =	ssyncadd.s32 $0xFFFFD800  }
0x31b: {  	[spmem:s28] =	stream.linear.scatter [tilespmem:s7], [sflag:$0x3], $0x2800, $0x38;
	[tilespmem:$0x1D400] =	vst v63  }
0x31c: {  	_ =	swait.ge [sflag:s6], $0x2800  }
0x31d: {  	[sflag:s6] =	ssyncset.done $0x0  }
0x31e: {  	s29 =	rddreg [dreg:$0xa];
	[sflag:s6] =	ssyncadd.s32 $0xFFFFD800  }
0x31f: {  	[spmem:s29] =	stream.linear.scatter [tilespmem:s7], [sflag:$0x3], $0x2800, $0x38;
	[tilespmem:$0x1D400] =	vst v63  }
0x320: {  	_ =	swait.ge [sflag:s6], $0x2800  }
0x321: {  	[sflag:s6] =	ssyncset.done $0x0  }
0x322: {  	s30 =	rddreg [dreg:$0xb];
	[sflag:s6] =	ssyncadd.s32 $0xFFFFD800  }
0x323: {  	[spmem:s30] =	stream.linear.scatter [tilespmem:s7], [sflag:$0x3], $0x2800, $0x38;
	[tilespmem:$0x1D400] =	vst v63  }
0x324: {  	_ =	swait.ge [sflag:s6], $0x2800  }
0x325: {  	[sflag:s6] =	ssyncset.done $0x0  }
0x326: {  	[sflag:s6] =	ssyncadd.s32 $0xFFFFD800  }
0x327: {  	[bflag:$0x0] =	sbarrier.arrive $0xFFFF  }
0x328: {  	s5 =	simm.s32 $0x0;
	s4 =	simm.s32 $0x14000;
	s31 =	rddreg [dreg:$0xc]  }
0x329: {  	[tilespmem:s4], [sflag:$0x3] =	stream.linear.gather [hbm4b:s31+s5], $0x1400, $0x38;
	[tilespmem:$0x1D400] =	vst v63  }
0x32a: {  	_ =	swait.ge [sflag:s6], $0x1400  }
0x32b: {  	[sflag:s6] =	ssyncset.done $0x0  }
0x32c: {  	[sflag:s6] =	ssyncadd.s32 $0xFFFFEC00  }
0x32d: {  	[tilespmem:s7], [sflag:$0x1] =	stream.indirect.gather [hbm4b:s2+s9], $0x80, s4, s9, $0xb8;
	[tilespmem:$0x1D400] =	vst v63  }
0x32e: {  	s8 =	simm.s32 $0x14100  }
0x32f: {  	[tilespmem:s11], [sflag:$0x1] =	stream.indirect.gather [hbm4b:s2+s9], $0x80, s8, s9, $0xb8;
	[tilespmem:$0x1D400] =	vst v63  }
0x330: {  	_ =	swait.ge [sflag:s12], $0x4000  }
0x331: {  	[sflag:s12] =	ssyncset.done $0x0  }
0x332: {  	s10 =	simm.s32 $0x14080;
	[sflag:s12] =	ssyncadd.s32 $0xFFFFC000  }
0x333: {  	[spmem:s3] =	stream.indirect.scatter.add.f32 [tilespmem:s7], [sflag:$0x2], $0x80, s10, s9, $0xb8;
	[tilespmem:$0x1D400] =	vst v63  }
0x334: {  	_ =	swait.ge [sflag:s12], $0x4000  }
0x335: {  	[sflag:s12] =	ssyncset.done $0x0  }
0x336: {  	s13 =	simm.s32 $0x14180;
	[sflag:s12] =	ssyncadd.s32 $0xFFFFC000  }
0x337: {  	[spmem:s3] =	stream.indirect.scatter.add.f32 [tilespmem:s11], [sflag:$0x2], $0x80, s13, s9, $0xb8;
	[tilespmem:$0x1D400] =	vst v63  }
0x338: {  	_ =	swait.ge [sflag:s15], $0x4000  }
0x339: {  	[sflag:s15] =	ssyncset.done $0x0  }
0x33a: {  	[sflag:s15] =	ssyncadd.s32 $0xFFFFC000  }
0x33b: {  	_ =	swait.ge [sflag:s15], $0x4000  }
0x33c: {  	[sflag:s15] =	ssyncset.done $0x0  }
0x33d: {  	s14 =	simm.s32 $0x14200;
	[sflag:s15] =	ssyncadd.s32 $0xFFFFC000  }
0x33e: {  	[tilespmem:s7], [sflag:$0x1] =	stream.indirect.gather [hbm4b:s2+s9], $0x80, s14, s9, $0xb8;
	[tilespmem:$0x1D400] =	vst v63  }
0x33f: {  	s16 =	simm.s32 $0x14300  }
0x340: {  	[tilespmem:s11], [sflag:$0x1] =	stream.indirect.gather [hbm4b:s2+s9], $0x80, s16, s9, $0xb8;
	[tilespmem:$0x1D400] =	vst v63  }
0x341: {  	_ =	swait.ge [sflag:s12], $0x4000  }
0x342: {  	[sflag:s12] =	ssyncset.done $0x0  }
0x343: {  	s17 =	simm.s32 $0x14280;
	[sflag:s12] =	ssyncadd.s32 $0xFFFFC000  }
0x344: {  	[spmem:s3] =	stream.indirect.scatter.add.f32 [tilespmem:s7], [sflag:$0x2], $0x80, s17, s9, $0xb8;
	[tilespmem:$0x1D400] =	vst v63  }
0x345: {  	_ =	swait.ge [sflag:s12], $0x4000  }
0x346: {  	[sflag:s12] =	ssyncset.done $0x0  }
0x347: {  	s18 =	simm.s32 $0x14380;
	[sflag:s12] =	ssyncadd.s32 $0xFFFFC000  }
0x348: {  	[spmem:s3] =	stream.indirect.scatter.add.f32 [tilespmem:s11], [sflag:$0x2], $0x80, s18, s9, $0xb8;
	[tilespmem:$0x1D400] =	vst v63  }
0x349: {  	_ =	swait.ge [sflag:s15], $0x4000  }
0x34a: {  	[sflag:s15] =	ssyncset.done $0x0  }
0x34b: {  	[sflag:s15] =	ssyncadd.s32 $0xFFFFC000  }
0x34c: {  	_ =	swait.ge [sflag:s15], $0x4000  }
0x34d: {  	[sflag:s15] =	ssyncset.done $0x0  }
0x34e: {  	s19 =	simm.s32 $0x14400;
	[sflag:s15] =	ssyncadd.s32 $0xFFFFC000  }
0x34f: {  	[tilespmem:s7], [sflag:$0x1] =	stream.indirect.gather [hbm4b:s2+s9], $0x80, s19, s9, $0xb8;
	[tilespmem:$0x1D400] =	vst v63  }
0x350: {  	s20 =	simm.s32 $0x14500  }
0x351: {  	[tilespmem:s11], [sflag:$0x1] =	stream.indirect.gather [hbm4b:s2+s9], $0x80, s20, s9, $0xb8;
	[tilespmem:$0x1D400] =	vst v63  }
0x352: {  	_ =	swait.ge [sflag:s12], $0x4000  }
0x353: {  	[sflag:s12] =	ssyncset.done $0x0  }
0x354: {  	s21 =	simm.s32 $0x14480;
	[sflag:s12] =	ssyncadd.s32 $0xFFFFC000  }
0x355: {  	[spmem:s3] =	stream.indirect.scatter.add.f32 [tilespmem:s7], [sflag:$0x2], $0x80, s21, s9, $0xb8;
	[tilespmem:$0x1D400] =	vst v63  }
0x356: {  	_ =	swait.ge [sflag:s12], $0x4000  }
0x357: {  	[sflag:s12] =	ssyncset.done $0x0  }
0x358: {  	s22 =	simm.s32 $0x14580;
	[sflag:s12] =	ssyncadd.s32 $0xFFFFC000  }
0x359: {  	[spmem:s3] =	stream.indirect.scatter.add.f32 [tilespmem:s11], [sflag:$0x2], $0x80, s22, s9, $0xb8;
	[tilespmem:$0x1D400] =	vst v63  }
0x35a: {  	_ =	swait.ge [sflag:s15], $0x4000  }
0x35b: {  	[sflag:s15] =	ssyncset.done $0x0  }
0x35c: {  	[sflag:s15] =	ssyncadd.s32 $0xFFFFC000  }
0x35d: {  	_ =	swait.ge [sflag:s15], $0x4000  }
0x35e: {  	[sflag:s15] =	ssyncset.done $0x0  }
0x35f: {  	s23 =	simm.s32 $0x14600;
	[sflag:s15] =	ssyncadd.s32 $0xFFFFC000  }
0x360: {  	[tilespmem:s7], [sflag:$0x1] =	stream.indirect.gather [hbm4b:s2+s9], $0x80, s23, s9, $0xb8;
	[tilespmem:$0x1D400] =	vst v63  }
0x361: {  	s24 =	simm.s32 $0x14700  }
0x362: {  	[tilespmem:s11], [sflag:$0x1] =	stream.indirect.gather [hbm4b:s2+s9], $0x80, s24, s9, $0xb8;
	[tilespmem:$0x1D400] =	vst v63  }
0x363: {  	_ =	swait.ge [sflag:s12], $0x4000  }
0x364: {  	[sflag:s12] =	ssyncset.done $0x0  }
0x365: {  	s25 =	simm.s32 $0x14680;
	[sflag:s12] =	ssyncadd.s32 $0xFFFFC000  }
0x366: {  	[spmem:s3] =	stream.indirect.scatter.add.f32 [tilespmem:s7], [sflag:$0x2], $0x80, s25, s9, $0xb8;
	[tilespmem:$0x1D400] =	vst v63  }
0x367: {  	_ =	swait.ge [sflag:s12], $0x4000  }
0x368: {  	[sflag:s12] =	ssyncset.done $0x0  }
0x369: {  	s26 =	simm.s32 $0x14780;
	[sflag:s12] =	ssyncadd.s32 $0xFFFFC000  }
0x36a: {  	[spmem:s3] =	stream.indirect.scatter.add.f32 [tilespmem:s11], [sflag:$0x2], $0x80, s26, s9, $0xb8;
	[tilespmem:$0x1D400] =	vst v63  }
0x36b: {  	_ =	swait.ge [sflag:s15], $0x4000  }
0x36c: {  	[sflag:s15] =	ssyncset.done $0x0  }
0x36d: {  	[sflag:s15] =	ssyncadd.s32 $0xFFFFC000  }
0x36e: {  	_ =	swait.ge [sflag:s15], $0x4000  }
0x36f: {  	[sflag:s15] =	ssyncset.done $0x0  }
0x370: {  	s28 =	simm.s32 $0x14800;
	[sflag:s15] =	ssyncadd.s32 $0xFFFFC000  }
0x371: {  	[tilespmem:s7], [sflag:$0x1] =	stream.indirect.gather [hbm4b:s2+s9], $0x80, s28, s9, $0xb8;
	[tilespmem:$0x1D400] =	vst v63  }
0x372: {  	s29 =	simm.s32 $0x14900  }
0x373: {  	[tilespmem:s11], [sflag:$0x1] =	stream.indirect.gather [hbm4b:s2+s9], $0x80, s29, s9, $0xb8;
	[tilespmem:$0x1D400] =	vst v63  }
0x374: {  	_ =	swait.ge [sflag:s12], $0x4000  }
0x375: {  	[sflag:s12] =	ssyncset.done $0x0  }
0x376: {  	s30 =	simm.s32 $0x14880;
	[sflag:s12] =	ssyncadd.s32 $0xFFFFC000  }
0x377: {  	[spmem:s3] =	stream.indirect.scatter.add.f32 [tilespmem:s7], [sflag:$0x2], $0x80, s30, s9, $0xb8;
	[tilespmem:$0x1D400] =	vst v63  }
0x378: {  	_ =	swait.ge [sflag:s12], $0x4000  }
0x379: {  	[sflag:s12] =	ssyncset.done $0x0  }
0x37a: {  	s31 =	simm.s32 $0x14980;
	[sflag:s12] =	ssyncadd.s32 $0xFFFFC000  }
0x37b: {  	[spmem:s3] =	stream.indirect.scatter.add.f32 [tilespmem:s11], [sflag:$0x2], $0x80, s31, s9, $0xb8;
	[tilespmem:$0x1D400] =	vst v63  }
0x37c: {  	_ =	swait.ge [sflag:s15], $0x4000  }
0x37d: {  	[sflag:s15] =	ssyncset.done $0x0  }
0x37e: {  	[sflag:s15] =	ssyncadd.s32 $0xFFFFC000  }
0x37f: {  	_ =	swait.ge [sflag:s15], $0x4000  }
0x380: {  	[sflag:s15] =	ssyncset.done $0x0  }
0x381: {  	s5 =	simm.s32 $0x14A00;
	[sflag:s15] =	ssyncadd.s32 $0xFFFFC000  }
0x382: {  	[tilespmem:s7], [sflag:$0x1] =	stream.indirect.gather [hbm4b:s2+s9], $0x80, s5, s9, $0xb8;
	[tilespmem:$0x1D400] =	vst v63  }
0x383: {  	s8 =	simm.s32 $0x14B00  }
0x384: {  	[tilespmem:s11], [sflag:$0x1] =	stream.indirect.gather [hbm4b:s2+s9], $0x80, s8, s9, $0xb8;
	[tilespmem:$0x1D400] =	vst v63  }
0x385: {  	_ =	swait.ge [sflag:s12], $0x4000  }
0x386: {  	[sflag:s12] =	ssyncset.done $0x0  }
0x387: {  	s10 =	simm.s32 $0x14A80;
	[sflag:s12] =	ssyncadd.s32 $0xFFFFC000  }
0x388: {  	[spmem:s3] =	stream.indirect.scatter.add.f32 [tilespmem:s7], [sflag:$0x2], $0x80, s10, s9, $0xb8;
	[tilespmem:$0x1D400] =	vst v63  }
0x389: {  	_ =	swait.ge [sflag:s12], $0x4000  }
0x38a: {  	[sflag:s12] =	ssyncset.done $0x0  }
0x38b: {  	s13 =	simm.s32 $0x14B80;
	[sflag:s12] =	ssyncadd.s32 $0xFFFFC000  }
0x38c: {  	[spmem:s3] =	stream.indirect.scatter.add.f32 [tilespmem:s11], [sflag:$0x2], $0x80, s13, s9, $0xb8;
	[tilespmem:$0x1D400] =	vst v63  }
0x38d: {  	_ =	swait.ge [sflag:s15], $0x4000  }
0x38e: {  	[sflag:s15] =	ssyncset.done $0x0  }
0x38f: {  	[sflag:s15] =	ssyncadd.s32 $0xFFFFC000  }
0x390: {  	_ =	swait.ge [sflag:s15], $0x4000  }
0x391: {  	[sflag:s15] =	ssyncset.done $0x0  }
0x392: {  	s14 =	simm.s32 $0x14C00;
	[sflag:s15] =	ssyncadd.s32 $0xFFFFC000  }
0x393: {  	[tilespmem:s7], [sflag:$0x1] =	stream.indirect.gather [hbm4b:s2+s9], $0x80, s14, s9, $0xb8;
	[tilespmem:$0x1D400] =	vst v63  }
0x394: {  	s16 =	simm.s32 $0x14D00  }
0x395: {  	[tilespmem:s11], [sflag:$0x1] =	stream.indirect.gather [hbm4b:s2+s9], $0x80, s16, s9, $0xb8;
	[tilespmem:$0x1D400] =	vst v63  }
0x396: {  	_ =	swait.ge [sflag:s12], $0x4000  }
0x397: {  	[sflag:s12] =	ssyncset.done $0x0  }
0x398: {  	s17 =	simm.s32 $0x14C80;
	[sflag:s12] =	ssyncadd.s32 $0xFFFFC000  }
0x399: {  	[spmem:s3] =	stream.indirect.scatter.add.f32 [tilespmem:s7], [sflag:$0x2], $0x80, s17, s9, $0xb8;
	[tilespmem:$0x1D400] =	vst v63  }
0x39a: {  	_ =	swait.ge [sflag:s12], $0x4000  }
0x39b: {  	[sflag:s12] =	ssyncset.done $0x0  }
0x39c: {  	s18 =	simm.s32 $0x14D80;
	[sflag:s12] =	ssyncadd.s32 $0xFFFFC000  }
0x39d: {  	[spmem:s3] =	stream.indirect.scatter.add.f32 [tilespmem:s11], [sflag:$0x2], $0x80, s18, s9, $0xb8;
	[tilespmem:$0x1D400] =	vst v63  }
0x39e: {  	_ =	swait.ge [sflag:s15], $0x4000  }
0x39f: {  	[sflag:s15] =	ssyncset.done $0x0  }
0x3a0: {  	[sflag:s15] =	ssyncadd.s32 $0xFFFFC000  }
0x3a1: {  	_ =	swait.ge [sflag:s15], $0x4000  }
0x3a2: {  	[sflag:s15] =	ssyncset.done $0x0  }
0x3a3: {  	s19 =	simm.s32 $0x14E00;
	[sflag:s15] =	ssyncadd.s32 $0xFFFFC000  }
0x3a4: {  	[tilespmem:s7], [sflag:$0x1] =	stream.indirect.gather [hbm4b:s2+s9], $0x80, s19, s9, $0xb8;
	[tilespmem:$0x1D400] =	vst v63  }
0x3a5: {  	s20 =	simm.s32 $0x14F00  }
0x3a6: {  	[tilespmem:s11], [sflag:$0x1] =	stream.indirect.gather [hbm4b:s2+s9], $0x80, s20, s9, $0xb8;
	[tilespmem:$0x1D400] =	vst v63  }
0x3a7: {  	_ =	swait.ge [sflag:s12], $0x4000  }
0x3a8: {  	[sflag:s12] =	ssyncset.done $0x0  }
0x3a9: {  	s21 =	simm.s32 $0x14E80;
	[sflag:s12] =	ssyncadd.s32 $0xFFFFC000  }
0x3aa: {  	[spmem:s3] =	stream.indirect.scatter.add.f32 [tilespmem:s7], [sflag:$0x2], $0x80, s21, s9, $0xb8;
	[tilespmem:$0x1D400] =	vst v63  }
0x3ab: {  	_ =	swait.ge [sflag:s12], $0x4000  }
0x3ac: {  	[sflag:s12] =	ssyncset.done $0x0  }
0x3ad: {  	s22 =	simm.s32 $0x14F80;
	[sflag:s12] =	ssyncadd.s32 $0xFFFFC000  }
0x3ae: {  	[spmem:s3] =	stream.indirect.scatter.add.f32 [tilespmem:s11], [sflag:$0x2], $0x80, s22, s9, $0xb8;
	[tilespmem:$0x1D400] =	vst v63  }
0x3af: {  	_ =	swait.ge [sflag:s15], $0x4000  }
0x3b0: {  	[sflag:s15] =	ssyncset.done $0x0  }
0x3b1: {  	[sflag:s15] =	ssyncadd.s32 $0xFFFFC000  }
0x3b2: {  	_ =	swait.ge [sflag:s15], $0x4000  }
0x3b3: {  	[sflag:s15] =	ssyncset.done $0x0  }
0x3b4: {  	s23 =	simm.s32 $0x15000;
	[sflag:s15] =	ssyncadd.s32 $0xFFFFC000  }
0x3b5: {  	[tilespmem:s7], [sflag:$0x1] =	stream.indirect.gather [hbm4b:s2+s9], $0x80, s23, s9, $0xb8;
	[tilespmem:$0x1D400] =	vst v63  }
0x3b6: {  	s24 =	simm.s32 $0x15100  }
0x3b7: {  	[tilespmem:s11], [sflag:$0x1] =	stream.indirect.gather [hbm4b:s2+s9], $0x80, s24, s9, $0xb8;
	[tilespmem:$0x1D400] =	vst v63  }
0x3b8: {  	_ =	swait.ge [sflag:s12], $0x4000  }
0x3b9: {  	[sflag:s12] =	ssyncset.done $0x0  }
0x3ba: {  	s25 =	simm.s32 $0x15080;
	[sflag:s12] =	ssyncadd.s32 $0xFFFFC000  }
0x3bb: {  	[spmem:s3] =	stream.indirect.scatter.add.f32 [tilespmem:s7], [sflag:$0x2], $0x80, s25, s9, $0xb8;
	[tilespmem:$0x1D400] =	vst v63  }
0x3bc: {  	_ =	swait.ge [sflag:s12], $0x4000  }
0x3bd: {  	[sflag:s12] =	ssyncset.done $0x0  }
0x3be: {  	s26 =	simm.s32 $0x15180;
	[sflag:s12] =	ssyncadd.s32 $0xFFFFC000  }
0x3bf: {  	[spmem:s3] =	stream.indirect.scatter.add.f32 [tilespmem:s11], [sflag:$0x2], $0x80, s26, s9, $0xb8;
	[tilespmem:$0x1D400] =	vst v63  }
0x3c0: {  	_ =	swait.ge [sflag:s15], $0x4000  }
0x3c1: {  	[sflag:s15] =	ssyncset.done $0x0  }
0x3c2: {  	[sflag:s15] =	ssyncadd.s32 $0xFFFFC000  }
0x3c3: {  	_ =	swait.ge [sflag:s15], $0x4000  }
0x3c4: {  	[sflag:s15] =	ssyncset.done $0x0  }
0x3c5: {  	s28 =	simm.s32 $0x15200;
	[sflag:s15] =	ssyncadd.s32 $0xFFFFC000  }
0x3c6: {  	[tilespmem:s7], [sflag:$0x1] =	stream.indirect.gather [hbm4b:s2+s9], $0x80, s28, s9, $0xb8;
	[tilespmem:$0x1D400] =	vst v63  }
0x3c7: {  	s29 =	simm.s32 $0x15300  }
0x3c8: {  	[tilespmem:s11], [sflag:$0x1] =	stream.indirect.gather [hbm4b:s2+s9], $0x80, s29, s9, $0xb8;
	[tilespmem:$0x1D400] =	vst v63  }
0x3c9: {  	_ =	swait.ge [sflag:s12], $0x4000  }
0x3ca: {  	[sflag:s12] =	ssyncset.done $0x0  }
0x3cb: {  	s30 =	simm.s32 $0x15280;
	[sflag:s12] =	ssyncadd.s32 $0xFFFFC000  }
0x3cc: {  	[spmem:s3] =	stream.indirect.scatter.add.f32 [tilespmem:s7], [sflag:$0x2], $0x80, s30, s9, $0xb8;
	[tilespmem:$0x1D400] =	vst v63  }
0x3cd: {  	_ =	swait.ge [sflag:s12], $0x4000  }
0x3ce: {  	[sflag:s12] =	ssyncset.done $0x0  }
0x3cf: {  	s31 =	simm.s32 $0x15380;
	[sflag:s12] =	ssyncadd.s32 $0xFFFFC000  }
0x3d0: {  	[spmem:s3] =	stream.indirect.scatter.add.f32 [tilespmem:s11], [sflag:$0x2], $0x80, s31, s9, $0xb8;
	[tilespmem:$0x1D400] =	vst v63  }
0x3d1: {  	_ =	swait.ge [sflag:s15], $0x4000  }
0x3d2: {  	[sflag:s15] =	ssyncset.done $0x0  }
0x3d3: {  	[sflag:s15] =	ssyncadd.s32 $0xFFFFC000  }
0x3d4: {  	_ =	swait.ge [sflag:s15], $0x4000  }
0x3d5: {  	[sflag:s15] =	ssyncset.done $0x0  }
0x3d6: {  	s5 =	simm.s32 $0x0;
	s1 =	rddreg [dreg:$0xd];
	[sflag:s15] =	ssyncadd.s32 $0xFFFFC000  }
0x3d7: {  	[tilespmem:s4], [sflag:$0x3] =	stream.linear.gather [hbm4b:s1+s5], $0x1400, $0x38;
	[tilespmem:$0x1D400] =	vst v63  }
0x3d8: {  	_ =	swait.ge [sflag:s6], $0x1400  }
0x3d9: {  	[sflag:s6] =	ssyncset.done $0x0  }
0x3da: {  	[sflag:s6] =	ssyncadd.s32 $0xFFFFEC00  }
0x3db: {  	[tilespmem:s7], [sflag:$0x1] =	stream.indirect.gather [hbm4b:s2+s9], $0x80, s4, s9, $0xb8;
	[tilespmem:$0x1D400] =	vst v63  }
0x3dc: {  	s5 =	simm.s32 $0x14100  }
0x3dd: {  	[tilespmem:s11], [sflag:$0x1] =	stream.indirect.gather [hbm4b:s2+s9], $0x80, s5, s9, $0xb8;
	[tilespmem:$0x1D400] =	vst v63  }
0x3de: {  	_ =	swait.ge [sflag:s12], $0x4000  }
0x3df: {  	[sflag:s12] =	ssyncset.done $0x0  }
0x3e0: {  	s5 =	simm.s32 $0x14080;
	[sflag:s12] =	ssyncadd.s32 $0xFFFFC000  }
0x3e1: {  	[spmem:s3] =	stream.indirect.scatter.add.f32 [tilespmem:s7], [sflag:$0x2], $0x80, s5, s9, $0xb8;
	[tilespmem:$0x1D400] =	vst v63  }
0x3e2: {  	_ =	swait.ge [sflag:s12], $0x4000  }
0x3e3: {  	[sflag:s12] =	ssyncset.done $0x0  }
0x3e4: {  	s5 =	simm.s32 $0x14180;
	[sflag:s12] =	ssyncadd.s32 $0xFFFFC000  }
0x3e5: {  	[spmem:s3] =	stream.indirect.scatter.add.f32 [tilespmem:s11], [sflag:$0x2], $0x80, s5, s9, $0xb8;
	[tilespmem:$0x1D400] =	vst v63  }
0x3e6: {  	_ =	swait.ge [sflag:s15], $0x4000  }
0x3e7: {  	[sflag:s15] =	ssyncset.done $0x0  }
0x3e8: {  	[sflag:s15] =	ssyncadd.s32 $0xFFFFC000  }
0x3e9: {  	_ =	swait.ge [sflag:s15], $0x4000  }
0x3ea: {  	[sflag:s15] =	ssyncset.done $0x0  }
0x3eb: {  	s5 =	simm.s32 $0x14200;
	[sflag:s15] =	ssyncadd.s32 $0xFFFFC000  }
0x3ec: {  	[tilespmem:s7], [sflag:$0x1] =	stream.indirect.gather [hbm4b:s2+s9], $0x80, s5, s9, $0xb8;
	[tilespmem:$0x1D400] =	vst v63  }
0x3ed: {  	s5 =	simm.s32 $0x14300  }
0x3ee: {  	[tilespmem:s11], [sflag:$0x1] =	stream.indirect.gather [hbm4b:s2+s9], $0x80, s5, s9, $0xb8;
	[tilespmem:$0x1D400] =	vst v63  }
0x3ef: {  	_ =	swait.ge [sflag:s12], $0x4000  }
0x3f0: {  	[sflag:s12] =	ssyncset.done $0x0  }
0x3f1: {  	s5 =	simm.s32 $0x14280;
	[sflag:s12] =	ssyncadd.s32 $0xFFFFC000  }
0x3f2: {  	[spmem:s3] =	stream.indirect.scatter.add.f32 [tilespmem:s7], [sflag:$0x2], $0x80, s5, s9, $0xb8;
	[tilespmem:$0x1D400] =	vst v63  }
0x3f3: {  	_ =	swait.ge [sflag:s12], $0x4000  }
0x3f4: {  	[sflag:s12] =	ssyncset.done $0x0  }
0x3f5: {  	s5 =	simm.s32 $0x14380;
	[sflag:s12] =	ssyncadd.s32 $0xFFFFC000  }
0x3f6: {  	[spmem:s3] =	stream.indirect.scatter.add.f32 [tilespmem:s11], [sflag:$0x2], $0x80, s5, s9, $0xb8;
	[tilespmem:$0x1D400] =	vst v63  }
0x3f7: {  	_ =	swait.ge [sflag:s15], $0x4000  }
0x3f8: {  	[sflag:s15] =	ssyncset.done $0x0  }
0x3f9: {  	[sflag:s15] =	ssyncadd.s32 $0xFFFFC000  }
0x3fa: {  	_ =	swait.ge [sflag:s15], $0x4000  }
0x3fb: {  	[sflag:s15] =	ssyncset.done $0x0  }
0x3fc: {  	s5 =	simm.s32 $0x14400;
	[sflag:s15] =	ssyncadd.s32 $0xFFFFC000  }
0x3fd: {  	[tilespmem:s7], [sflag:$0x1] =	stream.indirect.gather [hbm4b:s2+s9], $0x80, s5, s9, $0xb8;
	[tilespmem:$0x1D400] =	vst v63  }
0x3fe: {  	s5 =	simm.s32 $0x14500  }
0x3ff: {  	[tilespmem:s11], [sflag:$0x1] =	stream.indirect.gather [hbm4b:s2+s9], $0x80, s5, s9, $0xb8;
	[tilespmem:$0x1D400] =	vst v63  }
0x400: {  	_ =	swait.ge [sflag:s12], $0x4000  }
0x401: {  	[sflag:s12] =	ssyncset.done $0x0  }
0x402: {  	s5 =	simm.s32 $0x14480;
	[sflag:s12] =	ssyncadd.s32 $0xFFFFC000  }
0x403: {  	[spmem:s3] =	stream.indirect.scatter.add.f32 [tilespmem:s7], [sflag:$0x2], $0x80, s5, s9, $0xb8;
	[tilespmem:$0x1D400] =	vst v63  }
0x404: {  	_ =	swait.ge [sflag:s12], $0x4000  }
0x405: {  	[sflag:s12] =	ssyncset.done $0x0  }
0x406: {  	s5 =	simm.s32 $0x14580;
	[sflag:s12] =	ssyncadd.s32 $0xFFFFC000  }
0x407: {  	[spmem:s3] =	stream.indirect.scatter.add.f32 [tilespmem:s11], [sflag:$0x2], $0x80, s5, s9, $0xb8;
	[tilespmem:$0x1D400] =	vst v63  }
0x408: {  	_ =	swait.ge [sflag:s15], $0x4000  }
0x409: {  	[sflag:s15] =	ssyncset.done $0x0  }
0x40a: {  	[sflag:s15] =	ssyncadd.s32 $0xFFFFC000  }
0x40b: {  	_ =	swait.ge [sflag:s15], $0x4000  }
0x40c: {  	[sflag:s15] =	ssyncset.done $0x0  }
0x40d: {  	s5 =	simm.s32 $0x14600;
	[sflag:s15] =	ssyncadd.s32 $0xFFFFC000  }
0x40e: {  	[tilespmem:s7], [sflag:$0x1] =	stream.indirect.gather [hbm4b:s2+s9], $0x80, s5, s9, $0xb8;
	[tilespmem:$0x1D400] =	vst v63  }
0x40f: {  	s5 =	simm.s32 $0x14700  }
0x410: {  	[tilespmem:s11], [sflag:$0x1] =	stream.indirect.gather [hbm4b:s2+s9], $0x80, s5, s9, $0xb8;
	[tilespmem:$0x1D400] =	vst v63  }
0x411: {  	_ =	swait.ge [sflag:s12], $0x4000  }
0x412: {  	[sflag:s12] =	ssyncset.done $0x0  }
0x413: {  	s5 =	simm.s32 $0x14680;
	[sflag:s12] =	ssyncadd.s32 $0xFFFFC000  }
0x414: {  	[spmem:s3] =	stream.indirect.scatter.add.f32 [tilespmem:s7], [sflag:$0x2], $0x80, s5, s9, $0xb8;
	[tilespmem:$0x1D400] =	vst v63  }
0x415: {  	_ =	swait.ge [sflag:s12], $0x4000  }
0x416: {  	[sflag:s12] =	ssyncset.done $0x0  }
0x417: {  	s5 =	simm.s32 $0x14780;
	[sflag:s12] =	ssyncadd.s32 $0xFFFFC000  }
0x418: {  	[spmem:s3] =	stream.indirect.scatter.add.f32 [tilespmem:s11], [sflag:$0x2], $0x80, s5, s9, $0xb8;
	[tilespmem:$0x1D400] =	vst v63  }
0x419: {  	_ =	swait.ge [sflag:s15], $0x4000  }
0x41a: {  	[sflag:s15] =	ssyncset.done $0x0  }
0x41b: {  	[sflag:s15] =	ssyncadd.s32 $0xFFFFC000  }
0x41c: {  	_ =	swait.ge [sflag:s15], $0x4000  }
0x41d: {  	[sflag:s15] =	ssyncset.done $0x0  }
0x41e: {  	s5 =	simm.s32 $0x14800;
	[sflag:s15] =	ssyncadd.s32 $0xFFFFC000  }
0x41f: {  	[tilespmem:s7], [sflag:$0x1] =	stream.indirect.gather [hbm4b:s2+s9], $0x80, s5, s9, $0xb8;
	[tilespmem:$0x1D400] =	vst v63  }
0x420: {  	s5 =	simm.s32 $0x14900  }
0x421: {  	[tilespmem:s11], [sflag:$0x1] =	stream.indirect.gather [hbm4b:s2+s9], $0x80, s5, s9, $0xb8;
	[tilespmem:$0x1D400] =	vst v63  }
0x422: {  	_ =	swait.ge [sflag:s12], $0x4000  }
0x423: {  	[sflag:s12] =	ssyncset.done $0x0  }
0x424: {  	s5 =	simm.s32 $0x14880;
	[sflag:s12] =	ssyncadd.s32 $0xFFFFC000  }
0x425: {  	[spmem:s3] =	stream.indirect.scatter.add.f32 [tilespmem:s7], [sflag:$0x2], $0x80, s5, s9, $0xb8;
	[tilespmem:$0x1D400] =	vst v63  }
0x426: {  	_ =	swait.ge [sflag:s12], $0x4000  }
0x427: {  	[sflag:s12] =	ssyncset.done $0x0  }
0x428: {  	s5 =	simm.s32 $0x14980;
	[sflag:s12] =	ssyncadd.s32 $0xFFFFC000  }
0x429: {  	[spmem:s3] =	stream.indirect.scatter.add.f32 [tilespmem:s11], [sflag:$0x2], $0x80, s5, s9, $0xb8;
	[tilespmem:$0x1D400] =	vst v63  }
0x42a: {  	_ =	swait.ge [sflag:s15], $0x4000  }
0x42b: {  	[sflag:s15] =	ssyncset.done $0x0  }
0x42c: {  	[sflag:s15] =	ssyncadd.s32 $0xFFFFC000  }
0x42d: {  	_ =	swait.ge [sflag:s15], $0x4000  }
0x42e: {  	[sflag:s15] =	ssyncset.done $0x0  }
0x42f: {  	s5 =	simm.s32 $0x14A00;
	[sflag:s15] =	ssyncadd.s32 $0xFFFFC000  }
0x430: {  	[tilespmem:s7], [sflag:$0x1] =	stream.indirect.gather [hbm4b:s2+s9], $0x80, s5, s9, $0xb8;
	[tilespmem:$0x1D400] =	vst v63  }
0x431: {  	s8 =	simm.s32 $0x14B00  }
0x432: {  	[tilespmem:s11], [sflag:$0x1] =	stream.indirect.gather [hbm4b:s2+s9], $0x80, s8, s9, $0xb8;
	[tilespmem:$0x1D400] =	vst v63  }
0x433: {  	_ =	swait.ge [sflag:s12], $0x4000  }
0x434: {  	[sflag:s12] =	ssyncset.done $0x0  }
0x435: {  	s10 =	simm.s32 $0x14A80;
	[sflag:s12] =	ssyncadd.s32 $0xFFFFC000  }
0x436: {  	[spmem:s3] =	stream.indirect.scatter.add.f32 [tilespmem:s7], [sflag:$0x2], $0x80, s10, s9, $0xb8;
	[tilespmem:$0x1D400] =	vst v63  }
0x437: {  	_ =	swait.ge [sflag:s12], $0x4000  }
0x438: {  	[sflag:s12] =	ssyncset.done $0x0  }
0x439: {  	s13 =	simm.s32 $0x14B80;
	[sflag:s12] =	ssyncadd.s32 $0xFFFFC000  }
0x43a: {  	[spmem:s3] =	stream.indirect.scatter.add.f32 [tilespmem:s11], [sflag:$0x2], $0x80, s13, s9, $0xb8;
	[tilespmem:$0x1D400] =	vst v63  }
0x43b: {  	_ =	swait.ge [sflag:s15], $0x4000  }
0x43c: {  	[sflag:s15] =	ssyncset.done $0x0  }
0x43d: {  	[sflag:s15] =	ssyncadd.s32 $0xFFFFC000  }
0x43e: {  	_ =	swait.ge [sflag:s15], $0x4000  }
0x43f: {  	[sflag:s15] =	ssyncset.done $0x0  }
0x440: {  	s14 =	simm.s32 $0x14C00;
	[sflag:s15] =	ssyncadd.s32 $0xFFFFC000  }
0x441: {  	[tilespmem:s7], [sflag:$0x1] =	stream.indirect.gather [hbm4b:s2+s9], $0x80, s14, s9, $0xb8;
	[tilespmem:$0x1D400] =	vst v63  }
0x442: {  	s16 =	simm.s32 $0x14D00  }
0x443: {  	[tilespmem:s11], [sflag:$0x1] =	stream.indirect.gather [hbm4b:s2+s9], $0x80, s16, s9, $0xb8;
	[tilespmem:$0x1D400] =	vst v63  }
0x444: {  	_ =	swait.ge [sflag:s12], $0x4000  }
0x445: {  	[sflag:s12] =	ssyncset.done $0x0  }
0x446: {  	s17 =	simm.s32 $0x14C80;
	[sflag:s12] =	ssyncadd.s32 $0xFFFFC000  }
0x447: {  	[spmem:s3] =	stream.indirect.scatter.add.f32 [tilespmem:s7], [sflag:$0x2], $0x80, s17, s9, $0xb8;
	[tilespmem:$0x1D400] =	vst v63  }
0x448: {  	_ =	swait.ge [sflag:s12], $0x4000  }
0x449: {  	[sflag:s12] =	ssyncset.done $0x0  }
0x44a: {  	s18 =	simm.s32 $0x14D80;
	[sflag:s12] =	ssyncadd.s32 $0xFFFFC000  }
0x44b: {  	[spmem:s3] =	stream.indirect.scatter.add.f32 [tilespmem:s11], [sflag:$0x2], $0x80, s18, s9, $0xb8;
	[tilespmem:$0x1D400] =	vst v63  }
0x44c: {  	_ =	swait.ge [sflag:s15], $0x4000  }
0x44d: {  	[sflag:s15] =	ssyncset.done $0x0  }
0x44e: {  	[sflag:s15] =	ssyncadd.s32 $0xFFFFC000  }
0x44f: {  	_ =	swait.ge [sflag:s15], $0x4000  }
0x450: {  	[sflag:s15] =	ssyncset.done $0x0  }
0x451: {  	s19 =	simm.s32 $0x14E00;
	[sflag:s15] =	ssyncadd.s32 $0xFFFFC000  }
0x452: {  	[tilespmem:s7], [sflag:$0x1] =	stream.indirect.gather [hbm4b:s2+s9], $0x80, s19, s9, $0xb8;
	[tilespmem:$0x1D400] =	vst v63  }
0x453: {  	s20 =	simm.s32 $0x14F00  }
0x454: {  	[tilespmem:s11], [sflag:$0x1] =	stream.indirect.gather [hbm4b:s2+s9], $0x80, s20, s9, $0xb8;
	[tilespmem:$0x1D400] =	vst v63  }
0x455: {  	_ =	swait.ge [sflag:s12], $0x4000  }
0x456: {  	[sflag:s12] =	ssyncset.done $0x0  }
0x457: {  	s21 =	simm.s32 $0x14E80;
	[sflag:s12] =	ssyncadd.s32 $0xFFFFC000  }
0x458: {  	[spmem:s3] =	stream.indirect.scatter.add.f32 [tilespmem:s7], [sflag:$0x2], $0x80, s21, s9, $0xb8;
	[tilespmem:$0x1D400] =	vst v63  }
0x459: {  	_ =	swait.ge [sflag:s12], $0x4000  }
0x45a: {  	[sflag:s12] =	ssyncset.done $0x0  }
0x45b: {  	s22 =	simm.s32 $0x14F80;
	[sflag:s12] =	ssyncadd.s32 $0xFFFFC000  }
0x45c: {  	[spmem:s3] =	stream.indirect.scatter.add.f32 [tilespmem:s11], [sflag:$0x2], $0x80, s22, s9, $0xb8;
	[tilespmem:$0x1D400] =	vst v63  }
0x45d: {  	_ =	swait.ge [sflag:s15], $0x4000  }
0x45e: {  	[sflag:s15] =	ssyncset.done $0x0  }
0x45f: {  	[sflag:s15] =	ssyncadd.s32 $0xFFFFC000  }
0x460: {  	_ =	swait.ge [sflag:s15], $0x4000  }
0x461: {  	[sflag:s15] =	ssyncset.done $0x0  }
0x462: {  	s23 =	simm.s32 $0x15000;
	[sflag:s15] =	ssyncadd.s32 $0xFFFFC000  }
0x463: {  	[tilespmem:s7], [sflag:$0x1] =	stream.indirect.gather [hbm4b:s2+s9], $0x80, s23, s9, $0xb8;
	[tilespmem:$0x1D400] =	vst v63  }
0x464: {  	s24 =	simm.s32 $0x15100  }
0x465: {  	[tilespmem:s11], [sflag:$0x1] =	stream.indirect.gather [hbm4b:s2+s9], $0x80, s24, s9, $0xb8;
	[tilespmem:$0x1D400] =	vst v63  }
0x466: {  	_ =	swait.ge [sflag:s12], $0x4000  }
0x467: {  	[sflag:s12] =	ssyncset.done $0x0  }
0x468: {  	s25 =	simm.s32 $0x15080;
	[sflag:s12] =	ssyncadd.s32 $0xFFFFC000  }
0x469: {  	[spmem:s3] =	stream.indirect.scatter.add.f32 [tilespmem:s7], [sflag:$0x2], $0x80, s25, s9, $0xb8;
	[tilespmem:$0x1D400] =	vst v63  }
0x46a: {  	_ =	swait.ge [sflag:s12], $0x4000  }
0x46b: {  	[sflag:s12] =	ssyncset.done $0x0  }
0x46c: {  	s26 =	simm.s32 $0x15180;
	[sflag:s12] =	ssyncadd.s32 $0xFFFFC000  }
0x46d: {  	[spmem:s3] =	stream.indirect.scatter.add.f32 [tilespmem:s11], [sflag:$0x2], $0x80, s26, s9, $0xb8;
	[tilespmem:$0x1D400] =	vst v63  }
0x46e: {  	_ =	swait.ge [sflag:s15], $0x4000  }
0x46f: {  	[sflag:s15] =	ssyncset.done $0x0  }
0x470: {  	[sflag:s15] =	ssyncadd.s32 $0xFFFFC000  }
0x471: {  	_ =	swait.ge [sflag:s15], $0x4000  }
0x472: {  	[sflag:s15] =	ssyncset.done $0x0  }
0x473: {  	s28 =	simm.s32 $0x15200;
	[sflag:s15] =	ssyncadd.s32 $0xFFFFC000  }
0x474: {  	[tilespmem:s7], [sflag:$0x1] =	stream.indirect.gather [hbm4b:s2+s9], $0x80, s28, s9, $0xb8;
	[tilespmem:$0x1D400] =	vst v63  }
0x475: {  	s29 =	simm.s32 $0x15300  }
0x476: {  	[tilespmem:s11], [sflag:$0x1] =	stream.indirect.gather [hbm4b:s2+s9], $0x80, s29, s9, $0xb8;
	[tilespmem:$0x1D400] =	vst v63  }
0x477: {  	_ =	swait.ge [sflag:s12], $0x4000  }
0x478: {  	[sflag:s12] =	ssyncset.done $0x0  }
0x479: {  	s30 =	simm.s32 $0x15280;
	[sflag:s12] =	ssyncadd.s32 $0xFFFFC000  }
0x47a: {  	[spmem:s3] =	stream.indirect.scatter.add.f32 [tilespmem:s7], [sflag:$0x2], $0x80, s30, s9, $0xb8;
	[tilespmem:$0x1D400] =	vst v63  }
0x47b: {  	_ =	swait.ge [sflag:s12], $0x4000  }
0x47c: {  	[sflag:s12] =	ssyncset.done $0x0  }
0x47d: {  	s31 =	simm.s32 $0x15380;
	[sflag:s12] =	ssyncadd.s32 $0xFFFFC000  }
0x47e: {  	[spmem:s3] =	stream.indirect.scatter.add.f32 [tilespmem:s11], [sflag:$0x2], $0x80, s31, s9, $0xb8;
	[tilespmem:$0x1D400] =	vst v63  }
0x47f: {  	_ =	swait.ge [sflag:s15], $0x4000  }
0x480: {  	[sflag:s15] =	ssyncset.done $0x0  }
0x481: {  	[sflag:s15] =	ssyncadd.s32 $0xFFFFC000  }
0x482: {  	_ =	swait.ge [sflag:s15], $0x4000  }
0x483: {  	[sflag:s15] =	ssyncset.done $0x0  }
0x484: {  	s31 =	simm.s32 $0x0;
	s1 =	rddreg [dreg:$0xe];
	[sflag:s15] =	ssyncadd.s32 $0xFFFFC000  }
0x485: {  	[tilespmem:s4], [sflag:$0x3] =	stream.linear.gather [hbm4b:s1+s31], $0x1400, $0x38;
	[tilespmem:$0x1D400] =	vst v63  }
0x486: {  	_ =	swait.ge [sflag:s6], $0x1400  }
0x487: {  	[sflag:s6] =	ssyncset.done $0x0  }
0x488: {  	[sflag:s6] =	ssyncadd.s32 $0xFFFFEC00  }
0x489: {  	[tilespmem:s7], [sflag:$0x1] =	stream.indirect.gather [hbm4b:s2+s9], $0x80, s4, s9, $0xb8;
	[tilespmem:$0x1D400] =	vst v63  }
0x48a: {  	s31 =	simm.s32 $0x14100  }
0x48b: {  	[tilespmem:s11], [sflag:$0x1] =	stream.indirect.gather [hbm4b:s2+s9], $0x80, s31, s9, $0xb8;
	[tilespmem:$0x1D400] =	vst v63  }
0x48c: {  	_ =	swait.ge [sflag:s12], $0x4000  }
0x48d: {  	[sflag:s12] =	ssyncset.done $0x0  }
0x48e: {  	s31 =	simm.s32 $0x14080;
	[sflag:s12] =	ssyncadd.s32 $0xFFFFC000  }
0x48f: {  	[spmem:s3] =	stream.indirect.scatter.add.f32 [tilespmem:s7], [sflag:$0x2], $0x80, s31, s9, $0xb8;
	[tilespmem:$0x1D400] =	vst v63  }
0x490: {  	_ =	swait.ge [sflag:s12], $0x4000  }
0x491: {  	[sflag:s12] =	ssyncset.done $0x0  }
0x492: {  	s31 =	simm.s32 $0x14180;
	[sflag:s12] =	ssyncadd.s32 $0xFFFFC000  }
0x493: {  	[spmem:s3] =	stream.indirect.scatter.add.f32 [tilespmem:s11], [sflag:$0x2], $0x80, s31, s9, $0xb8;
	[tilespmem:$0x1D400] =	vst v63  }
0x494: {  	_ =	swait.ge [sflag:s15], $0x4000  }
0x495: {  	[sflag:s15] =	ssyncset.done $0x0  }
0x496: {  	[sflag:s15] =	ssyncadd.s32 $0xFFFFC000  }
0x497: {  	_ =	swait.ge [sflag:s15], $0x4000  }
0x498: {  	[sflag:s15] =	ssyncset.done $0x0  }
0x499: {  	s31 =	simm.s32 $0x14200;
	[sflag:s15] =	ssyncadd.s32 $0xFFFFC000  }
0x49a: {  	[tilespmem:s7], [sflag:$0x1] =	stream.indirect.gather [hbm4b:s2+s9], $0x80, s31, s9, $0xb8;
	[tilespmem:$0x1D400] =	vst v63  }
0x49b: {  	s31 =	simm.s32 $0x14300  }
0x49c: {  	[tilespmem:s11], [sflag:$0x1] =	stream.indirect.gather [hbm4b:s2+s9], $0x80, s31, s9, $0xb8;
	[tilespmem:$0x1D400] =	vst v63  }
0x49d: {  	_ =	swait.ge [sflag:s12], $0x4000  }
0x49e: {  	[sflag:s12] =	ssyncset.done $0x0  }
0x49f: {  	s31 =	simm.s32 $0x14280;
	[sflag:s12] =	ssyncadd.s32 $0xFFFFC000  }
0x4a0: {  	[spmem:s3] =	stream.indirect.scatter.add.f32 [tilespmem:s7], [sflag:$0x2], $0x80, s31, s9, $0xb8;
	[tilespmem:$0x1D400] =	vst v63  }
0x4a1: {  	_ =	swait.ge [sflag:s12], $0x4000  }
0x4a2: {  	[sflag:s12] =	ssyncset.done $0x0  }
0x4a3: {  	s31 =	simm.s32 $0x14380;
	[sflag:s12] =	ssyncadd.s32 $0xFFFFC000  }
0x4a4: {  	[spmem:s3] =	stream.indirect.scatter.add.f32 [tilespmem:s11], [sflag:$0x2], $0x80, s31, s9, $0xb8;
	[tilespmem:$0x1D400] =	vst v63  }
0x4a5: {  	_ =	swait.ge [sflag:s15], $0x4000  }
0x4a6: {  	[sflag:s15] =	ssyncset.done $0x0  }
0x4a7: {  	[sflag:s15] =	ssyncadd.s32 $0xFFFFC000  }
0x4a8: {  	_ =	swait.ge [sflag:s15], $0x4000  }
0x4a9: {  	[sflag:s15] =	ssyncset.done $0x0  }
0x4aa: {  	s31 =	simm.s32 $0x14400;
	[sflag:s15] =	ssyncadd.s32 $0xFFFFC000  }
0x4ab: {  	[tilespmem:s7], [sflag:$0x1] =	stream.indirect.gather [hbm4b:s2+s9], $0x80, s31, s9, $0xb8;
	[tilespmem:$0x1D400] =	vst v63  }
0x4ac: {  	s31 =	simm.s32 $0x14500  }
0x4ad: {  	[tilespmem:s11], [sflag:$0x1] =	stream.indirect.gather [hbm4b:s2+s9], $0x80, s31, s9, $0xb8;
	[tilespmem:$0x1D400] =	vst v63  }
0x4ae: {  	_ =	swait.ge [sflag:s12], $0x4000  }
0x4af: {  	[sflag:s12] =	ssyncset.done $0x0  }
0x4b0: {  	s31 =	simm.s32 $0x14480;
	[sflag:s12] =	ssyncadd.s32 $0xFFFFC000  }
0x4b1: {  	[spmem:s3] =	stream.indirect.scatter.add.f32 [tilespmem:s7], [sflag:$0x2], $0x80, s31, s9, $0xb8;
	[tilespmem:$0x1D400] =	vst v63  }
0x4b2: {  	_ =	swait.ge [sflag:s12], $0x4000  }
0x4b3: {  	[sflag:s12] =	ssyncset.done $0x0  }
0x4b4: {  	s31 =	simm.s32 $0x14580;
	[sflag:s12] =	ssyncadd.s32 $0xFFFFC000  }
0x4b5: {  	[spmem:s3] =	stream.indirect.scatter.add.f32 [tilespmem:s11], [sflag:$0x2], $0x80, s31, s9, $0xb8;
	[tilespmem:$0x1D400] =	vst v63  }
0x4b6: {  	_ =	swait.ge [sflag:s15], $0x4000  }
0x4b7: {  	[sflag:s15] =	ssyncset.done $0x0  }
0x4b8: {  	[sflag:s15] =	ssyncadd.s32 $0xFFFFC000  }
0x4b9: {  	_ =	swait.ge [sflag:s15], $0x4000  }
0x4ba: {  	[sflag:s15] =	ssyncset.done $0x0  }
0x4bb: {  	s31 =	simm.s32 $0x14600;
	[sflag:s15] =	ssyncadd.s32 $0xFFFFC000  }
0x4bc: {  	[tilespmem:s7], [sflag:$0x1] =	stream.indirect.gather [hbm4b:s2+s9], $0x80, s31, s9, $0xb8;
	[tilespmem:$0x1D400] =	vst v63  }
0x4bd: {  	s31 =	simm.s32 $0x14700  }
0x4be: {  	[tilespmem:s11], [sflag:$0x1] =	stream.indirect.gather [hbm4b:s2+s9], $0x80, s31, s9, $0xb8;
	[tilespmem:$0x1D400] =	vst v63  }
0x4bf: {  	_ =	swait.ge [sflag:s12], $0x4000  }
0x4c0: {  	[sflag:s12] =	ssyncset.done $0x0  }
0x4c1: {  	s31 =	simm.s32 $0x14680;
	[sflag:s12] =	ssyncadd.s32 $0xFFFFC000  }
0x4c2: {  	[spmem:s3] =	stream.indirect.scatter.add.f32 [tilespmem:s7], [sflag:$0x2], $0x80, s31, s9, $0xb8;
	[tilespmem:$0x1D400] =	vst v63  }
0x4c3: {  	_ =	swait.ge [sflag:s12], $0x4000  }
0x4c4: {  	[sflag:s12] =	ssyncset.done $0x0  }
0x4c5: {  	s31 =	simm.s32 $0x14780;
	[sflag:s12] =	ssyncadd.s32 $0xFFFFC000  }
0x4c6: {  	[spmem:s3] =	stream.indirect.scatter.add.f32 [tilespmem:s11], [sflag:$0x2], $0x80, s31, s9, $0xb8;
	[tilespmem:$0x1D400] =	vst v63  }
0x4c7: {  	_ =	swait.ge [sflag:s15], $0x4000  }
0x4c8: {  	[sflag:s15] =	ssyncset.done $0x0  }
0x4c9: {  	[sflag:s15] =	ssyncadd.s32 $0xFFFFC000  }
0x4ca: {  	_ =	swait.ge [sflag:s15], $0x4000  }
0x4cb: {  	[sflag:s15] =	ssyncset.done $0x0  }
0x4cc: {  	s31 =	simm.s32 $0x14800;
	[sflag:s15] =	ssyncadd.s32 $0xFFFFC000  }
0x4cd: {  	[tilespmem:s7], [sflag:$0x1] =	stream.indirect.gather [hbm4b:s2+s9], $0x80, s31, s9, $0xb8;
	[tilespmem:$0x1D400] =	vst v63  }
0x4ce: {  	s31 =	simm.s32 $0x14900  }
0x4cf: {  	[tilespmem:s11], [sflag:$0x1] =	stream.indirect.gather [hbm4b:s2+s9], $0x80, s31, s9, $0xb8;
	[tilespmem:$0x1D400] =	vst v63  }
0x4d0: {  	_ =	swait.ge [sflag:s12], $0x4000  }
0x4d1: {  	[sflag:s12] =	ssyncset.done $0x0  }
0x4d2: {  	s31 =	simm.s32 $0x14880;
	[sflag:s12] =	ssyncadd.s32 $0xFFFFC000  }
0x4d3: {  	[spmem:s3] =	stream.indirect.scatter.add.f32 [tilespmem:s7], [sflag:$0x2], $0x80, s31, s9, $0xb8;
	[tilespmem:$0x1D400] =	vst v63  }
0x4d4: {  	_ =	swait.ge [sflag:s12], $0x4000  }
0x4d5: {  	[sflag:s12] =	ssyncset.done $0x0  }
0x4d6: {  	s31 =	simm.s32 $0x14980;
	[sflag:s12] =	ssyncadd.s32 $0xFFFFC000  }
0x4d7: {  	[spmem:s3] =	stream.indirect.scatter.add.f32 [tilespmem:s11], [sflag:$0x2], $0x80, s31, s9, $0xb8;
	[tilespmem:$0x1D400] =	vst v63  }
0x4d8: {  	_ =	swait.ge [sflag:s15], $0x4000  }
0x4d9: {  	[sflag:s15] =	ssyncset.done $0x0  }
0x4da: {  	[sflag:s15] =	ssyncadd.s32 $0xFFFFC000  }
0x4db: {  	_ =	swait.ge [sflag:s15], $0x4000  }
0x4dc: {  	[sflag:s15] =	ssyncset.done $0x0  }
0x4dd: {  	s5 =	simm.s32 $0x14A00;
	[sflag:s15] =	ssyncadd.s32 $0xFFFFC000  }
0x4de: {  	[tilespmem:s7], [sflag:$0x1] =	stream.indirect.gather [hbm4b:s2+s9], $0x80, s5, s9, $0xb8;
	[tilespmem:$0x1D400] =	vst v63  }
0x4df: {  	s8 =	simm.s32 $0x14B00  }
0x4e0: {  	[tilespmem:s11], [sflag:$0x1] =	stream.indirect.gather [hbm4b:s2+s9], $0x80, s8, s9, $0xb8;
	[tilespmem:$0x1D400] =	vst v63  }
0x4e1: {  	_ =	swait.ge [sflag:s12], $0x4000  }
0x4e2: {  	[sflag:s12] =	ssyncset.done $0x0  }
0x4e3: {  	s10 =	simm.s32 $0x14A80;
	[sflag:s12] =	ssyncadd.s32 $0xFFFFC000  }
0x4e4: {  	[spmem:s3] =	stream.indirect.scatter.add.f32 [tilespmem:s7], [sflag:$0x2], $0x80, s10, s9, $0xb8;
	[tilespmem:$0x1D400] =	vst v63  }
0x4e5: {  	_ =	swait.ge [sflag:s12], $0x4000  }
0x4e6: {  	[sflag:s12] =	ssyncset.done $0x0  }
0x4e7: {  	s13 =	simm.s32 $0x14B80;
	[sflag:s12] =	ssyncadd.s32 $0xFFFFC000  }
0x4e8: {  	[spmem:s3] =	stream.indirect.scatter.add.f32 [tilespmem:s11], [sflag:$0x2], $0x80, s13, s9, $0xb8;
	[tilespmem:$0x1D400] =	vst v63  }
0x4e9: {  	_ =	swait.ge [sflag:s15], $0x4000  }
0x4ea: {  	[sflag:s15] =	ssyncset.done $0x0  }
0x4eb: {  	[sflag:s15] =	ssyncadd.s32 $0xFFFFC000  }
0x4ec: {  	_ =	swait.ge [sflag:s15], $0x4000  }
0x4ed: {  	[sflag:s15] =	ssyncset.done $0x0  }
0x4ee: {  	s14 =	simm.s32 $0x14C00;
	[sflag:s15] =	ssyncadd.s32 $0xFFFFC000  }
0x4ef: {  	[tilespmem:s7], [sflag:$0x1] =	stream.indirect.gather [hbm4b:s2+s9], $0x80, s14, s9, $0xb8;
	[tilespmem:$0x1D400] =	vst v63  }
0x4f0: {  	s16 =	simm.s32 $0x14D00  }
0x4f1: {  	[tilespmem:s11], [sflag:$0x1] =	stream.indirect.gather [hbm4b:s2+s9], $0x80, s16, s9, $0xb8;
	[tilespmem:$0x1D400] =	vst v63  }
0x4f2: {  	_ =	swait.ge [sflag:s12], $0x4000  }
0x4f3: {  	[sflag:s12] =	ssyncset.done $0x0  }
0x4f4: {  	s17 =	simm.s32 $0x14C80;
	[sflag:s12] =	ssyncadd.s32 $0xFFFFC000  }
0x4f5: {  	[spmem:s3] =	stream.indirect.scatter.add.f32 [tilespmem:s7], [sflag:$0x2], $0x80, s17, s9, $0xb8;
	[tilespmem:$0x1D400] =	vst v63  }
0x4f6: {  	_ =	swait.ge [sflag:s12], $0x4000  }
0x4f7: {  	[sflag:s12] =	ssyncset.done $0x0  }
0x4f8: {  	s18 =	simm.s32 $0x14D80;
	[sflag:s12] =	ssyncadd.s32 $0xFFFFC000  }
0x4f9: {  	[spmem:s3] =	stream.indirect.scatter.add.f32 [tilespmem:s11], [sflag:$0x2], $0x80, s18, s9, $0xb8;
	[tilespmem:$0x1D400] =	vst v63  }
0x4fa: {  	_ =	swait.ge [sflag:s15], $0x4000  }
0x4fb: {  	[sflag:s15] =	ssyncset.done $0x0  }
0x4fc: {  	[sflag:s15] =	ssyncadd.s32 $0xFFFFC000  }
0x4fd: {  	_ =	swait.ge [sflag:s15], $0x4000  }
0x4fe: {  	[sflag:s15] =	ssyncset.done $0x0  }
0x4ff: {  	s19 =	simm.s32 $0x14E00;
	[sflag:s15] =	ssyncadd.s32 $0xFFFFC000  }
0x500: {  	[tilespmem:s7], [sflag:$0x1] =	stream.indirect.gather [hbm4b:s2+s9], $0x80, s19, s9, $0xb8;
	[tilespmem:$0x1D400] =	vst v63  }
0x501: {  	s20 =	simm.s32 $0x14F00  }
0x502: {  	[tilespmem:s11], [sflag:$0x1] =	stream.indirect.gather [hbm4b:s2+s9], $0x80, s20, s9, $0xb8;
	[tilespmem:$0x1D400] =	vst v63  }
0x503: {  	_ =	swait.ge [sflag:s12], $0x4000  }
0x504: {  	[sflag:s12] =	ssyncset.done $0x0  }
0x505: {  	s21 =	simm.s32 $0x14E80;
	[sflag:s12] =	ssyncadd.s32 $0xFFFFC000  }
0x506: {  	[spmem:s3] =	stream.indirect.scatter.add.f32 [tilespmem:s7], [sflag:$0x2], $0x80, s21, s9, $0xb8;
	[tilespmem:$0x1D400] =	vst v63  }
0x507: {  	_ =	swait.ge [sflag:s12], $0x4000  }
0x508: {  	[sflag:s12] =	ssyncset.done $0x0  }
0x509: {  	s22 =	simm.s32 $0x14F80;
	[sflag:s12] =	ssyncadd.s32 $0xFFFFC000  }
0x50a: {  	[spmem:s3] =	stream.indirect.scatter.add.f32 [tilespmem:s11], [sflag:$0x2], $0x80, s22, s9, $0xb8;
	[tilespmem:$0x1D400] =	vst v63  }
0x50b: {  	_ =	swait.ge [sflag:s15], $0x4000  }
0x50c: {  	[sflag:s15] =	ssyncset.done $0x0  }
0x50d: {  	[sflag:s15] =	ssyncadd.s32 $0xFFFFC000  }
0x50e: {  	_ =	swait.ge [sflag:s15], $0x4000  }
0x50f: {  	[sflag:s15] =	ssyncset.done $0x0  }
0x510: {  	s23 =	simm.s32 $0x15000;
	[sflag:s15] =	ssyncadd.s32 $0xFFFFC000  }
0x511: {  	[tilespmem:s7], [sflag:$0x1] =	stream.indirect.gather [hbm4b:s2+s9], $0x80, s23, s9, $0xb8;
	[tilespmem:$0x1D400] =	vst v63  }
0x512: {  	s24 =	simm.s32 $0x15100  }
0x513: {  	[tilespmem:s11], [sflag:$0x1] =	stream.indirect.gather [hbm4b:s2+s9], $0x80, s24, s9, $0xb8;
	[tilespmem:$0x1D400] =	vst v63  }
0x514: {  	_ =	swait.ge [sflag:s12], $0x4000  }
0x515: {  	[sflag:s12] =	ssyncset.done $0x0  }
0x516: {  	s25 =	simm.s32 $0x15080;
	[sflag:s12] =	ssyncadd.s32 $0xFFFFC000  }
0x517: {  	[spmem:s3] =	stream.indirect.scatter.add.f32 [tilespmem:s7], [sflag:$0x2], $0x80, s25, s9, $0xb8;
	[tilespmem:$0x1D400] =	vst v63  }
0x518: {  	_ =	swait.ge [sflag:s12], $0x4000  }
0x519: {  	[sflag:s12] =	ssyncset.done $0x0  }
0x51a: {  	s26 =	simm.s32 $0x15180;
	[sflag:s12] =	ssyncadd.s32 $0xFFFFC000  }
0x51b: {  	[spmem:s3] =	stream.indirect.scatter.add.f32 [tilespmem:s11], [sflag:$0x2], $0x80, s26, s9, $0xb8;
	[tilespmem:$0x1D400] =	vst v63  }
0x51c: {  	_ =	swait.ge [sflag:s15], $0x4000  }
0x51d: {  	[sflag:s15] =	ssyncset.done $0x0  }
0x51e: {  	[sflag:s15] =	ssyncadd.s32 $0xFFFFC000  }
0x51f: {  	_ =	swait.ge [sflag:s15], $0x4000  }
0x520: {  	[sflag:s15] =	ssyncset.done $0x0  }
0x521: {  	s28 =	simm.s32 $0x15200;
	[sflag:s15] =	ssyncadd.s32 $0xFFFFC000  }
0x522: {  	[tilespmem:s7], [sflag:$0x1] =	stream.indirect.gather [hbm4b:s2+s9], $0x80, s28, s9, $0xb8;
	[tilespmem:$0x1D400] =	vst v63  }
0x523: {  	s29 =	simm.s32 $0x15300  }
0x524: {  	[tilespmem:s11], [sflag:$0x1] =	stream.indirect.gather [hbm4b:s2+s9], $0x80, s29, s9, $0xb8;
	[tilespmem:$0x1D400] =	vst v63  }
0x525: {  	_ =	swait.ge [sflag:s12], $0x4000  }
0x526: {  	[sflag:s12] =	ssyncset.done $0x0  }
0x527: {  	s30 =	simm.s32 $0x15280;
	[sflag:s12] =	ssyncadd.s32 $0xFFFFC000  }
0x528: {  	[spmem:s3] =	stream.indirect.scatter.add.f32 [tilespmem:s7], [sflag:$0x2], $0x80, s30, s9, $0xb8;
	[tilespmem:$0x1D400] =	vst v63  }
0x529: {  	_ =	swait.ge [sflag:s12], $0x4000  }
0x52a: {  	[sflag:s12] =	ssyncset.done $0x0  }
0x52b: {  	s30 =	simm.s32 $0x15380;
	[sflag:s12] =	ssyncadd.s32 $0xFFFFC000  }
0x52c: {  	[spmem:s3] =	stream.indirect.scatter.add.f32 [tilespmem:s11], [sflag:$0x2], $0x80, s30, s9, $0xb8;
	[tilespmem:$0x1D400] =	vst v63  }
0x52d: {  	_ =	swait.ge [sflag:s15], $0x4000  }
0x52e: {  	[sflag:s15] =	ssyncset.done $0x0  }
0x52f: {  	[sflag:s15] =	ssyncadd.s32 $0xFFFFC000  }
0x530: {  	_ =	swait.ge [sflag:s15], $0x4000  }
0x531: {  	[sflag:s15] =	ssyncset.done $0x0  }
0x532: {  	s5 =	simm.s32 $0x0;
	s1 =	rddreg [dreg:$0xf];
	[sflag:s15] =	ssyncadd.s32 $0xFFFFC000  }
0x533: {  	[tilespmem:s4], [sflag:$0x3] =	stream.linear.gather [hbm4b:s1+s5], $0x1400, $0x38;
	[tilespmem:$0x1D400] =	vst v63  }
0x534: {  	_ =	swait.ge [sflag:s6], $0x1400  }
0x535: {  	[sflag:s6] =	ssyncset.done $0x0  }
0x536: {  	[sflag:s6] =	ssyncadd.s32 $0xFFFFEC00  }
0x537: {  	[tilespmem:s7], [sflag:$0x1] =	stream.indirect.gather [hbm4b:s2+s9], $0x80, s4, s9, $0xb8;
	[tilespmem:$0x1D400] =	vst v63  }
0x538: {  	s4 =	simm.s32 $0x14100  }
0x539: {  	[tilespmem:s11], [sflag:$0x1] =	stream.indirect.gather [hbm4b:s2+s9], $0x80, s4, s9, $0xb8;
	[tilespmem:$0x1D400] =	vst v63  }
0x53a: {  	_ =	swait.ge [sflag:s12], $0x4000  }
0x53b: {  	[sflag:s12] =	ssyncset.done $0x0  }
0x53c: {  	s5 =	simm.s32 $0x14080;
	[sflag:s12] =	ssyncadd.s32 $0xFFFFC000  }
0x53d: {  	[spmem:s3] =	stream.indirect.scatter.add.f32 [tilespmem:s7], [sflag:$0x2], $0x80, s5, s9, $0xb8;
	[tilespmem:$0x1D400] =	vst v63  }
0x53e: {  	_ =	swait.ge [sflag:s12], $0x4000  }
0x53f: {  	[sflag:s12] =	ssyncset.done $0x0  }
0x540: {  	s4 =	simm.s32 $0x14180;
	[sflag:s12] =	ssyncadd.s32 $0xFFFFC000  }
0x541: {  	[spmem:s3] =	stream.indirect.scatter.add.f32 [tilespmem:s11], [sflag:$0x2], $0x80, s4, s9, $0xb8;
	[tilespmem:$0x1D400] =	vst v63  }
0x542: {  	_ =	swait.ge [sflag:s15], $0x4000  }
0x543: {  	[sflag:s15] =	ssyncset.done $0x0  }
0x544: {  	[sflag:s15] =	ssyncadd.s32 $0xFFFFC000  }
0x545: {  	_ =	swait.ge [sflag:s15], $0x4000  }
0x546: {  	[sflag:s15] =	ssyncset.done $0x0  }
0x547: {  	s5 =	simm.s32 $0x14200;
	[sflag:s15] =	ssyncadd.s32 $0xFFFFC000  }
0x548: {  	[tilespmem:s7], [sflag:$0x1] =	stream.indirect.gather [hbm4b:s2+s9], $0x80, s5, s9, $0xb8;
	[tilespmem:$0x1D400] =	vst v63  }
0x549: {  	s4 =	simm.s32 $0x14300  }
0x54a: {  	[tilespmem:s11], [sflag:$0x1] =	stream.indirect.gather [hbm4b:s2+s9], $0x80, s4, s9, $0xb8;
	[tilespmem:$0x1D400] =	vst v63  }
0x54b: {  	_ =	swait.ge [sflag:s12], $0x4000  }
0x54c: {  	[sflag:s12] =	ssyncset.done $0x0  }
0x54d: {  	s5 =	simm.s32 $0x14280;
	[sflag:s12] =	ssyncadd.s32 $0xFFFFC000  }
0x54e: {  	[spmem:s3] =	stream.indirect.scatter.add.f32 [tilespmem:s7], [sflag:$0x2], $0x80, s5, s9, $0xb8;
	[tilespmem:$0x1D400] =	vst v63  }
0x54f: {  	_ =	swait.ge [sflag:s12], $0x4000  }
0x550: {  	[sflag:s12] =	ssyncset.done $0x0  }
0x551: {  	s4 =	simm.s32 $0x14380;
	[sflag:s12] =	ssyncadd.s32 $0xFFFFC000  }
0x552: {  	[spmem:s3] =	stream.indirect.scatter.add.f32 [tilespmem:s11], [sflag:$0x2], $0x80, s4, s9, $0xb8;
	[tilespmem:$0x1D400] =	vst v63  }
0x553: {  	_ =	swait.ge [sflag:s15], $0x4000  }
0x554: {  	[sflag:s15] =	ssyncset.done $0x0  }
0x555: {  	[sflag:s15] =	ssyncadd.s32 $0xFFFFC000  }
0x556: {  	_ =	swait.ge [sflag:s15], $0x4000  }
0x557: {  	[sflag:s15] =	ssyncset.done $0x0  }
0x558: {  	s5 =	simm.s32 $0x14400;
	[sflag:s15] =	ssyncadd.s32 $0xFFFFC000  }
0x559: {  	[tilespmem:s7], [sflag:$0x1] =	stream.indirect.gather [hbm4b:s2+s9], $0x80, s5, s9, $0xb8;
	[tilespmem:$0x1D400] =	vst v63  }
0x55a: {  	s4 =	simm.s32 $0x14500  }
0x55b: {  	[tilespmem:s11], [sflag:$0x1] =	stream.indirect.gather [hbm4b:s2+s9], $0x80, s4, s9, $0xb8;
	[tilespmem:$0x1D400] =	vst v63  }
0x55c: {  	_ =	swait.ge [sflag:s12], $0x4000  }
0x55d: {  	[sflag:s12] =	ssyncset.done $0x0  }
0x55e: {  	s5 =	simm.s32 $0x14480;
	[sflag:s12] =	ssyncadd.s32 $0xFFFFC000  }
0x55f: {  	[spmem:s3] =	stream.indirect.scatter.add.f32 [tilespmem:s7], [sflag:$0x2], $0x80, s5, s9, $0xb8;
	[tilespmem:$0x1D400] =	vst v63  }
0x560: {  	_ =	swait.ge [sflag:s12], $0x4000  }
0x561: {  	[sflag:s12] =	ssyncset.done $0x0  }
0x562: {  	s4 =	simm.s32 $0x14580;
	[sflag:s12] =	ssyncadd.s32 $0xFFFFC000  }
0x563: {  	[spmem:s3] =	stream.indirect.scatter.add.f32 [tilespmem:s11], [sflag:$0x2], $0x80, s4, s9, $0xb8;
	[tilespmem:$0x1D400] =	vst v63  }
0x564: {  	_ =	swait.ge [sflag:s15], $0x4000  }
0x565: {  	[sflag:s15] =	ssyncset.done $0x0  }
0x566: {  	[sflag:s15] =	ssyncadd.s32 $0xFFFFC000  }
0x567: {  	_ =	swait.ge [sflag:s15], $0x4000  }
0x568: {  	[sflag:s15] =	ssyncset.done $0x0  }
0x569: {  	s5 =	simm.s32 $0x14600;
	[sflag:s15] =	ssyncadd.s32 $0xFFFFC000  }
0x56a: {  	[tilespmem:s7], [sflag:$0x1] =	stream.indirect.gather [hbm4b:s2+s9], $0x80, s5, s9, $0xb8;
	[tilespmem:$0x1D400] =	vst v63  }
0x56b: {  	s4 =	simm.s32 $0x14700  }
0x56c: {  	[tilespmem:s11], [sflag:$0x1] =	stream.indirect.gather [hbm4b:s2+s9], $0x80, s4, s9, $0xb8;
	[tilespmem:$0x1D400] =	vst v63  }
0x56d: {  	_ =	swait.ge [sflag:s12], $0x4000  }
0x56e: {  	[sflag:s12] =	ssyncset.done $0x0  }
0x56f: {  	s5 =	simm.s32 $0x14680;
	[sflag:s12] =	ssyncadd.s32 $0xFFFFC000  }
0x570: {  	[spmem:s3] =	stream.indirect.scatter.add.f32 [tilespmem:s7], [sflag:$0x2], $0x80, s5, s9, $0xb8;
	[tilespmem:$0x1D400] =	vst v63  }
0x571: {  	_ =	swait.ge [sflag:s12], $0x4000  }
0x572: {  	[sflag:s12] =	ssyncset.done $0x0  }
0x573: {  	s4 =	simm.s32 $0x14780;
	[sflag:s12] =	ssyncadd.s32 $0xFFFFC000  }
0x574: {  	[spmem:s3] =	stream.indirect.scatter.add.f32 [tilespmem:s11], [sflag:$0x2], $0x80, s4, s9, $0xb8;
	[tilespmem:$0x1D400] =	vst v63  }
0x575: {  	_ =	swait.ge [sflag:s15], $0x4000  }
0x576: {  	[sflag:s15] =	ssyncset.done $0x0  }
0x577: {  	[sflag:s15] =	ssyncadd.s32 $0xFFFFC000  }
0x578: {  	_ =	swait.ge [sflag:s15], $0x4000  }
0x579: {  	[sflag:s15] =	ssyncset.done $0x0  }
0x57a: {  	s5 =	simm.s32 $0x14800;
	[sflag:s15] =	ssyncadd.s32 $0xFFFFC000  }
0x57b: {  	[tilespmem:s7], [sflag:$0x1] =	stream.indirect.gather [hbm4b:s2+s9], $0x80, s5, s9, $0xb8;
	[tilespmem:$0x1D400] =	vst v63  }
0x57c: {  	s4 =	simm.s32 $0x14900  }
0x57d: {  	[tilespmem:s11], [sflag:$0x1] =	stream.indirect.gather [hbm4b:s2+s9], $0x80, s4, s9, $0xb8;
	[tilespmem:$0x1D400] =	vst v63  }
0x57e: {  	_ =	swait.ge [sflag:s12], $0x4000  }
0x57f: {  	[sflag:s12] =	ssyncset.done $0x0  }
0x580: {  	s5 =	simm.s32 $0x14880;
	[sflag:s12] =	ssyncadd.s32 $0xFFFFC000  }
0x581: {  	[spmem:s3] =	stream.indirect.scatter.add.f32 [tilespmem:s7], [sflag:$0x2], $0x80, s5, s9, $0xb8;
	[tilespmem:$0x1D400] =	vst v63  }
0x582: {  	_ =	swait.ge [sflag:s12], $0x4000  }
0x583: {  	[sflag:s12] =	ssyncset.done $0x0  }
0x584: {  	s4 =	simm.s32 $0x14980;
	[sflag:s12] =	ssyncadd.s32 $0xFFFFC000  }
0x585: {  	[spmem:s3] =	stream.indirect.scatter.add.f32 [tilespmem:s11], [sflag:$0x2], $0x80, s4, s9, $0xb8;
	[tilespmem:$0x1D400] =	vst v63  }
0x586: {  	_ =	swait.ge [sflag:s15], $0x4000  }
0x587: {  	[sflag:s15] =	ssyncset.done $0x0  }
0x588: {  	[sflag:s15] =	ssyncadd.s32 $0xFFFFC000  }
0x589: {  	_ =	swait.ge [sflag:s15], $0x4000  }
0x58a: {  	[sflag:s15] =	ssyncset.done $0x0  }
0x58b: {  	s31 =	simm.s32 $0x14A00;
	[sflag:s15] =	ssyncadd.s32 $0xFFFFC000  }
0x58c: {  	[tilespmem:s7], [sflag:$0x1] =	stream.indirect.gather [hbm4b:s2+s9], $0x80, s31, s9, $0xb8;
	[tilespmem:$0x1D400] =	vst v63  }
0x58d: {  	s5 =	simm.s32 $0x14B00  }
0x58e: {  	[tilespmem:s11], [sflag:$0x1] =	stream.indirect.gather [hbm4b:s2+s9], $0x80, s5, s9, $0xb8;
	[tilespmem:$0x1D400] =	vst v63  }
0x58f: {  	_ =	swait.ge [sflag:s12], $0x4000  }
0x590: {  	[sflag:s12] =	ssyncset.done $0x0  }
0x591: {  	s8 =	simm.s32 $0x14A80;
	[sflag:s12] =	ssyncadd.s32 $0xFFFFC000  }
0x592: {  	[spmem:s3] =	stream.indirect.scatter.add.f32 [tilespmem:s7], [sflag:$0x2], $0x80, s8, s9, $0xb8;
	[tilespmem:$0x1D400] =	vst v63  }
0x593: {  	_ =	swait.ge [sflag:s12], $0x4000  }
0x594: {  	[sflag:s12] =	ssyncset.done $0x0  }
0x595: {  	s10 =	simm.s32 $0x14B80;
	[sflag:s12] =	ssyncadd.s32 $0xFFFFC000  }
0x596: {  	[spmem:s3] =	stream.indirect.scatter.add.f32 [tilespmem:s11], [sflag:$0x2], $0x80, s10, s9, $0xb8;
	[tilespmem:$0x1D400] =	vst v63  }
0x597: {  	_ =	swait.ge [sflag:s15], $0x4000  }
0x598: {  	[sflag:s15] =	ssyncset.done $0x0  }
0x599: {  	[sflag:s15] =	ssyncadd.s32 $0xFFFFC000  }
0x59a: {  	_ =	swait.ge [sflag:s15], $0x4000  }
0x59b: {  	[sflag:s15] =	ssyncset.done $0x0  }
0x59c: {  	s13 =	simm.s32 $0x14C00;
	[sflag:s15] =	ssyncadd.s32 $0xFFFFC000  }
0x59d: {  	[tilespmem:s7], [sflag:$0x1] =	stream.indirect.gather [hbm4b:s2+s9], $0x80, s13, s9, $0xb8;
	[tilespmem:$0x1D400] =	vst v63  }
0x59e: {  	s14 =	simm.s32 $0x14D00  }
0x59f: {  	[tilespmem:s11], [sflag:$0x1] =	stream.indirect.gather [hbm4b:s2+s9], $0x80, s14, s9, $0xb8;
	[tilespmem:$0x1D400] =	vst v63  }
0x5a0: {  	_ =	swait.ge [sflag:s12], $0x4000  }
0x5a1: {  	[sflag:s12] =	ssyncset.done $0x0  }
0x5a2: {  	s16 =	simm.s32 $0x14C80;
	[sflag:s12] =	ssyncadd.s32 $0xFFFFC000  }
0x5a3: {  	[spmem:s3] =	stream.indirect.scatter.add.f32 [tilespmem:s7], [sflag:$0x2], $0x80, s16, s9, $0xb8;
	[tilespmem:$0x1D400] =	vst v63  }
0x5a4: {  	_ =	swait.ge [sflag:s12], $0x4000  }
0x5a5: {  	[sflag:s12] =	ssyncset.done $0x0  }
0x5a6: {  	s17 =	simm.s32 $0x14D80;
	[sflag:s12] =	ssyncadd.s32 $0xFFFFC000  }
0x5a7: {  	[spmem:s3] =	stream.indirect.scatter.add.f32 [tilespmem:s11], [sflag:$0x2], $0x80, s17, s9, $0xb8;
	[tilespmem:$0x1D400] =	vst v63  }
0x5a8: {  	_ =	swait.ge [sflag:s15], $0x4000  }
0x5a9: {  	[sflag:s15] =	ssyncset.done $0x0  }
0x5aa: {  	[sflag:s15] =	ssyncadd.s32 $0xFFFFC000  }
0x5ab: {  	_ =	swait.ge [sflag:s15], $0x4000  }
0x5ac: {  	[sflag:s15] =	ssyncset.done $0x0  }
0x5ad: {  	s18 =	simm.s32 $0x14E00;
	[sflag:s15] =	ssyncadd.s32 $0xFFFFC000  }
0x5ae: {  	[tilespmem:s7], [sflag:$0x1] =	stream.indirect.gather [hbm4b:s2+s9], $0x80, s18, s9, $0xb8;
	[tilespmem:$0x1D400] =	vst v63  }
0x5af: {  	s19 =	simm.s32 $0x14F00  }
0x5b0: {  	[tilespmem:s11], [sflag:$0x1] =	stream.indirect.gather [hbm4b:s2+s9], $0x80, s19, s9, $0xb8;
	[tilespmem:$0x1D400] =	vst v63  }
0x5b1: {  	_ =	swait.ge [sflag:s12], $0x4000  }
0x5b2: {  	[sflag:s12] =	ssyncset.done $0x0  }
0x5b3: {  	s20 =	simm.s32 $0x14E80;
	[sflag:s12] =	ssyncadd.s32 $0xFFFFC000  }
0x5b4: {  	[spmem:s3] =	stream.indirect.scatter.add.f32 [tilespmem:s7], [sflag:$0x2], $0x80, s20, s9, $0xb8;
	[tilespmem:$0x1D400] =	vst v63  }
0x5b5: {  	_ =	swait.ge [sflag:s12], $0x4000  }
0x5b6: {  	[sflag:s12] =	ssyncset.done $0x0  }
0x5b7: {  	s21 =	simm.s32 $0x14F80;
	[sflag:s12] =	ssyncadd.s32 $0xFFFFC000  }
0x5b8: {  	[spmem:s3] =	stream.indirect.scatter.add.f32 [tilespmem:s11], [sflag:$0x2], $0x80, s21, s9, $0xb8;
	[tilespmem:$0x1D400] =	vst v63  }
0x5b9: {  	_ =	swait.ge [sflag:s15], $0x4000  }
0x5ba: {  	[sflag:s15] =	ssyncset.done $0x0  }
0x5bb: {  	[sflag:s15] =	ssyncadd.s32 $0xFFFFC000  }
0x5bc: {  	_ =	swait.ge [sflag:s15], $0x4000  }
0x5bd: {  	[sflag:s15] =	ssyncset.done $0x0  }
0x5be: {  	s22 =	simm.s32 $0x15000;
	[sflag:s15] =	ssyncadd.s32 $0xFFFFC000  }
0x5bf: {  	[tilespmem:s7], [sflag:$0x1] =	stream.indirect.gather [hbm4b:s2+s9], $0x80, s22, s9, $0xb8;
	[tilespmem:$0x1D400] =	vst v63  }
0x5c0: {  	s23 =	simm.s32 $0x15100  }
0x5c1: {  	[tilespmem:s11], [sflag:$0x1] =	stream.indirect.gather [hbm4b:s2+s9], $0x80, s23, s9, $0xb8;
	[tilespmem:$0x1D400] =	vst v63  }
0x5c2: {  	_ =	swait.ge [sflag:s12], $0x4000  }
0x5c3: {  	[sflag:s12] =	ssyncset.done $0x0  }
0x5c4: {  	s24 =	simm.s32 $0x15080;
	[sflag:s12] =	ssyncadd.s32 $0xFFFFC000  }
0x5c5: {  	[spmem:s3] =	stream.indirect.scatter.add.f32 [tilespmem:s7], [sflag:$0x2], $0x80, s24, s9, $0xb8;
	[tilespmem:$0x1D400] =	vst v63  }
0x5c6: {  	_ =	swait.ge [sflag:s12], $0x4000  }
0x5c7: {  	[sflag:s12] =	ssyncset.done $0x0  }
0x5c8: {  	s25 =	simm.s32 $0x15180;
	[sflag:s12] =	ssyncadd.s32 $0xFFFFC000  }
0x5c9: {  	[spmem:s3] =	stream.indirect.scatter.add.f32 [tilespmem:s11], [sflag:$0x2], $0x80, s25, s9, $0xb8;
	[tilespmem:$0x1D400] =	vst v63  }
0x5ca: {  	_ =	swait.ge [sflag:s15], $0x4000  }
0x5cb: {  	[sflag:s15] =	ssyncset.done $0x0  }
0x5cc: {  	[sflag:s15] =	ssyncadd.s32 $0xFFFFC000  }
0x5cd: {  	_ =	swait.ge [sflag:s15], $0x4000  }
0x5ce: {  	[sflag:s15] =	ssyncset.done $0x0  }
0x5cf: {  	s26 =	simm.s32 $0x15200;
	[sflag:s15] =	ssyncadd.s32 $0xFFFFC000  }
0x5d0: {  	[tilespmem:s7], [sflag:$0x1] =	stream.indirect.gather [hbm4b:s2+s9], $0x80, s26, s9, $0xb8;
	[tilespmem:$0x1D400] =	vst v63  }
0x5d1: {  	s28 =	simm.s32 $0x15300  }
0x5d2: {  	[tilespmem:s11], [sflag:$0x1] =	stream.indirect.gather [hbm4b:s2+s9], $0x80, s28, s9, $0xb8;
	[tilespmem:$0x1D400] =	vst v63  }
0x5d3: {  	_ =	swait.ge [sflag:s12], $0x4000  }
0x5d4: {  	[sflag:s12] =	ssyncset.done $0x0  }
0x5d5: {  	s29 =	simm.s32 $0x15280;
	[sflag:s12] =	ssyncadd.s32 $0xFFFFC000  }
0x5d6: {  	[spmem:s3] =	stream.indirect.scatter.add.f32 [tilespmem:s7], [sflag:$0x2], $0x80, s29, s9, $0xb8;
	[tilespmem:$0x1D400] =	vst v63  }
0x5d7: {  	_ =	swait.ge [sflag:s12], $0x4000  }
0x5d8: {  	[sflag:s12] =	ssyncset.done $0x0  }
0x5d9: {  	s30 =	simm.s32 $0x15380;
	[sflag:s12] =	ssyncadd.s32 $0xFFFFC000  }
0x5da: {  	[spmem:s3] =	stream.indirect.scatter.add.f32 [tilespmem:s11], [sflag:$0x2], $0x80, s30, s9, $0xb8;
	[tilespmem:$0x1D400] =	vst v63  }
0x5db: {  	_ =	swait.ge [sflag:s15], $0x4000  }
0x5dc: {  	[sflag:s15] =	ssyncset.done $0x0  }
0x5dd: {  	[sflag:s15] =	ssyncadd.s32 $0xFFFFC000  }
0x5de: {  	_ =	swait.ge [sflag:s15], $0x4000  }
0x5df: {  	[sflag:s15] =	ssyncset.done $0x0  }
0x5e0: {  	[sflag:s15] =	ssyncadd.s32 $0xFFFFC000  }
0x5e1: {  	p0 =	sne.s32 s0, $0x1;
	[bflag:$0x0] =	sbarrier.arrive $0xFFFF  }
.Ltmp1:
0x5e2: {  	s29 =	rddreg [dreg:$0x10];
	(pc) =	sbr.rel @p0 .LBB2_1-.Ltmp1, $4  }
0x5e3: {  	s30 =	rddreg [dreg:$0x12]  }
0x5e4: {  	s31 =	rddreg [dreg:$0x13]  }
0x5e5: {  	[hbm:s29], [sflag:s30] =	dma.local [spmem:s31], $0x2800  }
0x5e6: {  	s0 =	sadd.s32 $0xFFFFFFFF, s0;
	_ =	swait.ge [sflag:s6], $0x2800  }
.LBB2_2:
0x5e7: {  	[sflag:s6] =	ssyncset.done $0x0  }
0x5e8: {  	[sflag:s6] =	ssyncadd.s32 $0xFFFFD800  }
0x5e9: {  	_ =	sfence.sel $0x180000  }
0x5ea: {  	[bflag:$0x0] =	sbarrier.arrive $0xFFFF  }
0x5eb: {  	_ =	strace $0x9000004A  }
0x5ec: {  	s0 =	stileid.u32;
	[bflag:$0x2] =	sbarrier.arrive $0xFFFF  }
0x5ed: {  	p0 =	sne.s32 s0, $0x0;
	s0 =	rddreg [dreg:$0x3]  }
0x5ee: {  	s0 =	sadd.s32 @!p0 $0x100000, s0  }
0x5ef: {  	[sflag:s0] =	ssyncadd.tile.s32 @!p0 $0x1;
	_ =	shalt  }
.Lfunc_end2:
_tile_overlayer_lowered:
.L_overlay_start_2:
0x5f0: {  	(tag) =	ssettag $0x2  }
0x5f1: {  	s0 =	rddreg [dreg:$0x0];
	s2 =	stileid.u32  }
0x5f2: {  	s1 =	rddreg [dreg:$0x1];
	p0 =	sne.s32 s2, $0x0  }
0x5f3: {  	s3 =	rddreg [dreg:$0x2];
	[bflag:$0x3] =	sbarrier.arrive $0xFFFF;
	s2 =	simm.s32 @!p0 $0x1C03  }
0x5f4: {  	[timem:s3], [sflag:s2] =	dma.local @!p0 [hbm:s0], s1  }
0x5f5: {  	s0 =	simm.s32 @!p0 $0x3  }
0x5f6: {  	_ =	swait.ge @!p0 [sflag:s0], s1  }
0x5f7: {  	s1 =	ssub.s32 @!p0 $0x0, s1;
	[sflag:s0] =	ssyncset.done @!p0 $0x0  }
0x5f8: {  	[sflag:s0] =	ssyncadd.s32 @!p0 s1  }
0x5f9: {  	[bflag:$0x3] =	sbarrier.arrive $0xFFFF  }
0x5fa: {  	_ =	shalt  }

// kernel: kernel.7.cloned.1.call-start
scs
__scs_entry_jumppad:
0x0: {  	(pc) =	sbr.rel $0x88, $3  }
0x1: {  	(tag) =	ssettag $0x0;
	lr =	simm.s32 $0x1  }
0x2: {  	[smem:$0x3F94] =	sst lr;
	_ =	strace $0xD0000000  }
0x3: {  	_ = 	snop  }
0x4: {  	_ = 	snop  }
0x5: {  	_ = 	snop  }
0x6: {  	_ = 	snop  }
0x7: {  	_ = 	snop  }
__scs_overlays_trampoline_lowered:
0x8: {  	[smem:$0x3FA3] =	sst s0  }
0x9: {  	[smem:$0x3FA4] =	sst s1  }
0xa: {  	[smem:$0x3FA5] =	sst s2  }
0xb: {  	[smem:$0x3FA6] =	sst s3  }
0xc: {  	[smem:$0x3FA7] =	sst s4  }
0xd: {  	[smem:$0x3FA8] =	sst s5  }
0xe: {  	[smem:$0x3FA9] =	sst s6  }
0xf: {  	[smem:$0x3FAA] =	sst s7  }
0x10: {  	[smem:$0x3FAB] =	sst s8  }
0x11: {  	[smem:$0x3FAC] =	sst s9;
	s0 =	simm.s32 @!p0 $0x0  }
0x12: {  	s1 =	sld [smem:$0x3F92];
	s0 =	simm.s32 @p0 $0x1  }
0x13: {  	[smem:$0x3FAD] =	sst s0;
	s0 =	simm.s32 @!p1 $0x0  }
0x14: {  	s2 =	sld [smem:$0x3F91];
	s0 =	simm.s32 @p1 $0x1  }
0x15: {  	[smem:$0x3FAE] =	sst s0;
	s0 =	simm.s32 @!p2 $0x0  }
0x16: {  	s3 =	sld [smem:$0x3FDB];
	s0 =	simm.s32 @p2 $0x1  }
0x17: {  	s4 =	simm.s32 $0x1BF5;
	[smem:$0x3FB0] =	sst s0  }
0x18: {  	s0 =	sld [smem:$0x3F93];
	_ =	swait.ge [sflag:s4], $0x0  }
0x19: {  	s7 =	sld [smem:$0x3F94]  }
0x1a: {  	s8 =	sadd.s32 $0xFFFFE003, lr  }
0x1b: {  	s9 =	sadd.s32 $0xFFFFFEF7, lr;
	s5 =	simm.s32 $0xFFFFFFFF;
	p2 =	slt.u32 s8, $0xFFFFF086  }
0x1c: {  	p1 =	slt.u32 s9, $0xF7A;
	s5 =	simm.s32 @!p2 $0x0  }
0x1d: {  	s5 =	simm.s32 @p1 $0x1;
	p0 =	seq.s32 s7, s2  }
0x1e: {  	s7 =	smul.u32 @!p0 $0xF7A, s2;
	p2 =	seq.s32 @!p0 s5, $0x0  }
0x1f: {  	s9 =	smul.u32 $0xF7A, s1;
	s8 =	simm.s32 @!p0 $0x1BF5;
	p2 =	por !p2, p0  }
0x20: {  	[sflag:s8] =	ssyncset.s32 @!p0 $0xFFFFF086;
	s6 =	sadd.s32 @!p0 s3, s7;
	s7 =	simm.s32 @!p0 $0x108  }
0x21: {  	s3 =	sadd.s32 s3, s9;
	s6 =	sadd.s32 @!p0 $0x88, s6;
	s7 =	simm.s32 @p2 $0x1082  }
0x22: {  	[simem:s7], [sflag:s8] =	dma.local @!p0 [hbm:s6], $0xF7A  }
0x23: {  	s9 =	sor.u32 $0xD0000000, s2;
	s6 =	simm.s32 $0x108;
	_ =	swait.ge @!p0 [sflag:s8], $0x0  }
0x24: {  	s3 =	sadd.s32 $0x88, s3;
	s6 =	simm.s32 @!p1 $0x1082;
	[sflag:s4] =	ssyncset.s32 $0xFFFFF086  }
0x25: {  	[simem:s6], [sflag:s4] =	dma.local [hbm:s3], $0xF7A  }
0x26: {  	[smem:$0x3F94] =	sst s1;
	(tag) =	ssettag s2;
	_ =	strace s9  }
0x27: {  	s1 =	sld [smem:$0x3FA4]  }
0x28: {  	s2 =	sld [smem:$0x3FA5]  }
0x29: {  	s4 =	sld [smem:$0x3FA7]  }
0x2a: {  	p0 =	seq.s32 s5, $0x0;
	s5 =	sld [smem:$0x3FA8]  }
0x2b: {  	s6 =	sld [smem:$0x3FA9]  }
0x2c: {  	s7 =	sld [smem:$0x3FAA]  }
0x2d: {  	s3 =	simm.s32 $0x108;
	s8 =	sld [smem:$0x3FAB]  }
0x2e: {  	s3 =	simm.s32 @!p0 $0x1082;
	s9 =	sld [smem:$0x3FAC]  }
0x2f: {  	lr =	sadd.s32 s0, s3;
	s0 =	sld [smem:$0x3FA3]  }
0x30: {  	s3 =	sld [smem:$0x3FA6]  }
0x31: {  	[smem:$0x3FAF] =	sst s10  }
0x32: {  	s10 =	sld [smem:$0x3FAD];
	_ =	sdelay $0x3  }
0x33: {  	p0 =	seq.s32 s10, $0x1;
	s10 =	sld [smem:$0x3FAF];
	_ =	sdelay $0x3  }
0x34: {  	[smem:$0x3FAF] =	sst s10  }
0x35: {  	s10 =	sld [smem:$0x3FAE];
	_ =	sdelay $0x3  }
0x36: {  	p1 =	seq.s32 s10, $0x1;
	s10 =	sld [smem:$0x3FAF];
	_ =	sdelay $0x3  }
0x37: {  	[smem:$0x3FAF] =	sst s10  }
0x38: {  	s10 =	sld [smem:$0x3FB0]  }
0x39: {  	_ = 	snop;
	(pc) =	sbr.ind lr, $3  }
0x3a: {  	_ = 	snop  }
0x3b: {  	_ = 	snop  }
0x3c: {  	p2 =	seq.s32 s10, $0x1;
	s10 =	sld [smem:$0x3FAF]  }
0x3d: {  	_ =	shalt  }
0x3e: {  	_ =	shalt  }
0x3f: {  	_ =	shalt  }
0x40: {  	_ =	shalt  }
0x41: {  	_ =	shalt  }
0x42: {  	_ =	shalt  }
0x43: {  	_ =	shalt  }
0x44: {  	_ =	shalt  }
0x45: {  	_ =	shalt  }
0x46: {  	_ =	shalt  }
0x47: {  	_ =	shalt  }
0x48: {  	_ =	shalt  }
0x49: {  	_ =	shalt  }
0x4a: {  	_ =	shalt  }
0x4b: {  	_ =	shalt  }
0x4c: {  	_ =	shalt  }
0x4d: {  	_ =	shalt  }
0x4e: {  	_ =	shalt  }
0x4f: {  	_ =	shalt  }
0x50: {  	_ =	shalt  }
0x51: {  	_ =	shalt  }
0x52: {  	_ =	shalt  }
0x53: {  	_ =	shalt  }
0x54: {  	_ =	shalt  }
0x55: {  	_ =	shalt  }
0x56: {  	_ =	shalt  }
0x57: {  	_ =	shalt  }
0x58: {  	_ =	shalt  }
0x59: {  	_ =	shalt  }
0x5a: {  	_ =	shalt  }
0x5b: {  	_ =	shalt  }
0x5c: {  	_ =	shalt  }
0x5d: {  	_ =	shalt  }
0x5e: {  	_ =	shalt  }
0x5f: {  	_ =	shalt  }
0x60: {  	_ =	shalt  }
0x61: {  	_ =	shalt  }
0x62: {  	_ =	shalt  }
0x63: {  	_ =	shalt  }
0x64: {  	_ =	shalt  }
0x65: {  	_ =	shalt  }
0x66: {  	_ =	shalt  }
0x67: {  	_ =	shalt  }
0x68: {  	_ =	shalt  }
0x69: {  	_ =	shalt  }
0x6a: {  	_ =	shalt  }
0x6b: {  	_ =	shalt  }
0x6c: {  	_ =	shalt  }
0x6d: {  	_ =	shalt  }
0x6e: {  	_ =	shalt  }
0x6f: {  	_ =	shalt  }
0x70: {  	_ =	shalt  }
0x71: {  	_ =	shalt  }
0x72: {  	_ =	shalt  }
0x73: {  	_ =	shalt  }
0x74: {  	_ =	shalt  }
0x75: {  	_ =	shalt  }
0x76: {  	_ =	shalt  }
0x77: {  	_ =	shalt  }
0x78: {  	_ =	shalt  }
0x79: {  	_ =	shalt  }
0x7a: {  	_ =	shalt  }
0x7b: {  	_ =	shalt  }
0x7c: {  	_ =	shalt  }
0x7d: {  	_ =	shalt  }
0x7e: {  	_ =	shalt  }
0x7f: {  	_ =	shalt  }
0x80: {  	_ =	shalt  }
0x81: {  	_ =	shalt  }
0x82: {  	_ =	shalt  }
0x83: {  	_ =	shalt  }
0x84: {  	_ =	shalt  }
0x85: {  	_ =	shalt  }
0x86: {  	_ =	shalt  }
0x87: {  	_ =	shalt  }
.Lfunc_end0:
.L_simem_size_0:
called_computation_lowered:
.L_overlay_start_0:
0x88: {  	s2 =	sld [smem:$0x3FD9]  }
0x89: {  	s3 =	sld [smem:$0x3FFE];
	_ =	sdelay $0x1  }
0x8a: {  	s1 =	srdreg.scid  }
0x8b: {  	s0 =	sand.u32 $0x1, s1  }
0x8c: {  	s14 =	sshll.u32 s0, $0xA;
	s2 =	sadd.s32 s3, s2  }
0x8d: {  	s2 =	sadd.s32 s2, s14  }
0x8e: {  	[smem:$0x3FBB] =	sst s2  }
0x8f: {  	_ = 	snop  }
0x90: {  	s2 =	sld [smem:$0x3FD0];
	_ =	sdelay $0x2  }
0x91: {  	s15 =	simm.s32 $0xA;
	s4 =	simm.s32 $0x10  }
0x92: {  	[smem:s4], [sflag:s15] =	dma.local [hbm:s2], $0x1  }
0x93: {  	_ =	swait.eq [sflag:s15], $0x1  }
0x94: {  	[sflag:s15] =	ssyncset.done $0x0  }
0x95: {  	[sflag:s15] =	ssyncadd.s32 $0xFFFFFFFF  }
0x96: {  	s16 =	sld [smem:$0x10];
	(tm) =	ssettm $0x1  }
0x97: {  	s17 =	sld [smem:$0x3FFB];
	_ =	sdelay $0x3  }
0x98: {  	_ =	strace s17  }
0x99: {  	s3 =	sld [smem:$0x3FFC];
	_ =	sdelay $0x3  }
0x9a: {  	_ =	strace s3  }
0x9b: {  	s3 =	sld [smem:$0x3FFD];
	_ =	sdelay $0x3  }
0x9c: {  	_ =	strace s3  }
0x9d: {  	_ =	strace $0x8FFFFFFF  }
0x9e: {  	s18 =	sld [smem:$0x3FDB];
	_ =	sdelay $0x1  }
0x9f: {  	s19 =	simm.s32 $_scs_section_size  }
0xa0: {  	s5 =	simm.s32 $_size__tile_overlayer_lowered;
	s6 =	simm.s32 $_tile_overlayer_lowered  }
0xa1: {  	s22 =	simm.s32 $0x1BFF;
	s21 =	sshll.u32 s6, $0x1;
	s3 =	sadd.s32 s19, s18  }
0xa2: {  	s7 =	simm.s32 $0x0;
	s20 =	sshll.u32 s5, $0x1;
	s5 =	sadd.s32 s21, s3  }
0xa3: {  	[timem:s7], [sflag:s22] =	dma.local [hbm:s5], s20  }
0xa4: {  	_ =	swait.ge [sflag:s22], s20  }
0xa5: {  	s4 =	ssub.s32 $0x0, s20;
	[sflag:s22] =	ssyncset.done $0x0  }
0xa6: {  	[sflag:s22] =	ssyncadd.s32 s4;
	_ =	sdelay $0x1  }
0xa7: {  	s23 =	simm.s32 $0x1B8B  }
0xa8: {  	_ =	swait.ge [sflag:s23], $0x1  }
0xa9: {  	[sflag:s23] =	ssyncset.done $0x0  }
0xaa: {  	s25 =	simm.s32 $0x1B8E;
	s24 =	sld [smem:$0x3FFE];
	[sflag:s23] =	ssyncadd.s32 $0xFFFFFFFF  }
0xab: {  	s26 =	simm.s32 $execute0_lowered;
	[smem:$0x3FD2] =	sst s25  }
0xac: {  	s5 =	sshll.u32 s26, $0x1;
	_ =	strace $0x80000046;
	[dreg:$0x1] =	wrdreg $0xFFFFFFFF  }
0xad: {  	s28 =	simm.s32 $_size_execute0_lowered;
	s3 =	sadd.s32 s3, s5;
	[dreg:$0x0] =	wrdreg $0x0  }
0xae: {  	s5 =	sshll.u32 s28, $0x1;
	[dreg:$0x2] =	wrdreg s3  }
0xaf: {  	[dreg:$0x3] =	wrdreg s5  }
0xb0: {  	[dreg:$0x4] =	wrdreg $0xC0  }
0xb1: {  	_ =	task [dreg:s7], $0x5FFFF  }
0xb2: {  	[dreg:$0x1] =	wrdreg $0xFFFFFFFF  }
0xb3: {  	[dreg:$0x0] =	wrdreg $0x60  }
0xb4: {  	[dreg:$0x2] =	wrdreg s16  }
0xb5: {  	[dreg:$0x3] =	wrdreg s24  }
0xb6: {  	[dreg:$0x4] =	wrdreg $0x0  }
0xb7: {  	[dreg:$0x5] =	wrdreg $0x9  }
0xb8: {  	_ =	task.clear_ibuf [dreg:s7], $0x6FFFF;
	_ =	strace $0x90000046  }
0xb9: {  	s29 =	simm.s32 $0x9;
	_ =	strace $0x80000048  }
0xba: {  	_ =	swait.ge [sflag:s29], $0x1  }
0xbb: {  	[sflag:s29] =	ssyncadd.s32 $0xFFFFFFFF  }
0xbc: {  	_ =	strace $0x90000048  }
0xbd: {  	_ =	sfence  }
0xbe: {  	s30 =	sld [smem:$0x0];
	_ =	sdelay $0x2  }
0xbf: {  	s31 =	sshll.u32 s1, $0xD;
	s1 =	sshrl.u32 s1, $0x2  }
0xc0: {  	s3 =	sand.u32 $0x4000, s31;
	s1 =	sadd.s32 s1, s30  }
0xc1: {  	s0 =	sor.u32 s3, s0;
	s1 =	sshll.u32 s1, $0x11  }
0xc2: {  	s0 =	sor.u32 s1, s0  }
0xc3: {  	s0 =	sadd.s32 $0x8F2B, s0  }
0xc4: {  	[sflag:s0] =	ssyncadd.remote.s32 $0x1  }
0xc5: {  	_ =	sfence.sel $0xFFFF  }
0xc6: {  	[dreg:$0x0] =	wrdreg $0xFFFFFFFF;
	(pc) =	sbr.abs _section_cstart, $3  }
0xc7: {  	[dreg:$0x1] =	wrdreg $0xFFFFFFFF  }
0xc8: {  	_ =	task.clear_ibuf [dreg:s7], $0x2FFFF;
	_ =	strace $0x9FFFFFFF  }
0xc9: {  	(tm) =	ssettm $0x7FFFFFFF  }
tec
execute0_lowered:
.L_overlay_start_1:
0x0: {  	(tag) =	ssettag $0x1  }
0x1: {  	s2 =	rddreg [dreg:$0x0]  }
0x2: {  	s0 =	srdreg.scid;
	s5 =	rddreg [dreg:$0x1]  }
0x3: {  	s1 =	stileid.u32;
	s3 =	rddreg [dreg:$0x2]  }
0x4: {  	s7 =	simm.s32 $0x0;
	s13 =	stileid.u32;
	s25 =	simm.s32 $0x0  }
0x5: {  	s4 =	sand.u32 $0x1, s0;
	s6 =	smul.u32 $0x28000, s1;
	[smem:$0x7FF] =	sst s7  }
0x6: {  	s14 =	sadd.s32 $0x16E00, s5;
	s19 =	smul.u32 $0xA000, s13;
	s0 =	sshll.u32 s4, $0x4  }
0x7: {  	[dreg:$0x10] =	wrdreg s4;
	s16 =	smul.u32 $0xA0000, s4;
	s6 =	sshrl.u32 s6, $0x2  }
0x8: {  	_ =	strace $0x80000047;
	[dreg:$0x4] =	wrdreg s14;
	s8 =	sadd.s32 s6, s3  }
0x9: {  	s0 =	sor.u32 s1, s0;
	s23 =	rddreg [dreg:$0x4];
	s6 =	sadd.s32 $0x2800, s8  }
0xa: {  	s0 =	smul.u32 $0x5000, s0;
	s15 =	sadd.s32 $0x5000, s8;
	[dreg:$0x5] =	wrdreg s6  }
0xb: {  	s7 =	sadd.s32 s19, s16;
	s18 =	smov.u32 s8;
	[dreg:$0x6] =	wrdreg s15  }
0xc: {  	s17 =	sadd.s32 $0x7800, s8;
	s0 =	sshrl.u32 s0, $0x3;
	[dreg:$0xd] =	wrdreg s18  }
0xd: {  	s7 =	sshrl.u32 s7, $0x3;
	[dreg:$0x7] =	wrdreg s17;
	s0 =	sadd.s32 s0, s5  }
0xe: {  	s5 =	sadd.s32 s7, s5;
	s7 =	simm.s32 $0xB400;
	s20 =	sadd.s32 $0x2E00, s0  }
0xf: {  	[tilespmem:s7], [sflag:$0x3] =	stream.linear.gather [hbm4b:s23+s25], $0x2800, $0x38;
	[tilespmem:$0x13400] =	vst v63  }
0x10: {  	s21 =	sadd.s32 $0x3080, s0;
	[dreg:$0x8] =	wrdreg s20  }
0x11: {  	s22 =	sadd.s32 $0x3300, s0;
	[dreg:$0x9] =	wrdreg s21  }
0x12: {  	s0 =	sadd.s32 $0x3580, s0;
	[dreg:$0xa] =	wrdreg s22  }
0x13: {  	s24 =	sadd.s32 $0x17400, s5;
	[dreg:$0xb] =	wrdreg s0  }
0x14: {  	s6 =	simm.s32 $0x3;
	[dreg:$0xc] =	wrdreg s24  }
0x15: {  	_ =	swait.ge [sflag:s6], $0x2800  }
0x16: {  	[sflag:s6] =	ssyncset.done $0x0  }
0x17: {  	[sflag:s6] =	ssyncadd.s32 $0xFFFFD800  }
0x18: {  	[spmem:s18] =	stream.linear.scatter [tilespmem:s7], [sflag:$0x3], $0x2800, $0x38;
	[tilespmem:$0x13400] =	vst v63  }
0x19: {  	_ =	swait.ge [sflag:s6], $0x2800  }
0x1a: {  	[sflag:s6] =	ssyncset.done $0x0  }
0x1b: {  	s26 =	rddreg [dreg:$0x5];
	[sflag:s6] =	ssyncadd.s32 $0xFFFFD800  }
0x1c: {  	[spmem:s26] =	stream.linear.scatter [tilespmem:s7], [sflag:$0x3], $0x2800, $0x38;
	[tilespmem:$0x13400] =	vst v63  }
0x1d: {  	_ =	swait.ge [sflag:s6], $0x2800  }
0x1e: {  	[sflag:s6] =	ssyncset.done $0x0  }
0x1f: {  	s28 =	rddreg [dreg:$0x6];
	[sflag:s6] =	ssyncadd.s32 $0xFFFFD800  }
0x20: {  	[spmem:s28] =	stream.linear.scatter [tilespmem:s7], [sflag:$0x3], $0x2800, $0x38;
	[tilespmem:$0x13400] =	vst v63  }
0x21: {  	_ =	swait.ge [sflag:s6], $0x2800  }
0x22: {  	[sflag:s6] =	ssyncset.done $0x0  }
0x23: {  	s29 =	rddreg [dreg:$0x7];
	[sflag:s6] =	ssyncadd.s32 $0xFFFFD800  }
0x24: {  	[spmem:s29] =	stream.linear.scatter [tilespmem:s7], [sflag:$0x3], $0x2800, $0x38;
	[tilespmem:$0x13400] =	vst v63  }
0x25: {  	_ =	swait.ge [sflag:s6], $0x2800  }
0x26: {  	[sflag:s6] =	ssyncset.done $0x0  }
0x27: {  	[sflag:s6] =	ssyncadd.s32 $0xFFFFD800  }
0x28: {  	[bflag:$0x0] =	sbarrier.arrive $0xFFFF  }
0x29: {  	s8 =	simm.s32 $0xA000;
	s30 =	rddreg [dreg:$0x8]  }
0x2a: {  	[tilespmem:s8], [sflag:$0x3] =	stream.linear.gather [hbm4b:s30+s25], $0x1400, $0x38;
	[tilespmem:$0x13400] =	vst v63  }
0x2b: {  	_ =	swait.ge [sflag:s6], $0x1400  }
0x2c: {  	[sflag:s6] =	ssyncset.done $0x0  }
0x2d: {  	s9 =	simm.s32 $0x80;
	[sflag:s6] =	ssyncadd.s32 $0xFFFFEC00  }
0x2e: {  	[tilespmem:s7], [sflag:$0x1] =	stream.indirect.gather [hbm4b:s2+s9], $0x80, s8, s9, $0xb8;
	[tilespmem:$0x13400] =	vst v63  }
0x2f: {  	s31 =	simm.s32 $0xA100;
	s11 =	simm.s32 $0xF400;
	s12 =	simm.s32 $0x1  }
0x30: {  	[tilespmem:s11], [sflag:$0x1] =	stream.indirect.gather [hbm4b:s2+s9], $0x80, s31, s9, $0xb8;
	[tilespmem:$0x13400] =	vst v63  }
0x31: {  	_ =	swait.ge [sflag:s12], $0x4000  }
0x32: {  	[sflag:s12] =	ssyncset.done $0x0  }
0x33: {  	s1 =	simm.s32 $0xA080;
	[sflag:s12] =	ssyncadd.s32 $0xFFFFC000  }
0x34: {  	[spmem:s3] =	stream.indirect.scatter.add.f32 [tilespmem:s7], [sflag:$0x2], $0x80, s1, s9, $0xb8;
	[tilespmem:$0x13400] =	vst v63  }
0x35: {  	_ =	swait.ge [sflag:s12], $0x4000  }
0x36: {  	[sflag:s12] =	ssyncset.done $0x0  }
0x37: {  	s15 =	simm.s32 $0x2;
	s5 =	simm.s32 $0xA180;
	[sflag:s12] =	ssyncadd.s32 $0xFFFFC000  }
0x38: {  	[spmem:s3] =	stream.indirect.scatter.add.f32 [tilespmem:s11], [sflag:$0x2], $0x80, s5, s9, $0xb8;
	[tilespmem:$0x13400] =	vst v63  }
0x39: {  	_ =	swait.ge [sflag:s15], $0x4000  }
0x3a: {  	[sflag:s15] =	ssyncset.done $0x0  }
0x3b: {  	[sflag:s15] =	ssyncadd.s32 $0xFFFFC000  }
0x3c: {  	_ =	swait.ge [sflag:s15], $0x4000  }
0x3d: {  	[sflag:s15] =	ssyncset.done $0x0  }
0x3e: {  	s10 =	simm.s32 $0xA200;
	[sflag:s15] =	ssyncadd.s32 $0xFFFFC000  }
0x3f: {  	[tilespmem:s7], [sflag:$0x1] =	stream.indirect.gather [hbm4b:s2+s9], $0x80, s10, s9, $0xb8;
	[tilespmem:$0x13400] =	vst v63  }
0x40: {  	s13 =	simm.s32 $0xA300  }
0x41: {  	[tilespmem:s11], [sflag:$0x1] =	stream.indirect.gather [hbm4b:s2+s9], $0x80, s13, s9, $0xb8;
	[tilespmem:$0x13400] =	vst v63  }
0x42: {  	_ =	swait.ge [sflag:s12], $0x4000  }
0x43: {  	[sflag:s12] =	ssyncset.done $0x0  }
0x44: {  	s14 =	simm.s32 $0xA280;
	[sflag:s12] =	ssyncadd.s32 $0xFFFFC000  }
0x45: {  	[spmem:s3] =	stream.indirect.scatter.add.f32 [tilespmem:s7], [sflag:$0x2], $0x80, s14, s9, $0xb8;
	[tilespmem:$0x13400] =	vst v63  }
0x46: {  	_ =	swait.ge [sflag:s12], $0x4000  }
0x47: {  	[sflag:s12] =	ssyncset.done $0x0  }
0x48: {  	s16 =	simm.s32 $0xA380;
	[sflag:s12] =	ssyncadd.s32 $0xFFFFC000  }
0x49: {  	[spmem:s3] =	stream.indirect.scatter.add.f32 [tilespmem:s11], [sflag:$0x2], $0x80, s16, s9, $0xb8;
	[tilespmem:$0x13400] =	vst v63  }
0x4a: {  	_ =	swait.ge [sflag:s15], $0x4000  }
0x4b: {  	[sflag:s15] =	ssyncset.done $0x0  }
0x4c: {  	[sflag:s15] =	ssyncadd.s32 $0xFFFFC000  }
0x4d: {  	_ =	swait.ge [sflag:s15], $0x4000  }
0x4e: {  	[sflag:s15] =	ssyncset.done $0x0  }
0x4f: {  	s17 =	simm.s32 $0xA400;
	[sflag:s15] =	ssyncadd.s32 $0xFFFFC000  }
0x50: {  	[tilespmem:s7], [sflag:$0x1] =	stream.indirect.gather [hbm4b:s2+s9], $0x80, s17, s9, $0xb8;
	[tilespmem:$0x13400] =	vst v63  }
0x51: {  	s18 =	simm.s32 $0xA500  }
0x52: {  	[tilespmem:s11], [sflag:$0x1] =	stream.indirect.gather [hbm4b:s2+s9], $0x80, s18, s9, $0xb8;
	[tilespmem:$0x13400] =	vst v63  }
0x53: {  	_ =	swait.ge [sflag:s12], $0x4000  }
0x54: {  	[sflag:s12] =	ssyncset.done $0x0  }
0x55: {  	s19 =	simm.s32 $0xA480;
	[sflag:s12] =	ssyncadd.s32 $0xFFFFC000  }
0x56: {  	[spmem:s3] =	stream.indirect.scatter.add.f32 [tilespmem:s7], [sflag:$0x2], $0x80, s19, s9, $0xb8;
	[tilespmem:$0x13400] =	vst v63  }
0x57: {  	_ =	swait.ge [sflag:s12], $0x4000  }
0x58: {  	[sflag:s12] =	ssyncset.done $0x0  }
0x59: {  	s20 =	simm.s32 $0xA580;
	[sflag:s12] =	ssyncadd.s32 $0xFFFFC000  }
0x5a: {  	[spmem:s3] =	stream.indirect.scatter.add.f32 [tilespmem:s11], [sflag:$0x2], $0x80, s20, s9, $0xb8;
	[tilespmem:$0x13400] =	vst v63  }
0x5b: {  	_ =	swait.ge [sflag:s15], $0x4000  }
0x5c: {  	[sflag:s15] =	ssyncset.done $0x0  }
0x5d: {  	[sflag:s15] =	ssyncadd.s32 $0xFFFFC000  }
0x5e: {  	_ =	swait.ge [sflag:s15], $0x4000  }
0x5f: {  	[sflag:s15] =	ssyncset.done $0x0  }
0x60: {  	s21 =	simm.s32 $0xA600;
	[sflag:s15] =	ssyncadd.s32 $0xFFFFC000  }
0x61: {  	[tilespmem:s7], [sflag:$0x1] =	stream.indirect.gather [hbm4b:s2+s9], $0x80, s21, s9, $0xb8;
	[tilespmem:$0x13400] =	vst v63  }
0x62: {  	s22 =	simm.s32 $0xA700  }
0x63: {  	[tilespmem:s11], [sflag:$0x1] =	stream.indirect.gather [hbm4b:s2+s9], $0x80, s22, s9, $0xb8;
	[tilespmem:$0x13400] =	vst v63  }
0x64: {  	_ =	swait.ge [sflag:s12], $0x4000  }
0x65: {  	[sflag:s12] =	ssyncset.done $0x0  }
0x66: {  	s23 =	simm.s32 $0xA680;
	[sflag:s12] =	ssyncadd.s32 $0xFFFFC000  }
0x67: {  	[spmem:s3] =	stream.indirect.scatter.add.f32 [tilespmem:s7], [sflag:$0x2], $0x80, s23, s9, $0xb8;
	[tilespmem:$0x13400] =	vst v63  }
0x68: {  	_ =	swait.ge [sflag:s12], $0x4000  }
0x69: {  	[sflag:s12] =	ssyncset.done $0x0  }
0x6a: {  	s24 =	simm.s32 $0xA780;
	[sflag:s12] =	ssyncadd.s32 $0xFFFFC000  }
0x6b: {  	[spmem:s3] =	stream.indirect.scatter.add.f32 [tilespmem:s11], [sflag:$0x2], $0x80, s24, s9, $0xb8;
	[tilespmem:$0x13400] =	vst v63  }
0x6c: {  	_ =	swait.ge [sflag:s15], $0x4000  }
0x6d: {  	[sflag:s15] =	ssyncset.done $0x0  }
0x6e: {  	[sflag:s15] =	ssyncadd.s32 $0xFFFFC000  }
0x6f: {  	_ =	swait.ge [sflag:s15], $0x4000  }
0x70: {  	[sflag:s15] =	ssyncset.done $0x0  }
0x71: {  	s25 =	simm.s32 $0xA800;
	[sflag:s15] =	ssyncadd.s32 $0xFFFFC000  }
0x72: {  	[tilespmem:s7], [sflag:$0x1] =	stream.indirect.gather [hbm4b:s2+s9], $0x80, s25, s9, $0xb8;
	[tilespmem:$0x13400] =	vst v63  }
0x73: {  	s26 =	simm.s32 $0xA900  }
0x74: {  	[tilespmem:s11], [sflag:$0x1] =	stream.indirect.gather [hbm4b:s2+s9], $0x80, s26, s9, $0xb8;
	[tilespmem:$0x13400] =	vst v63  }
0x75: {  	_ =	swait.ge [sflag:s12], $0x4000  }
0x76: {  	[sflag:s12] =	ssyncset.done $0x0  }
0x77: {  	s28 =	simm.s32 $0xA880;
	[sflag:s12] =	ssyncadd.s32 $0xFFFFC000  }
0x78: {  	[spmem:s3] =	stream.indirect.scatter.add.f32 [tilespmem:s7], [sflag:$0x2], $0x80, s28, s9, $0xb8;
	[tilespmem:$0x13400] =	vst v63  }
0x79: {  	_ =	swait.ge [sflag:s12], $0x4000  }
0x7a: {  	[sflag:s12] =	ssyncset.done $0x0  }
0x7b: {  	s29 =	simm.s32 $0xA980;
	[sflag:s12] =	ssyncadd.s32 $0xFFFFC000  }
0x7c: {  	[spmem:s3] =	stream.indirect.scatter.add.f32 [tilespmem:s11], [sflag:$0x2], $0x80, s29, s9, $0xb8;
	[tilespmem:$0x13400] =	vst v63  }
0x7d: {  	_ =	swait.ge [sflag:s15], $0x4000  }
0x7e: {  	[sflag:s15] =	ssyncset.done $0x0  }
0x7f: {  	[sflag:s15] =	ssyncadd.s32 $0xFFFFC000  }
0x80: {  	_ =	swait.ge [sflag:s15], $0x4000  }
0x81: {  	[sflag:s15] =	ssyncset.done $0x0  }
0x82: {  	s30 =	simm.s32 $0xAA00;
	[sflag:s15] =	ssyncadd.s32 $0xFFFFC000  }
0x83: {  	[tilespmem:s7], [sflag:$0x1] =	stream.indirect.gather [hbm4b:s2+s9], $0x80, s30, s9, $0xb8;
	[tilespmem:$0x13400] =	vst v63  }
0x84: {  	s31 =	simm.s32 $0xAB00  }
0x85: {  	[tilespmem:s11], [sflag:$0x1] =	stream.indirect.gather [hbm4b:s2+s9], $0x80, s31, s9, $0xb8;
	[tilespmem:$0x13400] =	vst v63  }
0x86: {  	_ =	swait.ge [sflag:s12], $0x4000  }
0x87: {  	[sflag:s12] =	ssyncset.done $0x0  }
0x88: {  	s1 =	simm.s32 $0xAA80;
	[sflag:s12] =	ssyncadd.s32 $0xFFFFC000  }
0x89: {  	[spmem:s3] =	stream.indirect.scatter.add.f32 [tilespmem:s7], [sflag:$0x2], $0x80, s1, s9, $0xb8;
	[tilespmem:$0x13400] =	vst v63  }
0x8a: {  	_ =	swait.ge [sflag:s12], $0x4000  }
0x8b: {  	[sflag:s12] =	ssyncset.done $0x0  }
0x8c: {  	s5 =	simm.s32 $0xAB80;
	[sflag:s12] =	ssyncadd.s32 $0xFFFFC000  }
0x8d: {  	[spmem:s3] =	stream.indirect.scatter.add.f32 [tilespmem:s11], [sflag:$0x2], $0x80, s5, s9, $0xb8;
	[tilespmem:$0x13400] =	vst v63  }
0x8e: {  	_ =	swait.ge [sflag:s15], $0x4000  }
0x8f: {  	[sflag:s15] =	ssyncset.done $0x0  }
0x90: {  	[sflag:s15] =	ssyncadd.s32 $0xFFFFC000  }
0x91: {  	_ =	swait.ge [sflag:s15], $0x4000  }
0x92: {  	[sflag:s15] =	ssyncset.done $0x0  }
0x93: {  	s10 =	simm.s32 $0xAC00;
	[sflag:s15] =	ssyncadd.s32 $0xFFFFC000  }
0x94: {  	[tilespmem:s7], [sflag:$0x1] =	stream.indirect.gather [hbm4b:s2+s9], $0x80, s10, s9, $0xb8;
	[tilespmem:$0x13400] =	vst v63  }
0x95: {  	s13 =	simm.s32 $0xAD00  }
0x96: {  	[tilespmem:s11], [sflag:$0x1] =	stream.indirect.gather [hbm4b:s2+s9], $0x80, s13, s9, $0xb8;
	[tilespmem:$0x13400] =	vst v63  }
0x97: {  	_ =	swait.ge [sflag:s12], $0x4000  }
0x98: {  	[sflag:s12] =	ssyncset.done $0x0  }
0x99: {  	s14 =	simm.s32 $0xAC80;
	[sflag:s12] =	ssyncadd.s32 $0xFFFFC000  }
0x9a: {  	[spmem:s3] =	stream.indirect.scatter.add.f32 [tilespmem:s7], [sflag:$0x2], $0x80, s14, s9, $0xb8;
	[tilespmem:$0x13400] =	vst v63  }
0x9b: {  	_ =	swait.ge [sflag:s12], $0x4000  }
0x9c: {  	[sflag:s12] =	ssyncset.done $0x0  }
0x9d: {  	s16 =	simm.s32 $0xAD80;
	[sflag:s12] =	ssyncadd.s32 $0xFFFFC000  }
0x9e: {  	[spmem:s3] =	stream.indirect.scatter.add.f32 [tilespmem:s11], [sflag:$0x2], $0x80, s16, s9, $0xb8;
	[tilespmem:$0x13400] =	vst v63  }
0x9f: {  	_ =	swait.ge [sflag:s15], $0x4000  }
0xa0: {  	[sflag:s15] =	ssyncset.done $0x0  }
0xa1: {  	[sflag:s15] =	ssyncadd.s32 $0xFFFFC000  }
0xa2: {  	_ =	swait.ge [sflag:s15], $0x4000  }
0xa3: {  	[sflag:s15] =	ssyncset.done $0x0  }
0xa4: {  	s17 =	simm.s32 $0xAE00;
	[sflag:s15] =	ssyncadd.s32 $0xFFFFC000  }
0xa5: {  	[tilespmem:s7], [sflag:$0x1] =	stream.indirect.gather [hbm4b:s2+s9], $0x80, s17, s9, $0xb8;
	[tilespmem:$0x13400] =	vst v63  }
0xa6: {  	s18 =	simm.s32 $0xAF00  }
0xa7: {  	[tilespmem:s11], [sflag:$0x1] =	stream.indirect.gather [hbm4b:s2+s9], $0x80, s18, s9, $0xb8;
	[tilespmem:$0x13400] =	vst v63  }
0xa8: {  	_ =	swait.ge [sflag:s12], $0x4000  }
0xa9: {  	[sflag:s12] =	ssyncset.done $0x0  }
0xaa: {  	s19 =	simm.s32 $0xAE80;
	[sflag:s12] =	ssyncadd.s32 $0xFFFFC000  }
0xab: {  	[spmem:s3] =	stream.indirect.scatter.add.f32 [tilespmem:s7], [sflag:$0x2], $0x80, s19, s9, $0xb8;
	[tilespmem:$0x13400] =	vst v63  }
0xac: {  	_ =	swait.ge [sflag:s12], $0x4000  }
0xad: {  	[sflag:s12] =	ssyncset.done $0x0  }
0xae: {  	s20 =	simm.s32 $0xAF80;
	[sflag:s12] =	ssyncadd.s32 $0xFFFFC000  }
0xaf: {  	[spmem:s3] =	stream.indirect.scatter.add.f32 [tilespmem:s11], [sflag:$0x2], $0x80, s20, s9, $0xb8;
	[tilespmem:$0x13400] =	vst v63  }
0xb0: {  	_ =	swait.ge [sflag:s15], $0x4000  }
0xb1: {  	[sflag:s15] =	ssyncset.done $0x0  }
0xb2: {  	[sflag:s15] =	ssyncadd.s32 $0xFFFFC000  }
0xb3: {  	_ =	swait.ge [sflag:s15], $0x4000  }
0xb4: {  	[sflag:s15] =	ssyncset.done $0x0  }
0xb5: {  	s21 =	simm.s32 $0xB000;
	[sflag:s15] =	ssyncadd.s32 $0xFFFFC000  }
0xb6: {  	[tilespmem:s7], [sflag:$0x1] =	stream.indirect.gather [hbm4b:s2+s9], $0x80, s21, s9, $0xb8;
	[tilespmem:$0x13400] =	vst v63  }
0xb7: {  	s22 =	simm.s32 $0xB100  }
0xb8: {  	[tilespmem:s11], [sflag:$0x1] =	stream.indirect.gather [hbm4b:s2+s9], $0x80, s22, s9, $0xb8;
	[tilespmem:$0x13400] =	vst v63  }
0xb9: {  	_ =	swait.ge [sflag:s12], $0x4000  }
0xba: {  	[sflag:s12] =	ssyncset.done $0x0  }
0xbb: {  	s23 =	simm.s32 $0xB080;
	[sflag:s12] =	ssyncadd.s32 $0xFFFFC000  }
0xbc: {  	[spmem:s3] =	stream.indirect.scatter.add.f32 [tilespmem:s7], [sflag:$0x2], $0x80, s23, s9, $0xb8;
	[tilespmem:$0x13400] =	vst v63  }
0xbd: {  	_ =	swait.ge [sflag:s12], $0x4000  }
0xbe: {  	[sflag:s12] =	ssyncset.done $0x0  }
0xbf: {  	s24 =	simm.s32 $0xB180;
	[sflag:s12] =	ssyncadd.s32 $0xFFFFC000  }
0xc0: {  	[spmem:s3] =	stream.indirect.scatter.add.f32 [tilespmem:s11], [sflag:$0x2], $0x80, s24, s9, $0xb8;
	[tilespmem:$0x13400] =	vst v63  }
0xc1: {  	_ =	swait.ge [sflag:s15], $0x4000  }
0xc2: {  	[sflag:s15] =	ssyncset.done $0x0  }
0xc3: {  	[sflag:s15] =	ssyncadd.s32 $0xFFFFC000  }
0xc4: {  	_ =	swait.ge [sflag:s15], $0x4000  }
0xc5: {  	[sflag:s15] =	ssyncset.done $0x0  }
0xc6: {  	s25 =	simm.s32 $0xB200;
	[sflag:s15] =	ssyncadd.s32 $0xFFFFC000  }
0xc7: {  	[tilespmem:s7], [sflag:$0x1] =	stream.indirect.gather [hbm4b:s2+s9], $0x80, s25, s9, $0xb8;
	[tilespmem:$0x13400] =	vst v63  }
0xc8: {  	s26 =	simm.s32 $0xB300  }
0xc9: {  	[tilespmem:s11], [sflag:$0x1] =	stream.indirect.gather [hbm4b:s2+s9], $0x80, s26, s9, $0xb8;
	[tilespmem:$0x13400] =	vst v63  }
0xca: {  	_ =	swait.ge [sflag:s12], $0x4000  }
0xcb: {  	[sflag:s12] =	ssyncset.done $0x0  }
0xcc: {  	s28 =	simm.s32 $0xB280;
	[sflag:s12] =	ssyncadd.s32 $0xFFFFC000  }
0xcd: {  	[spmem:s3] =	stream.indirect.scatter.add.f32 [tilespmem:s7], [sflag:$0x2], $0x80, s28, s9, $0xb8;
	[tilespmem:$0x13400] =	vst v63  }
0xce: {  	_ =	swait.ge [sflag:s12], $0x4000  }
0xcf: {  	[sflag:s12] =	ssyncset.done $0x0  }
0xd0: {  	s29 =	simm.s32 $0xB380;
	[sflag:s12] =	ssyncadd.s32 $0xFFFFC000  }
0xd1: {  	[spmem:s3] =	stream.indirect.scatter.add.f32 [tilespmem:s11], [sflag:$0x2], $0x80, s29, s9, $0xb8;
	[tilespmem:$0x13400] =	vst v63  }
0xd2: {  	_ =	swait.ge [sflag:s15], $0x4000  }
0xd3: {  	[sflag:s15] =	ssyncset.done $0x0  }
0xd4: {  	[sflag:s15] =	ssyncadd.s32 $0xFFFFC000  }
0xd5: {  	_ =	swait.ge [sflag:s15], $0x4000  }
0xd6: {  	[sflag:s15] =	ssyncset.done $0x0  }
0xd7: {  	s4 =	simm.s32 $0x0;
	s30 =	rddreg [dreg:$0x9];
	[sflag:s15] =	ssyncadd.s32 $0xFFFFC000  }
0xd8: {  	[tilespmem:s8], [sflag:$0x3] =	stream.linear.gather [hbm4b:s30+s4], $0x1400, $0x38;
	[tilespmem:$0x13400] =	vst v63  }
0xd9: {  	_ =	swait.ge [sflag:s6], $0x1400  }
0xda: {  	[sflag:s6] =	ssyncset.done $0x0  }
0xdb: {  	[sflag:s6] =	ssyncadd.s32 $0xFFFFEC00  }
0xdc: {  	[tilespmem:s7], [sflag:$0x1] =	stream.indirect.gather [hbm4b:s2+s9], $0x80, s8, s9, $0xb8;
	[tilespmem:$0x13400] =	vst v63  }
0xdd: {  	s31 =	simm.s32 $0xA100  }
0xde: {  	[tilespmem:s11], [sflag:$0x1] =	stream.indirect.gather [hbm4b:s2+s9], $0x80, s31, s9, $0xb8;
	[tilespmem:$0x13400] =	vst v63  }
0xdf: {  	_ =	swait.ge [sflag:s12], $0x4000  }
0xe0: {  	[sflag:s12] =	ssyncset.done $0x0  }
0xe1: {  	s4 =	simm.s32 $0xA080;
	[sflag:s12] =	ssyncadd.s32 $0xFFFFC000  }
0xe2: {  	[spmem:s3] =	stream.indirect.scatter.add.f32 [tilespmem:s7], [sflag:$0x2], $0x80, s4, s9, $0xb8;
	[tilespmem:$0x13400] =	vst v63  }
0xe3: {  	_ =	swait.ge [sflag:s12], $0x4000  }
0xe4: {  	[sflag:s12] =	ssyncset.done $0x0  }
0xe5: {  	s5 =	simm.s32 $0xA180;
	[sflag:s12] =	ssyncadd.s32 $0xFFFFC000  }
0xe6: {  	[spmem:s3] =	stream.indirect.scatter.add.f32 [tilespmem:s11], [sflag:$0x2], $0x80, s5, s9, $0xb8;
	[tilespmem:$0x13400] =	vst v63  }
0xe7: {  	_ =	swait.ge [sflag:s15], $0x4000  }
0xe8: {  	[sflag:s15] =	ssyncset.done $0x0  }
0xe9: {  	[sflag:s15] =	ssyncadd.s32 $0xFFFFC000  }
0xea: {  	_ =	swait.ge [sflag:s15], $0x4000  }
0xeb: {  	[sflag:s15] =	ssyncset.done $0x0  }
0xec: {  	s10 =	simm.s32 $0xA200;
	[sflag:s15] =	ssyncadd.s32 $0xFFFFC000  }
0xed: {  	[tilespmem:s7], [sflag:$0x1] =	stream.indirect.gather [hbm4b:s2+s9], $0x80, s10, s9, $0xb8;
	[tilespmem:$0x13400] =	vst v63  }
0xee: {  	s13 =	simm.s32 $0xA300  }
0xef: {  	[tilespmem:s11], [sflag:$0x1] =	stream.indirect.gather [hbm4b:s2+s9], $0x80, s13, s9, $0xb8;
	[tilespmem:$0x13400] =	vst v63  }
0xf0: {  	_ =	swait.ge [sflag:s12], $0x4000  }
0xf1: {  	[sflag:s12] =	ssyncset.done $0x0  }
0xf2: {  	s14 =	simm.s32 $0xA280;
	[sflag:s12] =	ssyncadd.s32 $0xFFFFC000  }
0xf3: {  	[spmem:s3] =	stream.indirect.scatter.add.f32 [tilespmem:s7], [sflag:$0x2], $0x80, s14, s9, $0xb8;
	[tilespmem:$0x13400] =	vst v63  }
0xf4: {  	_ =	swait.ge [sflag:s12], $0x4000  }
0xf5: {  	[sflag:s12] =	ssyncset.done $0x0  }
0xf6: {  	s16 =	simm.s32 $0xA380;
	[sflag:s12] =	ssyncadd.s32 $0xFFFFC000  }
0xf7: {  	[spmem:s3] =	stream.indirect.scatter.add.f32 [tilespmem:s11], [sflag:$0x2], $0x80, s16, s9, $0xb8;
	[tilespmem:$0x13400] =	vst v63  }
0xf8: {  	_ =	swait.ge [sflag:s15], $0x4000  }
0xf9: {  	[sflag:s15] =	ssyncset.done $0x0  }
0xfa: {  	[sflag:s15] =	ssyncadd.s32 $0xFFFFC000  }
0xfb: {  	_ =	swait.ge [sflag:s15], $0x4000  }
0xfc: {  	[sflag:s15] =	ssyncset.done $0x0  }
0xfd: {  	s17 =	simm.s32 $0xA400;
	[sflag:s15] =	ssyncadd.s32 $0xFFFFC000  }
0xfe: {  	[tilespmem:s7], [sflag:$0x1] =	stream.indirect.gather [hbm4b:s2+s9], $0x80, s17, s9, $0xb8;
	[tilespmem:$0x13400] =	vst v63  }
0xff: {  	s18 =	simm.s32 $0xA500  }
0x100: {  	[tilespmem:s11], [sflag:$0x1] =	stream.indirect.gather [hbm4b:s2+s9], $0x80, s18, s9, $0xb8;
	[tilespmem:$0x13400] =	vst v63  }
0x101: {  	_ =	swait.ge [sflag:s12], $0x4000  }
0x102: {  	[sflag:s12] =	ssyncset.done $0x0  }
0x103: {  	s19 =	simm.s32 $0xA480;
	[sflag:s12] =	ssyncadd.s32 $0xFFFFC000  }
0x104: {  	[spmem:s3] =	stream.indirect.scatter.add.f32 [tilespmem:s7], [sflag:$0x2], $0x80, s19, s9, $0xb8;
	[tilespmem:$0x13400] =	vst v63  }
0x105: {  	_ =	swait.ge [sflag:s12], $0x4000  }
0x106: {  	[sflag:s12] =	ssyncset.done $0x0  }
0x107: {  	s20 =	simm.s32 $0xA580;
	[sflag:s12] =	ssyncadd.s32 $0xFFFFC000  }
0x108: {  	[spmem:s3] =	stream.indirect.scatter.add.f32 [tilespmem:s11], [sflag:$0x2], $0x80, s20, s9, $0xb8;
	[tilespmem:$0x13400] =	vst v63  }
0x109: {  	_ =	swait.ge [sflag:s15], $0x4000  }
0x10a: {  	[sflag:s15] =	ssyncset.done $0x0  }
0x10b: {  	[sflag:s15] =	ssyncadd.s32 $0xFFFFC000  }
0x10c: {  	_ =	swait.ge [sflag:s15], $0x4000  }
0x10d: {  	[sflag:s15] =	ssyncset.done $0x0  }
0x10e: {  	s21 =	simm.s32 $0xA600;
	[sflag:s15] =	ssyncadd.s32 $0xFFFFC000  }
0x10f: {  	[tilespmem:s7], [sflag:$0x1] =	stream.indirect.gather [hbm4b:s2+s9], $0x80, s21, s9, $0xb8;
	[tilespmem:$0x13400] =	vst v63  }
0x110: {  	s22 =	simm.s32 $0xA700  }
0x111: {  	[tilespmem:s11], [sflag:$0x1] =	stream.indirect.gather [hbm4b:s2+s9], $0x80, s22, s9, $0xb8;
	[tilespmem:$0x13400] =	vst v63  }
0x112: {  	_ =	swait.ge [sflag:s12], $0x4000  }
0x113: {  	[sflag:s12] =	ssyncset.done $0x0  }
0x114: {  	s23 =	simm.s32 $0xA680;
	[sflag:s12] =	ssyncadd.s32 $0xFFFFC000  }
0x115: {  	[spmem:s3] =	stream.indirect.scatter.add.f32 [tilespmem:s7], [sflag:$0x2], $0x80, s23, s9, $0xb8;
	[tilespmem:$0x13400] =	vst v63  }
0x116: {  	_ =	swait.ge [sflag:s12], $0x4000  }
0x117: {  	[sflag:s12] =	ssyncset.done $0x0  }
0x118: {  	s24 =	simm.s32 $0xA780;
	[sflag:s12] =	ssyncadd.s32 $0xFFFFC000  }
0x119: {  	[spmem:s3] =	stream.indirect.scatter.add.f32 [tilespmem:s11], [sflag:$0x2], $0x80, s24, s9, $0xb8;
	[tilespmem:$0x13400] =	vst v63  }
0x11a: {  	_ =	swait.ge [sflag:s15], $0x4000  }
0x11b: {  	[sflag:s15] =	ssyncset.done $0x0  }
0x11c: {  	[sflag:s15] =	ssyncadd.s32 $0xFFFFC000  }
0x11d: {  	_ =	swait.ge [sflag:s15], $0x4000  }
0x11e: {  	[sflag:s15] =	ssyncset.done $0x0  }
0x11f: {  	s25 =	simm.s32 $0xA800;
	[sflag:s15] =	ssyncadd.s32 $0xFFFFC000  }
0x120: {  	[tilespmem:s7], [sflag:$0x1] =	stream.indirect.gather [hbm4b:s2+s9], $0x80, s25, s9, $0xb8;
	[tilespmem:$0x13400] =	vst v63  }
0x121: {  	s26 =	simm.s32 $0xA900  }
0x122: {  	[tilespmem:s11], [sflag:$0x1] =	stream.indirect.gather [hbm4b:s2+s9], $0x80, s26, s9, $0xb8;
	[tilespmem:$0x13400] =	vst v63  }
0x123: {  	_ =	swait.ge [sflag:s12], $0x4000  }
0x124: {  	[sflag:s12] =	ssyncset.done $0x0  }
0x125: {  	s28 =	simm.s32 $0xA880;
	[sflag:s12] =	ssyncadd.s32 $0xFFFFC000  }
0x126: {  	[spmem:s3] =	stream.indirect.scatter.add.f32 [tilespmem:s7], [sflag:$0x2], $0x80, s28, s9, $0xb8;
	[tilespmem:$0x13400] =	vst v63  }
0x127: {  	_ =	swait.ge [sflag:s12], $0x4000  }
0x128: {  	[sflag:s12] =	ssyncset.done $0x0  }
0x129: {  	s29 =	simm.s32 $0xA980;
	[sflag:s12] =	ssyncadd.s32 $0xFFFFC000  }
0x12a: {  	[spmem:s3] =	stream.indirect.scatter.add.f32 [tilespmem:s11], [sflag:$0x2], $0x80, s29, s9, $0xb8;
	[tilespmem:$0x13400] =	vst v63  }
0x12b: {  	_ =	swait.ge [sflag:s15], $0x4000  }
0x12c: {  	[sflag:s15] =	ssyncset.done $0x0  }
0x12d: {  	[sflag:s15] =	ssyncadd.s32 $0xFFFFC000  }
0x12e: {  	_ =	swait.ge [sflag:s15], $0x4000  }
0x12f: {  	[sflag:s15] =	ssyncset.done $0x0  }
0x130: {  	s30 =	simm.s32 $0xAA00;
	[sflag:s15] =	ssyncadd.s32 $0xFFFFC000  }
0x131: {  	[tilespmem:s7], [sflag:$0x1] =	stream.indirect.gather [hbm4b:s2+s9], $0x80, s30, s9, $0xb8;
	[tilespmem:$0x13400] =	vst v63  }
0x132: {  	s31 =	simm.s32 $0xAB00  }
0x133: {  	[tilespmem:s11], [sflag:$0x1] =	stream.indirect.gather [hbm4b:s2+s9], $0x80, s31, s9, $0xb8;
	[tilespmem:$0x13400] =	vst v63  }
0x134: {  	_ =	swait.ge [sflag:s12], $0x4000  }
0x135: {  	[sflag:s12] =	ssyncset.done $0x0  }
0x136: {  	s0 =	simm.s32 $0xAA80;
	[sflag:s12] =	ssyncadd.s32 $0xFFFFC000  }
0x137: {  	[spmem:s3] =	stream.indirect.scatter.add.f32 [tilespmem:s7], [sflag:$0x2], $0x80, s0, s9, $0xb8;
	[tilespmem:$0x13400] =	vst v63  }
0x138: {  	_ =	swait.ge [sflag:s12], $0x4000  }
0x139: {  	[sflag:s12] =	ssyncset.done $0x0  }
0x13a: {  	s0 =	simm.s32 $0xAB80;
	[sflag:s12] =	ssyncadd.s32 $0xFFFFC000  }
0x13b: {  	[spmem:s3] =	stream.indirect.scatter.add.f32 [tilespmem:s11], [sflag:$0x2], $0x80, s0, s9, $0xb8;
	[tilespmem:$0x13400] =	vst v63  }
0x13c: {  	_ =	swait.ge [sflag:s15], $0x4000  }
0x13d: {  	[sflag:s15] =	ssyncset.done $0x0  }
0x13e: {  	[sflag:s15] =	ssyncadd.s32 $0xFFFFC000  }
0x13f: {  	_ =	swait.ge [sflag:s15], $0x4000  }
0x140: {  	[sflag:s15] =	ssyncset.done $0x0  }
0x141: {  	s0 =	simm.s32 $0xAC00;
	[sflag:s15] =	ssyncadd.s32 $0xFFFFC000  }
0x142: {  	[tilespmem:s7], [sflag:$0x1] =	stream.indirect.gather [hbm4b:s2+s9], $0x80, s0, s9, $0xb8;
	[tilespmem:$0x13400] =	vst v63  }
0x143: {  	s0 =	simm.s32 $0xAD00  }
0x144: {  	[tilespmem:s11], [sflag:$0x1] =	stream.indirect.gather [hbm4b:s2+s9], $0x80, s0, s9, $0xb8;
	[tilespmem:$0x13400] =	vst v63  }
0x145: {  	_ =	swait.ge [sflag:s12], $0x4000  }
0x146: {  	[sflag:s12] =	ssyncset.done $0x0  }
0x147: {  	s0 =	simm.s32 $0xAC80;
	[sflag:s12] =	ssyncadd.s32 $0xFFFFC000  }
0x148: {  	[spmem:s3] =	stream.indirect.scatter.add.f32 [tilespmem:s7], [sflag:$0x2], $0x80, s0, s9, $0xb8;
	[tilespmem:$0x13400] =	vst v63  }
0x149: {  	_ =	swait.ge [sflag:s12], $0x4000  }
0x14a: {  	[sflag:s12] =	ssyncset.done $0x0  }
0x14b: {  	s0 =	simm.s32 $0xAD80;
	[sflag:s12] =	ssyncadd.s32 $0xFFFFC000  }
0x14c: {  	[spmem:s3] =	stream.indirect.scatter.add.f32 [tilespmem:s11], [sflag:$0x2], $0x80, s0, s9, $0xb8;
	[tilespmem:$0x13400] =	vst v63  }
0x14d: {  	_ =	swait.ge [sflag:s15], $0x4000  }
0x14e: {  	[sflag:s15] =	ssyncset.done $0x0  }
0x14f: {  	[sflag:s15] =	ssyncadd.s32 $0xFFFFC000  }
0x150: {  	_ =	swait.ge [sflag:s15], $0x4000  }
0x151: {  	[sflag:s15] =	ssyncset.done $0x0  }
0x152: {  	s0 =	simm.s32 $0xAE00;
	[sflag:s15] =	ssyncadd.s32 $0xFFFFC000  }
0x153: {  	[tilespmem:s7], [sflag:$0x1] =	stream.indirect.gather [hbm4b:s2+s9], $0x80, s0, s9, $0xb8;
	[tilespmem:$0x13400] =	vst v63  }
0x154: {  	s0 =	simm.s32 $0xAF00  }
0x155: {  	[tilespmem:s11], [sflag:$0x1] =	stream.indirect.gather [hbm4b:s2+s9], $0x80, s0, s9, $0xb8;
	[tilespmem:$0x13400] =	vst v63  }
0x156: {  	_ =	swait.ge [sflag:s12], $0x4000  }
0x157: {  	[sflag:s12] =	ssyncset.done $0x0  }
0x158: {  	s0 =	simm.s32 $0xAE80;
	[sflag:s12] =	ssyncadd.s32 $0xFFFFC000  }
0x159: {  	[spmem:s3] =	stream.indirect.scatter.add.f32 [tilespmem:s7], [sflag:$0x2], $0x80, s0, s9, $0xb8;
	[tilespmem:$0x13400] =	vst v63  }
0x15a: {  	_ =	swait.ge [sflag:s12], $0x4000  }
0x15b: {  	[sflag:s12] =	ssyncset.done $0x0  }
0x15c: {  	s0 =	simm.s32 $0xAF80;
	[sflag:s12] =	ssyncadd.s32 $0xFFFFC000  }
0x15d: {  	[spmem:s3] =	stream.indirect.scatter.add.f32 [tilespmem:s11], [sflag:$0x2], $0x80, s0, s9, $0xb8;
	[tilespmem:$0x13400] =	vst v63  }
0x15e: {  	_ =	swait.ge [sflag:s15], $0x4000  }
0x15f: {  	[sflag:s15] =	ssyncset.done $0x0  }
0x160: {  	[sflag:s15] =	ssyncadd.s32 $0xFFFFC000  }
0x161: {  	_ =	swait.ge [sflag:s15], $0x4000  }
0x162: {  	[sflag:s15] =	ssyncset.done $0x0  }
0x163: {  	s0 =	simm.s32 $0xB000;
	[sflag:s15] =	ssyncadd.s32 $0xFFFFC000  }
0x164: {  	[tilespmem:s7], [sflag:$0x1] =	stream.indirect.gather [hbm4b:s2+s9], $0x80, s0, s9, $0xb8;
	[tilespmem:$0x13400] =	vst v63  }
0x165: {  	s0 =	simm.s32 $0xB100  }
0x166: {  	[tilespmem:s11], [sflag:$0x1] =	stream.indirect.gather [hbm4b:s2+s9], $0x80, s0, s9, $0xb8;
	[tilespmem:$0x13400] =	vst v63  }
0x167: {  	_ =	swait.ge [sflag:s12], $0x4000  }
0x168: {  	[sflag:s12] =	ssyncset.done $0x0  }
0x169: {  	s0 =	simm.s32 $0xB080;
	[sflag:s12] =	ssyncadd.s32 $0xFFFFC000  }
0x16a: {  	[spmem:s3] =	stream.indirect.scatter.add.f32 [tilespmem:s7], [sflag:$0x2], $0x80, s0, s9, $0xb8;
	[tilespmem:$0x13400] =	vst v63  }
0x16b: {  	_ =	swait.ge [sflag:s12], $0x4000  }
0x16c: {  	[sflag:s12] =	ssyncset.done $0x0  }
0x16d: {  	s0 =	simm.s32 $0xB180;
	[sflag:s12] =	ssyncadd.s32 $0xFFFFC000  }
0x16e: {  	[spmem:s3] =	stream.indirect.scatter.add.f32 [tilespmem:s11], [sflag:$0x2], $0x80, s0, s9, $0xb8;
	[tilespmem:$0x13400] =	vst v63  }
0x16f: {  	_ =	swait.ge [sflag:s15], $0x4000  }
0x170: {  	[sflag:s15] =	ssyncset.done $0x0  }
0x171: {  	[sflag:s15] =	ssyncadd.s32 $0xFFFFC000  }
0x172: {  	_ =	swait.ge [sflag:s15], $0x4000  }
0x173: {  	[sflag:s15] =	ssyncset.done $0x0  }
0x174: {  	s0 =	simm.s32 $0xB200;
	[sflag:s15] =	ssyncadd.s32 $0xFFFFC000  }
0x175: {  	[tilespmem:s7], [sflag:$0x1] =	stream.indirect.gather [hbm4b:s2+s9], $0x80, s0, s9, $0xb8;
	[tilespmem:$0x13400] =	vst v63  }
0x176: {  	s0 =	simm.s32 $0xB300  }
0x177: {  	[tilespmem:s11], [sflag:$0x1] =	stream.indirect.gather [hbm4b:s2+s9], $0x80, s0, s9, $0xb8;
	[tilespmem:$0x13400] =	vst v63  }
0x178: {  	_ =	swait.ge [sflag:s12], $0x4000  }
0x179: {  	[sflag:s12] =	ssyncset.done $0x0  }
0x17a: {  	s0 =	simm.s32 $0xB280;
	[sflag:s12] =	ssyncadd.s32 $0xFFFFC000  }
0x17b: {  	[spmem:s3] =	stream.indirect.scatter.add.f32 [tilespmem:s7], [sflag:$0x2], $0x80, s0, s9, $0xb8;
	[tilespmem:$0x13400] =	vst v63  }
0x17c: {  	_ =	swait.ge [sflag:s12], $0x4000  }
0x17d: {  	[sflag:s12] =	ssyncset.done $0x0  }
0x17e: {  	s1 =	simm.s32 $0xB380;
	[sflag:s12] =	ssyncadd.s32 $0xFFFFC000  }
0x17f: {  	[spmem:s3] =	stream.indirect.scatter.add.f32 [tilespmem:s11], [sflag:$0x2], $0x80, s1, s9, $0xb8;
	[tilespmem:$0x13400] =	vst v63  }
0x180: {  	_ =	swait.ge [sflag:s15], $0x4000  }
0x181: {  	[sflag:s15] =	ssyncset.done $0x0  }
0x182: {  	[sflag:s15] =	ssyncadd.s32 $0xFFFFC000  }
0x183: {  	_ =	swait.ge [sflag:s15], $0x4000  }
0x184: {  	[sflag:s15] =	ssyncset.done $0x0  }
0x185: {  	s0 =	simm.s32 $0x0;
	s1 =	rddreg [dreg:$0xa];
	[sflag:s15] =	ssyncadd.s32 $0xFFFFC000  }
0x186: {  	[tilespmem:s8], [sflag:$0x3] =	stream.linear.gather [hbm4b:s1+s0], $0x1400, $0x38;
	[tilespmem:$0x13400] =	vst v63  }
0x187: {  	_ =	swait.ge [sflag:s6], $0x1400  }
0x188: {  	[sflag:s6] =	ssyncset.done $0x0  }
0x189: {  	[sflag:s6] =	ssyncadd.s32 $0xFFFFEC00  }
0x18a: {  	[tilespmem:s7], [sflag:$0x1] =	stream.indirect.gather [hbm4b:s2+s9], $0x80, s8, s9, $0xb8;
	[tilespmem:$0x13400] =	vst v63  }
0x18b: {  	s1 =	simm.s32 $0xA100  }
0x18c: {  	[tilespmem:s11], [sflag:$0x1] =	stream.indirect.gather [hbm4b:s2+s9], $0x80, s1, s9, $0xb8;
	[tilespmem:$0x13400] =	vst v63  }
0x18d: {  	_ =	swait.ge [sflag:s12], $0x4000  }
0x18e: {  	[sflag:s12] =	ssyncset.done $0x0  }
0x18f: {  	[sflag:s12] =	ssyncadd.s32 $0xFFFFC000  }
0x190: {  	[spmem:s3] =	stream.indirect.scatter.add.f32 [tilespmem:s7], [sflag:$0x2], $0x80, s4, s9, $0xb8;
	[tilespmem:$0x13400] =	vst v63  }
0x191: {  	_ =	swait.ge [sflag:s12], $0x4000  }
0x192: {  	[sflag:s12] =	ssyncset.done $0x0  }
0x193: {  	[sflag:s12] =	ssyncadd.s32 $0xFFFFC000  }
0x194: {  	[spmem:s3] =	stream.indirect.scatter.add.f32 [tilespmem:s11], [sflag:$0x2], $0x80, s5, s9, $0xb8;
	[tilespmem:$0x13400] =	vst v63  }
0x195: {  	_ =	swait.ge [sflag:s15], $0x4000  }
0x196: {  	[sflag:s15] =	ssyncset.done $0x0  }
0x197: {  	[sflag:s15] =	ssyncadd.s32 $0xFFFFC000  }
0x198: {  	_ =	swait.ge [sflag:s15], $0x4000  }
0x199: {  	[sflag:s15] =	ssyncset.done $0x0  }
0x19a: {  	[sflag:s15] =	ssyncadd.s32 $0xFFFFC000  }
0x19b: {  	[tilespmem:s7], [sflag:$0x1] =	stream.indirect.gather [hbm4b:s2+s9], $0x80, s10, s9, $0xb8;
	[tilespmem:$0x13400] =	vst v63  }
0x19c: {  	_ = 	snop  }
0x19d: {  	[tilespmem:s11], [sflag:$0x1] =	stream.indirect.gather [hbm4b:s2+s9], $0x80, s13, s9, $0xb8;
	[tilespmem:$0x13400] =	vst v63  }
0x19e: {  	_ =	swait.ge [sflag:s12], $0x4000  }
0x19f: {  	[sflag:s12] =	ssyncset.done $0x0  }
0x1a0: {  	[sflag:s12] =	ssyncadd.s32 $0xFFFFC000  }
0x1a1: {  	[spmem:s3] =	stream.indirect.scatter.add.f32 [tilespmem:s7], [sflag:$0x2], $0x80, s14, s9, $0xb8;
	[tilespmem:$0x13400] =	vst v63  }
0x1a2: {  	_ =	swait.ge [sflag:s12], $0x4000  }
0x1a3: {  	[sflag:s12] =	ssyncset.done $0x0  }
0x1a4: {  	[sflag:s12] =	ssyncadd.s32 $0xFFFFC000  }
0x1a5: {  	[spmem:s3] =	stream.indirect.scatter.add.f32 [tilespmem:s11], [sflag:$0x2], $0x80, s16, s9, $0xb8;
	[tilespmem:$0x13400] =	vst v63  }
0x1a6: {  	_ =	swait.ge [sflag:s15], $0x4000  }
0x1a7: {  	[sflag:s15] =	ssyncset.done $0x0  }
0x1a8: {  	[sflag:s15] =	ssyncadd.s32 $0xFFFFC000  }
0x1a9: {  	_ =	swait.ge [sflag:s15], $0x4000  }
0x1aa: {  	[sflag:s15] =	ssyncset.done $0x0  }
0x1ab: {  	[sflag:s15] =	ssyncadd.s32 $0xFFFFC000  }
0x1ac: {  	[tilespmem:s7], [sflag:$0x1] =	stream.indirect.gather [hbm4b:s2+s9], $0x80, s17, s9, $0xb8;
	[tilespmem:$0x13400] =	vst v63  }
0x1ad: {  	_ = 	snop  }
0x1ae: {  	[tilespmem:s11], [sflag:$0x1] =	stream.indirect.gather [hbm4b:s2+s9], $0x80, s18, s9, $0xb8;
	[tilespmem:$0x13400] =	vst v63  }
0x1af: {  	_ =	swait.ge [sflag:s12], $0x4000  }
0x1b0: {  	[sflag:s12] =	ssyncset.done $0x0  }
0x1b1: {  	[sflag:s12] =	ssyncadd.s32 $0xFFFFC000  }
0x1b2: {  	[spmem:s3] =	stream.indirect.scatter.add.f32 [tilespmem:s7], [sflag:$0x2], $0x80, s19, s9, $0xb8;
	[tilespmem:$0x13400] =	vst v63  }
0x1b3: {  	_ =	swait.ge [sflag:s12], $0x4000  }
0x1b4: {  	[sflag:s12] =	ssyncset.done $0x0  }
0x1b5: {  	[sflag:s12] =	ssyncadd.s32 $0xFFFFC000  }
0x1b6: {  	[spmem:s3] =	stream.indirect.scatter.add.f32 [tilespmem:s11], [sflag:$0x2], $0x80, s20, s9, $0xb8;
	[tilespmem:$0x13400] =	vst v63  }
0x1b7: {  	_ =	swait.ge [sflag:s15], $0x4000  }
0x1b8: {  	[sflag:s15] =	ssyncset.done $0x0  }
0x1b9: {  	[sflag:s15] =	ssyncadd.s32 $0xFFFFC000  }
0x1ba: {  	_ =	swait.ge [sflag:s15], $0x4000  }
0x1bb: {  	[sflag:s15] =	ssyncset.done $0x0  }
0x1bc: {  	[sflag:s15] =	ssyncadd.s32 $0xFFFFC000  }
0x1bd: {  	[tilespmem:s7], [sflag:$0x1] =	stream.indirect.gather [hbm4b:s2+s9], $0x80, s21, s9, $0xb8;
	[tilespmem:$0x13400] =	vst v63  }
0x1be: {  	_ = 	snop  }
0x1bf: {  	[tilespmem:s11], [sflag:$0x1] =	stream.indirect.gather [hbm4b:s2+s9], $0x80, s22, s9, $0xb8;
	[tilespmem:$0x13400] =	vst v63  }
0x1c0: {  	_ =	swait.ge [sflag:s12], $0x4000  }
0x1c1: {  	[sflag:s12] =	ssyncset.done $0x0  }
0x1c2: {  	[sflag:s12] =	ssyncadd.s32 $0xFFFFC000  }
0x1c3: {  	[spmem:s3] =	stream.indirect.scatter.add.f32 [tilespmem:s7], [sflag:$0x2], $0x80, s23, s9, $0xb8;
	[tilespmem:$0x13400] =	vst v63  }
0x1c4: {  	_ =	swait.ge [sflag:s12], $0x4000  }
0x1c5: {  	[sflag:s12] =	ssyncset.done $0x0  }
0x1c6: {  	[sflag:s12] =	ssyncadd.s32 $0xFFFFC000  }
0x1c7: {  	[spmem:s3] =	stream.indirect.scatter.add.f32 [tilespmem:s11], [sflag:$0x2], $0x80, s24, s9, $0xb8;
	[tilespmem:$0x13400] =	vst v63  }
0x1c8: {  	_ =	swait.ge [sflag:s15], $0x4000  }
0x1c9: {  	[sflag:s15] =	ssyncset.done $0x0  }
0x1ca: {  	[sflag:s15] =	ssyncadd.s32 $0xFFFFC000  }
0x1cb: {  	_ =	swait.ge [sflag:s15], $0x4000  }
0x1cc: {  	[sflag:s15] =	ssyncset.done $0x0  }
0x1cd: {  	[sflag:s15] =	ssyncadd.s32 $0xFFFFC000  }
0x1ce: {  	[tilespmem:s7], [sflag:$0x1] =	stream.indirect.gather [hbm4b:s2+s9], $0x80, s25, s9, $0xb8;
	[tilespmem:$0x13400] =	vst v63  }
0x1cf: {  	_ = 	snop  }
0x1d0: {  	[tilespmem:s11], [sflag:$0x1] =	stream.indirect.gather [hbm4b:s2+s9], $0x80, s26, s9, $0xb8;
	[tilespmem:$0x13400] =	vst v63  }
0x1d1: {  	_ =	swait.ge [sflag:s12], $0x4000  }
0x1d2: {  	[sflag:s12] =	ssyncset.done $0x0  }
0x1d3: {  	[sflag:s12] =	ssyncadd.s32 $0xFFFFC000  }
0x1d4: {  	[spmem:s3] =	stream.indirect.scatter.add.f32 [tilespmem:s7], [sflag:$0x2], $0x80, s28, s9, $0xb8;
	[tilespmem:$0x13400] =	vst v63  }
0x1d5: {  	_ =	swait.ge [sflag:s12], $0x4000  }
0x1d6: {  	[sflag:s12] =	ssyncset.done $0x0  }
0x1d7: {  	[sflag:s12] =	ssyncadd.s32 $0xFFFFC000  }
0x1d8: {  	[spmem:s3] =	stream.indirect.scatter.add.f32 [tilespmem:s11], [sflag:$0x2], $0x80, s29, s9, $0xb8;
	[tilespmem:$0x13400] =	vst v63  }
0x1d9: {  	_ =	swait.ge [sflag:s15], $0x4000  }
0x1da: {  	[sflag:s15] =	ssyncset.done $0x0  }
0x1db: {  	[sflag:s15] =	ssyncadd.s32 $0xFFFFC000  }
0x1dc: {  	_ =	swait.ge [sflag:s15], $0x4000  }
0x1dd: {  	[sflag:s15] =	ssyncset.done $0x0  }
0x1de: {  	[sflag:s15] =	ssyncadd.s32 $0xFFFFC000  }
0x1df: {  	[tilespmem:s7], [sflag:$0x1] =	stream.indirect.gather [hbm4b:s2+s9], $0x80, s30, s9, $0xb8;
	[tilespmem:$0x13400] =	vst v63  }
0x1e0: {  	_ = 	snop  }
0x1e1: {  	[tilespmem:s11], [sflag:$0x1] =	stream.indirect.gather [hbm4b:s2+s9], $0x80, s31, s9, $0xb8;
	[tilespmem:$0x13400] =	vst v63  }
0x1e2: {  	_ =	swait.ge [sflag:s12], $0x4000  }
0x1e3: {  	[sflag:s12] =	ssyncset.done $0x0  }
0x1e4: {  	s0 =	simm.s32 $0xAA80;
	[sflag:s12] =	ssyncadd.s32 $0xFFFFC000  }
0x1e5: {  	[spmem:s3] =	stream.indirect.scatter.add.f32 [tilespmem:s7], [sflag:$0x2], $0x80, s0, s9, $0xb8;
	[tilespmem:$0x13400] =	vst v63  }
0x1e6: {  	_ =	swait.ge [sflag:s12], $0x4000  }
0x1e7: {  	[sflag:s12] =	ssyncset.done $0x0  }
0x1e8: {  	s4 =	simm.s32 $0xAB80;
	[sflag:s12] =	ssyncadd.s32 $0xFFFFC000  }
0x1e9: {  	[spmem:s3] =	stream.indirect.scatter.add.f32 [tilespmem:s11], [sflag:$0x2], $0x80, s4, s9, $0xb8;
	[tilespmem:$0x13400] =	vst v63  }
0x1ea: {  	_ =	swait.ge [sflag:s15], $0x4000  }
0x1eb: {  	[sflag:s15] =	ssyncset.done $0x0  }
0x1ec: {  	[sflag:s15] =	ssyncadd.s32 $0xFFFFC000  }
0x1ed: {  	_ =	swait.ge [sflag:s15], $0x4000  }
0x1ee: {  	[sflag:s15] =	ssyncset.done $0x0  }
0x1ef: {  	s0 =	simm.s32 $0xAC00;
	[sflag:s15] =	ssyncadd.s32 $0xFFFFC000  }
0x1f0: {  	[tilespmem:s7], [sflag:$0x1] =	stream.indirect.gather [hbm4b:s2+s9], $0x80, s0, s9, $0xb8;
	[tilespmem:$0x13400] =	vst v63  }
0x1f1: {  	s4 =	simm.s32 $0xAD00  }
0x1f2: {  	[tilespmem:s11], [sflag:$0x1] =	stream.indirect.gather [hbm4b:s2+s9], $0x80, s4, s9, $0xb8;
	[tilespmem:$0x13400] =	vst v63  }
0x1f3: {  	_ =	swait.ge [sflag:s12], $0x4000  }
0x1f4: {  	[sflag:s12] =	ssyncset.done $0x0  }
0x1f5: {  	s0 =	simm.s32 $0xAC80;
	[sflag:s12] =	ssyncadd.s32 $0xFFFFC000  }
0x1f6: {  	[spmem:s3] =	stream.indirect.scatter.add.f32 [tilespmem:s7], [sflag:$0x2], $0x80, s0, s9, $0xb8;
	[tilespmem:$0x13400] =	vst v63  }
0x1f7: {  	_ =	swait.ge [sflag:s12], $0x4000  }
0x1f8: {  	[sflag:s12] =	ssyncset.done $0x0  }
0x1f9: {  	s4 =	simm.s32 $0xAD80;
	[sflag:s12] =	ssyncadd.s32 $0xFFFFC000  }
0x1fa: {  	[spmem:s3] =	stream.indirect.scatter.add.f32 [tilespmem:s11], [sflag:$0x2], $0x80, s4, s9, $0xb8;
	[tilespmem:$0x13400] =	vst v63  }
0x1fb: {  	_ =	swait.ge [sflag:s15], $0x4000  }
0x1fc: {  	[sflag:s15] =	ssyncset.done $0x0  }
0x1fd: {  	[sflag:s15] =	ssyncadd.s32 $0xFFFFC000  }
0x1fe: {  	_ =	swait.ge [sflag:s15], $0x4000  }
0x1ff: {  	[sflag:s15] =	ssyncset.done $0x0  }
0x200: {  	s0 =	simm.s32 $0xAE00;
	[sflag:s15] =	ssyncadd.s32 $0xFFFFC000  }
0x201: {  	[tilespmem:s7], [sflag:$0x1] =	stream.indirect.gather [hbm4b:s2+s9], $0x80, s0, s9, $0xb8;
	[tilespmem:$0x13400] =	vst v63  }
0x202: {  	s4 =	simm.s32 $0xAF00  }
0x203: {  	[tilespmem:s11], [sflag:$0x1] =	stream.indirect.gather [hbm4b:s2+s9], $0x80, s4, s9, $0xb8;
	[tilespmem:$0x13400] =	vst v63  }
0x204: {  	_ =	swait.ge [sflag:s12], $0x4000  }
0x205: {  	[sflag:s12] =	ssyncset.done $0x0  }
0x206: {  	s0 =	simm.s32 $0xAE80;
	[sflag:s12] =	ssyncadd.s32 $0xFFFFC000  }
0x207: {  	[spmem:s3] =	stream.indirect.scatter.add.f32 [tilespmem:s7], [sflag:$0x2], $0x80, s0, s9, $0xb8;
	[tilespmem:$0x13400] =	vst v63  }
0x208: {  	_ =	swait.ge [sflag:s12], $0x4000  }
0x209: {  	[sflag:s12] =	ssyncset.done $0x0  }
0x20a: {  	s4 =	simm.s32 $0xAF80;
	[sflag:s12] =	ssyncadd.s32 $0xFFFFC000  }
0x20b: {  	[spmem:s3] =	stream.indirect.scatter.add.f32 [tilespmem:s11], [sflag:$0x2], $0x80, s4, s9, $0xb8;
	[tilespmem:$0x13400] =	vst v63  }
0x20c: {  	_ =	swait.ge [sflag:s15], $0x4000  }
0x20d: {  	[sflag:s15] =	ssyncset.done $0x0  }
0x20e: {  	[sflag:s15] =	ssyncadd.s32 $0xFFFFC000  }
0x20f: {  	_ =	swait.ge [sflag:s15], $0x4000  }
0x210: {  	[sflag:s15] =	ssyncset.done $0x0  }
0x211: {  	s0 =	simm.s32 $0xB000;
	[sflag:s15] =	ssyncadd.s32 $0xFFFFC000  }
0x212: {  	[tilespmem:s7], [sflag:$0x1] =	stream.indirect.gather [hbm4b:s2+s9], $0x80, s0, s9, $0xb8;
	[tilespmem:$0x13400] =	vst v63  }
0x213: {  	s4 =	simm.s32 $0xB100  }
0x214: {  	[tilespmem:s11], [sflag:$0x1] =	stream.indirect.gather [hbm4b:s2+s9], $0x80, s4, s9, $0xb8;
	[tilespmem:$0x13400] =	vst v63  }
0x215: {  	_ =	swait.ge [sflag:s12], $0x4000  }
0x216: {  	[sflag:s12] =	ssyncset.done $0x0  }
0x217: {  	s0 =	simm.s32 $0xB080;
	[sflag:s12] =	ssyncadd.s32 $0xFFFFC000  }
0x218: {  	[spmem:s3] =	stream.indirect.scatter.add.f32 [tilespmem:s7], [sflag:$0x2], $0x80, s0, s9, $0xb8;
	[tilespmem:$0x13400] =	vst v63  }
0x219: {  	_ =	swait.ge [sflag:s12], $0x4000  }
0x21a: {  	[sflag:s12] =	ssyncset.done $0x0  }
0x21b: {  	s4 =	simm.s32 $0xB180;
	[sflag:s12] =	ssyncadd.s32 $0xFFFFC000  }
0x21c: {  	[spmem:s3] =	stream.indirect.scatter.add.f32 [tilespmem:s11], [sflag:$0x2], $0x80, s4, s9, $0xb8;
	[tilespmem:$0x13400] =	vst v63  }
0x21d: {  	_ =	swait.ge [sflag:s15], $0x4000  }
0x21e: {  	[sflag:s15] =	ssyncset.done $0x0  }
0x21f: {  	[sflag:s15] =	ssyncadd.s32 $0xFFFFC000  }
0x220: {  	_ =	swait.ge [sflag:s15], $0x4000  }
0x221: {  	[sflag:s15] =	ssyncset.done $0x0  }
0x222: {  	s0 =	simm.s32 $0xB200;
	[sflag:s15] =	ssyncadd.s32 $0xFFFFC000  }
0x223: {  	[tilespmem:s7], [sflag:$0x1] =	stream.indirect.gather [hbm4b:s2+s9], $0x80, s0, s9, $0xb8;
	[tilespmem:$0x13400] =	vst v63  }
0x224: {  	s4 =	simm.s32 $0xB300  }
0x225: {  	[tilespmem:s11], [sflag:$0x1] =	stream.indirect.gather [hbm4b:s2+s9], $0x80, s4, s9, $0xb8;
	[tilespmem:$0x13400] =	vst v63  }
0x226: {  	_ =	swait.ge [sflag:s12], $0x4000  }
0x227: {  	[sflag:s12] =	ssyncset.done $0x0  }
0x228: {  	s0 =	simm.s32 $0xB280;
	[sflag:s12] =	ssyncadd.s32 $0xFFFFC000  }
0x229: {  	[spmem:s3] =	stream.indirect.scatter.add.f32 [tilespmem:s7], [sflag:$0x2], $0x80, s0, s9, $0xb8;
	[tilespmem:$0x13400] =	vst v63  }
0x22a: {  	_ =	swait.ge [sflag:s12], $0x4000  }
0x22b: {  	[sflag:s12] =	ssyncset.done $0x0  }
0x22c: {  	s0 =	simm.s32 $0xB380;
	[sflag:s12] =	ssyncadd.s32 $0xFFFFC000  }
0x22d: {  	[spmem:s3] =	stream.indirect.scatter.add.f32 [tilespmem:s11], [sflag:$0x2], $0x80, s0, s9, $0xb8;
	[tilespmem:$0x13400] =	vst v63  }
0x22e: {  	_ =	swait.ge [sflag:s15], $0x4000  }
0x22f: {  	[sflag:s15] =	ssyncset.done $0x0  }
0x230: {  	[sflag:s15] =	ssyncadd.s32 $0xFFFFC000  }
0x231: {  	_ =	swait.ge [sflag:s15], $0x4000  }
0x232: {  	[sflag:s15] =	ssyncset.done $0x0  }
0x233: {  	s4 =	simm.s32 $0x0;
	s1 =	rddreg [dreg:$0xb];
	[sflag:s15] =	ssyncadd.s32 $0xFFFFC000  }
0x234: {  	[tilespmem:s8], [sflag:$0x3] =	stream.linear.gather [hbm4b:s1+s4], $0x1400, $0x38;
	[tilespmem:$0x13400] =	vst v63  }
0x235: {  	_ =	swait.ge [sflag:s6], $0x1400  }
0x236: {  	[sflag:s6] =	ssyncset.done $0x0  }
0x237: {  	[sflag:s6] =	ssyncadd.s32 $0xFFFFEC00  }
0x238: {  	[tilespmem:s7], [sflag:$0x1] =	stream.indirect.gather [hbm4b:s2+s9], $0x80, s8, s9, $0xb8;
	[tilespmem:$0x13400] =	vst v63  }
0x239: {  	s4 =	simm.s32 $0xA100  }
0x23a: {  	[tilespmem:s11], [sflag:$0x1] =	stream.indirect.gather [hbm4b:s2+s9], $0x80, s4, s9, $0xb8;
	[tilespmem:$0x13400] =	vst v63  }
0x23b: {  	_ =	swait.ge [sflag:s12], $0x4000  }
0x23c: {  	[sflag:s12] =	ssyncset.done $0x0  }
0x23d: {  	s8 =	simm.s32 $0xA080;
	[sflag:s12] =	ssyncadd.s32 $0xFFFFC000  }
0x23e: {  	[spmem:s3] =	stream.indirect.scatter.add.f32 [tilespmem:s7], [sflag:$0x2], $0x80, s8, s9, $0xb8;
	[tilespmem:$0x13400] =	vst v63  }
0x23f: {  	_ =	swait.ge [sflag:s12], $0x4000  }
0x240: {  	[sflag:s12] =	ssyncset.done $0x0  }
0x241: {  	s5 =	simm.s32 $0xA180;
	[sflag:s12] =	ssyncadd.s32 $0xFFFFC000  }
0x242: {  	[spmem:s3] =	stream.indirect.scatter.add.f32 [tilespmem:s11], [sflag:$0x2], $0x80, s5, s9, $0xb8;
	[tilespmem:$0x13400] =	vst v63  }
0x243: {  	_ =	swait.ge [sflag:s15], $0x4000  }
0x244: {  	[sflag:s15] =	ssyncset.done $0x0  }
0x245: {  	[sflag:s15] =	ssyncadd.s32 $0xFFFFC000  }
0x246: {  	_ =	swait.ge [sflag:s15], $0x4000  }
0x247: {  	[sflag:s15] =	ssyncset.done $0x0  }
0x248: {  	s10 =	simm.s32 $0xA200;
	[sflag:s15] =	ssyncadd.s32 $0xFFFFC000  }
0x249: {  	[tilespmem:s7], [sflag:$0x1] =	stream.indirect.gather [hbm4b:s2+s9], $0x80, s10, s9, $0xb8;
	[tilespmem:$0x13400] =	vst v63  }
0x24a: {  	s13 =	simm.s32 $0xA300  }
0x24b: {  	[tilespmem:s11], [sflag:$0x1] =	stream.indirect.gather [hbm4b:s2+s9], $0x80, s13, s9, $0xb8;
	[tilespmem:$0x13400] =	vst v63  }
0x24c: {  	_ =	swait.ge [sflag:s12], $0x4000  }
0x24d: {  	[sflag:s12] =	ssyncset.done $0x0  }
0x24e: {  	s14 =	simm.s32 $0xA280;
	[sflag:s12] =	ssyncadd.s32 $0xFFFFC000  }
0x24f: {  	[spmem:s3] =	stream.indirect.scatter.add.f32 [tilespmem:s7], [sflag:$0x2], $0x80, s14, s9, $0xb8;
	[tilespmem:$0x13400] =	vst v63  }
0x250: {  	_ =	swait.ge [sflag:s12], $0x4000  }
0x251: {  	[sflag:s12] =	ssyncset.done $0x0  }
0x252: {  	s16 =	simm.s32 $0xA380;
	[sflag:s12] =	ssyncadd.s32 $0xFFFFC000  }
0x253: {  	[spmem:s3] =	stream.indirect.scatter.add.f32 [tilespmem:s11], [sflag:$0x2], $0x80, s16, s9, $0xb8;
	[tilespmem:$0x13400] =	vst v63  }
0x254: {  	_ =	swait.ge [sflag:s15], $0x4000  }
0x255: {  	[sflag:s15] =	ssyncset.done $0x0  }
0x256: {  	[sflag:s15] =	ssyncadd.s32 $0xFFFFC000  }
0x257: {  	_ =	swait.ge [sflag:s15], $0x4000  }
0x258: {  	[sflag:s15] =	ssyncset.done $0x0  }
0x259: {  	s17 =	simm.s32 $0xA400;
	[sflag:s15] =	ssyncadd.s32 $0xFFFFC000  }
0x25a: {  	[tilespmem:s7], [sflag:$0x1] =	stream.indirect.gather [hbm4b:s2+s9], $0x80, s17, s9, $0xb8;
	[tilespmem:$0x13400] =	vst v63  }
0x25b: {  	s18 =	simm.s32 $0xA500  }
0x25c: {  	[tilespmem:s11], [sflag:$0x1] =	stream.indirect.gather [hbm4b:s2+s9], $0x80, s18, s9, $0xb8;
	[tilespmem:$0x13400] =	vst v63  }
0x25d: {  	_ =	swait.ge [sflag:s12], $0x4000  }
0x25e: {  	[sflag:s12] =	ssyncset.done $0x0  }
0x25f: {  	s19 =	simm.s32 $0xA480;
	[sflag:s12] =	ssyncadd.s32 $0xFFFFC000  }
0x260: {  	[spmem:s3] =	stream.indirect.scatter.add.f32 [tilespmem:s7], [sflag:$0x2], $0x80, s19, s9, $0xb8;
	[tilespmem:$0x13400] =	vst v63  }
0x261: {  	_ =	swait.ge [sflag:s12], $0x4000  }
0x262: {  	[sflag:s12] =	ssyncset.done $0x0  }
0x263: {  	s20 =	simm.s32 $0xA580;
	[sflag:s12] =	ssyncadd.s32 $0xFFFFC000  }
0x264: {  	[spmem:s3] =	stream.indirect.scatter.add.f32 [tilespmem:s11], [sflag:$0x2], $0x80, s20, s9, $0xb8;
	[tilespmem:$0x13400] =	vst v63  }
0x265: {  	_ =	swait.ge [sflag:s15], $0x4000  }
0x266: {  	[sflag:s15] =	ssyncset.done $0x0  }
0x267: {  	[sflag:s15] =	ssyncadd.s32 $0xFFFFC000  }
0x268: {  	_ =	swait.ge [sflag:s15], $0x4000  }
0x269: {  	[sflag:s15] =	ssyncset.done $0x0  }
0x26a: {  	s21 =	simm.s32 $0xA600;
	[sflag:s15] =	ssyncadd.s32 $0xFFFFC000  }
0x26b: {  	[tilespmem:s7], [sflag:$0x1] =	stream.indirect.gather [hbm4b:s2+s9], $0x80, s21, s9, $0xb8;
	[tilespmem:$0x13400] =	vst v63  }
0x26c: {  	s22 =	simm.s32 $0xA700  }
0x26d: {  	[tilespmem:s11], [sflag:$0x1] =	stream.indirect.gather [hbm4b:s2+s9], $0x80, s22, s9, $0xb8;
	[tilespmem:$0x13400] =	vst v63  }
0x26e: {  	_ =	swait.ge [sflag:s12], $0x4000  }
0x26f: {  	[sflag:s12] =	ssyncset.done $0x0  }
0x270: {  	s23 =	simm.s32 $0xA680;
	[sflag:s12] =	ssyncadd.s32 $0xFFFFC000  }
0x271: {  	[spmem:s3] =	stream.indirect.scatter.add.f32 [tilespmem:s7], [sflag:$0x2], $0x80, s23, s9, $0xb8;
	[tilespmem:$0x13400] =	vst v63  }
0x272: {  	_ =	swait.ge [sflag:s12], $0x4000  }
0x273: {  	[sflag:s12] =	ssyncset.done $0x0  }
0x274: {  	s24 =	simm.s32 $0xA780;
	[sflag:s12] =	ssyncadd.s32 $0xFFFFC000  }
0x275: {  	[spmem:s3] =	stream.indirect.scatter.add.f32 [tilespmem:s11], [sflag:$0x2], $0x80, s24, s9, $0xb8;
	[tilespmem:$0x13400] =	vst v63  }
0x276: {  	_ =	swait.ge [sflag:s15], $0x4000  }
0x277: {  	[sflag:s15] =	ssyncset.done $0x0  }
0x278: {  	[sflag:s15] =	ssyncadd.s32 $0xFFFFC000  }
0x279: {  	_ =	swait.ge [sflag:s15], $0x4000  }
0x27a: {  	[sflag:s15] =	ssyncset.done $0x0  }
0x27b: {  	s25 =	simm.s32 $0xA800;
	[sflag:s15] =	ssyncadd.s32 $0xFFFFC000  }
0x27c: {  	[tilespmem:s7], [sflag:$0x1] =	stream.indirect.gather [hbm4b:s2+s9], $0x80, s25, s9, $0xb8;
	[tilespmem:$0x13400] =	vst v63  }
0x27d: {  	s26 =	simm.s32 $0xA900  }
0x27e: {  	[tilespmem:s11], [sflag:$0x1] =	stream.indirect.gather [hbm4b:s2+s9], $0x80, s26, s9, $0xb8;
	[tilespmem:$0x13400] =	vst v63  }
0x27f: {  	_ =	swait.ge [sflag:s12], $0x4000  }
0x280: {  	[sflag:s12] =	ssyncset.done $0x0  }
0x281: {  	s28 =	simm.s32 $0xA880;
	[sflag:s12] =	ssyncadd.s32 $0xFFFFC000  }
0x282: {  	[spmem:s3] =	stream.indirect.scatter.add.f32 [tilespmem:s7], [sflag:$0x2], $0x80, s28, s9, $0xb8;
	[tilespmem:$0x13400] =	vst v63  }
0x283: {  	_ =	swait.ge [sflag:s12], $0x4000  }
0x284: {  	[sflag:s12] =	ssyncset.done $0x0  }
0x285: {  	s29 =	simm.s32 $0xA980;
	[sflag:s12] =	ssyncadd.s32 $0xFFFFC000  }
0x286: {  	[spmem:s3] =	stream.indirect.scatter.add.f32 [tilespmem:s11], [sflag:$0x2], $0x80, s29, s9, $0xb8;
	[tilespmem:$0x13400] =	vst v63  }
0x287: {  	_ =	swait.ge [sflag:s15], $0x4000  }
0x288: {  	[sflag:s15] =	ssyncset.done $0x0  }
0x289: {  	[sflag:s15] =	ssyncadd.s32 $0xFFFFC000  }
0x28a: {  	_ =	swait.ge [sflag:s15], $0x4000  }
0x28b: {  	[sflag:s15] =	ssyncset.done $0x0  }
0x28c: {  	s30 =	simm.s32 $0xAA00;
	[sflag:s15] =	ssyncadd.s32 $0xFFFFC000  }
0x28d: {  	[tilespmem:s7], [sflag:$0x1] =	stream.indirect.gather [hbm4b:s2+s9], $0x80, s30, s9, $0xb8;
	[tilespmem:$0x13400] =	vst v63  }
0x28e: {  	s31 =	simm.s32 $0xAB00  }
0x28f: {  	[tilespmem:s11], [sflag:$0x1] =	stream.indirect.gather [hbm4b:s2+s9], $0x80, s31, s9, $0xb8;
	[tilespmem:$0x13400] =	vst v63  }
0x290: {  	_ =	swait.ge [sflag:s12], $0x4000  }
0x291: {  	[sflag:s12] =	ssyncset.done $0x0  }
0x292: {  	s30 =	simm.s32 $0xAA80;
	[sflag:s12] =	ssyncadd.s32 $0xFFFFC000  }
0x293: {  	[spmem:s3] =	stream.indirect.scatter.add.f32 [tilespmem:s7], [sflag:$0x2], $0x80, s30, s9, $0xb8;
	[tilespmem:$0x13400] =	vst v63  }
0x294: {  	_ =	swait.ge [sflag:s12], $0x4000  }
0x295: {  	[sflag:s12] =	ssyncset.done $0x0  }
0x296: {  	s31 =	simm.s32 $0xAB80;
	[sflag:s12] =	ssyncadd.s32 $0xFFFFC000  }
0x297: {  	[spmem:s3] =	stream.indirect.scatter.add.f32 [tilespmem:s11], [sflag:$0x2], $0x80, s31, s9, $0xb8;
	[tilespmem:$0x13400] =	vst v63  }
0x298: {  	_ =	swait.ge [sflag:s15], $0x4000  }
0x299: {  	[sflag:s15] =	ssyncset.done $0x0  }
0x29a: {  	[sflag:s15] =	ssyncadd.s32 $0xFFFFC000  }
0x29b: {  	_ =	swait.ge [sflag:s15], $0x4000  }
0x29c: {  	[sflag:s15] =	ssyncset.done $0x0  }
0x29d: {  	s4 =	simm.s32 $0xAC00;
	[sflag:s15] =	ssyncadd.s32 $0xFFFFC000  }
0x29e: {  	[tilespmem:s7], [sflag:$0x1] =	stream.indirect.gather [hbm4b:s2+s9], $0x80, s4, s9, $0xb8;
	[tilespmem:$0x13400] =	vst v63  }
0x29f: {  	s5 =	simm.s32 $0xAD00  }
0x2a0: {  	[tilespmem:s11], [sflag:$0x1] =	stream.indirect.gather [hbm4b:s2+s9], $0x80, s5, s9, $0xb8;
	[tilespmem:$0x13400] =	vst v63  }
0x2a1: {  	_ =	swait.ge [sflag:s12], $0x4000  }
0x2a2: {  	[sflag:s12] =	ssyncset.done $0x0  }
0x2a3: {  	s8 =	simm.s32 $0xAC80;
	[sflag:s12] =	ssyncadd.s32 $0xFFFFC000  }
0x2a4: {  	[spmem:s3] =	stream.indirect.scatter.add.f32 [tilespmem:s7], [sflag:$0x2], $0x80, s8, s9, $0xb8;
	[tilespmem:$0x13400] =	vst v63  }
0x2a5: {  	_ =	swait.ge [sflag:s12], $0x4000  }
0x2a6: {  	[sflag:s12] =	ssyncset.done $0x0  }
0x2a7: {  	s10 =	simm.s32 $0xAD80;
	[sflag:s12] =	ssyncadd.s32 $0xFFFFC000  }
0x2a8: {  	[spmem:s3] =	stream.indirect.scatter.add.f32 [tilespmem:s11], [sflag:$0x2], $0x80, s10, s9, $0xb8;
	[tilespmem:$0x13400] =	vst v63  }
0x2a9: {  	_ =	swait.ge [sflag:s15], $0x4000  }
0x2aa: {  	[sflag:s15] =	ssyncset.done $0x0  }
0x2ab: {  	[sflag:s15] =	ssyncadd.s32 $0xFFFFC000  }
0x2ac: {  	_ =	swait.ge [sflag:s15], $0x4000  }
0x2ad: {  	[sflag:s15] =	ssyncset.done $0x0  }
0x2ae: {  	s13 =	simm.s32 $0xAE00;
	[sflag:s15] =	ssyncadd.s32 $0xFFFFC000  }
0x2af: {  	[tilespmem:s7], [sflag:$0x1] =	stream.indirect.gather [hbm4b:s2+s9], $0x80, s13, s9, $0xb8;
	[tilespmem:$0x13400] =	vst v63  }
0x2b0: {  	s14 =	simm.s32 $0xAF00  }
0x2b1: {  	[tilespmem:s11], [sflag:$0x1] =	stream.indirect.gather [hbm4b:s2+s9], $0x80, s14, s9, $0xb8;
	[tilespmem:$0x13400] =	vst v63  }
0x2b2: {  	_ =	swait.ge [sflag:s12], $0x4000  }
0x2b3: {  	[sflag:s12] =	ssyncset.done $0x0  }
0x2b4: {  	s16 =	simm.s32 $0xAE80;
	[sflag:s12] =	ssyncadd.s32 $0xFFFFC000  }
0x2b5: {  	[spmem:s3] =	stream.indirect.scatter.add.f32 [tilespmem:s7], [sflag:$0x2], $0x80, s16, s9, $0xb8;
	[tilespmem:$0x13400] =	vst v63  }
0x2b6: {  	_ =	swait.ge [sflag:s12], $0x4000  }
0x2b7: {  	[sflag:s12] =	ssyncset.done $0x0  }
0x2b8: {  	s17 =	simm.s32 $0xAF80;
	[sflag:s12] =	ssyncadd.s32 $0xFFFFC000  }
0x2b9: {  	[spmem:s3] =	stream.indirect.scatter.add.f32 [tilespmem:s11], [sflag:$0x2], $0x80, s17, s9, $0xb8;
	[tilespmem:$0x13400] =	vst v63  }
0x2ba: {  	_ =	swait.ge [sflag:s15], $0x4000  }
0x2bb: {  	[sflag:s15] =	ssyncset.done $0x0  }
0x2bc: {  	[sflag:s15] =	ssyncadd.s32 $0xFFFFC000  }
0x2bd: {  	_ =	swait.ge [sflag:s15], $0x4000  }
0x2be: {  	[sflag:s15] =	ssyncset.done $0x0  }
0x2bf: {  	s18 =	simm.s32 $0xB000;
	[sflag:s15] =	ssyncadd.s32 $0xFFFFC000  }
0x2c0: {  	[tilespmem:s7], [sflag:$0x1] =	stream.indirect.gather [hbm4b:s2+s9], $0x80, s18, s9, $0xb8;
	[tilespmem:$0x13400] =	vst v63  }
0x2c1: {  	s19 =	simm.s32 $0xB100  }
0x2c2: {  	[tilespmem:s11], [sflag:$0x1] =	stream.indirect.gather [hbm4b:s2+s9], $0x80, s19, s9, $0xb8;
	[tilespmem:$0x13400] =	vst v63  }
0x2c3: {  	_ =	swait.ge [sflag:s12], $0x4000  }
0x2c4: {  	[sflag:s12] =	ssyncset.done $0x0  }
0x2c5: {  	s20 =	simm.s32 $0xB080;
	[sflag:s12] =	ssyncadd.s32 $0xFFFFC000  }
0x2c6: {  	[spmem:s3] =	stream.indirect.scatter.add.f32 [tilespmem:s7], [sflag:$0x2], $0x80, s20, s9, $0xb8;
	[tilespmem:$0x13400] =	vst v63  }
0x2c7: {  	_ =	swait.ge [sflag:s12], $0x4000  }
0x2c8: {  	[sflag:s12] =	ssyncset.done $0x0  }
0x2c9: {  	s21 =	simm.s32 $0xB180;
	[sflag:s12] =	ssyncadd.s32 $0xFFFFC000  }
0x2ca: {  	[spmem:s3] =	stream.indirect.scatter.add.f32 [tilespmem:s11], [sflag:$0x2], $0x80, s21, s9, $0xb8;
	[tilespmem:$0x13400] =	vst v63  }
0x2cb: {  	_ =	swait.ge [sflag:s15], $0x4000  }
0x2cc: {  	[sflag:s15] =	ssyncset.done $0x0  }
0x2cd: {  	[sflag:s15] =	ssyncadd.s32 $0xFFFFC000  }
0x2ce: {  	_ =	swait.ge [sflag:s15], $0x4000  }
0x2cf: {  	[sflag:s15] =	ssyncset.done $0x0  }
0x2d0: {  	s22 =	simm.s32 $0xB200;
	[sflag:s15] =	ssyncadd.s32 $0xFFFFC000  }
0x2d1: {  	[tilespmem:s7], [sflag:$0x1] =	stream.indirect.gather [hbm4b:s2+s9], $0x80, s22, s9, $0xb8;
	[tilespmem:$0x13400] =	vst v63  }
0x2d2: {  	s23 =	simm.s32 $0xB300  }
0x2d3: {  	[tilespmem:s11], [sflag:$0x1] =	stream.indirect.gather [hbm4b:s2+s9], $0x80, s23, s9, $0xb8;
	[tilespmem:$0x13400] =	vst v63  }
0x2d4: {  	_ =	swait.ge [sflag:s12], $0x4000  }
0x2d5: {  	[sflag:s12] =	ssyncset.done $0x0  }
0x2d6: {  	s24 =	simm.s32 $0xB280;
	[sflag:s12] =	ssyncadd.s32 $0xFFFFC000  }
0x2d7: {  	[spmem:s3] =	stream.indirect.scatter.add.f32 [tilespmem:s7], [sflag:$0x2], $0x80, s24, s9, $0xb8;
	[tilespmem:$0x13400] =	vst v63  }
0x2d8: {  	_ =	swait.ge [sflag:s12], $0x4000  }
0x2d9: {  	[sflag:s12] =	ssyncset.done $0x0  }
0x2da: {  	[sflag:s12] =	ssyncadd.s32 $0xFFFFC000  }
0x2db: {  	[spmem:s3] =	stream.indirect.scatter.add.f32 [tilespmem:s11], [sflag:$0x2], $0x80, s0, s9, $0xb8;
	[tilespmem:$0x13400] =	vst v63  }
0x2dc: {  	_ =	swait.ge [sflag:s15], $0x4000  }
0x2dd: {  	[sflag:s15] =	ssyncset.done $0x0  }
0x2de: {  	[sflag:s15] =	ssyncadd.s32 $0xFFFFC000  }
0x2df: {  	_ =	swait.ge [sflag:s15], $0x4000  }
0x2e0: {  	[sflag:s15] =	ssyncset.done $0x0  }
0x2e1: {  	[sflag:s15] =	ssyncadd.s32 $0xFFFFC000  }
0x2e2: {  	[bflag:$0x0] =	sbarrier.arrive $0xFFFF  }
0x2e3: {  	s25 =	rddreg [dreg:$0x10]  }
0x2e4: {  	s26 =	ssub.s32 $0x2, s25  }
0x2e5: {  	s29 =	sshrl.u32 s26, $0x1  }
0x2e6: {  	s1 =	ssub.s32 s26, s29  }
0x2e7: {  	s30 =	stileid.u32;
	s1 =	smax.u32 s1, $0x1  }
0x2e8: {  	s0 =	sshll.u32 s30, $0x6;
	s28 =	rddreg [dreg:$0xc];
	p0 =	sne.s32 s1, $0x1  }
.Ltmp0:
0x2e9: {  	s0 =	sor.u32 $0x1C03, s0;
	s31 =	rddreg [dreg:$0xd];
	(pc) =	sbr.rel @!p0 .LBB2_2-.Ltmp0, $4  }
0x2ea: {  	[dreg:$0xe] =	wrdreg s0;
	s4 =	sshrl.u32 s31, $0x3  }
0x2eb: {  	[dreg:$0xf] =	wrdreg s4  }
0x2ec: {  	[hbm:s28], [sflag:s0] =	dma.local [spmem:s4], $0x1400  }
0x2ed: {  	_ =	swait.ge [sflag:s6], $0x1400;
	s1 =	sadd.s32 $0xFFFFFFFF, s1  }
.LBB2_1:
0x2ee: {  	[sflag:s6] =	ssyncset.done $0x0  }
0x2ef: {  	s0 =	rddreg [dreg:$0x4];
	s4 =	simm.s32 $0x0;
	[sflag:s6] =	ssyncadd.s32 $0xFFFFEC00  }
0x2f0: {  	[tilespmem:s7], [sflag:$0x3] =	stream.linear.gather [hbm4b:s0+s4], $0x2800, $0x38;
	[tilespmem:$0x13400] =	vst v63  }
0x2f1: {  	_ =	swait.ge [sflag:s6], $0x2800  }
0x2f2: {  	[sflag:s6] =	ssyncset.done $0x0  }
0x2f3: {  	s26 =	rddreg [dreg:$0xd];
	[sflag:s6] =	ssyncadd.s32 $0xFFFFD800  }
0x2f4: {  	[spmem:s26] =	stream.linear.scatter [tilespmem:s7], [sflag:$0x3], $0x2800, $0x38;
	[tilespmem:$0x13400] =	vst v63  }
0x2f5: {  	_ =	swait.ge [sflag:s6], $0x2800  }
0x2f6: {  	[sflag:s6] =	ssyncset.done $0x0  }
0x2f7: {  	s28 =	rddreg [dreg:$0x5];
	[sflag:s6] =	ssyncadd.s32 $0xFFFFD800  }
0x2f8: {  	[spmem:s28] =	stream.linear.scatter [tilespmem:s7], [sflag:$0x3], $0x2800, $0x38;
	[tilespmem:$0x13400] =	vst v63  }
0x2f9: {  	_ =	swait.ge [sflag:s6], $0x2800  }
0x2fa: {  	[sflag:s6] =	ssyncset.done $0x0  }
0x2fb: {  	s29 =	rddreg [dreg:$0x6];
	[sflag:s6] =	ssyncadd.s32 $0xFFFFD800  }
0x2fc: {  	[spmem:s29] =	stream.linear.scatter [tilespmem:s7], [sflag:$0x3], $0x2800, $0x38;
	[tilespmem:$0x13400] =	vst v63  }
0x2fd: {  	_ =	swait.ge [sflag:s6], $0x2800  }
0x2fe: {  	[sflag:s6] =	ssyncset.done $0x0  }
0x2ff: {  	s30 =	rddreg [dreg:$0x7];
	[sflag:s6] =	ssyncadd.s32 $0xFFFFD800  }
0x300: {  	[spmem:s30] =	stream.linear.scatter [tilespmem:s7], [sflag:$0x3], $0x2800, $0x38;
	[tilespmem:$0x13400] =	vst v63  }
0x301: {  	_ =	swait.ge [sflag:s6], $0x2800  }
0x302: {  	[sflag:s6] =	ssyncset.done $0x0  }
0x303: {  	[sflag:s6] =	ssyncadd.s32 $0xFFFFD800  }
0x304: {  	[bflag:$0x0] =	sbarrier.arrive $0xFFFF  }
0x305: {  	s5 =	simm.s32 $0x0;
	s4 =	simm.s32 $0xA000;
	s31 =	rddreg [dreg:$0x8]  }
0x306: {  	[tilespmem:s4], [sflag:$0x3] =	stream.linear.gather [hbm4b:s31+s5], $0x1400, $0x38;
	[tilespmem:$0x13400] =	vst v63  }
0x307: {  	_ =	swait.ge [sflag:s6], $0x1400  }
0x308: {  	[sflag:s6] =	ssyncset.done $0x0  }
0x309: {  	[sflag:s6] =	ssyncadd.s32 $0xFFFFEC00  }
0x30a: {  	[tilespmem:s7], [sflag:$0x1] =	stream.indirect.gather [hbm4b:s2+s9], $0x80, s4, s9, $0xb8;
	[tilespmem:$0x13400] =	vst v63  }
0x30b: {  	s8 =	simm.s32 $0xA100  }
0x30c: {  	[tilespmem:s11], [sflag:$0x1] =	stream.indirect.gather [hbm4b:s2+s9], $0x80, s8, s9, $0xb8;
	[tilespmem:$0x13400] =	vst v63  }
0x30d: {  	_ =	swait.ge [sflag:s12], $0x4000  }
0x30e: {  	[sflag:s12] =	ssyncset.done $0x0  }
0x30f: {  	s10 =	simm.s32 $0xA080;
	[sflag:s12] =	ssyncadd.s32 $0xFFFFC000  }
0x310: {  	[spmem:s3] =	stream.indirect.scatter.add.f32 [tilespmem:s7], [sflag:$0x2], $0x80, s10, s9, $0xb8;
	[tilespmem:$0x13400] =	vst v63  }
0x311: {  	_ =	swait.ge [sflag:s12], $0x4000  }
0x312: {  	[sflag:s12] =	ssyncset.done $0x0  }
0x313: {  	s13 =	simm.s32 $0xA180;
	[sflag:s12] =	ssyncadd.s32 $0xFFFFC000  }
0x314: {  	[spmem:s3] =	stream.indirect.scatter.add.f32 [tilespmem:s11], [sflag:$0x2], $0x80, s13, s9, $0xb8;
	[tilespmem:$0x13400] =	vst v63  }
0x315: {  	_ =	swait.ge [sflag:s15], $0x4000  }
0x316: {  	[sflag:s15] =	ssyncset.done $0x0  }
0x317: {  	[sflag:s15] =	ssyncadd.s32 $0xFFFFC000  }
0x318: {  	_ =	swait.ge [sflag:s15], $0x4000  }
0x319: {  	[sflag:s15] =	ssyncset.done $0x0  }
0x31a: {  	s14 =	simm.s32 $0xA200;
	[sflag:s15] =	ssyncadd.s32 $0xFFFFC000  }
0x31b: {  	[tilespmem:s7], [sflag:$0x1] =	stream.indirect.gather [hbm4b:s2+s9], $0x80, s14, s9, $0xb8;
	[tilespmem:$0x13400] =	vst v63  }
0x31c: {  	s16 =	simm.s32 $0xA300  }
0x31d: {  	[tilespmem:s11], [sflag:$0x1] =	stream.indirect.gather [hbm4b:s2+s9], $0x80, s16, s9, $0xb8;
	[tilespmem:$0x13400] =	vst v63  }
0x31e: {  	_ =	swait.ge [sflag:s12], $0x4000  }
0x31f: {  	[sflag:s12] =	ssyncset.done $0x0  }
0x320: {  	s17 =	simm.s32 $0xA280;
	[sflag:s12] =	ssyncadd.s32 $0xFFFFC000  }
0x321: {  	[spmem:s3] =	stream.indirect.scatter.add.f32 [tilespmem:s7], [sflag:$0x2], $0x80, s17, s9, $0xb8;
	[tilespmem:$0x13400] =	vst v63  }
0x322: {  	_ =	swait.ge [sflag:s12], $0x4000  }
0x323: {  	[sflag:s12] =	ssyncset.done $0x0  }
0x324: {  	s18 =	simm.s32 $0xA380;
	[sflag:s12] =	ssyncadd.s32 $0xFFFFC000  }
0x325: {  	[spmem:s3] =	stream.indirect.scatter.add.f32 [tilespmem:s11], [sflag:$0x2], $0x80, s18, s9, $0xb8;
	[tilespmem:$0x13400] =	vst v63  }
0x326: {  	_ =	swait.ge [sflag:s15], $0x4000  }
0x327: {  	[sflag:s15] =	ssyncset.done $0x0  }
0x328: {  	[sflag:s15] =	ssyncadd.s32 $0xFFFFC000  }
0x329: {  	_ =	swait.ge [sflag:s15], $0x4000  }
0x32a: {  	[sflag:s15] =	ssyncset.done $0x0  }
0x32b: {  	s19 =	simm.s32 $0xA400;
	[sflag:s15] =	ssyncadd.s32 $0xFFFFC000  }
0x32c: {  	[tilespmem:s7], [sflag:$0x1] =	stream.indirect.gather [hbm4b:s2+s9], $0x80, s19, s9, $0xb8;
	[tilespmem:$0x13400] =	vst v63  }
0x32d: {  	s20 =	simm.s32 $0xA500  }
0x32e: {  	[tilespmem:s11], [sflag:$0x1] =	stream.indirect.gather [hbm4b:s2+s9], $0x80, s20, s9, $0xb8;
	[tilespmem:$0x13400] =	vst v63  }
0x32f: {  	_ =	swait.ge [sflag:s12], $0x4000  }
0x330: {  	[sflag:s12] =	ssyncset.done $0x0  }
0x331: {  	s21 =	simm.s32 $0xA480;
	[sflag:s12] =	ssyncadd.s32 $0xFFFFC000  }
0x332: {  	[spmem:s3] =	stream.indirect.scatter.add.f32 [tilespmem:s7], [sflag:$0x2], $0x80, s21, s9, $0xb8;
	[tilespmem:$0x13400] =	vst v63  }
0x333: {  	_ =	swait.ge [sflag:s12], $0x4000  }
0x334: {  	[sflag:s12] =	ssyncset.done $0x0  }
0x335: {  	s22 =	simm.s32 $0xA580;
	[sflag:s12] =	ssyncadd.s32 $0xFFFFC000  }
0x336: {  	[spmem:s3] =	stream.indirect.scatter.add.f32 [tilespmem:s11], [sflag:$0x2], $0x80, s22, s9, $0xb8;
	[tilespmem:$0x13400] =	vst v63  }
0x337: {  	_ =	swait.ge [sflag:s15], $0x4000  }
0x338: {  	[sflag:s15] =	ssyncset.done $0x0  }
0x339: {  	[sflag:s15] =	ssyncadd.s32 $0xFFFFC000  }
0x33a: {  	_ =	swait.ge [sflag:s15], $0x4000  }
0x33b: {  	[sflag:s15] =	ssyncset.done $0x0  }
0x33c: {  	s23 =	simm.s32 $0xA600;
	[sflag:s15] =	ssyncadd.s32 $0xFFFFC000  }
0x33d: {  	[tilespmem:s7], [sflag:$0x1] =	stream.indirect.gather [hbm4b:s2+s9], $0x80, s23, s9, $0xb8;
	[tilespmem:$0x13400] =	vst v63  }
0x33e: {  	s24 =	simm.s32 $0xA700  }
0x33f: {  	[tilespmem:s11], [sflag:$0x1] =	stream.indirect.gather [hbm4b:s2+s9], $0x80, s24, s9, $0xb8;
	[tilespmem:$0x13400] =	vst v63  }
0x340: {  	_ =	swait.ge [sflag:s12], $0x4000  }
0x341: {  	[sflag:s12] =	ssyncset.done $0x0  }
0x342: {  	s25 =	simm.s32 $0xA680;
	[sflag:s12] =	ssyncadd.s32 $0xFFFFC000  }
0x343: {  	[spmem:s3] =	stream.indirect.scatter.add.f32 [tilespmem:s7], [sflag:$0x2], $0x80, s25, s9, $0xb8;
	[tilespmem:$0x13400] =	vst v63  }
0x344: {  	_ =	swait.ge [sflag:s12], $0x4000  }
0x345: {  	[sflag:s12] =	ssyncset.done $0x0  }
0x346: {  	s26 =	simm.s32 $0xA780;
	[sflag:s12] =	ssyncadd.s32 $0xFFFFC000  }
0x347: {  	[spmem:s3] =	stream.indirect.scatter.add.f32 [tilespmem:s11], [sflag:$0x2], $0x80, s26, s9, $0xb8;
	[tilespmem:$0x13400] =	vst v63  }
0x348: {  	_ =	swait.ge [sflag:s15], $0x4000  }
0x349: {  	[sflag:s15] =	ssyncset.done $0x0  }
0x34a: {  	[sflag:s15] =	ssyncadd.s32 $0xFFFFC000  }
0x34b: {  	_ =	swait.ge [sflag:s15], $0x4000  }
0x34c: {  	[sflag:s15] =	ssyncset.done $0x0  }
0x34d: {  	s28 =	simm.s32 $0xA800;
	[sflag:s15] =	ssyncadd.s32 $0xFFFFC000  }
0x34e: {  	[tilespmem:s7], [sflag:$0x1] =	stream.indirect.gather [hbm4b:s2+s9], $0x80, s28, s9, $0xb8;
	[tilespmem:$0x13400] =	vst v63  }
0x34f: {  	s29 =	simm.s32 $0xA900  }
0x350: {  	[tilespmem:s11], [sflag:$0x1] =	stream.indirect.gather [hbm4b:s2+s9], $0x80, s29, s9, $0xb8;
	[tilespmem:$0x13400] =	vst v63  }
0x351: {  	_ =	swait.ge [sflag:s12], $0x4000  }
0x352: {  	[sflag:s12] =	ssyncset.done $0x0  }
0x353: {  	s30 =	simm.s32 $0xA880;
	[sflag:s12] =	ssyncadd.s32 $0xFFFFC000  }
0x354: {  	[spmem:s3] =	stream.indirect.scatter.add.f32 [tilespmem:s7], [sflag:$0x2], $0x80, s30, s9, $0xb8;
	[tilespmem:$0x13400] =	vst v63  }
0x355: {  	_ =	swait.ge [sflag:s12], $0x4000  }
0x356: {  	[sflag:s12] =	ssyncset.done $0x0  }
0x357: {  	s31 =	simm.s32 $0xA980;
	[sflag:s12] =	ssyncadd.s32 $0xFFFFC000  }
0x358: {  	[spmem:s3] =	stream.indirect.scatter.add.f32 [tilespmem:s11], [sflag:$0x2], $0x80, s31, s9, $0xb8;
	[tilespmem:$0x13400] =	vst v63  }
0x359: {  	_ =	swait.ge [sflag:s15], $0x4000  }
0x35a: {  	[sflag:s15] =	ssyncset.done $0x0  }
0x35b: {  	[sflag:s15] =	ssyncadd.s32 $0xFFFFC000  }
0x35c: {  	_ =	swait.ge [sflag:s15], $0x4000  }
0x35d: {  	[sflag:s15] =	ssyncset.done $0x0  }
0x35e: {  	s5 =	simm.s32 $0xAA00;
	[sflag:s15] =	ssyncadd.s32 $0xFFFFC000  }
0x35f: {  	[tilespmem:s7], [sflag:$0x1] =	stream.indirect.gather [hbm4b:s2+s9], $0x80, s5, s9, $0xb8;
	[tilespmem:$0x13400] =	vst v63  }
0x360: {  	s8 =	simm.s32 $0xAB00  }
0x361: {  	[tilespmem:s11], [sflag:$0x1] =	stream.indirect.gather [hbm4b:s2+s9], $0x80, s8, s9, $0xb8;
	[tilespmem:$0x13400] =	vst v63  }
0x362: {  	_ =	swait.ge [sflag:s12], $0x4000  }
0x363: {  	[sflag:s12] =	ssyncset.done $0x0  }
0x364: {  	s10 =	simm.s32 $0xAA80;
	[sflag:s12] =	ssyncadd.s32 $0xFFFFC000  }
0x365: {  	[spmem:s3] =	stream.indirect.scatter.add.f32 [tilespmem:s7], [sflag:$0x2], $0x80, s10, s9, $0xb8;
	[tilespmem:$0x13400] =	vst v63  }
0x366: {  	_ =	swait.ge [sflag:s12], $0x4000  }
0x367: {  	[sflag:s12] =	ssyncset.done $0x0  }
0x368: {  	s13 =	simm.s32 $0xAB80;
	[sflag:s12] =	ssyncadd.s32 $0xFFFFC000  }
0x369: {  	[spmem:s3] =	stream.indirect.scatter.add.f32 [tilespmem:s11], [sflag:$0x2], $0x80, s13, s9, $0xb8;
	[tilespmem:$0x13400] =	vst v63  }
0x36a: {  	_ =	swait.ge [sflag:s15], $0x4000  }
0x36b: {  	[sflag:s15] =	ssyncset.done $0x0  }
0x36c: {  	[sflag:s15] =	ssyncadd.s32 $0xFFFFC000  }
0x36d: {  	_ =	swait.ge [sflag:s15], $0x4000  }
0x36e: {  	[sflag:s15] =	ssyncset.done $0x0  }
0x36f: {  	s14 =	simm.s32 $0xAC00;
	[sflag:s15] =	ssyncadd.s32 $0xFFFFC000  }
0x370: {  	[tilespmem:s7], [sflag:$0x1] =	stream.indirect.gather [hbm4b:s2+s9], $0x80, s14, s9, $0xb8;
	[tilespmem:$0x13400] =	vst v63  }
0x371: {  	s16 =	simm.s32 $0xAD00  }
0x372: {  	[tilespmem:s11], [sflag:$0x1] =	stream.indirect.gather [hbm4b:s2+s9], $0x80, s16, s9, $0xb8;
	[tilespmem:$0x13400] =	vst v63  }
0x373: {  	_ =	swait.ge [sflag:s12], $0x4000  }
0x374: {  	[sflag:s12] =	ssyncset.done $0x0  }
0x375: {  	s17 =	simm.s32 $0xAC80;
	[sflag:s12] =	ssyncadd.s32 $0xFFFFC000  }
0x376: {  	[spmem:s3] =	stream.indirect.scatter.add.f32 [tilespmem:s7], [sflag:$0x2], $0x80, s17, s9, $0xb8;
	[tilespmem:$0x13400] =	vst v63  }
0x377: {  	_ =	swait.ge [sflag:s12], $0x4000  }
0x378: {  	[sflag:s12] =	ssyncset.done $0x0  }
0x379: {  	s18 =	simm.s32 $0xAD80;
	[sflag:s12] =	ssyncadd.s32 $0xFFFFC000  }
0x37a: {  	[spmem:s3] =	stream.indirect.scatter.add.f32 [tilespmem:s11], [sflag:$0x2], $0x80, s18, s9, $0xb8;
	[tilespmem:$0x13400] =	vst v63  }
0x37b: {  	_ =	swait.ge [sflag:s15], $0x4000  }
0x37c: {  	[sflag:s15] =	ssyncset.done $0x0  }
0x37d: {  	[sflag:s15] =	ssyncadd.s32 $0xFFFFC000  }
0x37e: {  	_ =	swait.ge [sflag:s15], $0x4000  }
0x37f: {  	[sflag:s15] =	ssyncset.done $0x0  }
0x380: {  	s19 =	simm.s32 $0xAE00;
	[sflag:s15] =	ssyncadd.s32 $0xFFFFC000  }
0x381: {  	[tilespmem:s7], [sflag:$0x1] =	stream.indirect.gather [hbm4b:s2+s9], $0x80, s19, s9, $0xb8;
	[tilespmem:$0x13400] =	vst v63  }
0x382: {  	s20 =	simm.s32 $0xAF00  }
0x383: {  	[tilespmem:s11], [sflag:$0x1] =	stream.indirect.gather [hbm4b:s2+s9], $0x80, s20, s9, $0xb8;
	[tilespmem:$0x13400] =	vst v63  }
0x384: {  	_ =	swait.ge [sflag:s12], $0x4000  }
0x385: {  	[sflag:s12] =	ssyncset.done $0x0  }
0x386: {  	s21 =	simm.s32 $0xAE80;
	[sflag:s12] =	ssyncadd.s32 $0xFFFFC000  }
0x387: {  	[spmem:s3] =	stream.indirect.scatter.add.f32 [tilespmem:s7], [sflag:$0x2], $0x80, s21, s9, $0xb8;
	[tilespmem:$0x13400] =	vst v63  }
0x388: {  	_ =	swait.ge [sflag:s12], $0x4000  }
0x389: {  	[sflag:s12] =	ssyncset.done $0x0  }
0x38a: {  	s22 =	simm.s32 $0xAF80;
	[sflag:s12] =	ssyncadd.s32 $0xFFFFC000  }
0x38b: {  	[spmem:s3] =	stream.indirect.scatter.add.f32 [tilespmem:s11], [sflag:$0x2], $0x80, s22, s9, $0xb8;
	[tilespmem:$0x13400] =	vst v63  }
0x38c: {  	_ =	swait.ge [sflag:s15], $0x4000  }
0x38d: {  	[sflag:s15] =	ssyncset.done $0x0  }
0x38e: {  	[sflag:s15] =	ssyncadd.s32 $0xFFFFC000  }
0x38f: {  	_ =	swait.ge [sflag:s15], $0x4000  }
0x390: {  	[sflag:s15] =	ssyncset.done $0x0  }
0x391: {  	s23 =	simm.s32 $0xB000;
	[sflag:s15] =	ssyncadd.s32 $0xFFFFC000  }
0x392: {  	[tilespmem:s7], [sflag:$0x1] =	stream.indirect.gather [hbm4b:s2+s9], $0x80, s23, s9, $0xb8;
	[tilespmem:$0x13400] =	vst v63  }
0x393: {  	s24 =	simm.s32 $0xB100  }
0x394: {  	[tilespmem:s11], [sflag:$0x1] =	stream.indirect.gather [hbm4b:s2+s9], $0x80, s24, s9, $0xb8;
	[tilespmem:$0x13400] =	vst v63  }
0x395: {  	_ =	swait.ge [sflag:s12], $0x4000  }
0x396: {  	[sflag:s12] =	ssyncset.done $0x0  }
0x397: {  	s25 =	simm.s32 $0xB080;
	[sflag:s12] =	ssyncadd.s32 $0xFFFFC000  }
0x398: {  	[spmem:s3] =	stream.indirect.scatter.add.f32 [tilespmem:s7], [sflag:$0x2], $0x80, s25, s9, $0xb8;
	[tilespmem:$0x13400] =	vst v63  }
0x399: {  	_ =	swait.ge [sflag:s12], $0x4000  }
0x39a: {  	[sflag:s12] =	ssyncset.done $0x0  }
0x39b: {  	s26 =	simm.s32 $0xB180;
	[sflag:s12] =	ssyncadd.s32 $0xFFFFC000  }
0x39c: {  	[spmem:s3] =	stream.indirect.scatter.add.f32 [tilespmem:s11], [sflag:$0x2], $0x80, s26, s9, $0xb8;
	[tilespmem:$0x13400] =	vst v63  }
0x39d: {  	_ =	swait.ge [sflag:s15], $0x4000  }
0x39e: {  	[sflag:s15] =	ssyncset.done $0x0  }
0x39f: {  	[sflag:s15] =	ssyncadd.s32 $0xFFFFC000  }
0x3a0: {  	_ =	swait.ge [sflag:s15], $0x4000  }
0x3a1: {  	[sflag:s15] =	ssyncset.done $0x0  }
0x3a2: {  	s28 =	simm.s32 $0xB200;
	[sflag:s15] =	ssyncadd.s32 $0xFFFFC000  }
0x3a3: {  	[tilespmem:s7], [sflag:$0x1] =	stream.indirect.gather [hbm4b:s2+s9], $0x80, s28, s9, $0xb8;
	[tilespmem:$0x13400] =	vst v63  }
0x3a4: {  	s29 =	simm.s32 $0xB300  }
0x3a5: {  	[tilespmem:s11], [sflag:$0x1] =	stream.indirect.gather [hbm4b:s2+s9], $0x80, s29, s9, $0xb8;
	[tilespmem:$0x13400] =	vst v63  }
0x3a6: {  	_ =	swait.ge [sflag:s12], $0x4000  }
0x3a7: {  	[sflag:s12] =	ssyncset.done $0x0  }
0x3a8: {  	s30 =	simm.s32 $0xB280;
	[sflag:s12] =	ssyncadd.s32 $0xFFFFC000  }
0x3a9: {  	[spmem:s3] =	stream.indirect.scatter.add.f32 [tilespmem:s7], [sflag:$0x2], $0x80, s30, s9, $0xb8;
	[tilespmem:$0x13400] =	vst v63  }
0x3aa: {  	_ =	swait.ge [sflag:s12], $0x4000  }
0x3ab: {  	[sflag:s12] =	ssyncset.done $0x0  }
0x3ac: {  	s31 =	simm.s32 $0xB380;
	[sflag:s12] =	ssyncadd.s32 $0xFFFFC000  }
0x3ad: {  	[spmem:s3] =	stream.indirect.scatter.add.f32 [tilespmem:s11], [sflag:$0x2], $0x80, s31, s9, $0xb8;
	[tilespmem:$0x13400] =	vst v63  }
0x3ae: {  	_ =	swait.ge [sflag:s15], $0x4000  }
0x3af: {  	[sflag:s15] =	ssyncset.done $0x0  }
0x3b0: {  	[sflag:s15] =	ssyncadd.s32 $0xFFFFC000  }
0x3b1: {  	_ =	swait.ge [sflag:s15], $0x4000  }
0x3b2: {  	[sflag:s15] =	ssyncset.done $0x0  }
0x3b3: {  	s5 =	simm.s32 $0x0;
	s0 =	rddreg [dreg:$0x9];
	[sflag:s15] =	ssyncadd.s32 $0xFFFFC000  }
0x3b4: {  	[tilespmem:s4], [sflag:$0x3] =	stream.linear.gather [hbm4b:s0+s5], $0x1400, $0x38;
	[tilespmem:$0x13400] =	vst v63  }
0x3b5: {  	_ =	swait.ge [sflag:s6], $0x1400  }
0x3b6: {  	[sflag:s6] =	ssyncset.done $0x0  }
0x3b7: {  	[sflag:s6] =	ssyncadd.s32 $0xFFFFEC00  }
0x3b8: {  	[tilespmem:s7], [sflag:$0x1] =	stream.indirect.gather [hbm4b:s2+s9], $0x80, s4, s9, $0xb8;
	[tilespmem:$0x13400] =	vst v63  }
0x3b9: {  	s5 =	simm.s32 $0xA100  }
0x3ba: {  	[tilespmem:s11], [sflag:$0x1] =	stream.indirect.gather [hbm4b:s2+s9], $0x80, s5, s9, $0xb8;
	[tilespmem:$0x13400] =	vst v63  }
0x3bb: {  	_ =	swait.ge [sflag:s12], $0x4000  }
0x3bc: {  	[sflag:s12] =	ssyncset.done $0x0  }
0x3bd: {  	s5 =	simm.s32 $0xA080;
	[sflag:s12] =	ssyncadd.s32 $0xFFFFC000  }
0x3be: {  	[spmem:s3] =	stream.indirect.scatter.add.f32 [tilespmem:s7], [sflag:$0x2], $0x80, s5, s9, $0xb8;
	[tilespmem:$0x13400] =	vst v63  }
0x3bf: {  	_ =	swait.ge [sflag:s12], $0x4000  }
0x3c0: {  	[sflag:s12] =	ssyncset.done $0x0  }
0x3c1: {  	s5 =	simm.s32 $0xA180;
	[sflag:s12] =	ssyncadd.s32 $0xFFFFC000  }
0x3c2: {  	[spmem:s3] =	stream.indirect.scatter.add.f32 [tilespmem:s11], [sflag:$0x2], $0x80, s5, s9, $0xb8;
	[tilespmem:$0x13400] =	vst v63  }
0x3c3: {  	_ =	swait.ge [sflag:s15], $0x4000  }
0x3c4: {  	[sflag:s15] =	ssyncset.done $0x0  }
0x3c5: {  	[sflag:s15] =	ssyncadd.s32 $0xFFFFC000  }
0x3c6: {  	_ =	swait.ge [sflag:s15], $0x4000  }
0x3c7: {  	[sflag:s15] =	ssyncset.done $0x0  }
0x3c8: {  	s5 =	simm.s32 $0xA200;
	[sflag:s15] =	ssyncadd.s32 $0xFFFFC000  }
0x3c9: {  	[tilespmem:s7], [sflag:$0x1] =	stream.indirect.gather [hbm4b:s2+s9], $0x80, s5, s9, $0xb8;
	[tilespmem:$0x13400] =	vst v63  }
0x3ca: {  	s5 =	simm.s32 $0xA300  }
0x3cb: {  	[tilespmem:s11], [sflag:$0x1] =	stream.indirect.gather [hbm4b:s2+s9], $0x80, s5, s9, $0xb8;
	[tilespmem:$0x13400] =	vst v63  }
0x3cc: {  	_ =	swait.ge [sflag:s12], $0x4000  }
0x3cd: {  	[sflag:s12] =	ssyncset.done $0x0  }
0x3ce: {  	s5 =	simm.s32 $0xA280;
	[sflag:s12] =	ssyncadd.s32 $0xFFFFC000  }
0x3cf: {  	[spmem:s3] =	stream.indirect.scatter.add.f32 [tilespmem:s7], [sflag:$0x2], $0x80, s5, s9, $0xb8;
	[tilespmem:$0x13400] =	vst v63  }
0x3d0: {  	_ =	swait.ge [sflag:s12], $0x4000  }
0x3d1: {  	[sflag:s12] =	ssyncset.done $0x0  }
0x3d2: {  	s5 =	simm.s32 $0xA380;
	[sflag:s12] =	ssyncadd.s32 $0xFFFFC000  }
0x3d3: {  	[spmem:s3] =	stream.indirect.scatter.add.f32 [tilespmem:s11], [sflag:$0x2], $0x80, s5, s9, $0xb8;
	[tilespmem:$0x13400] =	vst v63  }
0x3d4: {  	_ =	swait.ge [sflag:s15], $0x4000  }
0x3d5: {  	[sflag:s15] =	ssyncset.done $0x0  }
0x3d6: {  	[sflag:s15] =	ssyncadd.s32 $0xFFFFC000  }
0x3d7: {  	_ =	swait.ge [sflag:s15], $0x4000  }
0x3d8: {  	[sflag:s15] =	ssyncset.done $0x0  }
0x3d9: {  	s5 =	simm.s32 $0xA400;
	[sflag:s15] =	ssyncadd.s32 $0xFFFFC000  }
0x3da: {  	[tilespmem:s7], [sflag:$0x1] =	stream.indirect.gather [hbm4b:s2+s9], $0x80, s5, s9, $0xb8;
	[tilespmem:$0x13400] =	vst v63  }
0x3db: {  	s5 =	simm.s32 $0xA500  }
0x3dc: {  	[tilespmem:s11], [sflag:$0x1] =	stream.indirect.gather [hbm4b:s2+s9], $0x80, s5, s9, $0xb8;
	[tilespmem:$0x13400] =	vst v63  }
0x3dd: {  	_ =	swait.ge [sflag:s12], $0x4000  }
0x3de: {  	[sflag:s12] =	ssyncset.done $0x0  }
0x3df: {  	s5 =	simm.s32 $0xA480;
	[sflag:s12] =	ssyncadd.s32 $0xFFFFC000  }
0x3e0: {  	[spmem:s3] =	stream.indirect.scatter.add.f32 [tilespmem:s7], [sflag:$0x2], $0x80, s5, s9, $0xb8;
	[tilespmem:$0x13400] =	vst v63  }
0x3e1: {  	_ =	swait.ge [sflag:s12], $0x4000  }
0x3e2: {  	[sflag:s12] =	ssyncset.done $0x0  }
0x3e3: {  	s5 =	simm.s32 $0xA580;
	[sflag:s12] =	ssyncadd.s32 $0xFFFFC000  }
0x3e4: {  	[spmem:s3] =	stream.indirect.scatter.add.f32 [tilespmem:s11], [sflag:$0x2], $0x80, s5, s9, $0xb8;
	[tilespmem:$0x13400] =	vst v63  }
0x3e5: {  	_ =	swait.ge [sflag:s15], $0x4000  }
0x3e6: {  	[sflag:s15] =	ssyncset.done $0x0  }
0x3e7: {  	[sflag:s15] =	ssyncadd.s32 $0xFFFFC000  }
0x3e8: {  	_ =	swait.ge [sflag:s15], $0x4000  }
0x3e9: {  	[sflag:s15] =	ssyncset.done $0x0  }
0x3ea: {  	s5 =	simm.s32 $0xA600;
	[sflag:s15] =	ssyncadd.s32 $0xFFFFC000  }
0x3eb: {  	[tilespmem:s7], [sflag:$0x1] =	stream.indirect.gather [hbm4b:s2+s9], $0x80, s5, s9, $0xb8;
	[tilespmem:$0x13400] =	vst v63  }
0x3ec: {  	s5 =	simm.s32 $0xA700  }
0x3ed: {  	[tilespmem:s11], [sflag:$0x1] =	stream.indirect.gather [hbm4b:s2+s9], $0x80, s5, s9, $0xb8;
	[tilespmem:$0x13400] =	vst v63  }
0x3ee: {  	_ =	swait.ge [sflag:s12], $0x4000  }
0x3ef: {  	[sflag:s12] =	ssyncset.done $0x0  }
0x3f0: {  	s5 =	simm.s32 $0xA680;
	[sflag:s12] =	ssyncadd.s32 $0xFFFFC000  }
0x3f1: {  	[spmem:s3] =	stream.indirect.scatter.add.f32 [tilespmem:s7], [sflag:$0x2], $0x80, s5, s9, $0xb8;
	[tilespmem:$0x13400] =	vst v63  }
0x3f2: {  	_ =	swait.ge [sflag:s12], $0x4000  }
0x3f3: {  	[sflag:s12] =	ssyncset.done $0x0  }
0x3f4: {  	s5 =	simm.s32 $0xA780;
	[sflag:s12] =	ssyncadd.s32 $0xFFFFC000  }
0x3f5: {  	[spmem:s3] =	stream.indirect.scatter.add.f32 [tilespmem:s11], [sflag:$0x2], $0x80, s5, s9, $0xb8;
	[tilespmem:$0x13400] =	vst v63  }
0x3f6: {  	_ =	swait.ge [sflag:s15], $0x4000  }
0x3f7: {  	[sflag:s15] =	ssyncset.done $0x0  }
0x3f8: {  	[sflag:s15] =	ssyncadd.s32 $0xFFFFC000  }
0x3f9: {  	_ =	swait.ge [sflag:s15], $0x4000  }
0x3fa: {  	[sflag:s15] =	ssyncset.done $0x0  }
0x3fb: {  	s5 =	simm.s32 $0xA800;
	[sflag:s15] =	ssyncadd.s32 $0xFFFFC000  }
0x3fc: {  	[tilespmem:s7], [sflag:$0x1] =	stream.indirect.gather [hbm4b:s2+s9], $0x80, s5, s9, $0xb8;
	[tilespmem:$0x13400] =	vst v63  }
0x3fd: {  	s5 =	simm.s32 $0xA900  }
0x3fe: {  	[tilespmem:s11], [sflag:$0x1] =	stream.indirect.gather [hbm4b:s2+s9], $0x80, s5, s9, $0xb8;
	[tilespmem:$0x13400] =	vst v63  }
0x3ff: {  	_ =	swait.ge [sflag:s12], $0x4000  }
0x400: {  	[sflag:s12] =	ssyncset.done $0x0  }
0x401: {  	s5 =	simm.s32 $0xA880;
	[sflag:s12] =	ssyncadd.s32 $0xFFFFC000  }
0x402: {  	[spmem:s3] =	stream.indirect.scatter.add.f32 [tilespmem:s7], [sflag:$0x2], $0x80, s5, s9, $0xb8;
	[tilespmem:$0x13400] =	vst v63  }
0x403: {  	_ =	swait.ge [sflag:s12], $0x4000  }
0x404: {  	[sflag:s12] =	ssyncset.done $0x0  }
0x405: {  	s5 =	simm.s32 $0xA980;
	[sflag:s12] =	ssyncadd.s32 $0xFFFFC000  }
0x406: {  	[spmem:s3] =	stream.indirect.scatter.add.f32 [tilespmem:s11], [sflag:$0x2], $0x80, s5, s9, $0xb8;
	[tilespmem:$0x13400] =	vst v63  }
0x407: {  	_ =	swait.ge [sflag:s15], $0x4000  }
0x408: {  	[sflag:s15] =	ssyncset.done $0x0  }
0x409: {  	[sflag:s15] =	ssyncadd.s32 $0xFFFFC000  }
0x40a: {  	_ =	swait.ge [sflag:s15], $0x4000  }
0x40b: {  	[sflag:s15] =	ssyncset.done $0x0  }
0x40c: {  	s5 =	simm.s32 $0xAA00;
	[sflag:s15] =	ssyncadd.s32 $0xFFFFC000  }
0x40d: {  	[tilespmem:s7], [sflag:$0x1] =	stream.indirect.gather [hbm4b:s2+s9], $0x80, s5, s9, $0xb8;
	[tilespmem:$0x13400] =	vst v63  }
0x40e: {  	s8 =	simm.s32 $0xAB00  }
0x40f: {  	[tilespmem:s11], [sflag:$0x1] =	stream.indirect.gather [hbm4b:s2+s9], $0x80, s8, s9, $0xb8;
	[tilespmem:$0x13400] =	vst v63  }
0x410: {  	_ =	swait.ge [sflag:s12], $0x4000  }
0x411: {  	[sflag:s12] =	ssyncset.done $0x0  }
0x412: {  	s10 =	simm.s32 $0xAA80;
	[sflag:s12] =	ssyncadd.s32 $0xFFFFC000  }
0x413: {  	[spmem:s3] =	stream.indirect.scatter.add.f32 [tilespmem:s7], [sflag:$0x2], $0x80, s10, s9, $0xb8;
	[tilespmem:$0x13400] =	vst v63  }
0x414: {  	_ =	swait.ge [sflag:s12], $0x4000  }
0x415: {  	[sflag:s12] =	ssyncset.done $0x0  }
0x416: {  	s13 =	simm.s32 $0xAB80;
	[sflag:s12] =	ssyncadd.s32 $0xFFFFC000  }
0x417: {  	[spmem:s3] =	stream.indirect.scatter.add.f32 [tilespmem:s11], [sflag:$0x2], $0x80, s13, s9, $0xb8;
	[tilespmem:$0x13400] =	vst v63  }
0x418: {  	_ =	swait.ge [sflag:s15], $0x4000  }
0x419: {  	[sflag:s15] =	ssyncset.done $0x0  }
0x41a: {  	[sflag:s15] =	ssyncadd.s32 $0xFFFFC000  }
0x41b: {  	_ =	swait.ge [sflag:s15], $0x4000  }
0x41c: {  	[sflag:s15] =	ssyncset.done $0x0  }
0x41d: {  	s14 =	simm.s32 $0xAC00;
	[sflag:s15] =	ssyncadd.s32 $0xFFFFC000  }
0x41e: {  	[tilespmem:s7], [sflag:$0x1] =	stream.indirect.gather [hbm4b:s2+s9], $0x80, s14, s9, $0xb8;
	[tilespmem:$0x13400] =	vst v63  }
0x41f: {  	s16 =	simm.s32 $0xAD00  }
0x420: {  	[tilespmem:s11], [sflag:$0x1] =	stream.indirect.gather [hbm4b:s2+s9], $0x80, s16, s9, $0xb8;
	[tilespmem:$0x13400] =	vst v63  }
0x421: {  	_ =	swait.ge [sflag:s12], $0x4000  }
0x422: {  	[sflag:s12] =	ssyncset.done $0x0  }
0x423: {  	s17 =	simm.s32 $0xAC80;
	[sflag:s12] =	ssyncadd.s32 $0xFFFFC000  }
0x424: {  	[spmem:s3] =	stream.indirect.scatter.add.f32 [tilespmem:s7], [sflag:$0x2], $0x80, s17, s9, $0xb8;
	[tilespmem:$0x13400] =	vst v63  }
0x425: {  	_ =	swait.ge [sflag:s12], $0x4000  }
0x426: {  	[sflag:s12] =	ssyncset.done $0x0  }
0x427: {  	s18 =	simm.s32 $0xAD80;
	[sflag:s12] =	ssyncadd.s32 $0xFFFFC000  }
0x428: {  	[spmem:s3] =	stream.indirect.scatter.add.f32 [tilespmem:s11], [sflag:$0x2], $0x80, s18, s9, $0xb8;
	[tilespmem:$0x13400] =	vst v63  }
0x429: {  	_ =	swait.ge [sflag:s15], $0x4000  }
0x42a: {  	[sflag:s15] =	ssyncset.done $0x0  }
0x42b: {  	[sflag:s15] =	ssyncadd.s32 $0xFFFFC000  }
0x42c: {  	_ =	swait.ge [sflag:s15], $0x4000  }
0x42d: {  	[sflag:s15] =	ssyncset.done $0x0  }
0x42e: {  	s19 =	simm.s32 $0xAE00;
	[sflag:s15] =	ssyncadd.s32 $0xFFFFC000  }
0x42f: {  	[tilespmem:s7], [sflag:$0x1] =	stream.indirect.gather [hbm4b:s2+s9], $0x80, s19, s9, $0xb8;
	[tilespmem:$0x13400] =	vst v63  }
0x430: {  	s20 =	simm.s32 $0xAF00  }
0x431: {  	[tilespmem:s11], [sflag:$0x1] =	stream.indirect.gather [hbm4b:s2+s9], $0x80, s20, s9, $0xb8;
	[tilespmem:$0x13400] =	vst v63  }
0x432: {  	_ =	swait.ge [sflag:s12], $0x4000  }
0x433: {  	[sflag:s12] =	ssyncset.done $0x0  }
0x434: {  	s21 =	simm.s32 $0xAE80;
	[sflag:s12] =	ssyncadd.s32 $0xFFFFC000  }
0x435: {  	[spmem:s3] =	stream.indirect.scatter.add.f32 [tilespmem:s7], [sflag:$0x2], $0x80, s21, s9, $0xb8;
	[tilespmem:$0x13400] =	vst v63  }
0x436: {  	_ =	swait.ge [sflag:s12], $0x4000  }
0x437: {  	[sflag:s12] =	ssyncset.done $0x0  }
0x438: {  	s22 =	simm.s32 $0xAF80;
	[sflag:s12] =	ssyncadd.s32 $0xFFFFC000  }
0x439: {  	[spmem:s3] =	stream.indirect.scatter.add.f32 [tilespmem:s11], [sflag:$0x2], $0x80, s22, s9, $0xb8;
	[tilespmem:$0x13400] =	vst v63  }
0x43a: {  	_ =	swait.ge [sflag:s15], $0x4000  }
0x43b: {  	[sflag:s15] =	ssyncset.done $0x0  }
0x43c: {  	[sflag:s15] =	ssyncadd.s32 $0xFFFFC000  }
0x43d: {  	_ =	swait.ge [sflag:s15], $0x4000  }
0x43e: {  	[sflag:s15] =	ssyncset.done $0x0  }
0x43f: {  	s23 =	simm.s32 $0xB000;
	[sflag:s15] =	ssyncadd.s32 $0xFFFFC000  }
0x440: {  	[tilespmem:s7], [sflag:$0x1] =	stream.indirect.gather [hbm4b:s2+s9], $0x80, s23, s9, $0xb8;
	[tilespmem:$0x13400] =	vst v63  }
0x441: {  	s24 =	simm.s32 $0xB100  }
0x442: {  	[tilespmem:s11], [sflag:$0x1] =	stream.indirect.gather [hbm4b:s2+s9], $0x80, s24, s9, $0xb8;
	[tilespmem:$0x13400] =	vst v63  }
0x443: {  	_ =	swait.ge [sflag:s12], $0x4000  }
0x444: {  	[sflag:s12] =	ssyncset.done $0x0  }
0x445: {  	s25 =	simm.s32 $0xB080;
	[sflag:s12] =	ssyncadd.s32 $0xFFFFC000  }
0x446: {  	[spmem:s3] =	stream.indirect.scatter.add.f32 [tilespmem:s7], [sflag:$0x2], $0x80, s25, s9, $0xb8;
	[tilespmem:$0x13400] =	vst v63  }
0x447: {  	_ =	swait.ge [sflag:s12], $0x4000  }
0x448: {  	[sflag:s12] =	ssyncset.done $0x0  }
0x449: {  	s26 =	simm.s32 $0xB180;
	[sflag:s12] =	ssyncadd.s32 $0xFFFFC000  }
0x44a: {  	[spmem:s3] =	stream.indirect.scatter.add.f32 [tilespmem:s11], [sflag:$0x2], $0x80, s26, s9, $0xb8;
	[tilespmem:$0x13400] =	vst v63  }
0x44b: {  	_ =	swait.ge [sflag:s15], $0x4000  }
0x44c: {  	[sflag:s15] =	ssyncset.done $0x0  }
0x44d: {  	[sflag:s15] =	ssyncadd.s32 $0xFFFFC000  }
0x44e: {  	_ =	swait.ge [sflag:s15], $0x4000  }
0x44f: {  	[sflag:s15] =	ssyncset.done $0x0  }
0x450: {  	s28 =	simm.s32 $0xB200;
	[sflag:s15] =	ssyncadd.s32 $0xFFFFC000  }
0x451: {  	[tilespmem:s7], [sflag:$0x1] =	stream.indirect.gather [hbm4b:s2+s9], $0x80, s28, s9, $0xb8;
	[tilespmem:$0x13400] =	vst v63  }
0x452: {  	s29 =	simm.s32 $0xB300  }
0x453: {  	[tilespmem:s11], [sflag:$0x1] =	stream.indirect.gather [hbm4b:s2+s9], $0x80, s29, s9, $0xb8;
	[tilespmem:$0x13400] =	vst v63  }
0x454: {  	_ =	swait.ge [sflag:s12], $0x4000  }
0x455: {  	[sflag:s12] =	ssyncset.done $0x0  }
0x456: {  	s30 =	simm.s32 $0xB280;
	[sflag:s12] =	ssyncadd.s32 $0xFFFFC000  }
0x457: {  	[spmem:s3] =	stream.indirect.scatter.add.f32 [tilespmem:s7], [sflag:$0x2], $0x80, s30, s9, $0xb8;
	[tilespmem:$0x13400] =	vst v63  }
0x458: {  	_ =	swait.ge [sflag:s12], $0x4000  }
0x459: {  	[sflag:s12] =	ssyncset.done $0x0  }
0x45a: {  	s31 =	simm.s32 $0xB380;
	[sflag:s12] =	ssyncadd.s32 $0xFFFFC000  }
0x45b: {  	[spmem:s3] =	stream.indirect.scatter.add.f32 [tilespmem:s11], [sflag:$0x2], $0x80, s31, s9, $0xb8;
	[tilespmem:$0x13400] =	vst v63  }
0x45c: {  	_ =	swait.ge [sflag:s15], $0x4000  }
0x45d: {  	[sflag:s15] =	ssyncset.done $0x0  }
0x45e: {  	[sflag:s15] =	ssyncadd.s32 $0xFFFFC000  }
0x45f: {  	_ =	swait.ge [sflag:s15], $0x4000  }
0x460: {  	[sflag:s15] =	ssyncset.done $0x0  }
0x461: {  	s31 =	simm.s32 $0x0;
	s0 =	rddreg [dreg:$0xa];
	[sflag:s15] =	ssyncadd.s32 $0xFFFFC000  }
0x462: {  	[tilespmem:s4], [sflag:$0x3] =	stream.linear.gather [hbm4b:s0+s31], $0x1400, $0x38;
	[tilespmem:$0x13400] =	vst v63  }
0x463: {  	_ =	swait.ge [sflag:s6], $0x1400  }
0x464: {  	[sflag:s6] =	ssyncset.done $0x0  }
0x465: {  	[sflag:s6] =	ssyncadd.s32 $0xFFFFEC00  }
0x466: {  	[tilespmem:s7], [sflag:$0x1] =	stream.indirect.gather [hbm4b:s2+s9], $0x80, s4, s9, $0xb8;
	[tilespmem:$0x13400] =	vst v63  }
0x467: {  	s31 =	simm.s32 $0xA100  }
0x468: {  	[tilespmem:s11], [sflag:$0x1] =	stream.indirect.gather [hbm4b:s2+s9], $0x80, s31, s9, $0xb8;
	[tilespmem:$0x13400] =	vst v63  }
0x469: {  	_ =	swait.ge [sflag:s12], $0x4000  }
0x46a: {  	[sflag:s12] =	ssyncset.done $0x0  }
0x46b: {  	s31 =	simm.s32 $0xA080;
	[sflag:s12] =	ssyncadd.s32 $0xFFFFC000  }
0x46c: {  	[spmem:s3] =	stream.indirect.scatter.add.f32 [tilespmem:s7], [sflag:$0x2], $0x80, s31, s9, $0xb8;
	[tilespmem:$0x13400] =	vst v63  }
0x46d: {  	_ =	swait.ge [sflag:s12], $0x4000  }
0x46e: {  	[sflag:s12] =	ssyncset.done $0x0  }
0x46f: {  	s31 =	simm.s32 $0xA180;
	[sflag:s12] =	ssyncadd.s32 $0xFFFFC000  }
0x470: {  	[spmem:s3] =	stream.indirect.scatter.add.f32 [tilespmem:s11], [sflag:$0x2], $0x80, s31, s9, $0xb8;
	[tilespmem:$0x13400] =	vst v63  }
0x471: {  	_ =	swait.ge [sflag:s15], $0x4000  }
0x472: {  	[sflag:s15] =	ssyncset.done $0x0  }
0x473: {  	[sflag:s15] =	ssyncadd.s32 $0xFFFFC000  }
0x474: {  	_ =	swait.ge [sflag:s15], $0x4000  }
0x475: {  	[sflag:s15] =	ssyncset.done $0x0  }
0x476: {  	s31 =	simm.s32 $0xA200;
	[sflag:s15] =	ssyncadd.s32 $0xFFFFC000  }
0x477: {  	[tilespmem:s7], [sflag:$0x1] =	stream.indirect.gather [hbm4b:s2+s9], $0x80, s31, s9, $0xb8;
	[tilespmem:$0x13400] =	vst v63  }
0x478: {  	s31 =	simm.s32 $0xA300  }
0x479: {  	[tilespmem:s11], [sflag:$0x1] =	stream.indirect.gather [hbm4b:s2+s9], $0x80, s31, s9, $0xb8;
	[tilespmem:$0x13400] =	vst v63  }
0x47a: {  	_ =	swait.ge [sflag:s12], $0x4000  }
0x47b: {  	[sflag:s12] =	ssyncset.done $0x0  }
0x47c: {  	s31 =	simm.s32 $0xA280;
	[sflag:s12] =	ssyncadd.s32 $0xFFFFC000  }
0x47d: {  	[spmem:s3] =	stream.indirect.scatter.add.f32 [tilespmem:s7], [sflag:$0x2], $0x80, s31, s9, $0xb8;
	[tilespmem:$0x13400] =	vst v63  }
0x47e: {  	_ =	swait.ge [sflag:s12], $0x4000  }
0x47f: {  	[sflag:s12] =	ssyncset.done $0x0  }
0x480: {  	s31 =	simm.s32 $0xA380;
	[sflag:s12] =	ssyncadd.s32 $0xFFFFC000  }
0x481: {  	[spmem:s3] =	stream.indirect.scatter.add.f32 [tilespmem:s11], [sflag:$0x2], $0x80, s31, s9, $0xb8;
	[tilespmem:$0x13400] =	vst v63  }
0x482: {  	_ =	swait.ge [sflag:s15], $0x4000  }
0x483: {  	[sflag:s15] =	ssyncset.done $0x0  }
0x484: {  	[sflag:s15] =	ssyncadd.s32 $0xFFFFC000  }
0x485: {  	_ =	swait.ge [sflag:s15], $0x4000  }
0x486: {  	[sflag:s15] =	ssyncset.done $0x0  }
0x487: {  	s31 =	simm.s32 $0xA400;
	[sflag:s15] =	ssyncadd.s32 $0xFFFFC000  }
0x488: {  	[tilespmem:s7], [sflag:$0x1] =	stream.indirect.gather [hbm4b:s2+s9], $0x80, s31, s9, $0xb8;
	[tilespmem:$0x13400] =	vst v63  }
0x489: {  	s31 =	simm.s32 $0xA500  }
0x48a: {  	[tilespmem:s11], [sflag:$0x1] =	stream.indirect.gather [hbm4b:s2+s9], $0x80, s31, s9, $0xb8;
	[tilespmem:$0x13400] =	vst v63  }
0x48b: {  	_ =	swait.ge [sflag:s12], $0x4000  }
0x48c: {  	[sflag:s12] =	ssyncset.done $0x0  }
0x48d: {  	s31 =	simm.s32 $0xA480;
	[sflag:s12] =	ssyncadd.s32 $0xFFFFC000  }
0x48e: {  	[spmem:s3] =	stream.indirect.scatter.add.f32 [tilespmem:s7], [sflag:$0x2], $0x80, s31, s9, $0xb8;
	[tilespmem:$0x13400] =	vst v63  }
0x48f: {  	_ =	swait.ge [sflag:s12], $0x4000  }
0x490: {  	[sflag:s12] =	ssyncset.done $0x0  }
0x491: {  	s31 =	simm.s32 $0xA580;
	[sflag:s12] =	ssyncadd.s32 $0xFFFFC000  }
0x492: {  	[spmem:s3] =	stream.indirect.scatter.add.f32 [tilespmem:s11], [sflag:$0x2], $0x80, s31, s9, $0xb8;
	[tilespmem:$0x13400] =	vst v63  }
0x493: {  	_ =	swait.ge [sflag:s15], $0x4000  }
0x494: {  	[sflag:s15] =	ssyncset.done $0x0  }
0x495: {  	[sflag:s15] =	ssyncadd.s32 $0xFFFFC000  }
0x496: {  	_ =	swait.ge [sflag:s15], $0x4000  }
0x497: {  	[sflag:s15] =	ssyncset.done $0x0  }
0x498: {  	s31 =	simm.s32 $0xA600;
	[sflag:s15] =	ssyncadd.s32 $0xFFFFC000  }
0x499: {  	[tilespmem:s7], [sflag:$0x1] =	stream.indirect.gather [hbm4b:s2+s9], $0x80, s31, s9, $0xb8;
	[tilespmem:$0x13400] =	vst v63  }
0x49a: {  	s31 =	simm.s32 $0xA700  }
0x49b: {  	[tilespmem:s11], [sflag:$0x1] =	stream.indirect.gather [hbm4b:s2+s9], $0x80, s31, s9, $0xb8;
	[tilespmem:$0x13400] =	vst v63  }
0x49c: {  	_ =	swait.ge [sflag:s12], $0x4000  }
0x49d: {  	[sflag:s12] =	ssyncset.done $0x0  }
0x49e: {  	s31 =	simm.s32 $0xA680;
	[sflag:s12] =	ssyncadd.s32 $0xFFFFC000  }
0x49f: {  	[spmem:s3] =	stream.indirect.scatter.add.f32 [tilespmem:s7], [sflag:$0x2], $0x80, s31, s9, $0xb8;
	[tilespmem:$0x13400] =	vst v63  }
0x4a0: {  	_ =	swait.ge [sflag:s12], $0x4000  }
0x4a1: {  	[sflag:s12] =	ssyncset.done $0x0  }
0x4a2: {  	s31 =	simm.s32 $0xA780;
	[sflag:s12] =	ssyncadd.s32 $0xFFFFC000  }
0x4a3: {  	[spmem:s3] =	stream.indirect.scatter.add.f32 [tilespmem:s11], [sflag:$0x2], $0x80, s31, s9, $0xb8;
	[tilespmem:$0x13400] =	vst v63  }
0x4a4: {  	_ =	swait.ge [sflag:s15], $0x4000  }
0x4a5: {  	[sflag:s15] =	ssyncset.done $0x0  }
0x4a6: {  	[sflag:s15] =	ssyncadd.s32 $0xFFFFC000  }
0x4a7: {  	_ =	swait.ge [sflag:s15], $0x4000  }
0x4a8: {  	[sflag:s15] =	ssyncset.done $0x0  }
0x4a9: {  	s31 =	simm.s32 $0xA800;
	[sflag:s15] =	ssyncadd.s32 $0xFFFFC000  }
0x4aa: {  	[tilespmem:s7], [sflag:$0x1] =	stream.indirect.gather [hbm4b:s2+s9], $0x80, s31, s9, $0xb8;
	[tilespmem:$0x13400] =	vst v63  }
0x4ab: {  	s31 =	simm.s32 $0xA900  }
0x4ac: {  	[tilespmem:s11], [sflag:$0x1] =	stream.indirect.gather [hbm4b:s2+s9], $0x80, s31, s9, $0xb8;
	[tilespmem:$0x13400] =	vst v63  }
0x4ad: {  	_ =	swait.ge [sflag:s12], $0x4000  }
0x4ae: {  	[sflag:s12] =	ssyncset.done $0x0  }
0x4af: {  	s31 =	simm.s32 $0xA880;
	[sflag:s12] =	ssyncadd.s32 $0xFFFFC000  }
0x4b0: {  	[spmem:s3] =	stream.indirect.scatter.add.f32 [tilespmem:s7], [sflag:$0x2], $0x80, s31, s9, $0xb8;
	[tilespmem:$0x13400] =	vst v63  }
0x4b1: {  	_ =	swait.ge [sflag:s12], $0x4000  }
0x4b2: {  	[sflag:s12] =	ssyncset.done $0x0  }
0x4b3: {  	s31 =	simm.s32 $0xA980;
	[sflag:s12] =	ssyncadd.s32 $0xFFFFC000  }
0x4b4: {  	[spmem:s3] =	stream.indirect.scatter.add.f32 [tilespmem:s11], [sflag:$0x2], $0x80, s31, s9, $0xb8;
	[tilespmem:$0x13400] =	vst v63  }
0x4b5: {  	_ =	swait.ge [sflag:s15], $0x4000  }
0x4b6: {  	[sflag:s15] =	ssyncset.done $0x0  }
0x4b7: {  	[sflag:s15] =	ssyncadd.s32 $0xFFFFC000  }
0x4b8: {  	_ =	swait.ge [sflag:s15], $0x4000  }
0x4b9: {  	[sflag:s15] =	ssyncset.done $0x0  }
0x4ba: {  	s5 =	simm.s32 $0xAA00;
	[sflag:s15] =	ssyncadd.s32 $0xFFFFC000  }
0x4bb: {  	[tilespmem:s7], [sflag:$0x1] =	stream.indirect.gather [hbm4b:s2+s9], $0x80, s5, s9, $0xb8;
	[tilespmem:$0x13400] =	vst v63  }
0x4bc: {  	s8 =	simm.s32 $0xAB00  }
0x4bd: {  	[tilespmem:s11], [sflag:$0x1] =	stream.indirect.gather [hbm4b:s2+s9], $0x80, s8, s9, $0xb8;
	[tilespmem:$0x13400] =	vst v63  }
0x4be: {  	_ =	swait.ge [sflag:s12], $0x4000  }
0x4bf: {  	[sflag:s12] =	ssyncset.done $0x0  }
0x4c0: {  	s10 =	simm.s32 $0xAA80;
	[sflag:s12] =	ssyncadd.s32 $0xFFFFC000  }
0x4c1: {  	[spmem:s3] =	stream.indirect.scatter.add.f32 [tilespmem:s7], [sflag:$0x2], $0x80, s10, s9, $0xb8;
	[tilespmem:$0x13400] =	vst v63  }
0x4c2: {  	_ =	swait.ge [sflag:s12], $0x4000  }
0x4c3: {  	[sflag:s12] =	ssyncset.done $0x0  }
0x4c4: {  	s13 =	simm.s32 $0xAB80;
	[sflag:s12] =	ssyncadd.s32 $0xFFFFC000  }
0x4c5: {  	[spmem:s3] =	stream.indirect.scatter.add.f32 [tilespmem:s11], [sflag:$0x2], $0x80, s13, s9, $0xb8;
	[tilespmem:$0x13400] =	vst v63  }
0x4c6: {  	_ =	swait.ge [sflag:s15], $0x4000  }
0x4c7: {  	[sflag:s15] =	ssyncset.done $0x0  }
0x4c8: {  	[sflag:s15] =	ssyncadd.s32 $0xFFFFC000  }
0x4c9: {  	_ =	swait.ge [sflag:s15], $0x4000  }
0x4ca: {  	[sflag:s15] =	ssyncset.done $0x0  }
0x4cb: {  	s14 =	simm.s32 $0xAC00;
	[sflag:s15] =	ssyncadd.s32 $0xFFFFC000  }
0x4cc: {  	[tilespmem:s7], [sflag:$0x1] =	stream.indirect.gather [hbm4b:s2+s9], $0x80, s14, s9, $0xb8;
	[tilespmem:$0x13400] =	vst v63  }
0x4cd: {  	s16 =	simm.s32 $0xAD00  }
0x4ce: {  	[tilespmem:s11], [sflag:$0x1] =	stream.indirect.gather [hbm4b:s2+s9], $0x80, s16, s9, $0xb8;
	[tilespmem:$0x13400] =	vst v63  }
0x4cf: {  	_ =	swait.ge [sflag:s12], $0x4000  }
0x4d0: {  	[sflag:s12] =	ssyncset.done $0x0  }
0x4d1: {  	s17 =	simm.s32 $0xAC80;
	[sflag:s12] =	ssyncadd.s32 $0xFFFFC000  }
0x4d2: {  	[spmem:s3] =	stream.indirect.scatter.add.f32 [tilespmem:s7], [sflag:$0x2], $0x80, s17, s9, $0xb8;
	[tilespmem:$0x13400] =	vst v63  }
0x4d3: {  	_ =	swait.ge [sflag:s12], $0x4000  }
0x4d4: {  	[sflag:s12] =	ssyncset.done $0x0  }
0x4d5: {  	s18 =	simm.s32 $0xAD80;
	[sflag:s12] =	ssyncadd.s32 $0xFFFFC000  }
0x4d6: {  	[spmem:s3] =	stream.indirect.scatter.add.f32 [tilespmem:s11], [sflag:$0x2], $0x80, s18, s9, $0xb8;
	[tilespmem:$0x13400] =	vst v63  }
0x4d7: {  	_ =	swait.ge [sflag:s15], $0x4000  }
0x4d8: {  	[sflag:s15] =	ssyncset.done $0x0  }
0x4d9: {  	[sflag:s15] =	ssyncadd.s32 $0xFFFFC000  }
0x4da: {  	_ =	swait.ge [sflag:s15], $0x4000  }
0x4db: {  	[sflag:s15] =	ssyncset.done $0x0  }
0x4dc: {  	s19 =	simm.s32 $0xAE00;
	[sflag:s15] =	ssyncadd.s32 $0xFFFFC000  }
0x4dd: {  	[tilespmem:s7], [sflag:$0x1] =	stream.indirect.gather [hbm4b:s2+s9], $0x80, s19, s9, $0xb8;
	[tilespmem:$0x13400] =	vst v63  }
0x4de: {  	s20 =	simm.s32 $0xAF00  }
0x4df: {  	[tilespmem:s11], [sflag:$0x1] =	stream.indirect.gather [hbm4b:s2+s9], $0x80, s20, s9, $0xb8;
	[tilespmem:$0x13400] =	vst v63  }
0x4e0: {  	_ =	swait.ge [sflag:s12], $0x4000  }
0x4e1: {  	[sflag:s12] =	ssyncset.done $0x0  }
0x4e2: {  	s21 =	simm.s32 $0xAE80;
	[sflag:s12] =	ssyncadd.s32 $0xFFFFC000  }
0x4e3: {  	[spmem:s3] =	stream.indirect.scatter.add.f32 [tilespmem:s7], [sflag:$0x2], $0x80, s21, s9, $0xb8;
	[tilespmem:$0x13400] =	vst v63  }
0x4e4: {  	_ =	swait.ge [sflag:s12], $0x4000  }
0x4e5: {  	[sflag:s12] =	ssyncset.done $0x0  }
0x4e6: {  	s22 =	simm.s32 $0xAF80;
	[sflag:s12] =	ssyncadd.s32 $0xFFFFC000  }
0x4e7: {  	[spmem:s3] =	stream.indirect.scatter.add.f32 [tilespmem:s11], [sflag:$0x2], $0x80, s22, s9, $0xb8;
	[tilespmem:$0x13400] =	vst v63  }
0x4e8: {  	_ =	swait.ge [sflag:s15], $0x4000  }
0x4e9: {  	[sflag:s15] =	ssyncset.done $0x0  }
0x4ea: {  	[sflag:s15] =	ssyncadd.s32 $0xFFFFC000  }
0x4eb: {  	_ =	swait.ge [sflag:s15], $0x4000  }
0x4ec: {  	[sflag:s15] =	ssyncset.done $0x0  }
0x4ed: {  	s23 =	simm.s32 $0xB000;
	[sflag:s15] =	ssyncadd.s32 $0xFFFFC000  }
0x4ee: {  	[tilespmem:s7], [sflag:$0x1] =	stream.indirect.gather [hbm4b:s2+s9], $0x80, s23, s9, $0xb8;
	[tilespmem:$0x13400] =	vst v63  }
0x4ef: {  	s24 =	simm.s32 $0xB100  }
0x4f0: {  	[tilespmem:s11], [sflag:$0x1] =	stream.indirect.gather [hbm4b:s2+s9], $0x80, s24, s9, $0xb8;
	[tilespmem:$0x13400] =	vst v63  }
0x4f1: {  	_ =	swait.ge [sflag:s12], $0x4000  }
0x4f2: {  	[sflag:s12] =	ssyncset.done $0x0  }
0x4f3: {  	s25 =	simm.s32 $0xB080;
	[sflag:s12] =	ssyncadd.s32 $0xFFFFC000  }
0x4f4: {  	[spmem:s3] =	stream.indirect.scatter.add.f32 [tilespmem:s7], [sflag:$0x2], $0x80, s25, s9, $0xb8;
	[tilespmem:$0x13400] =	vst v63  }
0x4f5: {  	_ =	swait.ge [sflag:s12], $0x4000  }
0x4f6: {  	[sflag:s12] =	ssyncset.done $0x0  }
0x4f7: {  	s26 =	simm.s32 $0xB180;
	[sflag:s12] =	ssyncadd.s32 $0xFFFFC000  }
0x4f8: {  	[spmem:s3] =	stream.indirect.scatter.add.f32 [tilespmem:s11], [sflag:$0x2], $0x80, s26, s9, $0xb8;
	[tilespmem:$0x13400] =	vst v63  }
0x4f9: {  	_ =	swait.ge [sflag:s15], $0x4000  }
0x4fa: {  	[sflag:s15] =	ssyncset.done $0x0  }
0x4fb: {  	[sflag:s15] =	ssyncadd.s32 $0xFFFFC000  }
0x4fc: {  	_ =	swait.ge [sflag:s15], $0x4000  }
0x4fd: {  	[sflag:s15] =	ssyncset.done $0x0  }
0x4fe: {  	s28 =	simm.s32 $0xB200;
	[sflag:s15] =	ssyncadd.s32 $0xFFFFC000  }
0x4ff: {  	[tilespmem:s7], [sflag:$0x1] =	stream.indirect.gather [hbm4b:s2+s9], $0x80, s28, s9, $0xb8;
	[tilespmem:$0x13400] =	vst v63  }
0x500: {  	s29 =	simm.s32 $0xB300  }
0x501: {  	[tilespmem:s11], [sflag:$0x1] =	stream.indirect.gather [hbm4b:s2+s9], $0x80, s29, s9, $0xb8;
	[tilespmem:$0x13400] =	vst v63  }
0x502: {  	_ =	swait.ge [sflag:s12], $0x4000  }
0x503: {  	[sflag:s12] =	ssyncset.done $0x0  }
0x504: {  	s30 =	simm.s32 $0xB280;
	[sflag:s12] =	ssyncadd.s32 $0xFFFFC000  }
0x505: {  	[spmem:s3] =	stream.indirect.scatter.add.f32 [tilespmem:s7], [sflag:$0x2], $0x80, s30, s9, $0xb8;
	[tilespmem:$0x13400] =	vst v63  }
0x506: {  	_ =	swait.ge [sflag:s12], $0x4000  }
0x507: {  	[sflag:s12] =	ssyncset.done $0x0  }
0x508: {  	s30 =	simm.s32 $0xB380;
	[sflag:s12] =	ssyncadd.s32 $0xFFFFC000  }
0x509: {  	[spmem:s3] =	stream.indirect.scatter.add.f32 [tilespmem:s11], [sflag:$0x2], $0x80, s30, s9, $0xb8;
	[tilespmem:$0x13400] =	vst v63  }
0x50a: {  	_ =	swait.ge [sflag:s15], $0x4000  }
0x50b: {  	[sflag:s15] =	ssyncset.done $0x0  }
0x50c: {  	[sflag:s15] =	ssyncadd.s32 $0xFFFFC000  }
0x50d: {  	_ =	swait.ge [sflag:s15], $0x4000  }
0x50e: {  	[sflag:s15] =	ssyncset.done $0x0  }
0x50f: {  	s5 =	simm.s32 $0x0;
	s0 =	rddreg [dreg:$0xb];
	[sflag:s15] =	ssyncadd.s32 $0xFFFFC000  }
0x510: {  	[tilespmem:s4], [sflag:$0x3] =	stream.linear.gather [hbm4b:s0+s5], $0x1400, $0x38;
	[tilespmem:$0x13400] =	vst v63  }
0x511: {  	_ =	swait.ge [sflag:s6], $0x1400  }
0x512: {  	[sflag:s6] =	ssyncset.done $0x0  }
0x513: {  	[sflag:s6] =	ssyncadd.s32 $0xFFFFEC00  }
0x514: {  	[tilespmem:s7], [sflag:$0x1] =	stream.indirect.gather [hbm4b:s2+s9], $0x80, s4, s9, $0xb8;
	[tilespmem:$0x13400] =	vst v63  }
0x515: {  	s4 =	simm.s32 $0xA100  }
0x516: {  	[tilespmem:s11], [sflag:$0x1] =	stream.indirect.gather [hbm4b:s2+s9], $0x80, s4, s9, $0xb8;
	[tilespmem:$0x13400] =	vst v63  }
0x517: {  	_ =	swait.ge [sflag:s12], $0x4000  }
0x518: {  	[sflag:s12] =	ssyncset.done $0x0  }
0x519: {  	s5 =	simm.s32 $0xA080;
	[sflag:s12] =	ssyncadd.s32 $0xFFFFC000  }
0x51a: {  	[spmem:s3] =	stream.indirect.scatter.add.f32 [tilespmem:s7], [sflag:$0x2], $0x80, s5, s9, $0xb8;
	[tilespmem:$0x13400] =	vst v63  }
0x51b: {  	_ =	swait.ge [sflag:s12], $0x4000  }
0x51c: {  	[sflag:s12] =	ssyncset.done $0x0  }
0x51d: {  	s4 =	simm.s32 $0xA180;
	[sflag:s12] =	ssyncadd.s32 $0xFFFFC000  }
0x51e: {  	[spmem:s3] =	stream.indirect.scatter.add.f32 [tilespmem:s11], [sflag:$0x2], $0x80, s4, s9, $0xb8;
	[tilespmem:$0x13400] =	vst v63  }
0x51f: {  	_ =	swait.ge [sflag:s15], $0x4000  }
0x520: {  	[sflag:s15] =	ssyncset.done $0x0  }
0x521: {  	[sflag:s15] =	ssyncadd.s32 $0xFFFFC000  }
0x522: {  	_ =	swait.ge [sflag:s15], $0x4000  }
0x523: {  	[sflag:s15] =	ssyncset.done $0x0  }
0x524: {  	s5 =	simm.s32 $0xA200;
	[sflag:s15] =	ssyncadd.s32 $0xFFFFC000  }
0x525: {  	[tilespmem:s7], [sflag:$0x1] =	stream.indirect.gather [hbm4b:s2+s9], $0x80, s5, s9, $0xb8;
	[tilespmem:$0x13400] =	vst v63  }
0x526: {  	s4 =	simm.s32 $0xA300  }
0x527: {  	[tilespmem:s11], [sflag:$0x1] =	stream.indirect.gather [hbm4b:s2+s9], $0x80, s4, s9, $0xb8;
	[tilespmem:$0x13400] =	vst v63  }
0x528: {  	_ =	swait.ge [sflag:s12], $0x4000  }
0x529: {  	[sflag:s12] =	ssyncset.done $0x0  }
0x52a: {  	s5 =	simm.s32 $0xA280;
	[sflag:s12] =	ssyncadd.s32 $0xFFFFC000  }
0x52b: {  	[spmem:s3] =	stream.indirect.scatter.add.f32 [tilespmem:s7], [sflag:$0x2], $0x80, s5, s9, $0xb8;
	[tilespmem:$0x13400] =	vst v63  }
0x52c: {  	_ =	swait.ge [sflag:s12], $0x4000  }
0x52d: {  	[sflag:s12] =	ssyncset.done $0x0  }
0x52e: {  	s4 =	simm.s32 $0xA380;
	[sflag:s12] =	ssyncadd.s32 $0xFFFFC000  }
0x52f: {  	[spmem:s3] =	stream.indirect.scatter.add.f32 [tilespmem:s11], [sflag:$0x2], $0x80, s4, s9, $0xb8;
	[tilespmem:$0x13400] =	vst v63  }
0x530: {  	_ =	swait.ge [sflag:s15], $0x4000  }
0x531: {  	[sflag:s15] =	ssyncset.done $0x0  }
0x532: {  	[sflag:s15] =	ssyncadd.s32 $0xFFFFC000  }
0x533: {  	_ =	swait.ge [sflag:s15], $0x4000  }
0x534: {  	[sflag:s15] =	ssyncset.done $0x0  }
0x535: {  	s5 =	simm.s32 $0xA400;
	[sflag:s15] =	ssyncadd.s32 $0xFFFFC000  }
0x536: {  	[tilespmem:s7], [sflag:$0x1] =	stream.indirect.gather [hbm4b:s2+s9], $0x80, s5, s9, $0xb8;
	[tilespmem:$0x13400] =	vst v63  }
0x537: {  	s4 =	simm.s32 $0xA500  }
0x538: {  	[tilespmem:s11], [sflag:$0x1] =	stream.indirect.gather [hbm4b:s2+s9], $0x80, s4, s9, $0xb8;
	[tilespmem:$0x13400] =	vst v63  }
0x539: {  	_ =	swait.ge [sflag:s12], $0x4000  }
0x53a: {  	[sflag:s12] =	ssyncset.done $0x0  }
0x53b: {  	s5 =	simm.s32 $0xA480;
	[sflag:s12] =	ssyncadd.s32 $0xFFFFC000  }
0x53c: {  	[spmem:s3] =	stream.indirect.scatter.add.f32 [tilespmem:s7], [sflag:$0x2], $0x80, s5, s9, $0xb8;
	[tilespmem:$0x13400] =	vst v63  }
0x53d: {  	_ =	swait.ge [sflag:s12], $0x4000  }
0x53e: {  	[sflag:s12] =	ssyncset.done $0x0  }
0x53f: {  	s4 =	simm.s32 $0xA580;
	[sflag:s12] =	ssyncadd.s32 $0xFFFFC000  }
0x540: {  	[spmem:s3] =	stream.indirect.scatter.add.f32 [tilespmem:s11], [sflag:$0x2], $0x80, s4, s9, $0xb8;
	[tilespmem:$0x13400] =	vst v63  }
0x541: {  	_ =	swait.ge [sflag:s15], $0x4000  }
0x542: {  	[sflag:s15] =	ssyncset.done $0x0  }
0x543: {  	[sflag:s15] =	ssyncadd.s32 $0xFFFFC000  }
0x544: {  	_ =	swait.ge [sflag:s15], $0x4000  }
0x545: {  	[sflag:s15] =	ssyncset.done $0x0  }
0x546: {  	s5 =	simm.s32 $0xA600;
	[sflag:s15] =	ssyncadd.s32 $0xFFFFC000  }
0x547: {  	[tilespmem:s7], [sflag:$0x1] =	stream.indirect.gather [hbm4b:s2+s9], $0x80, s5, s9, $0xb8;
	[tilespmem:$0x13400] =	vst v63  }
0x548: {  	s4 =	simm.s32 $0xA700  }
0x549: {  	[tilespmem:s11], [sflag:$0x1] =	stream.indirect.gather [hbm4b:s2+s9], $0x80, s4, s9, $0xb8;
	[tilespmem:$0x13400] =	vst v63  }
0x54a: {  	_ =	swait.ge [sflag:s12], $0x4000  }
0x54b: {  	[sflag:s12] =	ssyncset.done $0x0  }
0x54c: {  	s5 =	simm.s32 $0xA680;
	[sflag:s12] =	ssyncadd.s32 $0xFFFFC000  }
0x54d: {  	[spmem:s3] =	stream.indirect.scatter.add.f32 [tilespmem:s7], [sflag:$0x2], $0x80, s5, s9, $0xb8;
	[tilespmem:$0x13400] =	vst v63  }
0x54e: {  	_ =	swait.ge [sflag:s12], $0x4000  }
0x54f: {  	[sflag:s12] =	ssyncset.done $0x0  }
0x550: {  	s4 =	simm.s32 $0xA780;
	[sflag:s12] =	ssyncadd.s32 $0xFFFFC000  }
0x551: {  	[spmem:s3] =	stream.indirect.scatter.add.f32 [tilespmem:s11], [sflag:$0x2], $0x80, s4, s9, $0xb8;
	[tilespmem:$0x13400] =	vst v63  }
0x552: {  	_ =	swait.ge [sflag:s15], $0x4000  }
0x553: {  	[sflag:s15] =	ssyncset.done $0x0  }
0x554: {  	[sflag:s15] =	ssyncadd.s32 $0xFFFFC000  }
0x555: {  	_ =	swait.ge [sflag:s15], $0x4000  }
0x556: {  	[sflag:s15] =	ssyncset.done $0x0  }
0x557: {  	s5 =	simm.s32 $0xA800;
	[sflag:s15] =	ssyncadd.s32 $0xFFFFC000  }
0x558: {  	[tilespmem:s7], [sflag:$0x1] =	stream.indirect.gather [hbm4b:s2+s9], $0x80, s5, s9, $0xb8;
	[tilespmem:$0x13400] =	vst v63  }
0x559: {  	s4 =	simm.s32 $0xA900  }
0x55a: {  	[tilespmem:s11], [sflag:$0x1] =	stream.indirect.gather [hbm4b:s2+s9], $0x80, s4, s9, $0xb8;
	[tilespmem:$0x13400] =	vst v63  }
0x55b: {  	_ =	swait.ge [sflag:s12], $0x4000  }
0x55c: {  	[sflag:s12] =	ssyncset.done $0x0  }
0x55d: {  	s5 =	simm.s32 $0xA880;
	[sflag:s12] =	ssyncadd.s32 $0xFFFFC000  }
0x55e: {  	[spmem:s3] =	stream.indirect.scatter.add.f32 [tilespmem:s7], [sflag:$0x2], $0x80, s5, s9, $0xb8;
	[tilespmem:$0x13400] =	vst v63  }
0x55f: {  	_ =	swait.ge [sflag:s12], $0x4000  }
0x560: {  	[sflag:s12] =	ssyncset.done $0x0  }
0x561: {  	s4 =	simm.s32 $0xA980;
	[sflag:s12] =	ssyncadd.s32 $0xFFFFC000  }
0x562: {  	[spmem:s3] =	stream.indirect.scatter.add.f32 [tilespmem:s11], [sflag:$0x2], $0x80, s4, s9, $0xb8;
	[tilespmem:$0x13400] =	vst v63  }
0x563: {  	_ =	swait.ge [sflag:s15], $0x4000  }
0x564: {  	[sflag:s15] =	ssyncset.done $0x0  }
0x565: {  	[sflag:s15] =	ssyncadd.s32 $0xFFFFC000  }
0x566: {  	_ =	swait.ge [sflag:s15], $0x4000  }
0x567: {  	[sflag:s15] =	ssyncset.done $0x0  }
0x568: {  	s31 =	simm.s32 $0xAA00;
	[sflag:s15] =	ssyncadd.s32 $0xFFFFC000  }
0x569: {  	[tilespmem:s7], [sflag:$0x1] =	stream.indirect.gather [hbm4b:s2+s9], $0x80, s31, s9, $0xb8;
	[tilespmem:$0x13400] =	vst v63  }
0x56a: {  	s5 =	simm.s32 $0xAB00  }
0x56b: {  	[tilespmem:s11], [sflag:$0x1] =	stream.indirect.gather [hbm4b:s2+s9], $0x80, s5, s9, $0xb8;
	[tilespmem:$0x13400] =	vst v63  }
0x56c: {  	_ =	swait.ge [sflag:s12], $0x4000  }
0x56d: {  	[sflag:s12] =	ssyncset.done $0x0  }
0x56e: {  	s8 =	simm.s32 $0xAA80;
	[sflag:s12] =	ssyncadd.s32 $0xFFFFC000  }
0x56f: {  	[spmem:s3] =	stream.indirect.scatter.add.f32 [tilespmem:s7], [sflag:$0x2], $0x80, s8, s9, $0xb8;
	[tilespmem:$0x13400] =	vst v63  }
0x570: {  	_ =	swait.ge [sflag:s12], $0x4000  }
0x571: {  	[sflag:s12] =	ssyncset.done $0x0  }
0x572: {  	s10 =	simm.s32 $0xAB80;
	[sflag:s12] =	ssyncadd.s32 $0xFFFFC000  }
0x573: {  	[spmem:s3] =	stream.indirect.scatter.add.f32 [tilespmem:s11], [sflag:$0x2], $0x80, s10, s9, $0xb8;
	[tilespmem:$0x13400] =	vst v63  }
0x574: {  	_ =	swait.ge [sflag:s15], $0x4000  }
0x575: {  	[sflag:s15] =	ssyncset.done $0x0  }
0x576: {  	[sflag:s15] =	ssyncadd.s32 $0xFFFFC000  }
0x577: {  	_ =	swait.ge [sflag:s15], $0x4000  }
0x578: {  	[sflag:s15] =	ssyncset.done $0x0  }
0x579: {  	s13 =	simm.s32 $0xAC00;
	[sflag:s15] =	ssyncadd.s32 $0xFFFFC000  }
0x57a: {  	[tilespmem:s7], [sflag:$0x1] =	stream.indirect.gather [hbm4b:s2+s9], $0x80, s13, s9, $0xb8;
	[tilespmem:$0x13400] =	vst v63  }
0x57b: {  	s14 =	simm.s32 $0xAD00  }
0x57c: {  	[tilespmem:s11], [sflag:$0x1] =	stream.indirect.gather [hbm4b:s2+s9], $0x80, s14, s9, $0xb8;
	[tilespmem:$0x13400] =	vst v63  }
0x57d: {  	_ =	swait.ge [sflag:s12], $0x4000  }
0x57e: {  	[sflag:s12] =	ssyncset.done $0x0  }
0x57f: {  	s16 =	simm.s32 $0xAC80;
	[sflag:s12] =	ssyncadd.s32 $0xFFFFC000  }
0x580: {  	[spmem:s3] =	stream.indirect.scatter.add.f32 [tilespmem:s7], [sflag:$0x2], $0x80, s16, s9, $0xb8;
	[tilespmem:$0x13400] =	vst v63  }
0x581: {  	_ =	swait.ge [sflag:s12], $0x4000  }
0x582: {  	[sflag:s12] =	ssyncset.done $0x0  }
0x583: {  	s17 =	simm.s32 $0xAD80;
	[sflag:s12] =	ssyncadd.s32 $0xFFFFC000  }
0x584: {  	[spmem:s3] =	stream.indirect.scatter.add.f32 [tilespmem:s11], [sflag:$0x2], $0x80, s17, s9, $0xb8;
	[tilespmem:$0x13400] =	vst v63  }
0x585: {  	_ =	swait.ge [sflag:s15], $0x4000  }
0x586: {  	[sflag:s15] =	ssyncset.done $0x0  }
0x587: {  	[sflag:s15] =	ssyncadd.s32 $0xFFFFC000  }
0x588: {  	_ =	swait.ge [sflag:s15], $0x4000  }
0x589: {  	[sflag:s15] =	ssyncset.done $0x0  }
0x58a: {  	s18 =	simm.s32 $0xAE00;
	[sflag:s15] =	ssyncadd.s32 $0xFFFFC000  }
0x58b: {  	[tilespmem:s7], [sflag:$0x1] =	stream.indirect.gather [hbm4b:s2+s9], $0x80, s18, s9, $0xb8;
	[tilespmem:$0x13400] =	vst v63  }
0x58c: {  	s19 =	simm.s32 $0xAF00  }
0x58d: {  	[tilespmem:s11], [sflag:$0x1] =	stream.indirect.gather [hbm4b:s2+s9], $0x80, s19, s9, $0xb8;
	[tilespmem:$0x13400] =	vst v63  }
0x58e: {  	_ =	swait.ge [sflag:s12], $0x4000  }
0x58f: {  	[sflag:s12] =	ssyncset.done $0x0  }
0x590: {  	s20 =	simm.s32 $0xAE80;
	[sflag:s12] =	ssyncadd.s32 $0xFFFFC000  }
0x591: {  	[spmem:s3] =	stream.indirect.scatter.add.f32 [tilespmem:s7], [sflag:$0x2], $0x80, s20, s9, $0xb8;
	[tilespmem:$0x13400] =	vst v63  }
0x592: {  	_ =	swait.ge [sflag:s12], $0x4000  }
0x593: {  	[sflag:s12] =	ssyncset.done $0x0  }
0x594: {  	s21 =	simm.s32 $0xAF80;
	[sflag:s12] =	ssyncadd.s32 $0xFFFFC000  }
0x595: {  	[spmem:s3] =	stream.indirect.scatter.add.f32 [tilespmem:s11], [sflag:$0x2], $0x80, s21, s9, $0xb8;
	[tilespmem:$0x13400] =	vst v63  }
0x596: {  	_ =	swait.ge [sflag:s15], $0x4000  }
0x597: {  	[sflag:s15] =	ssyncset.done $0x0  }
0x598: {  	[sflag:s15] =	ssyncadd.s32 $0xFFFFC000  }
0x599: {  	_ =	swait.ge [sflag:s15], $0x4000  }
0x59a: {  	[sflag:s15] =	ssyncset.done $0x0  }
0x59b: {  	s22 =	simm.s32 $0xB000;
	[sflag:s15] =	ssyncadd.s32 $0xFFFFC000  }
0x59c: {  	[tilespmem:s7], [sflag:$0x1] =	stream.indirect.gather [hbm4b:s2+s9], $0x80, s22, s9, $0xb8;
	[tilespmem:$0x13400] =	vst v63  }
0x59d: {  	s23 =	simm.s32 $0xB100  }
0x59e: {  	[tilespmem:s11], [sflag:$0x1] =	stream.indirect.gather [hbm4b:s2+s9], $0x80, s23, s9, $0xb8;
	[tilespmem:$0x13400] =	vst v63  }
0x59f: {  	_ =	swait.ge [sflag:s12], $0x4000  }
0x5a0: {  	[sflag:s12] =	ssyncset.done $0x0  }
0x5a1: {  	s24 =	simm.s32 $0xB080;
	[sflag:s12] =	ssyncadd.s32 $0xFFFFC000  }
0x5a2: {  	[spmem:s3] =	stream.indirect.scatter.add.f32 [tilespmem:s7], [sflag:$0x2], $0x80, s24, s9, $0xb8;
	[tilespmem:$0x13400] =	vst v63  }
0x5a3: {  	_ =	swait.ge [sflag:s12], $0x4000  }
0x5a4: {  	[sflag:s12] =	ssyncset.done $0x0  }
0x5a5: {  	s25 =	simm.s32 $0xB180;
	[sflag:s12] =	ssyncadd.s32 $0xFFFFC000  }
0x5a6: {  	[spmem:s3] =	stream.indirect.scatter.add.f32 [tilespmem:s11], [sflag:$0x2], $0x80, s25, s9, $0xb8;
	[tilespmem:$0x13400] =	vst v63  }
0x5a7: {  	_ =	swait.ge [sflag:s15], $0x4000  }
0x5a8: {  	[sflag:s15] =	ssyncset.done $0x0  }
0x5a9: {  	[sflag:s15] =	ssyncadd.s32 $0xFFFFC000  }
0x5aa: {  	_ =	swait.ge [sflag:s15], $0x4000  }
0x5ab: {  	[sflag:s15] =	ssyncset.done $0x0  }
0x5ac: {  	s26 =	simm.s32 $0xB200;
	[sflag:s15] =	ssyncadd.s32 $0xFFFFC000  }
0x5ad: {  	[tilespmem:s7], [sflag:$0x1] =	stream.indirect.gather [hbm4b:s2+s9], $0x80, s26, s9, $0xb8;
	[tilespmem:$0x13400] =	vst v63  }
0x5ae: {  	s28 =	simm.s32 $0xB300  }
0x5af: {  	[tilespmem:s11], [sflag:$0x1] =	stream.indirect.gather [hbm4b:s2+s9], $0x80, s28, s9, $0xb8;
	[tilespmem:$0x13400] =	vst v63  }
0x5b0: {  	_ =	swait.ge [sflag:s12], $0x4000  }
0x5b1: {  	[sflag:s12] =	ssyncset.done $0x0  }
0x5b2: {  	s29 =	simm.s32 $0xB280;
	[sflag:s12] =	ssyncadd.s32 $0xFFFFC000  }
0x5b3: {  	[spmem:s3] =	stream.indirect.scatter.add.f32 [tilespmem:s7], [sflag:$0x2], $0x80, s29, s9, $0xb8;
	[tilespmem:$0x13400] =	vst v63  }
0x5b4: {  	_ =	swait.ge [sflag:s12], $0x4000  }
0x5b5: {  	[sflag:s12] =	ssyncset.done $0x0  }
0x5b6: {  	s30 =	simm.s32 $0xB380;
	[sflag:s12] =	ssyncadd.s32 $0xFFFFC000  }
0x5b7: {  	[spmem:s3] =	stream.indirect.scatter.add.f32 [tilespmem:s11], [sflag:$0x2], $0x80, s30, s9, $0xb8;
	[tilespmem:$0x13400] =	vst v63  }
0x5b8: {  	_ =	swait.ge [sflag:s15], $0x4000  }
0x5b9: {  	[sflag:s15] =	ssyncset.done $0x0  }
0x5ba: {  	[sflag:s15] =	ssyncadd.s32 $0xFFFFC000  }
0x5bb: {  	_ =	swait.ge [sflag:s15], $0x4000  }
0x5bc: {  	[sflag:s15] =	ssyncset.done $0x0  }
0x5bd: {  	[sflag:s15] =	ssyncadd.s32 $0xFFFFC000  }
0x5be: {  	p0 =	sne.s32 s1, $0x1;
	[bflag:$0x0] =	sbarrier.arrive $0xFFFF  }
.Ltmp1:
0x5bf: {  	s29 =	rddreg [dreg:$0xc];
	(pc) =	sbr.rel @p0 .LBB2_1-.Ltmp1, $4  }
0x5c0: {  	s30 =	rddreg [dreg:$0xe]  }
0x5c1: {  	s31 =	rddreg [dreg:$0xf]  }
0x5c2: {  	[hbm:s29], [sflag:s30] =	dma.local [spmem:s31], $0x1400  }
0x5c3: {  	s1 =	sadd.s32 $0xFFFFFFFF, s1;
	_ =	swait.ge [sflag:s6], $0x1400  }
.LBB2_2:
0x5c4: {  	[sflag:s6] =	ssyncset.done $0x0  }
0x5c5: {  	[sflag:s6] =	ssyncadd.s32 $0xFFFFEC00  }
0x5c6: {  	_ =	sfence.sel $0x180000  }
0x5c7: {  	[bflag:$0x0] =	sbarrier.arrive $0xFFFF  }
0x5c8: {  	_ =	strace $0x90000047  }
0x5c9: {  	s0 =	stileid.u32;
	[bflag:$0x2] =	sbarrier.arrive $0xFFFF  }
0x5ca: {  	p0 =	sne.s32 s0, $0x0;
	s0 =	rddreg [dreg:$0x3]  }
0x5cb: {  	s0 =	sadd.s32 @!p0 $0x100000, s0  }
0x5cc: {  	[sflag:s0] =	ssyncadd.tile.s32 @!p0 $0x1;
	_ =	shalt  }
.Lfunc_end2:
_tile_overlayer_lowered:
.L_overlay_start_2:
0x5cd: {  	(tag) =	ssettag $0x2  }
0x5ce: {  	s0 =	rddreg [dreg:$0x0];
	s2 =	stileid.u32  }
0x5cf: {  	s1 =	rddreg [dreg:$0x1];
	p0 =	sne.s32 s2, $0x0  }
0x5d0: {  	s3 =	rddreg [dreg:$0x2];
	[bflag:$0x3] =	sbarrier.arrive $0xFFFF;
	s2 =	simm.s32 @!p0 $0x1C03  }
0x5d1: {  	[timem:s3], [sflag:s2] =	dma.local @!p0 [hbm:s0], s1  }
0x5d2: {  	s0 =	simm.s32 @!p0 $0x3  }
0x5d3: {  	_ =	swait.ge @!p0 [sflag:s0], s1  }
0x5d4: {  	s1 =	ssub.s32 @!p0 $0x0, s1;
	[sflag:s0] =	ssyncset.done @!p0 $0x0  }
0x5d5: {  	[sflag:s0] =	ssyncadd.s32 @!p0 s1  }
0x5d6: {  	[bflag:$0x3] =	sbarrier.arrive $0xFFFF  }
0x5d7: {  	_ =	shalt  }

</sc_bundles>
